<compile_context>
chip_gen: v7x
topology: tpu7x:2x2x1
jax: 0.10.2.dev20260603
libtpu: 0.0.44.dev20260713+nightly
codegen_flags: <defaults>
</compile_context>

<pallas_src>
import functools

import jax
import jax.numpy as jnp
import numpy as np
from jax import lax
from jax.experimental import pallas as pl
from jax.experimental.pallas import tpu as pltpu
from jax.experimental.pallas import tpu_sc as plsc

D_MODEL_ = 128
SCALE_ = float(np.sqrt(128.0))

NUM_CORES_ = 2
NUM_SUBCORES_ = 16
NUM_WORKERS_ = NUM_CORES_ * NUM_SUBCORES_
CHUNK_ = 128
N_BUF_ = 4


@functools.lru_cache(maxsize=None)
def _make_lookup(vocab: int, n_seq: int, seq_len: int):
    n_chunks = seq_len
    mesh = plsc.VectorSubcoreMesh(core_axis_name="c", subcore_axis_name="s")

    @functools.partial(
        pl.kernel,
        out_type=jax.ShapeDtypeStruct((seq_len, n_seq, D_MODEL_), jnp.float32),
        mesh=mesh,
        compiler_params=pltpu.CompilerParams(use_tc_tiling_on_sc=True),
        scratch_types=[
            pltpu.VMEM((seq_len, CHUNK_), jnp.int32),
            pltpu.VMEM((N_BUF_, CHUNK_, D_MODEL_), jnp.float32),
            [pltpu.SemaphoreType.DMA] * N_BUF_,
            [pltpu.SemaphoreType.DMA] * N_BUF_,
        ],
    )
    def lookup(idx_hbm, table_hbm, out_hbm, idx_v, buf, gsems, osems):
        wid = lax.axis_index("s") * NUM_CORES_ + lax.axis_index("c")
        col = wid * CHUNK_
        pltpu.sync_copy(idx_hbm.at[:, pl.ds(col, CHUNK_)], idx_v)

        def start_gather(c, s):
            return pltpu.async_copy(table_hbm.at[idx_v.at[c]], buf.at[s], gsems[s])

        def start_out(c, s):
            return pltpu.async_copy(
                buf.at[s], out_hbm.at[c, pl.ds(col, CHUNK_)], osems[s]
            )

        def scale_chunk(s):
            def row_body(r, _):
                for k in range(D_MODEL_ // 16):
                    sl = pl.ds(k * 16, 16)
                    buf[s, r, sl] = buf[s, r, sl] * SCALE_
                return 0

            pass

        gathers = {}
        outs = {}
        for c in range(min(N_BUF_, n_chunks)):
            gathers[c] = start_gather(c, c % N_BUF_)
        for c in range(n_chunks):
            s = c % N_BUF_
            gathers.pop(c).wait()
            if c >= 1 and c + N_BUF_ - 1 < n_chunks:
                so = (c - 1) % N_BUF_
                outs.pop(c - 1).wait()
                gathers[c + N_BUF_ - 1] = start_gather(c + N_BUF_ - 1, so)
            scale_chunk(s)
            outs[c] = start_out(c, s)
        for c in sorted(outs):
            outs.pop(c).wait()

    return lookup


def kernel(x, embed_weight):
    n_seq, seq_len = x.shape
    lookup = _make_lookup(embed_weight.shape[0], n_seq, seq_len)
    out_t = lookup(jnp.swapaxes(x, 0, 1).astype(jnp.int32), embed_weight)
    return jnp.swapaxes(out_t, 0, 1)

# --- scband reference (transcript-rebuilt; emitter-appended) ---
"""Pipeline reference for scband-input-embeddings-57853209477290 (READ-ONLY COPY).

The authoritative reference and input builder live on the scoring server;
editing this copy changes nothing except your own understanding.
"""

import jax, jax.numpy as jnp
import numpy as np

VOCAB = 100000
D_MODEL = 128

def setup_inputs(seed: int = 0) -> dict:
    key = jax.random.key(seed)
    k1, k2 = jax.random.split(key)
    x = jax.random.randint(k1, (4096, 50), 0, VOCAB, dtype=jnp.int64 if jax.config.jax_enable_x64 else jnp.int32)
    embed_weight = jax.random.normal(k2, (VOCAB, D_MODEL), dtype=jnp.float32)
    return {"x": x, "embed_weight": embed_weight}

def reference(x, embed_weight):
    # nn.Embedding lookup followed by sqrt(d_model) scaling
    out = jnp.take(embed_weight, x, axis=0)
    return out * np.sqrt(D_MODEL)

if __name__ == "__main__":
    import jax
    _d = setup_inputs()
    print(jax.jit(kernel)(*tuple(_d.values())))

</pallas_src>

<mosaic_0001>
#map = affine_map<(d0, d1) -> (0, 0)>
#map1 = affine_map<(d0, d1) -> (0, 0, 0)>
module attributes {stable_mosaic.version = 14 : i64} {
  func.func @lookup(%arg0: i32, %arg1: i32, %arg2: memref<50x4096xi32, #tpu.memory_space<hbm>>, %arg3: memref<100000x128xf32, #tpu.memory_space<hbm>>, %arg4: memref<50x4096x128xf32, #tpu.memory_space<hbm>>, %arg5: memref<50x128xi32, #tpu.memory_space<vmem>>, %arg6: memref<4x128x128xf32, #tpu.memory_space<vmem>>, %arg7: memref<!tpu.dma_semaphore, #tpu.memory_space<semaphore_mem>>, %arg8: memref<!tpu.dma_semaphore, #tpu.memory_space<semaphore_mem>>, %arg9: memref<!tpu.dma_semaphore, #tpu.memory_space<semaphore_mem>>, %arg10: memref<!tpu.dma_semaphore, #tpu.memory_space<semaphore_mem>>, %arg11: memref<!tpu.dma_semaphore, #tpu.memory_space<semaphore_mem>>, %arg12: memref<!tpu.dma_semaphore, #tpu.memory_space<semaphore_mem>>, %arg13: memref<!tpu.dma_semaphore, #tpu.memory_space<semaphore_mem>>, %arg14: memref<!tpu.dma_semaphore, #tpu.memory_space<semaphore_mem>>) attributes {dimension_semantics = [#tpu.dimension_semantics<core_parallel>, #tpu.dimension_semantics<subcore_parallel>], iteration_bounds = array<i64: 2, 16>, scalar_prefetch = 0 : i64, scratch_operands = 10 : i64, tpu.core_type = #tpu.core_type<sc_vector_subcore>, window_params = [{transform_indices = #map}, {transform_indices = #map}, {transform_indices = #map1}]} {
    %mul3A = arith.constant 2 : i32
    %mul3A_0 = arith.muli %arg1, %mul3A : i32
    %add3A = arith.addi %mul3A_0, %arg0 : i32
    %mul3A_1 = arith.constant 128 : i32
    %mul3A_2 = arith.muli %add3A, %mul3A_1 : i32
    "tpu.region"() ({
      %run_scoped3A = tpu.sem_alloc : memref<!tpu.dma_semaphore, #tpu.memory_space<semaphore_mem>>
      %dma_start3A_2801 = arith.constant 0 : i32
      %dma_start3A_2802 = tpu.memref_slice %arg2[%dma_start3A_2801, %mul3A_2] : memref<50x4096xi32, #tpu.memory_space<hbm>> -> memref<50x128xi32, #tpu.memory_space<hbm>>
      %dma_start3A_2803 = arith.constant 0 : i32
      %dma_start3A_2804 = tpu.memref_slice %arg2[%dma_start3A_2803, %mul3A_2] : memref<50x4096xi32, #tpu.memory_space<hbm>> -> memref<50x128xi32, #tpu.memory_space<hbm>>
      tpu.enqueue_dma source(%dma_start3A_2804 : memref<50x128xi32, #tpu.memory_space<hbm>>) target(%arg5 : memref<50x128xi32, #tpu.memory_space<vmem>>) target_semaphore(%run_scoped3A : memref<!tpu.dma_semaphore, #tpu.memory_space<semaphore_mem>>)
      %dma_wait3A_2805 = arith.constant 0 : i32
      %dma_wait3A_2806 = tpu.memref_slice %arg2[%dma_wait3A_2805, %mul3A_2] : memref<50x4096xi32, #tpu.memory_space<hbm>> -> memref<50x128xi32, #tpu.memory_space<hbm>>
      %dma_wait3A_2807 = arith.constant 0 : i32
      %dma_wait3A_2808 = tpu.memref_slice %arg2[%dma_wait3A_2807, %mul3A_2] : memref<50x4096xi32, #tpu.memory_space<hbm>> -> memref<50x128xi32, #tpu.memory_space<hbm>>
      tpu.wait_dma2 semaphore(%run_scoped3A : memref<!tpu.dma_semaphore, #tpu.memory_space<semaphore_mem>>) src(%dma_wait3A_2808 : memref<50x128xi32, #tpu.memory_space<hbm>>) dst(%arg5 : memref<50x128xi32, #tpu.memory_space<vmem>>)
      tpu.yield
    }) : () -> ()
    %dma_start3A = arith.constant 0 : i32
    %dma_start3A_3 = arith.constant 0 : i32
    %dma_start3A_4 = arith.constant 0 : i32
    %dma_start3A_5 = arith.constant 0 : i32
    %dma_start3A_6 = tpu.memref_slice %arg6[%dma_start3A_3, %dma_start3A_4, %dma_start3A_5] : memref<4x128x128xf32, #tpu.memory_space<vmem>> -> memref<1x128x128xf32, #tpu.memory_space<vmem>>
    %dma_start3A_7 = tpu.memref_squeeze %dma_start3A_6 : memref<1x128x128xf32, #tpu.memory_space<vmem>> -> memref<128x128xf32, #tpu.memory_space<vmem>>
    %dma_start3A_8 = arith.constant 0 : i32
    %dma_start3A_9 = tpu.memref_slice %arg5[%dma_start3A, %dma_start3A_8] : memref<50x128xi32, #tpu.memory_space<vmem>> -> memref<1x128xi32, #tpu.memory_space<vmem>>
    %dma_start3A_10 = tpu.memref_squeeze %dma_start3A_9 : memref<1x128xi32, #tpu.memory_space<vmem>> -> memref<128xi32, #tpu.memory_space<vmem>>
    %dma_start3A_11 = arith.constant 0 : i32
    %dma_start3A_12 = arith.constant 0 : i32
    %dma_start3A_13 = tpu.memref_slice %arg3[%dma_start3A_11, %dma_start3A_12] : memref<100000x128xf32, #tpu.memory_space<hbm>> -> memref<100000x128xf32, #tpu.memory_space<hbm>>
    tpu.enqueue_indirect_dma source(%dma_start3A_13 : memref<100000x128xf32, #tpu.memory_space<hbm>>) target(%dma_start3A_7 : memref<128x128xf32, #tpu.memory_space<vmem>>) offsets(%dma_start3A_10 : memref<128xi32, #tpu.memory_space<vmem>>) semaphore(%arg7 : memref<!tpu.dma_semaphore, #tpu.memory_space<semaphore_mem>>)
    %dma_start3A_14 = arith.constant 1 : i32
    %dma_start3A_15 = arith.constant 1 : i32
    %dma_start3A_16 = arith.constant 0 : i32
    %dma_start3A_17 = arith.constant 0 : i32
    %dma_start3A_18 = tpu.memref_slice %arg6[%dma_start3A_15, %dma_start3A_16, %dma_start3A_17] : memref<4x128x128xf32, #tpu.memory_space<vmem>> -> memref<1x128x128xf32, #tpu.memory_space<vmem>>
    %dma_start3A_19 = tpu.memref_squeeze %dma_start3A_18 : memref<1x128x128xf32, #tpu.memory_space<vmem>> -> memref<128x128xf32, #tpu.memory_space<vmem>>
    %dma_start3A_20 = arith.constant 0 : i32
    %dma_start3A_21 = tpu.memref_slice %arg5[%dma_start3A_14, %dma_start3A_20] : memref<50x128xi32, #tpu.memory_space<vmem>> -> memref<1x128xi32, #tpu.memory_space<vmem>>
    %dma_start3A_22 = tpu.memref_squeeze %dma_start3A_21 : memref<1x128xi32, #tpu.memory_space<vmem>> -> memref<128xi32, #tpu.memory_space<vmem>>
    %dma_start3A_23 = arith.constant 0 : i32
    %dma_start3A_24 = arith.constant 0 : i32
    %dma_start3A_25 = tpu.memref_slice %arg3[%dma_start3A_23, %dma_start3A_24] : memref<100000x128xf32, #tpu.memory_space<hbm>> -> memref<100000x128xf32, #tpu.memory_space<hbm>>
    tpu.enqueue_indirect_dma source(%dma_start3A_25 : memref<100000x128xf32, #tpu.memory_space<hbm>>) target(%dma_start3A_19 : memref<128x128xf32, #tpu.memory_space<vmem>>) offsets(%dma_start3A_22 : memref<128xi32, #tpu.memory_space<vmem>>) semaphore(%arg8 : memref<!tpu.dma_semaphore, #tpu.memory_space<semaphore_mem>>)
    %dma_start3A_26 = arith.constant 2 : i32
    %dma_start3A_27 = arith.constant 2 : i32
    %dma_start3A_28 = arith.constant 0 : i32
    %dma_start3A_29 = arith.constant 0 : i32
    %dma_start3A_30 = tpu.memref_slice %arg6[%dma_start3A_27, %dma_start3A_28, %dma_start3A_29] : memref<4x128x128xf32, #tpu.memory_space<vmem>> -> memref<1x128x128xf32, #tpu.memory_space<vmem>>
    %dma_start3A_31 = tpu.memref_squeeze %dma_start3A_30 : memref<1x128x128xf32, #tpu.memory_space<vmem>> -> memref<128x128xf32, #tpu.memory_space<vmem>>
    %dma_start3A_32 = arith.constant 0 : i32
    %dma_start3A_33 = tpu.memref_slice %arg5[%dma_start3A_26, %dma_start3A_32] : memref<50x128xi32, #tpu.memory_space<vmem>> -> memref<1x128xi32, #tpu.memory_space<vmem>>
    %dma_start3A_34 = tpu.memref_squeeze %dma_start3A_33 : memref<1x128xi32, #tpu.memory_space<vmem>> -> memref<128xi32, #tpu.memory_space<vmem>>
    %dma_start3A_35 = arith.constant 0 : i32
    %dma_start3A_36 = arith.constant 0 : i32
    %dma_start3A_37 = tpu.memref_slice %arg3[%dma_start3A_35, %dma_start3A_36] : memref<100000x128xf32, #tpu.memory_space<hbm>> -> memref<100000x128xf32, #tpu.memory_space<hbm>>
    tpu.enqueue_indirect_dma source(%dma_start3A_37 : memref<100000x128xf32, #tpu.memory_space<hbm>>) target(%dma_start3A_31 : memref<128x128xf32, #tpu.memory_space<vmem>>) offsets(%dma_start3A_34 : memref<128xi32, #tpu.memory_space<vmem>>) semaphore(%arg9 : memref<!tpu.dma_semaphore, #tpu.memory_space<semaphore_mem>>)
    %dma_start3A_38 = arith.constant 3 : i32
    %dma_start3A_39 = arith.constant 3 : i32
    %dma_start3A_40 = arith.constant 0 : i32
    %dma_start3A_41 = arith.constant 0 : i32
    %dma_start3A_42 = tpu.memref_slice %arg6[%dma_start3A_39, %dma_start3A_40, %dma_start3A_41] : memref<4x128x128xf32, #tpu.memory_space<vmem>> -> memref<1x128x128xf32, #tpu.memory_space<vmem>>
    %dma_start3A_43 = tpu.memref_squeeze %dma_start3A_42 : memref<1x128x128xf32, #tpu.memory_space<vmem>> -> memref<128x128xf32, #tpu.memory_space<vmem>>
    %dma_start3A_44 = arith.constant 0 : i32
    %dma_start3A_45 = tpu.memref_slice %arg5[%dma_start3A_38, %dma_start3A_44] : memref<50x128xi32, #tpu.memory_space<vmem>> -> memref<1x128xi32, #tpu.memory_space<vmem>>
    %dma_start3A_46 = tpu.memref_squeeze %dma_start3A_45 : memref<1x128xi32, #tpu.memory_space<vmem>> -> memref<128xi32, #tpu.memory_space<vmem>>
    %dma_start3A_47 = arith.constant 0 : i32
    %dma_start3A_48 = arith.constant 0 : i32
    %dma_start3A_49 = tpu.memref_slice %arg3[%dma_start3A_47, %dma_start3A_48] : memref<100000x128xf32, #tpu.memory_space<hbm>> -> memref<100000x128xf32, #tpu.memory_space<hbm>>
    tpu.enqueue_indirect_dma source(%dma_start3A_49 : memref<100000x128xf32, #tpu.memory_space<hbm>>) target(%dma_start3A_43 : memref<128x128xf32, #tpu.memory_space<vmem>>) offsets(%dma_start3A_46 : memref<128xi32, #tpu.memory_space<vmem>>) semaphore(%arg10 : memref<!tpu.dma_semaphore, #tpu.memory_space<semaphore_mem>>)
    %dma_wait3A = arith.constant 0 : i32
    %dma_wait3A_50 = arith.constant 0 : i32
    %dma_wait3A_51 = arith.constant 0 : i32
    %dma_wait3A_52 = arith.constant 0 : i32
    %dma_wait3A_53 = tpu.memref_slice %arg6[%dma_wait3A_50, %dma_wait3A_51, %dma_wait3A_52] : memref<4x128x128xf32, #tpu.memory_space<vmem>> -> memref<1x128x128xf32, #tpu.memory_space<vmem>>
    %dma_wait3A_54 = tpu.memref_squeeze %dma_wait3A_53 : memref<1x128x128xf32, #tpu.memory_space<vmem>> -> memref<128x128xf32, #tpu.memory_space<vmem>>
    %dma_wait3A_55 = arith.constant 0 : i32
    %dma_wait3A_56 = tpu.memref_slice %arg5[%dma_wait3A, %dma_wait3A_55] : memref<50x128xi32, #tpu.memory_space<vmem>> -> memref<1x128xi32, #tpu.memory_space<vmem>>
    %dma_wait3A_57 = tpu.memref_squeeze %dma_wait3A_56 : memref<1x128xi32, #tpu.memory_space<vmem>> -> memref<128xi32, #tpu.memory_space<vmem>>
    %dma_wait3A_58 = arith.constant 0 : i32
    %dma_wait3A_59 = arith.constant 0 : i32
    %dma_wait3A_60 = tpu.memref_slice %arg3[%dma_wait3A_58, %dma_wait3A_59] : memref<100000x128xf32, #tpu.memory_space<hbm>> -> memref<100000x128xf32, #tpu.memory_space<hbm>>
    tpu.wait_indirect_dma semaphore(%arg7 : memref<!tpu.dma_semaphore, #tpu.memory_space<semaphore_mem>>) src(%dma_wait3A_60 : memref<100000x128xf32, #tpu.memory_space<hbm>>) dst(%dma_wait3A_54 : memref<128x128xf32, #tpu.memory_space<vmem>>)
    %dma_start3A_61 = arith.constant 0 : i32
    %dma_start3A_62 = arith.constant 0 : i32
    %dma_start3A_63 = arith.constant 0 : i32
    %dma_start3A_64 = arith.constant 0 : i32
    %dma_start3A_65 = tpu.memref_slice %arg6[%dma_start3A_61, %dma_start3A_63, %dma_start3A_64] : memref<4x128x128xf32, #tpu.memory_space<vmem>> -> memref<1x128x128xf32, #tpu.memory_space<vmem>>
    %dma_start3A_66 = tpu.memref_squeeze %dma_start3A_65 : memref<1x128x128xf32, #tpu.memory_space<vmem>> -> memref<128x128xf32, #tpu.memory_space<vmem>>
    %dma_start3A_67 = arith.constant 0 : i32
    %dma_start3A_68 = tpu.memref_slice %arg4[%dma_start3A_62, %mul3A_2, %dma_start3A_67] : memref<50x4096x128xf32, #tpu.memory_space<hbm>> -> memref<1x128x128xf32, #tpu.memory_space<hbm>>
    %dma_start3A_69 = tpu.memref_squeeze %dma_start3A_68 : memref<1x128x128xf32, #tpu.memory_space<hbm>> -> memref<128x128xf32, #tpu.memory_space<hbm>>
    %dma_start3A_70 = arith.constant 0 : i32
    %dma_start3A_71 = tpu.memref_slice %arg4[%dma_start3A_62, %mul3A_2, %dma_start3A_70] : memref<50x4096x128xf32, #tpu.memory_space<hbm>> -> memref<1x128x128xf32, #tpu.memory_space<hbm>>
    %dma_start3A_72 = tpu.memref_squeeze %dma_start3A_71 : memref<1x128x128xf32, #tpu.memory_space<hbm>> -> memref<128x128xf32, #tpu.memory_space<hbm>>
    %dma_start3A_73 = arith.constant 0 : i32
    %dma_start3A_74 = arith.constant 0 : i32
    %dma_start3A_75 = tpu.memref_slice %arg6[%dma_start3A_61, %dma_start3A_73, %dma_start3A_74] : memref<4x128x128xf32, #tpu.memory_space<vmem>> -> memref<1x128x128xf32, #tpu.memory_space<vmem>>
    %dma_start3A_76 = tpu.memref_squeeze %dma_start3A_75 : memref<1x128x128xf32, #tpu.memory_space<vmem>> -> memref<128x128xf32, #tpu.memory_space<vmem>>
    tpu.enqueue_dma source(%dma_start3A_76 : memref<128x128xf32, #tpu.memory_space<vmem>>) target(%dma_start3A_72 : memref<128x128xf32, #tpu.memory_space<hbm>>) target_semaphore(%arg11 : memref<!tpu.dma_semaphore, #tpu.memory_space<semaphore_mem>>)
    %dma_wait3A_77 = arith.constant 1 : i32
    %dma_wait3A_78 = arith.constant 1 : i32
    %dma_wait3A_79 = arith.constant 0 : i32
    %dma_wait3A_80 = arith.constant 0 : i32
    %dma_wait3A_81 = tpu.memref_slice %arg6[%dma_wait3A_78, %dma_wait3A_79, %dma_wait3A_80] : memref<4x128x128xf32, #tpu.memory_space<vmem>> -> memref<1x128x128xf32, #tpu.memory_space<vmem>>
    %dma_wait3A_82 = tpu.memref_squeeze %dma_wait3A_81 : memref<1x128x128xf32, #tpu.memory_space<vmem>> -> memref<128x128xf32, #tpu.memory_space<vmem>>
    %dma_wait3A_83 = arith.constant 0 : i32
    %dma_wait3A_84 = tpu.memref_slice %arg5[%dma_wait3A_77, %dma_wait3A_83] : memref<50x128xi32, #tpu.memory_space<vmem>> -> memref<1x128xi32, #tpu.memory_space<vmem>>
    %dma_wait3A_85 = tpu.memref_squeeze %dma_wait3A_84 : memref<1x128xi32, #tpu.memory_space<vmem>> -> memref<128xi32, #tpu.memory_space<vmem>>
    %dma_wait3A_86 = arith.constant 0 : i32
    %dma_wait3A_87 = arith.constant 0 : i32
    %dma_wait3A_88 = tpu.memref_slice %arg3[%dma_wait3A_86, %dma_wait3A_87] : memref<100000x128xf32, #tpu.memory_space<hbm>> -> memref<100000x128xf32, #tpu.memory_space<hbm>>
    tpu.wait_indirect_dma semaphore(%arg8 : memref<!tpu.dma_semaphore, #tpu.memory_space<semaphore_mem>>) src(%dma_wait3A_88 : memref<100000x128xf32, #tpu.memory_space<hbm>>) dst(%dma_wait3A_82 : memref<128x128xf32, #tpu.memory_space<vmem>>)
    %dma_wait3A_89 = arith.constant 0 : i32
    %dma_wait3A_90 = arith.constant 0 : i32
    %dma_wait3A_91 = arith.constant 0 : i32
    %dma_wait3A_92 = arith.constant 0 : i32
    %dma_wait3A_93 = tpu.memref_slice %arg6[%dma_wait3A_89, %dma_wait3A_91, %dma_wait3A_92] : memref<4x128x128xf32, #tpu.memory_space<vmem>> -> memref<1x128x128xf32, #tpu.memory_space<vmem>>
    %dma_wait3A_94 = tpu.memref_squeeze %dma_wait3A_93 : memref<1x128x128xf32, #tpu.memory_space<vmem>> -> memref<128x128xf32, #tpu.memory_space<vmem>>
    %dma_wait3A_95 = arith.constant 0 : i32
    %dma_wait3A_96 = tpu.memref_slice %arg4[%dma_wait3A_90, %mul3A_2, %dma_wait3A_95] : memref<50x4096x128xf32, #tpu.memory_space<hbm>> -> memref<1x128x128xf32, #tpu.memory_space<hbm>>
    %dma_wait3A_97 = tpu.memref_squeeze %dma_wait3A_96 : memref<1x128x128xf32, #tpu.memory_space<hbm>> -> memref<128x128xf32, #tpu.memory_space<hbm>>
    %dma_wait3A_98 = arith.constant 0 : i32
    %dma_wait3A_99 = tpu.memref_slice %arg4[%dma_wait3A_90, %mul3A_2, %dma_wait3A_98] : memref<50x4096x128xf32, #tpu.memory_space<hbm>> -> memref<1x128x128xf32, #tpu.memory_space<hbm>>
    %dma_wait3A_100 = tpu.memref_squeeze %dma_wait3A_99 : memref<1x128x128xf32, #tpu.memory_space<hbm>> -> memref<128x128xf32, #tpu.memory_space<hbm>>
    %dma_wait3A_101 = arith.constant 0 : i32
    %dma_wait3A_102 = arith.constant 0 : i32
    %dma_wait3A_103 = tpu.memref_slice %arg6[%dma_wait3A_89, %dma_wait3A_101, %dma_wait3A_102] : memref<4x128x128xf32, #tpu.memory_space<vmem>> -> memref<1x128x128xf32, #tpu.memory_space<vmem>>
    %dma_wait3A_104 = tpu.memref_squeeze %dma_wait3A_103 : memref<1x128x128xf32, #tpu.memory_space<vmem>> -> memref<128x128xf32, #tpu.memory_space<vmem>>
    tpu.wait_dma2 semaphore(%arg11 : memref<!tpu.dma_semaphore, #tpu.memory_space<semaphore_mem>>) src(%dma_wait3A_104 : memref<128x128xf32, #tpu.memory_space<vmem>>) dst(%dma_wait3A_100 : memref<128x128xf32, #tpu.memory_space<hbm>>)
    %dma_start3A_105 = arith.constant 4 : i32
    %dma_start3A_106 = arith.constant 0 : i32
    %dma_start3A_107 = arith.constant 0 : i32
    %dma_start3A_108 = arith.constant 0 : i32
    %dma_start3A_109 = tpu.memref_slice %arg6[%dma_start3A_106, %dma_start3A_107, %dma_start3A_108] : memref<4x128x128xf32, #tpu.memory_space<vmem>> -> memref<1x128x128xf32, #tpu.memory_space<vmem>>
    %dma_start3A_110 = tpu.memref_squeeze %dma_start3A_109 : memref<1x128x128xf32, #tpu.memory_space<vmem>> -> memref<128x128xf32, #tpu.memory_space<vmem>>
    %dma_start3A_111 = arith.constant 0 : i32
    %dma_start3A_112 = tpu.memref_slice %arg5[%dma_start3A_105, %dma_start3A_111] : memref<50x128xi32, #tpu.memory_space<vmem>> -> memref<1x128xi32, #tpu.memory_space<vmem>>
    %dma_start3A_113 = tpu.memref_squeeze %dma_start3A_112 : memref<1x128xi32, #tpu.memory_space<vmem>> -> memref<128xi32, #tpu.memory_space<vmem>>
    %dma_start3A_114 = arith.constant 0 : i32
    %dma_start3A_115 = arith.constant 0 : i32
    %dma_start3A_116 = tpu.memref_slice %arg3[%dma_start3A_114, %dma_start3A_115] : memref<100000x128xf32, #tpu.memory_space<hbm>> -> memref<100000x128xf32, #tpu.memory_space<hbm>>
    tpu.enqueue_indirect_dma source(%dma_start3A_116 : memref<100000x128xf32, #tpu.memory_space<hbm>>) target(%dma_start3A_110 : memref<128x128xf32, #tpu.memory_space<vmem>>) offsets(%dma_start3A_113 : memref<128xi32, #tpu.memory_space<vmem>>) semaphore(%arg7 : memref<!tpu.dma_semaphore, #tpu.memory_space<semaphore_mem>>)
    %dma_start3A_117 = arith.constant 1 : i32
    %dma_start3A_118 = arith.constant 1 : i32
    %dma_start3A_119 = arith.constant 0 : i32
    %dma_start3A_120 = arith.constant 0 : i32
    %dma_start3A_121 = tpu.memref_slice %arg6[%dma_start3A_117, %dma_start3A_119, %dma_start3A_120] : memref<4x128x128xf32, #tpu.memory_space<vmem>> -> memref<1x128x128xf32, #tpu.memory_space<vmem>>
    %dma_start3A_122 = tpu.memref_squeeze %dma_start3A_121 : memref<1x128x128xf32, #tpu.memory_space<vmem>> -> memref<128x128xf32, #tpu.memory_space<vmem>>
    %dma_start3A_123 = arith.constant 0 : i32
    %dma_start3A_124 = tpu.memref_slice %arg4[%dma_start3A_118, %mul3A_2, %dma_start3A_123] : memref<50x4096x128xf32, #tpu.memory_space<hbm>> -> memref<1x128x128xf32, #tpu.memory_space<hbm>>
    %dma_start3A_125 = tpu.memref_squeeze %dma_start3A_124 : memref<1x128x128xf32, #tpu.memory_space<hbm>> -> memref<128x128xf32, #tpu.memory_space<hbm>>
    %dma_start3A_126 = arith.constant 0 : i32
    %dma_start3A_127 = tpu.memref_slice %arg4[%dma_start3A_118, %mul3A_2, %dma_start3A_126] : memref<50x4096x128xf32, #tpu.memory_space<hbm>> -> memref<1x128x128xf32, #tpu.memory_space<hbm>>
    %dma_start3A_128 = tpu.memref_squeeze %dma_start3A_127 : memref<1x128x128xf32, #tpu.memory_space<hbm>> -> memref<128x128xf32, #tpu.memory_space<hbm>>
    %dma_start3A_129 = arith.constant 0 : i32
    %dma_start3A_130 = arith.constant 0 : i32
    %dma_start3A_131 = tpu.memref_slice %arg6[%dma_start3A_117, %dma_start3A_129, %dma_start3A_130] : memref<4x128x128xf32, #tpu.memory_space<vmem>> -> memref<1x128x128xf32, #tpu.memory_space<vmem>>
    %dma_start3A_132 = tpu.memref_squeeze %dma_start3A_131 : memref<1x128x128xf32, #tpu.memory_space<vmem>> -> memref<128x128xf32, #tpu.memory_space<vmem>>
    tpu.enqueue_dma source(%dma_start3A_132 : memref<128x128xf32, #tpu.memory_space<vmem>>) target(%dma_start3A_128 : memref<128x128xf32, #tpu.memory_space<hbm>>) target_semaphore(%arg12 : memref<!tpu.dma_semaphore, #tpu.memory_space<semaphore_mem>>)
    %dma_wait3A_133 = arith.constant 2 : i32
    %dma_wait3A_134 = arith.constant 2 : i32
    %dma_wait3A_135 = arith.constant 0 : i32
    %dma_wait3A_136 = arith.constant 0 : i32
    %dma_wait3A_137 = tpu.memref_slice %arg6[%dma_wait3A_134, %dma_wait3A_135, %dma_wait3A_136] : memref<4x128x128xf32, #tpu.memory_space<vmem>> -> memref<1x128x128xf32, #tpu.memory_space<vmem>>
    %dma_wait3A_138 = tpu.memref_squeeze %dma_wait3A_137 : memref<1x128x128xf32, #tpu.memory_space<vmem>> -> memref<128x128xf32, #tpu.memory_space<vmem>>
    %dma_wait3A_139 = arith.constant 0 : i32
    %dma_wait3A_140 = tpu.memref_slice %arg5[%dma_wait3A_133, %dma_wait3A_139] : memref<50x128xi32, #tpu.memory_space<vmem>> -> memref<1x128xi32, #tpu.memory_space<vmem>>
    %dma_wait3A_141 = tpu.memref_squeeze %dma_wait3A_140 : memref<1x128xi32, #tpu.memory_space<vmem>> -> memref<128xi32, #tpu.memory_space<vmem>>
    %dma_wait3A_142 = arith.constant 0 : i32
    %dma_wait3A_143 = arith.constant 0 : i32
    %dma_wait3A_144 = tpu.memref_slice %arg3[%dma_wait3A_142, %dma_wait3A_143] : memref<100000x128xf32, #tpu.memory_space<hbm>> -> memref<100000x128xf32, #tpu.memory_space<hbm>>
    tpu.wait_indirect_dma semaphore(%arg9 : memref<!tpu.dma_semaphore, #tpu.memory_space<semaphore_mem>>) src(%dma_wait3A_144 : memref<100000x128xf32, #tpu.memory_space<hbm>>) dst(%dma_wait3A_138 : memref<128x128xf32, #tpu.memory_space<vmem>>)
    %dma_wait3A_145 = arith.constant 1 : i32
    %dma_wait3A_146 = arith.constant 1 : i32
    %dma_wait3A_147 = arith.constant 0 : i32
    %dma_wait3A_148 = arith.constant 0 : i32
    %dma_wait3A_149 = tpu.memref_slice %arg6[%dma_wait3A_145, %dma_wait3A_147, %dma_wait3A_148] : memref<4x128x128xf32, #tpu.memory_space<vmem>> -> memref<1x128x128xf32, #tpu.memory_space<vmem>>
    %dma_wait3A_150 = tpu.memref_squeeze %dma_wait3A_149 : memref<1x128x128xf32, #tpu.memory_space<vmem>> -> memref<128x128xf32, #tpu.memory_space<vmem>>
    %dma_wait3A_151 = arith.constant 0 : i32
    %dma_wait3A_152 = tpu.memref_slice %arg4[%dma_wait3A_146, %mul3A_2, %dma_wait3A_151] : memref<50x4096x128xf32, #tpu.memory_space<hbm>> -> memref<1x128x128xf32, #tpu.memory_space<hbm>>
    %dma_wait3A_153 = tpu.memref_squeeze %dma_wait3A_152 : memref<1x128x128xf32, #tpu.memory_space<hbm>> -> memref<128x128xf32, #tpu.memory_space<hbm>>
    %dma_wait3A_154 = arith.constant 0 : i32
    %dma_wait3A_155 = tpu.memref_slice %arg4[%dma_wait3A_146, %mul3A_2, %dma_wait3A_154] : memref<50x4096x128xf32, #tpu.memory_space<hbm>> -> memref<1x128x128xf32, #tpu.memory_space<hbm>>
    %dma_wait3A_156 = tpu.memref_squeeze %dma_wait3A_155 : memref<1x128x128xf32, #tpu.memory_space<hbm>> -> memref<128x128xf32, #tpu.memory_space<hbm>>
    %dma_wait3A_157 = arith.constant 0 : i32
    %dma_wait3A_158 = arith.constant 0 : i32
    %dma_wait3A_159 = tpu.memref_slice %arg6[%dma_wait3A_145, %dma_wait3A_157, %dma_wait3A_158] : memref<4x128x128xf32, #tpu.memory_space<vmem>> -> memref<1x128x128xf32, #tpu.memory_space<vmem>>
    %dma_wait3A_160 = tpu.memref_squeeze %dma_wait3A_159 : memref<1x128x128xf32, #tpu.memory_space<vmem>> -> memref<128x128xf32, #tpu.memory_space<vmem>>
    tpu.wait_dma2 semaphore(%arg12 : memref<!tpu.dma_semaphore, #tpu.memory_space<semaphore_mem>>) src(%dma_wait3A_160 : memref<128x128xf32, #tpu.memory_space<vmem>>) dst(%dma_wait3A_156 : memref<128x128xf32, #tpu.memory_space<hbm>>)
    %dma_start3A_161 = arith.constant 5 : i32
    %dma_start3A_162 = arith.constant 1 : i32
    %dma_start3A_163 = arith.constant 0 : i32
    %dma_start3A_164 = arith.constant 0 : i32
    %dma_start3A_165 = tpu.memref_slice %arg6[%dma_start3A_162, %dma_start3A_163, %dma_start3A_164] : memref<4x128x128xf32, #tpu.memory_space<vmem>> -> memref<1x128x128xf32, #tpu.memory_space<vmem>>
    %dma_start3A_166 = tpu.memref_squeeze %dma_start3A_165 : memref<1x128x128xf32, #tpu.memory_space<vmem>> -> memref<128x128xf32, #tpu.memory_space<vmem>>
    %dma_start3A_167 = arith.constant 0 : i32
    %dma_start3A_168 = tpu.memref_slice %arg5[%dma_start3A_161, %dma_start3A_167] : memref<50x128xi32, #tpu.memory_space<vmem>> -> memref<1x128xi32, #tpu.memory_space<vmem>>
    %dma_start3A_169 = tpu.memref_squeeze %dma_start3A_168 : memref<1x128xi32, #tpu.memory_space<vmem>> -> memref<128xi32, #tpu.memory_space<vmem>>
    %dma_start3A_170 = arith.constant 0 : i32
    %dma_start3A_171 = arith.constant 0 : i32
    %dma_start3A_172 = tpu.memref_slice %arg3[%dma_start3A_170, %dma_start3A_171] : memref<100000x128xf32, #tpu.memory_space<hbm>> -> memref<100000x128xf32, #tpu.memory_space<hbm>>
    tpu.enqueue_indirect_dma source(%dma_start3A_172 : memref<100000x128xf32, #tpu.memory_space<hbm>>) target(%dma_start3A_166 : memref<128x128xf32, #tpu.memory_space<vmem>>) offsets(%dma_start3A_169 : memref<128xi32, #tpu.memory_space<vmem>>) semaphore(%arg8 : memref<!tpu.dma_semaphore, #tpu.memory_space<semaphore_mem>>)
    %dma_start3A_173 = arith.constant 2 : i32
    %dma_start3A_174 = arith.constant 2 : i32
    %dma_start3A_175 = arith.constant 0 : i32
    %dma_start3A_176 = arith.constant 0 : i32
    %dma_start3A_177 = tpu.memref_slice %arg6[%dma_start3A_173, %dma_start3A_175, %dma_start3A_176] : memref<4x128x128xf32, #tpu.memory_space<vmem>> -> memref<1x128x128xf32, #tpu.memory_space<vmem>>
    %dma_start3A_178 = tpu.memref_squeeze %dma_start3A_177 : memref<1x128x128xf32, #tpu.memory_space<vmem>> -> memref<128x128xf32, #tpu.memory_space<vmem>>
    %dma_start3A_179 = arith.constant 0 : i32
    %dma_start3A_180 = tpu.memref_slice %arg4[%dma_start3A_174, %mul3A_2, %dma_start3A_179] : memref<50x4096x128xf32, #tpu.memory_space<hbm>> -> memref<1x128x128xf32, #tpu.memory_space<hbm>>
    %dma_start3A_181 = tpu.memref_squeeze %dma_start3A_180 : memref<1x128x128xf32, #tpu.memory_space<hbm>> -> memref<128x128xf32, #tpu.memory_space<hbm>>
    %dma_start3A_182 = arith.constant 0 : i32
    %dma_start3A_183 = tpu.memref_slice %arg4[%dma_start3A_174, %mul3A_2, %dma_start3A_182] : memref<50x4096x128xf32, #tpu.memory_space<hbm>> -> memref<1x128x128xf32, #tpu.memory_space<hbm>>
    %dma_start3A_184 = tpu.memref_squeeze %dma_start3A_183 : memref<1x128x128xf32, #tpu.memory_space<hbm>> -> memref<128x128xf32, #tpu.memory_space<hbm>>
    %dma_start3A_185 = arith.constant 0 : i32
    %dma_start3A_186 = arith.constant 0 : i32
    %dma_start3A_187 = tpu.memref_slice %arg6[%dma_start3A_173, %dma_start3A_185, %dma_start3A_186] : memref<4x128x128xf32, #tpu.memory_space<vmem>> -> memref<1x128x128xf32, #tpu.memory_space<vmem>>
    %dma_start3A_188 = tpu.memref_squeeze %dma_start3A_187 : memref<1x128x128xf32, #tpu.memory_space<vmem>> -> memref<128x128xf32, #tpu.memory_space<vmem>>
    tpu.enqueue_dma source(%dma_start3A_188 : memref<128x128xf32, #tpu.memory_space<vmem>>) target(%dma_start3A_184 : memref<128x128xf32, #tpu.memory_space<hbm>>) target_semaphore(%arg13 : memref<!tpu.dma_semaphore, #tpu.memory_space<semaphore_mem>>)
    %dma_wait3A_189 = arith.constant 3 : i32
    %dma_wait3A_190 = arith.constant 3 : i32
    %dma_wait3A_191 = arith.constant 0 : i32
    %dma_wait3A_192 = arith.constant 0 : i32
    %dma_wait3A_193 = tpu.memref_slice %arg6[%dma_wait3A_190, %dma_wait3A_191, %dma_wait3A_192] : memref<4x128x128xf32, #tpu.memory_space<vmem>> -> memref<1x128x128xf32, #tpu.memory_space<vmem>>
    %dma_wait3A_194 = tpu.memref_squeeze %dma_wait3A_193 : memref<1x128x128xf32, #tpu.memory_space<vmem>> -> memref<128x128xf32, #tpu.memory_space<vmem>>
    %dma_wait3A_195 = arith.constant 0 : i32
    %dma_wait3A_196 = tpu.memref_slice %arg5[%dma_wait3A_189, %dma_wait3A_195] : memref<50x128xi32, #tpu.memory_space<vmem>> -> memref<1x128xi32, #tpu.memory_space<vmem>>
    %dma_wait3A_197 = tpu.memref_squeeze %dma_wait3A_196 : memref<1x128xi32, #tpu.memory_space<vmem>> -> memref<128xi32, #tpu.memory_space<vmem>>
    %dma_wait3A_198 = arith.constant 0 : i32
    %dma_wait3A_199 = arith.constant 0 : i32
    %dma_wait3A_200 = tpu.memref_slice %arg3[%dma_wait3A_198, %dma_wait3A_199] : memref<100000x128xf32, #tpu.memory_space<hbm>> -> memref<100000x128xf32, #tpu.memory_space<hbm>>
    tpu.wait_indirect_dma semaphore(%arg10 : memref<!tpu.dma_semaphore, #tpu.memory_space<semaphore_mem>>) src(%dma_wait3A_200 : memref<100000x128xf32, #tpu.memory_space<hbm>>) dst(%dma_wait3A_194 : memref<128x128xf32, #tpu.memory_space<vmem>>)
    %dma_wait3A_201 = arith.constant 2 : i32
    %dma_wait3A_202 = arith.constant 2 : i32
    %dma_wait3A_203 = arith.constant 0 : i32
    %dma_wait3A_204 = arith.constant 0 : i32
    %dma_wait3A_205 = tpu.memref_slice %arg6[%dma_wait3A_201, %dma_wait3A_203, %dma_wait3A_204] : memref<4x128x128xf32, #tpu.memory_space<vmem>> -> memref<1x128x128xf32, #tpu.memory_space<vmem>>
    %dma_wait3A_206 = tpu.memref_squeeze %dma_wait3A_205 : memref<1x128x128xf32, #tpu.memory_space<vmem>> -> memref<128x128xf32, #tpu.memory_space<vmem>>
    %dma_wait3A_207 = arith.constant 0 : i32
    %dma_wait3A_208 = tpu.memref_slice %arg4[%dma_wait3A_202, %mul3A_2, %dma_wait3A_207] : memref<50x4096x128xf32, #tpu.memory_space<hbm>> -> memref<1x128x128xf32, #tpu.memory_space<hbm>>
    %dma_wait3A_209 = tpu.memref_squeeze %dma_wait3A_208 : memref<1x128x128xf32, #tpu.memory_space<hbm>> -> memref<128x128xf32, #tpu.memory_space<hbm>>
    %dma_wait3A_210 = arith.constant 0 : i32
    %dma_wait3A_211 = tpu.memref_slice %arg4[%dma_wait3A_202, %mul3A_2, %dma_wait3A_210] : memref<50x4096x128xf32, #tpu.memory_space<hbm>> -> memref<1x128x128xf32, #tpu.memory_space<hbm>>
    %dma_wait3A_212 = tpu.memref_squeeze %dma_wait3A_211 : memref<1x128x128xf32, #tpu.memory_space<hbm>> -> memref<128x128xf32, #tpu.memory_space<hbm>>
    %dma_wait3A_213 = arith.constant 0 : i32
    %dma_wait3A_214 = arith.constant 0 : i32
    %dma_wait3A_215 = tpu.memref_slice %arg6[%dma_wait3A_201, %dma_wait3A_213, %dma_wait3A_214] : memref<4x128x128xf32, #tpu.memory_space<vmem>> -> memref<1x128x128xf32, #tpu.memory_space<vmem>>
    %dma_wait3A_216 = tpu.memref_squeeze %dma_wait3A_215 : memref<1x128x128xf32, #tpu.memory_space<vmem>> -> memref<128x128xf32, #tpu.memory_space<vmem>>
    tpu.wait_dma2 semaphore(%arg13 : memref<!tpu.dma_semaphore, #tpu.memory_space<semaphore_mem>>) src(%dma_wait3A_216 : memref<128x128xf32, #tpu.memory_space<vmem>>) dst(%dma_wait3A_212 : memref<128x128xf32, #tpu.memory_space<hbm>>)
    %dma_start3A_217 = arith.constant 6 : i32
    %dma_start3A_218 = arith.constant 2 : i32
    %dma_start3A_219 = arith.constant 0 : i32
    %dma_start3A_220 = arith.constant 0 : i32
    %dma_start3A_221 = tpu.memref_slice %arg6[%dma_start3A_218, %dma_start3A_219, %dma_start3A_220] : memref<4x128x128xf32, #tpu.memory_space<vmem>> -> memref<1x128x128xf32, #tpu.memory_space<vmem>>
    %dma_start3A_222 = tpu.memref_squeeze %dma_start3A_221 : memref<1x128x128xf32, #tpu.memory_space<vmem>> -> memref<128x128xf32, #tpu.memory_space<vmem>>
    %dma_start3A_223 = arith.constant 0 : i32
    %dma_start3A_224 = tpu.memref_slice %arg5[%dma_start3A_217, %dma_start3A_223] : memref<50x128xi32, #tpu.memory_space<vmem>> -> memref<1x128xi32, #tpu.memory_space<vmem>>
    %dma_start3A_225 = tpu.memref_squeeze %dma_start3A_224 : memref<1x128xi32, #tpu.memory_space<vmem>> -> memref<128xi32, #tpu.memory_space<vmem>>
    %dma_start3A_226 = arith.constant 0 : i32
    %dma_start3A_227 = arith.constant 0 : i32
    %dma_start3A_228 = tpu.memref_slice %arg3[%dma_start3A_226, %dma_start3A_227] : memref<100000x128xf32, #tpu.memory_space<hbm>> -> memref<100000x128xf32, #tpu.memory_space<hbm>>
    tpu.enqueue_indirect_dma source(%dma_start3A_228 : memref<100000x128xf32, #tpu.memory_space<hbm>>) target(%dma_start3A_222 : memref<128x128xf32, #tpu.memory_space<vmem>>) offsets(%dma_start3A_225 : memref<128xi32, #tpu.memory_space<vmem>>) semaphore(%arg9 : memref<!tpu.dma_semaphore, #tpu.memory_space<semaphore_mem>>)
    %dma_start3A_229 = arith.constant 3 : i32
    %dma_start3A_230 = arith.constant 3 : i32
    %dma_start3A_231 = arith.constant 0 : i32
    %dma_start3A_232 = arith.constant 0 : i32
    %dma_start3A_233 = tpu.memref_slice %arg6[%dma_start3A_229, %dma_start3A_231, %dma_start3A_232] : memref<4x128x128xf32, #tpu.memory_space<vmem>> -> memref<1x128x128xf32, #tpu.memory_space<vmem>>
    %dma_start3A_234 = tpu.memref_squeeze %dma_start3A_233 : memref<1x128x128xf32, #tpu.memory_space<vmem>> -> memref<128x128xf32, #tpu.memory_space<vmem>>
    %dma_start3A_235 = arith.constant 0 : i32
    %dma_start3A_236 = tpu.memref_slice %arg4[%dma_start3A_230, %mul3A_2, %dma_start3A_235] : memref<50x4096x128xf32, #tpu.memory_space<hbm>> -> memref<1x128x128xf32, #tpu.memory_space<hbm>>
    %dma_start3A_237 = tpu.memref_squeeze %dma_start3A_236 : memref<1x128x128xf32, #tpu.memory_space<hbm>> -> memref<128x128xf32, #tpu.memory_space<hbm>>
    %dma_start3A_238 = arith.constant 0 : i32
    %dma_start3A_239 = tpu.memref_slice %arg4[%dma_start3A_230, %mul3A_2, %dma_start3A_238] : memref<50x4096x128xf32, #tpu.memory_space<hbm>> -> memref<1x128x128xf32, #tpu.memory_space<hbm>>
    %dma_start3A_240 = tpu.memref_squeeze %dma_start3A_239 : memref<1x128x128xf32, #tpu.memory_space<hbm>> -> memref<128x128xf32, #tpu.memory_space<hbm>>
    %dma_start3A_241 = arith.constant 0 : i32
    %dma_start3A_242 = arith.constant 0 : i32
    %dma_start3A_243 = tpu.memref_slice %arg6[%dma_start3A_229, %dma_start3A_241, %dma_start3A_242] : memref<4x128x128xf32, #tpu.memory_space<vmem>> -> memref<1x128x128xf32, #tpu.memory_space<vmem>>
    %dma_start3A_244 = tpu.memref_squeeze %dma_start3A_243 : memref<1x128x128xf32, #tpu.memory_space<vmem>> -> memref<128x128xf32, #tpu.memory_space<vmem>>
    tpu.enqueue_dma source(%dma_start3A_244 : memref<128x128xf32, #tpu.memory_space<vmem>>) target(%dma_start3A_240 : memref<128x128xf32, #tpu.memory_space<hbm>>) target_semaphore(%arg14 : memref<!tpu.dma_semaphore, #tpu.memory_space<semaphore_mem>>)
    %dma_wait3A_245 = arith.constant 4 : i32
    %dma_wait3A_246 = arith.constant 0 : i32
    %dma_wait3A_247 = arith.constant 0 : i32
    %dma_wait3A_248 = arith.constant 0 : i32
    %dma_wait3A_249 = tpu.memref_slice %arg6[%dma_wait3A_246, %dma_wait3A_247, %dma_wait3A_248] : memref<4x128x128xf32, #tpu.memory_space<vmem>> -> memref<1x128x128xf32, #tpu.memory_space<vmem>>
    %dma_wait3A_250 = tpu.memref_squeeze %dma_wait3A_249 : memref<1x128x128xf32, #tpu.memory_space<vmem>> -> memref<128x128xf32, #tpu.memory_space<vmem>>
    %dma_wait3A_251 = arith.constant 0 : i32
    %dma_wait3A_252 = tpu.memref_slice %arg5[%dma_wait3A_245, %dma_wait3A_251] : memref<50x128xi32, #tpu.memory_space<vmem>> -> memref<1x128xi32, #tpu.memory_space<vmem>>
    %dma_wait3A_253 = tpu.memref_squeeze %dma_wait3A_252 : memref<1x128xi32, #tpu.memory_space<vmem>> -> memref<128xi32, #tpu.memory_space<vmem>>
    %dma_wait3A_254 = arith.constant 0 : i32
    %dma_wait3A_255 = arith.constant 0 : i32
    %dma_wait3A_256 = tpu.memref_slice %arg3[%dma_wait3A_254, %dma_wait3A_255] : memref<100000x128xf32, #tpu.memory_space<hbm>> -> memref<100000x128xf32, #tpu.memory_space<hbm>>
    tpu.wait_indirect_dma semaphore(%arg7 : memref<!tpu.dma_semaphore, #tpu.memory_space<semaphore_mem>>) src(%dma_wait3A_256 : memref<100000x128xf32, #tpu.memory_space<hbm>>) dst(%dma_wait3A_250 : memref<128x128xf32, #tpu.memory_space<vmem>>)
    %dma_wait3A_257 = arith.constant 3 : i32
    %dma_wait3A_258 = arith.constant 3 : i32
    %dma_wait3A_259 = arith.constant 0 : i32
    %dma_wait3A_260 = arith.constant 0 : i32
    %dma_wait3A_261 = tpu.memref_slice %arg6[%dma_wait3A_257, %dma_wait3A_259, %dma_wait3A_260] : memref<4x128x128xf32, #tpu.memory_space<vmem>> -> memref<1x128x128xf32, #tpu.memory_space<vmem>>
    %dma_wait3A_262 = tpu.memref_squeeze %dma_wait3A_261 : memref<1x128x128xf32, #tpu.memory_space<vmem>> -> memref<128x128xf32, #tpu.memory_space<vmem>>
    %dma_wait3A_263 = arith.constant 0 : i32
    %dma_wait3A_264 = tpu.memref_slice %arg4[%dma_wait3A_258, %mul3A_2, %dma_wait3A_263] : memref<50x4096x128xf32, #tpu.memory_space<hbm>> -> memref<1x128x128xf32, #tpu.memory_space<hbm>>
    %dma_wait3A_265 = tpu.memref_squeeze %dma_wait3A_264 : memref<1x128x128xf32, #tpu.memory_space<hbm>> -> memref<128x128xf32, #tpu.memory_space<hbm>>
    %dma_wait3A_266 = arith.constant 0 : i32
    %dma_wait3A_267 = tpu.memref_slice %arg4[%dma_wait3A_258, %mul3A_2, %dma_wait3A_266] : memref<50x4096x128xf32, #tpu.memory_space<hbm>> -> memref<1x128x128xf32, #tpu.memory_space<hbm>>
    %dma_wait3A_268 = tpu.memref_squeeze %dma_wait3A_267 : memref<1x128x128xf32, #tpu.memory_space<hbm>> -> memref<128x128xf32, #tpu.memory_space<hbm>>
    %dma_wait3A_269 = arith.constant 0 : i32
    %dma_wait3A_270 = arith.constant 0 : i32
    %dma_wait3A_271 = tpu.memref_slice %arg6[%dma_wait3A_257, %dma_wait3A_269, %dma_wait3A_270] : memref<4x128x128xf32, #tpu.memory_space<vmem>> -> memref<1x128x128xf32, #tpu.memory_space<vmem>>
    %dma_wait3A_272 = tpu.memref_squeeze %dma_wait3A_271 : memref<1x128x128xf32, #tpu.memory_space<vmem>> -> memref<128x128xf32, #tpu.memory_space<vmem>>
    tpu.wait_dma2 semaphore(%arg14 : memref<!tpu.dma_semaphore, #tpu.memory_space<semaphore_mem>>) src(%dma_wait3A_272 : memref<128x128xf32, #tpu.memory_space<vmem>>) dst(%dma_wait3A_268 : memref<128x128xf32, #tpu.memory_space<hbm>>)
    %dma_start3A_273 = arith.constant 7 : i32
    %dma_start3A_274 = arith.constant 3 : i32
    %dma_start3A_275 = arith.constant 0 : i32
    %dma_start3A_276 = arith.constant 0 : i32
    %dma_start3A_277 = tpu.memref_slice %arg6[%dma_start3A_274, %dma_start3A_275, %dma_start3A_276] : memref<4x128x128xf32, #tpu.memory_space<vmem>> -> memref<1x128x128xf32, #tpu.memory_space<vmem>>
    %dma_start3A_278 = tpu.memref_squeeze %dma_start3A_277 : memref<1x128x128xf32, #tpu.memory_space<vmem>> -> memref<128x128xf32, #tpu.memory_space<vmem>>
    %dma_start3A_279 = arith.constant 0 : i32
    %dma_start3A_280 = tpu.memref_slice %arg5[%dma_start3A_273, %dma_start3A_279] : memref<50x128xi32, #tpu.memory_space<vmem>> -> memref<1x128xi32, #tpu.memory_space<vmem>>
    %dma_start3A_281 = tpu.memref_squeeze %dma_start3A_280 : memref<1x128xi32, #tpu.memory_space<vmem>> -> memref<128xi32, #tpu.memory_space<vmem>>
    %dma_start3A_282 = arith.constant 0 : i32
    %dma_start3A_283 = arith.constant 0 : i32
    %dma_start3A_284 = tpu.memref_slice %arg3[%dma_start3A_282, %dma_start3A_283] : memref<100000x128xf32, #tpu.memory_space<hbm>> -> memref<100000x128xf32, #tpu.memory_space<hbm>>
    tpu.enqueue_indirect_dma source(%dma_start3A_284 : memref<100000x128xf32, #tpu.memory_space<hbm>>) target(%dma_start3A_278 : memref<128x128xf32, #tpu.memory_space<vmem>>) offsets(%dma_start3A_281 : memref<128xi32, #tpu.memory_space<vmem>>) semaphore(%arg10 : memref<!tpu.dma_semaphore, #tpu.memory_space<semaphore_mem>>)
    %dma_start3A_285 = arith.constant 0 : i32
    %dma_start3A_286 = arith.constant 4 : i32
    %dma_start3A_287 = arith.constant 0 : i32
    %dma_start3A_288 = arith.constant 0 : i32
    %dma_start3A_289 = tpu.memref_slice %arg6[%dma_start3A_285, %dma_start3A_287, %dma_start3A_288] : memref<4x128x128xf32, #tpu.memory_space<vmem>> -> memref<1x128x128xf32, #tpu.memory_space<vmem>>
    %dma_start3A_290 = tpu.memref_squeeze %dma_start3A_289 : memref<1x128x128xf32, #tpu.memory_space<vmem>> -> memref<128x128xf32, #tpu.memory_space<vmem>>
    %dma_start3A_291 = arith.constant 0 : i32
    %dma_start3A_292 = tpu.memref_slice %arg4[%dma_start3A_286, %mul3A_2, %dma_start3A_291] : memref<50x4096x128xf32, #tpu.memory_space<hbm>> -> memref<1x128x128xf32, #tpu.memory_space<hbm>>
    %dma_start3A_293 = tpu.memref_squeeze %dma_start3A_292 : memref<1x128x128xf32, #tpu.memory_space<hbm>> -> memref<128x128xf32, #tpu.memory_space<hbm>>
    %dma_start3A_294 = arith.constant 0 : i32
    %dma_start3A_295 = tpu.memref_slice %arg4[%dma_start3A_286, %mul3A_2, %dma_start3A_294] : memref<50x4096x128xf32, #tpu.memory_space<hbm>> -> memref<1x128x128xf32, #tpu.memory_space<hbm>>
    %dma_start3A_296 = tpu.memref_squeeze %dma_start3A_295 : memref<1x128x128xf32, #tpu.memory_space<hbm>> -> memref<128x128xf32, #tpu.memory_space<hbm>>
    %dma_start3A_297 = arith.constant 0 : i32
    %dma_start3A_298 = arith.constant 0 : i32
    %dma_start3A_299 = tpu.memref_slice %arg6[%dma_start3A_285, %dma_start3A_297, %dma_start3A_298] : memref<4x128x128xf32, #tpu.memory_space<vmem>> -> memref<1x128x128xf32, #tpu.memory_space<vmem>>
    %dma_start3A_300 = tpu.memref_squeeze %dma_start3A_299 : memref<1x128x128xf32, #tpu.memory_space<vmem>> -> memref<128x128xf32, #tpu.memory_space<vmem>>
    tpu.enqueue_dma source(%dma_start3A_300 : memref<128x128xf32, #tpu.memory_space<vmem>>) target(%dma_start3A_296 : memref<128x128xf32, #tpu.memory_space<hbm>>) target_semaphore(%arg11 : memref<!tpu.dma_semaphore, #tpu.memory_space<semaphore_mem>>)
    %dma_wait3A_301 = arith.constant 5 : i32
    %dma_wait3A_302 = arith.constant 1 : i32
    %dma_wait3A_303 = arith.constant 0 : i32
    %dma_wait3A_304 = arith.constant 0 : i32
    %dma_wait3A_305 = tpu.memref_slice %arg6[%dma_wait3A_302, %dma_wait3A_303, %dma_wait3A_304] : memref<4x128x128xf32, #tpu.memory_space<vmem>> -> memref<1x128x128xf32, #tpu.memory_space<vmem>>
    %dma_wait3A_306 = tpu.memref_squeeze %dma_wait3A_305 : memref<1x128x128xf32, #tpu.memory_space<vmem>> -> memref<128x128xf32, #tpu.memory_space<vmem>>
    %dma_wait3A_307 = arith.constant 0 : i32
    %dma_wait3A_308 = tpu.memref_slice %arg5[%dma_wait3A_301, %dma_wait3A_307] : memref<50x128xi32, #tpu.memory_space<vmem>> -> memref<1x128xi32, #tpu.memory_space<vmem>>
    %dma_wait3A_309 = tpu.memref_squeeze %dma_wait3A_308 : memref<1x128xi32, #tpu.memory_space<vmem>> -> memref<128xi32, #tpu.memory_space<vmem>>
    %dma_wait3A_310 = arith.constant 0 : i32
    %dma_wait3A_311 = arith.constant 0 : i32
    %dma_wait3A_312 = tpu.memref_slice %arg3[%dma_wait3A_310, %dma_wait3A_311] : memref<100000x128xf32, #tpu.memory_space<hbm>> -> memref<100000x128xf32, #tpu.memory_space<hbm>>
    tpu.wait_indirect_dma semaphore(%arg8 : memref<!tpu.dma_semaphore, #tpu.memory_space<semaphore_mem>>) src(%dma_wait3A_312 : memref<100000x128xf32, #tpu.memory_space<hbm>>) dst(%dma_wait3A_306 : memref<128x128xf32, #tpu.memory_space<vmem>>)
    %dma_wait3A_313 = arith.constant 0 : i32
    %dma_wait3A_314 = arith.constant 4 : i32
    %dma_wait3A_315 = arith.constant 0 : i32
    %dma_wait3A_316 = arith.constant 0 : i32
    %dma_wait3A_317 = tpu.memref_slice %arg6[%dma_wait3A_313, %dma_wait3A_315, %dma_wait3A_316] : memref<4x128x128xf32, #tpu.memory_space<vmem>> -> memref<1x128x128xf32, #tpu.memory_space<vmem>>
    %dma_wait3A_318 = tpu.memref_squeeze %dma_wait3A_317 : memref<1x128x128xf32, #tpu.memory_space<vmem>> -> memref<128x128xf32, #tpu.memory_space<vmem>>
    %dma_wait3A_319 = arith.constant 0 : i32
    %dma_wait3A_320 = tpu.memref_slice %arg4[%dma_wait3A_314, %mul3A_2, %dma_wait3A_319] : memref<50x4096x128xf32, #tpu.memory_space<hbm>> -> memref<1x128x128xf32, #tpu.memory_space<hbm>>
    %dma_wait3A_321 = tpu.memref_squeeze %dma_wait3A_320 : memref<1x128x128xf32, #tpu.memory_space<hbm>> -> memref<128x128xf32, #tpu.memory_space<hbm>>
    %dma_wait3A_322 = arith.constant 0 : i32
    %dma_wait3A_323 = tpu.memref_slice %arg4[%dma_wait3A_314, %mul3A_2, %dma_wait3A_322] : memref<50x4096x128xf32, #tpu.memory_space<hbm>> -> memref<1x128x128xf32, #tpu.memory_space<hbm>>
    %dma_wait3A_324 = tpu.memref_squeeze %dma_wait3A_323 : memref<1x128x128xf32, #tpu.memory_space<hbm>> -> memref<128x128xf32, #tpu.memory_space<hbm>>
    %dma_wait3A_325 = arith.constant 0 : i32
    %dma_wait3A_326 = arith.constant 0 : i32
    %dma_wait3A_327 = tpu.memref_slice %arg6[%dma_wait3A_313, %dma_wait3A_325, %dma_wait3A_326] : memref<4x128x128xf32, #tpu.memory_space<vmem>> -> memref<1x128x128xf32, #tpu.memory_space<vmem>>
    %dma_wait3A_328 = tpu.memref_squeeze %dma_wait3A_327 : memref<1x128x128xf32, #tpu.memory_space<vmem>> -> memref<128x128xf32, #tpu.memory_space<vmem>>
    tpu.wait_dma2 semaphore(%arg11 : memref<!tpu.dma_semaphore, #tpu.memory_space<semaphore_mem>>) src(%dma_wait3A_328 : memref<128x128xf32, #tpu.memory_space<vmem>>) dst(%dma_wait3A_324 : memref<128x128xf32, #tpu.memory_space<hbm>>)
    %dma_start3A_329 = arith.constant 8 : i32
    %dma_start3A_330 = arith.constant 0 : i32
    %dma_start3A_331 = arith.constant 0 : i32
    %dma_start3A_332 = arith.constant 0 : i32
    %dma_start3A_333 = tpu.memref_slice %arg6[%dma_start3A_330, %dma_start3A_331, %dma_start3A_332] : memref<4x128x128xf32, #tpu.memory_space<vmem>> -> memref<1x128x128xf32, #tpu.memory_space<vmem>>
    %dma_start3A_334 = tpu.memref_squeeze %dma_start3A_333 : memref<1x128x128xf32, #tpu.memory_space<vmem>> -> memref<128x128xf32, #tpu.memory_space<vmem>>
    %dma_start3A_335 = arith.constant 0 : i32
    %dma_start3A_336 = tpu.memref_slice %arg5[%dma_start3A_329, %dma_start3A_335] : memref<50x128xi32, #tpu.memory_space<vmem>> -> memref<1x128xi32, #tpu.memory_space<vmem>>
    %dma_start3A_337 = tpu.memref_squeeze %dma_start3A_336 : memref<1x128xi32, #tpu.memory_space<vmem>> -> memref<128xi32, #tpu.memory_space<vmem>>
    %dma_start3A_338 = arith.constant 0 : i32
    %dma_start3A_339 = arith.constant 0 : i32
    %dma_start3A_340 = tpu.memref_slice %arg3[%dma_start3A_338, %dma_start3A_339] : memref<100000x128xf32, #tpu.memory_space<hbm>> -> memref<100000x128xf32, #tpu.memory_space<hbm>>
    tpu.enqueue_indirect_dma source(%dma_start3A_340 : memref<100000x128xf32, #tpu.memory_space<hbm>>) target(%dma_start3A_334 : memref<128x128xf32, #tpu.memory_space<vmem>>) offsets(%dma_start3A_337 : memref<128xi32, #tpu.memory_space<vmem>>) semaphore(%arg7 : memref<!tpu.dma_semaphore, #tpu.memory_space<semaphore_mem>>)
    %dma_start3A_341 = arith.constant 1 : i32
    %dma_start3A_342 = arith.constant 5 : i32
    %dma_start3A_343 = arith.constant 0 : i32
    %dma_start3A_344 = arith.constant 0 : i32
    %dma_start3A_345 = tpu.memref_slice %arg6[%dma_start3A_341, %dma_start3A_343, %dma_start3A_344] : memref<4x128x128xf32, #tpu.memory_space<vmem>> -> memref<1x128x128xf32, #tpu.memory_space<vmem>>
    %dma_start3A_346 = tpu.memref_squeeze %dma_start3A_345 : memref<1x128x128xf32, #tpu.memory_space<vmem>> -> memref<128x128xf32, #tpu.memory_space<vmem>>
    %dma_start3A_347 = arith.constant 0 : i32
    %dma_start3A_348 = tpu.memref_slice %arg4[%dma_start3A_342, %mul3A_2, %dma_start3A_347] : memref<50x4096x128xf32, #tpu.memory_space<hbm>> -> memref<1x128x128xf32, #tpu.memory_space<hbm>>
    %dma_start3A_349 = tpu.memref_squeeze %dma_start3A_348 : memref<1x128x128xf32, #tpu.memory_space<hbm>> -> memref<128x128xf32, #tpu.memory_space<hbm>>
    %dma_start3A_350 = arith.constant 0 : i32
    %dma_start3A_351 = tpu.memref_slice %arg4[%dma_start3A_342, %mul3A_2, %dma_start3A_350] : memref<50x4096x128xf32, #tpu.memory_space<hbm>> -> memref<1x128x128xf32, #tpu.memory_space<hbm>>
    %dma_start3A_352 = tpu.memref_squeeze %dma_start3A_351 : memref<1x128x128xf32, #tpu.memory_space<hbm>> -> memref<128x128xf32, #tpu.memory_space<hbm>>
    %dma_start3A_353 = arith.constant 0 : i32
    %dma_start3A_354 = arith.constant 0 : i32
    %dma_start3A_355 = tpu.memref_slice %arg6[%dma_start3A_341, %dma_start3A_353, %dma_start3A_354] : memref<4x128x128xf32, #tpu.memory_space<vmem>> -> memref<1x128x128xf32, #tpu.memory_space<vmem>>
    %dma_start3A_356 = tpu.memref_squeeze %dma_start3A_355 : memref<1x128x128xf32, #tpu.memory_space<vmem>> -> memref<128x128xf32, #tpu.memory_space<vmem>>
    tpu.enqueue_dma source(%dma_start3A_356 : memref<128x128xf32, #tpu.memory_space<vmem>>) target(%dma_start3A_352 : memref<128x128xf32, #tpu.memory_space<hbm>>) target_semaphore(%arg12 : memref<!tpu.dma_semaphore, #tpu.memory_space<semaphore_mem>>)
    %dma_wait3A_357 = arith.constant 6 : i32
    %dma_wait3A_358 = arith.constant 2 : i32
    %dma_wait3A_359 = arith.constant 0 : i32
    %dma_wait3A_360 = arith.constant 0 : i32
    %dma_wait3A_361 = tpu.memref_slice %arg6[%dma_wait3A_358, %dma_wait3A_359, %dma_wait3A_360] : memref<4x128x128xf32, #tpu.memory_space<vmem>> -> memref<1x128x128xf32, #tpu.memory_space<vmem>>
    %dma_wait3A_362 = tpu.memref_squeeze %dma_wait3A_361 : memref<1x128x128xf32, #tpu.memory_space<vmem>> -> memref<128x128xf32, #tpu.memory_space<vmem>>
    %dma_wait3A_363 = arith.constant 0 : i32
    %dma_wait3A_364 = tpu.memref_slice %arg5[%dma_wait3A_357, %dma_wait3A_363] : memref<50x128xi32, #tpu.memory_space<vmem>> -> memref<1x128xi32, #tpu.memory_space<vmem>>
    %dma_wait3A_365 = tpu.memref_squeeze %dma_wait3A_364 : memref<1x128xi32, #tpu.memory_space<vmem>> -> memref<128xi32, #tpu.memory_space<vmem>>
    %dma_wait3A_366 = arith.constant 0 : i32
    %dma_wait3A_367 = arith.constant 0 : i32
    %dma_wait3A_368 = tpu.memref_slice %arg3[%dma_wait3A_366, %dma_wait3A_367] : memref<100000x128xf32, #tpu.memory_space<hbm>> -> memref<100000x128xf32, #tpu.memory_space<hbm>>
    tpu.wait_indirect_dma semaphore(%arg9 : memref<!tpu.dma_semaphore, #tpu.memory_space<semaphore_mem>>) src(%dma_wait3A_368 : memref<100000x128xf32, #tpu.memory_space<hbm>>) dst(%dma_wait3A_362 : memref<128x128xf32, #tpu.memory_space<vmem>>)
    %dma_wait3A_369 = arith.constant 1 : i32
    %dma_wait3A_370 = arith.constant 5 : i32
    %dma_wait3A_371 = arith.constant 0 : i32
    %dma_wait3A_372 = arith.constant 0 : i32
    %dma_wait3A_373 = tpu.memref_slice %arg6[%dma_wait3A_369, %dma_wait3A_371, %dma_wait3A_372] : memref<4x128x128xf32, #tpu.memory_space<vmem>> -> memref<1x128x128xf32, #tpu.memory_space<vmem>>
    %dma_wait3A_374 = tpu.memref_squeeze %dma_wait3A_373 : memref<1x128x128xf32, #tpu.memory_space<vmem>> -> memref<128x128xf32, #tpu.memory_space<vmem>>
    %dma_wait3A_375 = arith.constant 0 : i32
    %dma_wait3A_376 = tpu.memref_slice %arg4[%dma_wait3A_370, %mul3A_2, %dma_wait3A_375] : memref<50x4096x128xf32, #tpu.memory_space<hbm>> -> memref<1x128x128xf32, #tpu.memory_space<hbm>>
    %dma_wait3A_377 = tpu.memref_squeeze %dma_wait3A_376 : memref<1x128x128xf32, #tpu.memory_space<hbm>> -> memref<128x128xf32, #tpu.memory_space<hbm>>
    %dma_wait3A_378 = arith.constant 0 : i32
    %dma_wait3A_379 = tpu.memref_slice %arg4[%dma_wait3A_370, %mul3A_2, %dma_wait3A_378] : memref<50x4096x128xf32, #tpu.memory_space<hbm>> -> memref<1x128x128xf32, #tpu.memory_space<hbm>>
    %dma_wait3A_380 = tpu.memref_squeeze %dma_wait3A_379 : memref<1x128x128xf32, #tpu.memory_space<hbm>> -> memref<128x128xf32, #tpu.memory_space<hbm>>
    %dma_wait3A_381 = arith.constant 0 : i32
    %dma_wait3A_382 = arith.constant 0 : i32
    %dma_wait3A_383 = tpu.memref_slice %arg6[%dma_wait3A_369, %dma_wait3A_381, %dma_wait3A_382] : memref<4x128x128xf32, #tpu.memory_space<vmem>> -> memref<1x128x128xf32, #tpu.memory_space<vmem>>
    %dma_wait3A_384 = tpu.memref_squeeze %dma_wait3A_383 : memref<1x128x128xf32, #tpu.memory_space<vmem>> -> memref<128x128xf32, #tpu.memory_space<vmem>>
    tpu.wait_dma2 semaphore(%arg12 : memref<!tpu.dma_semaphore, #tpu.memory_space<semaphore_mem>>) src(%dma_wait3A_384 : memref<128x128xf32, #tpu.memory_space<vmem>>) dst(%dma_wait3A_380 : memref<128x128xf32, #tpu.memory_space<hbm>>)
    %dma_start3A_385 = arith.constant 9 : i32
    %dma_start3A_386 = arith.constant 1 : i32
    %dma_start3A_387 = arith.constant 0 : i32
    %dma_start3A_388 = arith.constant 0 : i32
    %dma_start3A_389 = tpu.memref_slice %arg6[%dma_start3A_386, %dma_start3A_387, %dma_start3A_388] : memref<4x128x128xf32, #tpu.memory_space<vmem>> -> memref<1x128x128xf32, #tpu.memory_space<vmem>>
    %dma_start3A_390 = tpu.memref_squeeze %dma_start3A_389 : memref<1x128x128xf32, #tpu.memory_space<vmem>> -> memref<128x128xf32, #tpu.memory_space<vmem>>
    %dma_start3A_391 = arith.constant 0 : i32
    %dma_start3A_392 = tpu.memref_slice %arg5[%dma_start3A_385, %dma_start3A_391] : memref<50x128xi32, #tpu.memory_space<vmem>> -> memref<1x128xi32, #tpu.memory_space<vmem>>
    %dma_start3A_393 = tpu.memref_squeeze %dma_start3A_392 : memref<1x128xi32, #tpu.memory_space<vmem>> -> memref<128xi32, #tpu.memory_space<vmem>>
    %dma_start3A_394 = arith.constant 0 : i32
    %dma_start3A_395 = arith.constant 0 : i32
    %dma_start3A_396 = tpu.memref_slice %arg3[%dma_start3A_394, %dma_start3A_395] : memref<100000x128xf32, #tpu.memory_space<hbm>> -> memref<100000x128xf32, #tpu.memory_space<hbm>>
    tpu.enqueue_indirect_dma source(%dma_start3A_396 : memref<100000x128xf32, #tpu.memory_space<hbm>>) target(%dma_start3A_390 : memref<128x128xf32, #tpu.memory_space<vmem>>) offsets(%dma_start3A_393 : memref<128xi32, #tpu.memory_space<vmem>>) semaphore(%arg8 : memref<!tpu.dma_semaphore, #tpu.memory_space<semaphore_mem>>)
    %dma_start3A_397 = arith.constant 2 : i32
    %dma_start3A_398 = arith.constant 6 : i32
    %dma_start3A_399 = arith.constant 0 : i32
    %dma_start3A_400 = arith.constant 0 : i32
    %dma_start3A_401 = tpu.memref_slice %arg6[%dma_start3A_397, %dma_start3A_399, %dma_start3A_400] : memref<4x128x128xf32, #tpu.memory_space<vmem>> -> memref<1x128x128xf32, #tpu.memory_space<vmem>>
    %dma_start3A_402 = tpu.memref_squeeze %dma_start3A_401 : memref<1x128x128xf32, #tpu.memory_space<vmem>> -> memref<128x128xf32, #tpu.memory_space<vmem>>
    %dma_start3A_403 = arith.constant 0 : i32
    %dma_start3A_404 = tpu.memref_slice %arg4[%dma_start3A_398, %mul3A_2, %dma_start3A_403] : memref<50x4096x128xf32, #tpu.memory_space<hbm>> -> memref<1x128x128xf32, #tpu.memory_space<hbm>>
    %dma_start3A_405 = tpu.memref_squeeze %dma_start3A_404 : memref<1x128x128xf32, #tpu.memory_space<hbm>> -> memref<128x128xf32, #tpu.memory_space<hbm>>
    %dma_start3A_406 = arith.constant 0 : i32
    %dma_start3A_407 = tpu.memref_slice %arg4[%dma_start3A_398, %mul3A_2, %dma_start3A_406] : memref<50x4096x128xf32, #tpu.memory_space<hbm>> -> memref<1x128x128xf32, #tpu.memory_space<hbm>>
    %dma_start3A_408 = tpu.memref_squeeze %dma_start3A_407 : memref<1x128x128xf32, #tpu.memory_space<hbm>> -> memref<128x128xf32, #tpu.memory_space<hbm>>
    %dma_start3A_409 = arith.constant 0 : i32
    %dma_start3A_410 = arith.constant 0 : i32
    %dma_start3A_411 = tpu.memref_slice %arg6[%dma_start3A_397, %dma_start3A_409, %dma_start3A_410] : memref<4x128x128xf32, #tpu.memory_space<vmem>> -> memref<1x128x128xf32, #tpu.memory_space<vmem>>
    %dma_start3A_412 = tpu.memref_squeeze %dma_start3A_411 : memref<1x128x128xf32, #tpu.memory_space<vmem>> -> memref<128x128xf32, #tpu.memory_space<vmem>>
    tpu.enqueue_dma source(%dma_start3A_412 : memref<128x128xf32, #tpu.memory_space<vmem>>) target(%dma_start3A_408 : memref<128x128xf32, #tpu.memory_space<hbm>>) target_semaphore(%arg13 : memref<!tpu.dma_semaphore, #tpu.memory_space<semaphore_mem>>)
    %dma_wait3A_413 = arith.constant 7 : i32
    %dma_wait3A_414 = arith.constant 3 : i32
    %dma_wait3A_415 = arith.constant 0 : i32
    %dma_wait3A_416 = arith.constant 0 : i32
    %dma_wait3A_417 = tpu.memref_slice %arg6[%dma_wait3A_414, %dma_wait3A_415, %dma_wait3A_416] : memref<4x128x128xf32, #tpu.memory_space<vmem>> -> memref<1x128x128xf32, #tpu.memory_space<vmem>>
    %dma_wait3A_418 = tpu.memref_squeeze %dma_wait3A_417 : memref<1x128x128xf32, #tpu.memory_space<vmem>> -> memref<128x128xf32, #tpu.memory_space<vmem>>
    %dma_wait3A_419 = arith.constant 0 : i32
    %dma_wait3A_420 = tpu.memref_slice %arg5[%dma_wait3A_413, %dma_wait3A_419] : memref<50x128xi32, #tpu.memory_space<vmem>> -> memref<1x128xi32, #tpu.memory_space<vmem>>
    %dma_wait3A_421 = tpu.memref_squeeze %dma_wait3A_420 : memref<1x128xi32, #tpu.memory_space<vmem>> -> memref<128xi32, #tpu.memory_space<vmem>>
    %dma_wait3A_422 = arith.constant 0 : i32
    %dma_wait3A_423 = arith.constant 0 : i32
    %dma_wait3A_424 = tpu.memref_slice %arg3[%dma_wait3A_422, %dma_wait3A_423] : memref<100000x128xf32, #tpu.memory_space<hbm>> -> memref<100000x128xf32, #tpu.memory_space<hbm>>
    tpu.wait_indirect_dma semaphore(%arg10 : memref<!tpu.dma_semaphore, #tpu.memory_space<semaphore_mem>>) src(%dma_wait3A_424 : memref<100000x128xf32, #tpu.memory_space<hbm>>) dst(%dma_wait3A_418 : memref<128x128xf32, #tpu.memory_space<vmem>>)
    %dma_wait3A_425 = arith.constant 2 : i32
    %dma_wait3A_426 = arith.constant 6 : i32
    %dma_wait3A_427 = arith.constant 0 : i32
    %dma_wait3A_428 = arith.constant 0 : i32
    %dma_wait3A_429 = tpu.memref_slice %arg6[%dma_wait3A_425, %dma_wait3A_427, %dma_wait3A_428] : memref<4x128x128xf32, #tpu.memory_space<vmem>> -> memref<1x128x128xf32, #tpu.memory_space<vmem>>
    %dma_wait3A_430 = tpu.memref_squeeze %dma_wait3A_429 : memref<1x128x128xf32, #tpu.memory_space<vmem>> -> memref<128x128xf32, #tpu.memory_space<vmem>>
    %dma_wait3A_431 = arith.constant 0 : i32
    %dma_wait3A_432 = tpu.memref_slice %arg4[%dma_wait3A_426, %mul3A_2, %dma_wait3A_431] : memref<50x4096x128xf32, #tpu.memory_space<hbm>> -> memref<1x128x128xf32, #tpu.memory_space<hbm>>
    %dma_wait3A_433 = tpu.memref_squeeze %dma_wait3A_432 : memref<1x128x128xf32, #tpu.memory_space<hbm>> -> memref<128x128xf32, #tpu.memory_space<hbm>>
    %dma_wait3A_434 = arith.constant 0 : i32
    %dma_wait3A_435 = tpu.memref_slice %arg4[%dma_wait3A_426, %mul3A_2, %dma_wait3A_434] : memref<50x4096x128xf32, #tpu.memory_space<hbm>> -> memref<1x128x128xf32, #tpu.memory_space<hbm>>
    %dma_wait3A_436 = tpu.memref_squeeze %dma_wait3A_435 : memref<1x128x128xf32, #tpu.memory_space<hbm>> -> memref<128x128xf32, #tpu.memory_space<hbm>>
    %dma_wait3A_437 = arith.constant 0 : i32
    %dma_wait3A_438 = arith.constant 0 : i32
    %dma_wait3A_439 = tpu.memref_slice %arg6[%dma_wait3A_425, %dma_wait3A_437, %dma_wait3A_438] : memref<4x128x128xf32, #tpu.memory_space<vmem>> -> memref<1x128x128xf32, #tpu.memory_space<vmem>>
    %dma_wait3A_440 = tpu.memref_squeeze %dma_wait3A_439 : memref<1x128x128xf32, #tpu.memory_space<vmem>> -> memref<128x128xf32, #tpu.memory_space<vmem>>
    tpu.wait_dma2 semaphore(%arg13 : memref<!tpu.dma_semaphore, #tpu.memory_space<semaphore_mem>>) src(%dma_wait3A_440 : memref<128x128xf32, #tpu.memory_space<vmem>>) dst(%dma_wait3A_436 : memref<128x128xf32, #tpu.memory_space<hbm>>)
    %dma_start3A_441 = arith.constant 10 : i32
    %dma_start3A_442 = arith.constant 2 : i32
    %dma_start3A_443 = arith.constant 0 : i32
    %dma_start3A_444 = arith.constant 0 : i32
    %dma_start3A_445 = tpu.memref_slice %arg6[%dma_start3A_442, %dma_start3A_443, %dma_start3A_444] : memref<4x128x128xf32, #tpu.memory_space<vmem>> -> memref<1x128x128xf32, #tpu.memory_space<vmem>>
    %dma_start3A_446 = tpu.memref_squeeze %dma_start3A_445 : memref<1x128x128xf32, #tpu.memory_space<vmem>> -> memref<128x128xf32, #tpu.memory_space<vmem>>
    %dma_start3A_447 = arith.constant 0 : i32
    %dma_start3A_448 = tpu.memref_slice %arg5[%dma_start3A_441, %dma_start3A_447] : memref<50x128xi32, #tpu.memory_space<vmem>> -> memref<1x128xi32, #tpu.memory_space<vmem>>
    %dma_start3A_449 = tpu.memref_squeeze %dma_start3A_448 : memref<1x128xi32, #tpu.memory_space<vmem>> -> memref<128xi32, #tpu.memory_space<vmem>>
    %dma_start3A_450 = arith.constant 0 : i32
    %dma_start3A_451 = arith.constant 0 : i32
    %dma_start3A_452 = tpu.memref_slice %arg3[%dma_start3A_450, %dma_start3A_451] : memref<100000x128xf32, #tpu.memory_space<hbm>> -> memref<100000x128xf32, #tpu.memory_space<hbm>>
    tpu.enqueue_indirect_dma source(%dma_start3A_452 : memref<100000x128xf32, #tpu.memory_space<hbm>>) target(%dma_start3A_446 : memref<128x128xf32, #tpu.memory_space<vmem>>) offsets(%dma_start3A_449 : memref<128xi32, #tpu.memory_space<vmem>>) semaphore(%arg9 : memref<!tpu.dma_semaphore, #tpu.memory_space<semaphore_mem>>)
    %dma_start3A_453 = arith.constant 3 : i32
    %dma_start3A_454 = arith.constant 7 : i32
    %dma_start3A_455 = arith.constant 0 : i32
    %dma_start3A_456 = arith.constant 0 : i32
    %dma_start3A_457 = tpu.memref_slice %arg6[%dma_start3A_453, %dma_start3A_455, %dma_start3A_456] : memref<4x128x128xf32, #tpu.memory_space<vmem>> -> memref<1x128x128xf32, #tpu.memory_space<vmem>>
    %dma_start3A_458 = tpu.memref_squeeze %dma_start3A_457 : memref<1x128x128xf32, #tpu.memory_space<vmem>> -> memref<128x128xf32, #tpu.memory_space<vmem>>
    %dma_start3A_459 = arith.constant 0 : i32
    %dma_start3A_460 = tpu.memref_slice %arg4[%dma_start3A_454, %mul3A_2, %dma_start3A_459] : memref<50x4096x128xf32, #tpu.memory_space<hbm>> -> memref<1x128x128xf32, #tpu.memory_space<hbm>>
    %dma_start3A_461 = tpu.memref_squeeze %dma_start3A_460 : memref<1x128x128xf32, #tpu.memory_space<hbm>> -> memref<128x128xf32, #tpu.memory_space<hbm>>
    %dma_start3A_462 = arith.constant 0 : i32
    %dma_start3A_463 = tpu.memref_slice %arg4[%dma_start3A_454, %mul3A_2, %dma_start3A_462] : memref<50x4096x128xf32, #tpu.memory_space<hbm>> -> memref<1x128x128xf32, #tpu.memory_space<hbm>>
    %dma_start3A_464 = tpu.memref_squeeze %dma_start3A_463 : memref<1x128x128xf32, #tpu.memory_space<hbm>> -> memref<128x128xf32, #tpu.memory_space<hbm>>
    %dma_start3A_465 = arith.constant 0 : i32
    %dma_start3A_466 = arith.constant 0 : i32
    %dma_start3A_467 = tpu.memref_slice %arg6[%dma_start3A_453, %dma_start3A_465, %dma_start3A_466] : memref<4x128x128xf32, #tpu.memory_space<vmem>> -> memref<1x128x128xf32, #tpu.memory_space<vmem>>
    %dma_start3A_468 = tpu.memref_squeeze %dma_start3A_467 : memref<1x128x128xf32, #tpu.memory_space<vmem>> -> memref<128x128xf32, #tpu.memory_space<vmem>>
    tpu.enqueue_dma source(%dma_start3A_468 : memref<128x128xf32, #tpu.memory_space<vmem>>) target(%dma_start3A_464 : memref<128x128xf32, #tpu.memory_space<hbm>>) target_semaphore(%arg14 : memref<!tpu.dma_semaphore, #tpu.memory_space<semaphore_mem>>)
    %dma_wait3A_469 = arith.constant 8 : i32
    %dma_wait3A_470 = arith.constant 0 : i32
    %dma_wait3A_471 = arith.constant 0 : i32
    %dma_wait3A_472 = arith.constant 0 : i32
    %dma_wait3A_473 = tpu.memref_slice %arg6[%dma_wait3A_470, %dma_wait3A_471, %dma_wait3A_472] : memref<4x128x128xf32, #tpu.memory_space<vmem>> -> memref<1x128x128xf32, #tpu.memory_space<vmem>>
    %dma_wait3A_474 = tpu.memref_squeeze %dma_wait3A_473 : memref<1x128x128xf32, #tpu.memory_space<vmem>> -> memref<128x128xf32, #tpu.memory_space<vmem>>
    %dma_wait3A_475 = arith.constant 0 : i32
    %dma_wait3A_476 = tpu.memref_slice %arg5[%dma_wait3A_469, %dma_wait3A_475] : memref<50x128xi32, #tpu.memory_space<vmem>> -> memref<1x128xi32, #tpu.memory_space<vmem>>
    %dma_wait3A_477 = tpu.memref_squeeze %dma_wait3A_476 : memref<1x128xi32, #tpu.memory_space<vmem>> -> memref<128xi32, #tpu.memory_space<vmem>>
    %dma_wait3A_478 = arith.constant 0 : i32
    %dma_wait3A_479 = arith.constant 0 : i32
    %dma_wait3A_480 = tpu.memref_slice %arg3[%dma_wait3A_478, %dma_wait3A_479] : memref<100000x128xf32, #tpu.memory_space<hbm>> -> memref<100000x128xf32, #tpu.memory_space<hbm>>
    tpu.wait_indirect_dma semaphore(%arg7 : memref<!tpu.dma_semaphore, #tpu.memory_space<semaphore_mem>>) src(%dma_wait3A_480 : memref<100000x128xf32, #tpu.memory_space<hbm>>) dst(%dma_wait3A_474 : memref<128x128xf32, #tpu.memory_space<vmem>>)
    %dma_wait3A_481 = arith.constant 3 : i32
    %dma_wait3A_482 = arith.constant 7 : i32
    %dma_wait3A_483 = arith.constant 0 : i32
    %dma_wait3A_484 = arith.constant 0 : i32
    %dma_wait3A_485 = tpu.memref_slice %arg6[%dma_wait3A_481, %dma_wait3A_483, %dma_wait3A_484] : memref<4x128x128xf32, #tpu.memory_space<vmem>> -> memref<1x128x128xf32, #tpu.memory_space<vmem>>
    %dma_wait3A_486 = tpu.memref_squeeze %dma_wait3A_485 : memref<1x128x128xf32, #tpu.memory_space<vmem>> -> memref<128x128xf32, #tpu.memory_space<vmem>>
    %dma_wait3A_487 = arith.constant 0 : i32
    %dma_wait3A_488 = tpu.memref_slice %arg4[%dma_wait3A_482, %mul3A_2, %dma_wait3A_487] : memref<50x4096x128xf32, #tpu.memory_space<hbm>> -> memref<1x128x128xf32, #tpu.memory_space<hbm>>
    %dma_wait3A_489 = tpu.memref_squeeze %dma_wait3A_488 : memref<1x128x128xf32, #tpu.memory_space<hbm>> -> memref<128x128xf32, #tpu.memory_space<hbm>>
    %dma_wait3A_490 = arith.constant 0 : i32
    %dma_wait3A_491 = tpu.memref_slice %arg4[%dma_wait3A_482, %mul3A_2, %dma_wait3A_490] : memref<50x4096x128xf32, #tpu.memory_space<hbm>> -> memref<1x128x128xf32, #tpu.memory_space<hbm>>
    %dma_wait3A_492 = tpu.memref_squeeze %dma_wait3A_491 : memref<1x128x128xf32, #tpu.memory_space<hbm>> -> memref<128x128xf32, #tpu.memory_space<hbm>>
    %dma_wait3A_493 = arith.constant 0 : i32
    %dma_wait3A_494 = arith.constant 0 : i32
    %dma_wait3A_495 = tpu.memref_slice %arg6[%dma_wait3A_481, %dma_wait3A_493, %dma_wait3A_494] : memref<4x128x128xf32, #tpu.memory_space<vmem>> -> memref<1x128x128xf32, #tpu.memory_space<vmem>>
    %dma_wait3A_496 = tpu.memref_squeeze %dma_wait3A_495 : memref<1x128x128xf32, #tpu.memory_space<vmem>> -> memref<128x128xf32, #tpu.memory_space<vmem>>
    tpu.wait_dma2 semaphore(%arg14 : memref<!tpu.dma_semaphore, #tpu.memory_space<semaphore_mem>>) src(%dma_wait3A_496 : memref<128x128xf32, #tpu.memory_space<vmem>>) dst(%dma_wait3A_492 : memref<128x128xf32, #tpu.memory_space<hbm>>)
    %dma_start3A_497 = arith.constant 11 : i32
    %dma_start3A_498 = arith.constant 3 : i32
    %dma_start3A_499 = arith.constant 0 : i32
    %dma_start3A_500 = arith.constant 0 : i32
    %dma_start3A_501 = tpu.memref_slice %arg6[%dma_start3A_498, %dma_start3A_499, %dma_start3A_500] : memref<4x128x128xf32, #tpu.memory_space<vmem>> -> memref<1x128x128xf32, #tpu.memory_space<vmem>>
    %dma_start3A_502 = tpu.memref_squeeze %dma_start3A_501 : memref<1x128x128xf32, #tpu.memory_space<vmem>> -> memref<128x128xf32, #tpu.memory_space<vmem>>
    %dma_start3A_503 = arith.constant 0 : i32
    %dma_start3A_504 = tpu.memref_slice %arg5[%dma_start3A_497, %dma_start3A_503] : memref<50x128xi32, #tpu.memory_space<vmem>> -> memref<1x128xi32, #tpu.memory_space<vmem>>
    %dma_start3A_505 = tpu.memref_squeeze %dma_start3A_504 : memref<1x128xi32, #tpu.memory_space<vmem>> -> memref<128xi32, #tpu.memory_space<vmem>>
    %dma_start3A_506 = arith.constant 0 : i32
    %dma_start3A_507 = arith.constant 0 : i32
    %dma_start3A_508 = tpu.memref_slice %arg3[%dma_start3A_506, %dma_start3A_507] : memref<100000x128xf32, #tpu.memory_space<hbm>> -> memref<100000x128xf32, #tpu.memory_space<hbm>>
    tpu.enqueue_indirect_dma source(%dma_start3A_508 : memref<100000x128xf32, #tpu.memory_space<hbm>>) target(%dma_start3A_502 : memref<128x128xf32, #tpu.memory_space<vmem>>) offsets(%dma_start3A_505 : memref<128xi32, #tpu.memory_space<vmem>>) semaphore(%arg10 : memref<!tpu.dma_semaphore, #tpu.memory_space<semaphore_mem>>)
    %dma_start3A_509 = arith.constant 0 : i32
    %dma_start3A_510 = arith.constant 8 : i32
    %dma_start3A_511 = arith.constant 0 : i32
    %dma_start3A_512 = arith.constant 0 : i32
    %dma_start3A_513 = tpu.memref_slice %arg6[%dma_start3A_509, %dma_start3A_511, %dma_start3A_512] : memref<4x128x128xf32, #tpu.memory_space<vmem>> -> memref<1x128x128xf32, #tpu.memory_space<vmem>>
    %dma_start3A_514 = tpu.memref_squeeze %dma_start3A_513 : memref<1x128x128xf32, #tpu.memory_space<vmem>> -> memref<128x128xf32, #tpu.memory_space<vmem>>
    %dma_start3A_515 = arith.constant 0 : i32
    %dma_start3A_516 = tpu.memref_slice %arg4[%dma_start3A_510, %mul3A_2, %dma_start3A_515] : memref<50x4096x128xf32, #tpu.memory_space<hbm>> -> memref<1x128x128xf32, #tpu.memory_space<hbm>>
    %dma_start3A_517 = tpu.memref_squeeze %dma_start3A_516 : memref<1x128x128xf32, #tpu.memory_space<hbm>> -> memref<128x128xf32, #tpu.memory_space<hbm>>
    %dma_start3A_518 = arith.constant 0 : i32
    %dma_start3A_519 = tpu.memref_slice %arg4[%dma_start3A_510, %mul3A_2, %dma_start3A_518] : memref<50x4096x128xf32, #tpu.memory_space<hbm>> -> memref<1x128x128xf32, #tpu.memory_space<hbm>>
    %dma_start3A_520 = tpu.memref_squeeze %dma_start3A_519 : memref<1x128x128xf32, #tpu.memory_space<hbm>> -> memref<128x128xf32, #tpu.memory_space<hbm>>
    %dma_start3A_521 = arith.constant 0 : i32
    %dma_start3A_522 = arith.constant 0 : i32
    %dma_start3A_523 = tpu.memref_slice %arg6[%dma_start3A_509, %dma_start3A_521, %dma_start3A_522] : memref<4x128x128xf32, #tpu.memory_space<vmem>> -> memref<1x128x128xf32, #tpu.memory_space<vmem>>
    %dma_start3A_524 = tpu.memref_squeeze %dma_start3A_523 : memref<1x128x128xf32, #tpu.memory_space<vmem>> -> memref<128x128xf32, #tpu.memory_space<vmem>>
    tpu.enqueue_dma source(%dma_start3A_524 : memref<128x128xf32, #tpu.memory_space<vmem>>) target(%dma_start3A_520 : memref<128x128xf32, #tpu.memory_space<hbm>>) target_semaphore(%arg11 : memref<!tpu.dma_semaphore, #tpu.memory_space<semaphore_mem>>)
    %dma_wait3A_525 = arith.constant 9 : i32
    %dma_wait3A_526 = arith.constant 1 : i32
    %dma_wait3A_527 = arith.constant 0 : i32
    %dma_wait3A_528 = arith.constant 0 : i32
    %dma_wait3A_529 = tpu.memref_slice %arg6[%dma_wait3A_526, %dma_wait3A_527, %dma_wait3A_528] : memref<4x128x128xf32, #tpu.memory_space<vmem>> -> memref<1x128x128xf32, #tpu.memory_space<vmem>>
    %dma_wait3A_530 = tpu.memref_squeeze %dma_wait3A_529 : memref<1x128x128xf32, #tpu.memory_space<vmem>> -> memref<128x128xf32, #tpu.memory_space<vmem>>
    %dma_wait3A_531 = arith.constant 0 : i32
    %dma_wait3A_532 = tpu.memref_slice %arg5[%dma_wait3A_525, %dma_wait3A_531] : memref<50x128xi32, #tpu.memory_space<vmem>> -> memref<1x128xi32, #tpu.memory_space<vmem>>
    %dma_wait3A_533 = tpu.memref_squeeze %dma_wait3A_532 : memref<1x128xi32, #tpu.memory_space<vmem>> -> memref<128xi32, #tpu.memory_space<vmem>>
    %dma_wait3A_534 = arith.constant 0 : i32
    %dma_wait3A_535 = arith.constant 0 : i32
    %dma_wait3A_536 = tpu.memref_slice %arg3[%dma_wait3A_534, %dma_wait3A_535] : memref<100000x128xf32, #tpu.memory_space<hbm>> -> memref<100000x128xf32, #tpu.memory_space<hbm>>
    tpu.wait_indirect_dma semaphore(%arg8 : memref<!tpu.dma_semaphore, #tpu.memory_space<semaphore_mem>>) src(%dma_wait3A_536 : memref<100000x128xf32, #tpu.memory_space<hbm>>) dst(%dma_wait3A_530 : memref<128x128xf32, #tpu.memory_space<vmem>>)
    %dma_wait3A_537 = arith.constant 0 : i32
    %dma_wait3A_538 = arith.constant 8 : i32
    %dma_wait3A_539 = arith.constant 0 : i32
    %dma_wait3A_540 = arith.constant 0 : i32
    %dma_wait3A_541 = tpu.memref_slice %arg6[%dma_wait3A_537, %dma_wait3A_539, %dma_wait3A_540] : memref<4x128x128xf32, #tpu.memory_space<vmem>> -> memref<1x128x128xf32, #tpu.memory_space<vmem>>
    %dma_wait3A_542 = tpu.memref_squeeze %dma_wait3A_541 : memref<1x128x128xf32, #tpu.memory_space<vmem>> -> memref<128x128xf32, #tpu.memory_space<vmem>>
    %dma_wait3A_543 = arith.constant 0 : i32
    %dma_wait3A_544 = tpu.memref_slice %arg4[%dma_wait3A_538, %mul3A_2, %dma_wait3A_543] : memref<50x4096x128xf32, #tpu.memory_space<hbm>> -> memref<1x128x128xf32, #tpu.memory_space<hbm>>
    %dma_wait3A_545 = tpu.memref_squeeze %dma_wait3A_544 : memref<1x128x128xf32, #tpu.memory_space<hbm>> -> memref<128x128xf32, #tpu.memory_space<hbm>>
    %dma_wait3A_546 = arith.constant 0 : i32
    %dma_wait3A_547 = tpu.memref_slice %arg4[%dma_wait3A_538, %mul3A_2, %dma_wait3A_546] : memref<50x4096x128xf32, #tpu.memory_space<hbm>> -> memref<1x128x128xf32, #tpu.memory_space<hbm>>
    %dma_wait3A_548 = tpu.memref_squeeze %dma_wait3A_547 : memref<1x128x128xf32, #tpu.memory_space<hbm>> -> memref<128x128xf32, #tpu.memory_space<hbm>>
    %dma_wait3A_549 = arith.constant 0 : i32
    %dma_wait3A_550 = arith.constant 0 : i32
    %dma_wait3A_551 = tpu.memref_slice %arg6[%dma_wait3A_537, %dma_wait3A_549, %dma_wait3A_550] : memref<4x128x128xf32, #tpu.memory_space<vmem>> -> memref<1x128x128xf32, #tpu.memory_space<vmem>>
    %dma_wait3A_552 = tpu.memref_squeeze %dma_wait3A_551 : memref<1x128x128xf32, #tpu.memory_space<vmem>> -> memref<128x128xf32, #tpu.memory_space<vmem>>
    tpu.wait_dma2 semaphore(%arg11 : memref<!tpu.dma_semaphore, #tpu.memory_space<semaphore_mem>>) src(%dma_wait3A_552 : memref<128x128xf32, #tpu.memory_space<vmem>>) dst(%dma_wait3A_548 : memref<128x128xf32, #tpu.memory_space<hbm>>)
    %dma_start3A_553 = arith.constant 12 : i32
    %dma_start3A_554 = arith.constant 0 : i32
    %dma_start3A_555 = arith.constant 0 : i32
    %dma_start3A_556 = arith.constant 0 : i32
    %dma_start3A_557 = tpu.memref_slice %arg6[%dma_start3A_554, %dma_start3A_555, %dma_start3A_556] : memref<4x128x128xf32, #tpu.memory_space<vmem>> -> memref<1x128x128xf32, #tpu.memory_space<vmem>>
    %dma_start3A_558 = tpu.memref_squeeze %dma_start3A_557 : memref<1x128x128xf32, #tpu.memory_space<vmem>> -> memref<128x128xf32, #tpu.memory_space<vmem>>
    %dma_start3A_559 = arith.constant 0 : i32
    %dma_start3A_560 = tpu.memref_slice %arg5[%dma_start3A_553, %dma_start3A_559] : memref<50x128xi32, #tpu.memory_space<vmem>> -> memref<1x128xi32, #tpu.memory_space<vmem>>
    %dma_start3A_561 = tpu.memref_squeeze %dma_start3A_560 : memref<1x128xi32, #tpu.memory_space<vmem>> -> memref<128xi32, #tpu.memory_space<vmem>>
    %dma_start3A_562 = arith.constant 0 : i32
    %dma_start3A_563 = arith.constant 0 : i32
    %dma_start3A_564 = tpu.memref_slice %arg3[%dma_start3A_562, %dma_start3A_563] : memref<100000x128xf32, #tpu.memory_space<hbm>> -> memref<100000x128xf32, #tpu.memory_space<hbm>>
    tpu.enqueue_indirect_dma source(%dma_start3A_564 : memref<100000x128xf32, #tpu.memory_space<hbm>>) target(%dma_start3A_558 : memref<128x128xf32, #tpu.memory_space<vmem>>) offsets(%dma_start3A_561 : memref<128xi32, #tpu.memory_space<vmem>>) semaphore(%arg7 : memref<!tpu.dma_semaphore, #tpu.memory_space<semaphore_mem>>)
    %dma_start3A_565 = arith.constant 1 : i32
    %dma_start3A_566 = arith.constant 9 : i32
    %dma_start3A_567 = arith.constant 0 : i32
    %dma_start3A_568 = arith.constant 0 : i32
    %dma_start3A_569 = tpu.memref_slice %arg6[%dma_start3A_565, %dma_start3A_567, %dma_start3A_568] : memref<4x128x128xf32, #tpu.memory_space<vmem>> -> memref<1x128x128xf32, #tpu.memory_space<vmem>>
    %dma_start3A_570 = tpu.memref_squeeze %dma_start3A_569 : memref<1x128x128xf32, #tpu.memory_space<vmem>> -> memref<128x128xf32, #tpu.memory_space<vmem>>
    %dma_start3A_571 = arith.constant 0 : i32
    %dma_start3A_572 = tpu.memref_slice %arg4[%dma_start3A_566, %mul3A_2, %dma_start3A_571] : memref<50x4096x128xf32, #tpu.memory_space<hbm>> -> memref<1x128x128xf32, #tpu.memory_space<hbm>>
    %dma_start3A_573 = tpu.memref_squeeze %dma_start3A_572 : memref<1x128x128xf32, #tpu.memory_space<hbm>> -> memref<128x128xf32, #tpu.memory_space<hbm>>
    %dma_start3A_574 = arith.constant 0 : i32
    %dma_start3A_575 = tpu.memref_slice %arg4[%dma_start3A_566, %mul3A_2, %dma_start3A_574] : memref<50x4096x128xf32, #tpu.memory_space<hbm>> -> memref<1x128x128xf32, #tpu.memory_space<hbm>>
    %dma_start3A_576 = tpu.memref_squeeze %dma_start3A_575 : memref<1x128x128xf32, #tpu.memory_space<hbm>> -> memref<128x128xf32, #tpu.memory_space<hbm>>
    %dma_start3A_577 = arith.constant 0 : i32
    %dma_start3A_578 = arith.constant 0 : i32
    %dma_start3A_579 = tpu.memref_slice %arg6[%dma_start3A_565, %dma_start3A_577, %dma_start3A_578] : memref<4x128x128xf32, #tpu.memory_space<vmem>> -> memref<1x128x128xf32, #tpu.memory_space<vmem>>
    %dma_start3A_580 = tpu.memref_squeeze %dma_start3A_579 : memref<1x128x128xf32, #tpu.memory_space<vmem>> -> memref<128x128xf32, #tpu.memory_space<vmem>>
    tpu.enqueue_dma source(%dma_start3A_580 : memref<128x128xf32, #tpu.memory_space<vmem>>) target(%dma_start3A_576 : memref<128x128xf32, #tpu.memory_space<hbm>>) target_semaphore(%arg12 : memref<!tpu.dma_semaphore, #tpu.memory_space<semaphore_mem>>)
    %dma_wait3A_581 = arith.constant 10 : i32
    %dma_wait3A_582 = arith.constant 2 : i32
    %dma_wait3A_583 = arith.constant 0 : i32
    %dma_wait3A_584 = arith.constant 0 : i32
    %dma_wait3A_585 = tpu.memref_slice %arg6[%dma_wait3A_582, %dma_wait3A_583, %dma_wait3A_584] : memref<4x128x128xf32, #tpu.memory_space<vmem>> -> memref<1x128x128xf32, #tpu.memory_space<vmem>>
    %dma_wait3A_586 = tpu.memref_squeeze %dma_wait3A_585 : memref<1x128x128xf32, #tpu.memory_space<vmem>> -> memref<128x128xf32, #tpu.memory_space<vmem>>
    %dma_wait3A_587 = arith.constant 0 : i32
    %dma_wait3A_588 = tpu.memref_slice %arg5[%dma_wait3A_581, %dma_wait3A_587] : memref<50x128xi32, #tpu.memory_space<vmem>> -> memref<1x128xi32, #tpu.memory_space<vmem>>
    %dma_wait3A_589 = tpu.memref_squeeze %dma_wait3A_588 : memref<1x128xi32, #tpu.memory_space<vmem>> -> memref<128xi32, #tpu.memory_space<vmem>>
    %dma_wait3A_590 = arith.constant 0 : i32
    %dma_wait3A_591 = arith.constant 0 : i32
    %dma_wait3A_592 = tpu.memref_slice %arg3[%dma_wait3A_590, %dma_wait3A_591] : memref<100000x128xf32, #tpu.memory_space<hbm>> -> memref<100000x128xf32, #tpu.memory_space<hbm>>
    tpu.wait_indirect_dma semaphore(%arg9 : memref<!tpu.dma_semaphore, #tpu.memory_space<semaphore_mem>>) src(%dma_wait3A_592 : memref<100000x128xf32, #tpu.memory_space<hbm>>) dst(%dma_wait3A_586 : memref<128x128xf32, #tpu.memory_space<vmem>>)
    %dma_wait3A_593 = arith.constant 1 : i32
    %dma_wait3A_594 = arith.constant 9 : i32
    %dma_wait3A_595 = arith.constant 0 : i32
    %dma_wait3A_596 = arith.constant 0 : i32
    %dma_wait3A_597 = tpu.memref_slice %arg6[%dma_wait3A_593, %dma_wait3A_595, %dma_wait3A_596] : memref<4x128x128xf32, #tpu.memory_space<vmem>> -> memref<1x128x128xf32, #tpu.memory_space<vmem>>
    %dma_wait3A_598 = tpu.memref_squeeze %dma_wait3A_597 : memref<1x128x128xf32, #tpu.memory_space<vmem>> -> memref<128x128xf32, #tpu.memory_space<vmem>>
    %dma_wait3A_599 = arith.constant 0 : i32
    %dma_wait3A_600 = tpu.memref_slice %arg4[%dma_wait3A_594, %mul3A_2, %dma_wait3A_599] : memref<50x4096x128xf32, #tpu.memory_space<hbm>> -> memref<1x128x128xf32, #tpu.memory_space<hbm>>
    %dma_wait3A_601 = tpu.memref_squeeze %dma_wait3A_600 : memref<1x128x128xf32, #tpu.memory_space<hbm>> -> memref<128x128xf32, #tpu.memory_space<hbm>>
    %dma_wait3A_602 = arith.constant 0 : i32
    %dma_wait3A_603 = tpu.memref_slice %arg4[%dma_wait3A_594, %mul3A_2, %dma_wait3A_602] : memref<50x4096x128xf32, #tpu.memory_space<hbm>> -> memref<1x128x128xf32, #tpu.memory_space<hbm>>
    %dma_wait3A_604 = tpu.memref_squeeze %dma_wait3A_603 : memref<1x128x128xf32, #tpu.memory_space<hbm>> -> memref<128x128xf32, #tpu.memory_space<hbm>>
    %dma_wait3A_605 = arith.constant 0 : i32
    %dma_wait3A_606 = arith.constant 0 : i32
    %dma_wait3A_607 = tpu.memref_slice %arg6[%dma_wait3A_593, %dma_wait3A_605, %dma_wait3A_606] : memref<4x128x128xf32, #tpu.memory_space<vmem>> -> memref<1x128x128xf32, #tpu.memory_space<vmem>>
    %dma_wait3A_608 = tpu.memref_squeeze %dma_wait3A_607 : memref<1x128x128xf32, #tpu.memory_space<vmem>> -> memref<128x128xf32, #tpu.memory_space<vmem>>
    tpu.wait_dma2 semaphore(%arg12 : memref<!tpu.dma_semaphore, #tpu.memory_space<semaphore_mem>>) src(%dma_wait3A_608 : memref<128x128xf32, #tpu.memory_space<vmem>>) dst(%dma_wait3A_604 : memref<128x128xf32, #tpu.memory_space<hbm>>)
    %dma_start3A_609 = arith.constant 13 : i32
    %dma_start3A_610 = arith.constant 1 : i32
    %dma_start3A_611 = arith.constant 0 : i32
    %dma_start3A_612 = arith.constant 0 : i32
    %dma_start3A_613 = tpu.memref_slice %arg6[%dma_start3A_610, %dma_start3A_611, %dma_start3A_612] : memref<4x128x128xf32, #tpu.memory_space<vmem>> -> memref<1x128x128xf32, #tpu.memory_space<vmem>>
    %dma_start3A_614 = tpu.memref_squeeze %dma_start3A_613 : memref<1x128x128xf32, #tpu.memory_space<vmem>> -> memref<128x128xf32, #tpu.memory_space<vmem>>
    %dma_start3A_615 = arith.constant 0 : i32
    %dma_start3A_616 = tpu.memref_slice %arg5[%dma_start3A_609, %dma_start3A_615] : memref<50x128xi32, #tpu.memory_space<vmem>> -> memref<1x128xi32, #tpu.memory_space<vmem>>
    %dma_start3A_617 = tpu.memref_squeeze %dma_start3A_616 : memref<1x128xi32, #tpu.memory_space<vmem>> -> memref<128xi32, #tpu.memory_space<vmem>>
    %dma_start3A_618 = arith.constant 0 : i32
    %dma_start3A_619 = arith.constant 0 : i32
    %dma_start3A_620 = tpu.memref_slice %arg3[%dma_start3A_618, %dma_start3A_619] : memref<100000x128xf32, #tpu.memory_space<hbm>> -> memref<100000x128xf32, #tpu.memory_space<hbm>>
    tpu.enqueue_indirect_dma source(%dma_start3A_620 : memref<100000x128xf32, #tpu.memory_space<hbm>>) target(%dma_start3A_614 : memref<128x128xf32, #tpu.memory_space<vmem>>) offsets(%dma_start3A_617 : memref<128xi32, #tpu.memory_space<vmem>>) semaphore(%arg8 : memref<!tpu.dma_semaphore, #tpu.memory_space<semaphore_mem>>)
    %dma_start3A_621 = arith.constant 2 : i32
    %dma_start3A_622 = arith.constant 10 : i32
    %dma_start3A_623 = arith.constant 0 : i32
    %dma_start3A_624 = arith.constant 0 : i32
    %dma_start3A_625 = tpu.memref_slice %arg6[%dma_start3A_621, %dma_start3A_623, %dma_start3A_624] : memref<4x128x128xf32, #tpu.memory_space<vmem>> -> memref<1x128x128xf32, #tpu.memory_space<vmem>>
    %dma_start3A_626 = tpu.memref_squeeze %dma_start3A_625 : memref<1x128x128xf32, #tpu.memory_space<vmem>> -> memref<128x128xf32, #tpu.memory_space<vmem>>
    %dma_start3A_627 = arith.constant 0 : i32
    %dma_start3A_628 = tpu.memref_slice %arg4[%dma_start3A_622, %mul3A_2, %dma_start3A_627] : memref<50x4096x128xf32, #tpu.memory_space<hbm>> -> memref<1x128x128xf32, #tpu.memory_space<hbm>>
    %dma_start3A_629 = tpu.memref_squeeze %dma_start3A_628 : memref<1x128x128xf32, #tpu.memory_space<hbm>> -> memref<128x128xf32, #tpu.memory_space<hbm>>
    %dma_start3A_630 = arith.constant 0 : i32
    %dma_start3A_631 = tpu.memref_slice %arg4[%dma_start3A_622, %mul3A_2, %dma_start3A_630] : memref<50x4096x128xf32, #tpu.memory_space<hbm>> -> memref<1x128x128xf32, #tpu.memory_space<hbm>>
    %dma_start3A_632 = tpu.memref_squeeze %dma_start3A_631 : memref<1x128x128xf32, #tpu.memory_space<hbm>> -> memref<128x128xf32, #tpu.memory_space<hbm>>
    %dma_start3A_633 = arith.constant 0 : i32
    %dma_start3A_634 = arith.constant 0 : i32
    %dma_start3A_635 = tpu.memref_slice %arg6[%dma_start3A_621, %dma_start3A_633, %dma_start3A_634] : memref<4x128x128xf32, #tpu.memory_space<vmem>> -> memref<1x128x128xf32, #tpu.memory_space<vmem>>
    %dma_start3A_636 = tpu.memref_squeeze %dma_start3A_635 : memref<1x128x128xf32, #tpu.memory_space<vmem>> -> memref<128x128xf32, #tpu.memory_space<vmem>>
    tpu.enqueue_dma source(%dma_start3A_636 : memref<128x128xf32, #tpu.memory_space<vmem>>) target(%dma_start3A_632 : memref<128x128xf32, #tpu.memory_space<hbm>>) target_semaphore(%arg13 : memref<!tpu.dma_semaphore, #tpu.memory_space<semaphore_mem>>)
    %dma_wait3A_637 = arith.constant 11 : i32
    %dma_wait3A_638 = arith.constant 3 : i32
    %dma_wait3A_639 = arith.constant 0 : i32
    %dma_wait3A_640 = arith.constant 0 : i32
    %dma_wait3A_641 = tpu.memref_slice %arg6[%dma_wait3A_638, %dma_wait3A_639, %dma_wait3A_640] : memref<4x128x128xf32, #tpu.memory_space<vmem>> -> memref<1x128x128xf32, #tpu.memory_space<vmem>>
    %dma_wait3A_642 = tpu.memref_squeeze %dma_wait3A_641 : memref<1x128x128xf32, #tpu.memory_space<vmem>> -> memref<128x128xf32, #tpu.memory_space<vmem>>
    %dma_wait3A_643 = arith.constant 0 : i32
    %dma_wait3A_644 = tpu.memref_slice %arg5[%dma_wait3A_637, %dma_wait3A_643] : memref<50x128xi32, #tpu.memory_space<vmem>> -> memref<1x128xi32, #tpu.memory_space<vmem>>
    %dma_wait3A_645 = tpu.memref_squeeze %dma_wait3A_644 : memref<1x128xi32, #tpu.memory_space<vmem>> -> memref<128xi32, #tpu.memory_space<vmem>>
    %dma_wait3A_646 = arith.constant 0 : i32
    %dma_wait3A_647 = arith.constant 0 : i32
    %dma_wait3A_648 = tpu.memref_slice %arg3[%dma_wait3A_646, %dma_wait3A_647] : memref<100000x128xf32, #tpu.memory_space<hbm>> -> memref<100000x128xf32, #tpu.memory_space<hbm>>
    tpu.wait_indirect_dma semaphore(%arg10 : memref<!tpu.dma_semaphore, #tpu.memory_space<semaphore_mem>>) src(%dma_wait3A_648 : memref<100000x128xf32, #tpu.memory_space<hbm>>) dst(%dma_wait3A_642 : memref<128x128xf32, #tpu.memory_space<vmem>>)
    %dma_wait3A_649 = arith.constant 2 : i32
    %dma_wait3A_650 = arith.constant 10 : i32
    %dma_wait3A_651 = arith.constant 0 : i32
    %dma_wait3A_652 = arith.constant 0 : i32
    %dma_wait3A_653 = tpu.memref_slice %arg6[%dma_wait3A_649, %dma_wait3A_651, %dma_wait3A_652] : memref<4x128x128xf32, #tpu.memory_space<vmem>> -> memref<1x128x128xf32, #tpu.memory_space<vmem>>
    %dma_wait3A_654 = tpu.memref_squeeze %dma_wait3A_653 : memref<1x128x128xf32, #tpu.memory_space<vmem>> -> memref<128x128xf32, #tpu.memory_space<vmem>>
    %dma_wait3A_655 = arith.constant 0 : i32
    %dma_wait3A_656 = tpu.memref_slice %arg4[%dma_wait3A_650, %mul3A_2, %dma_wait3A_655] : memref<50x4096x128xf32, #tpu.memory_space<hbm>> -> memref<1x128x128xf32, #tpu.memory_space<hbm>>
    %dma_wait3A_657 = tpu.memref_squeeze %dma_wait3A_656 : memref<1x128x128xf32, #tpu.memory_space<hbm>> -> memref<128x128xf32, #tpu.memory_space<hbm>>
    %dma_wait3A_658 = arith.constant 0 : i32
    %dma_wait3A_659 = tpu.memref_slice %arg4[%dma_wait3A_650, %mul3A_2, %dma_wait3A_658] : memref<50x4096x128xf32, #tpu.memory_space<hbm>> -> memref<1x128x128xf32, #tpu.memory_space<hbm>>
    %dma_wait3A_660 = tpu.memref_squeeze %dma_wait3A_659 : memref<1x128x128xf32, #tpu.memory_space<hbm>> -> memref<128x128xf32, #tpu.memory_space<hbm>>
    %dma_wait3A_661 = arith.constant 0 : i32
    %dma_wait3A_662 = arith.constant 0 : i32
    %dma_wait3A_663 = tpu.memref_slice %arg6[%dma_wait3A_649, %dma_wait3A_661, %dma_wait3A_662] : memref<4x128x128xf32, #tpu.memory_space<vmem>> -> memref<1x128x128xf32, #tpu.memory_space<vmem>>
    %dma_wait3A_664 = tpu.memref_squeeze %dma_wait3A_663 : memref<1x128x128xf32, #tpu.memory_space<vmem>> -> memref<128x128xf32, #tpu.memory_space<vmem>>
    tpu.wait_dma2 semaphore(%arg13 : memref<!tpu.dma_semaphore, #tpu.memory_space<semaphore_mem>>) src(%dma_wait3A_664 : memref<128x128xf32, #tpu.memory_space<vmem>>) dst(%dma_wait3A_660 : memref<128x128xf32, #tpu.memory_space<hbm>>)
    %dma_start3A_665 = arith.constant 14 : i32
    %dma_start3A_666 = arith.constant 2 : i32
    %dma_start3A_667 = arith.constant 0 : i32
    %dma_start3A_668 = arith.constant 0 : i32
    %dma_start3A_669 = tpu.memref_slice %arg6[%dma_start3A_666, %dma_start3A_667, %dma_start3A_668] : memref<4x128x128xf32, #tpu.memory_space<vmem>> -> memref<1x128x128xf32, #tpu.memory_space<vmem>>
    %dma_start3A_670 = tpu.memref_squeeze %dma_start3A_669 : memref<1x128x128xf32, #tpu.memory_space<vmem>> -> memref<128x128xf32, #tpu.memory_space<vmem>>
    %dma_start3A_671 = arith.constant 0 : i32
    %dma_start3A_672 = tpu.memref_slice %arg5[%dma_start3A_665, %dma_start3A_671] : memref<50x128xi32, #tpu.memory_space<vmem>> -> memref<1x128xi32, #tpu.memory_space<vmem>>
    %dma_start3A_673 = tpu.memref_squeeze %dma_start3A_672 : memref<1x128xi32, #tpu.memory_space<vmem>> -> memref<128xi32, #tpu.memory_space<vmem>>
    %dma_start3A_674 = arith.constant 0 : i32
    %dma_start3A_675 = arith.constant 0 : i32
    %dma_start3A_676 = tpu.memref_slice %arg3[%dma_start3A_674, %dma_start3A_675] : memref<100000x128xf32, #tpu.memory_space<hbm>> -> memref<100000x128xf32, #tpu.memory_space<hbm>>
    tpu.enqueue_indirect_dma source(%dma_start3A_676 : memref<100000x128xf32, #tpu.memory_space<hbm>>) target(%dma_start3A_670 : memref<128x128xf32, #tpu.memory_space<vmem>>) offsets(%dma_start3A_673 : memref<128xi32, #tpu.memory_space<vmem>>) semaphore(%arg9 : memref<!tpu.dma_semaphore, #tpu.memory_space<semaphore_mem>>)
    %dma_start3A_677 = arith.constant 3 : i32
    %dma_start3A_678 = arith.constant 11 : i32
    %dma_start3A_679 = arith.constant 0 : i32
    %dma_start3A_680 = arith.constant 0 : i32
    %dma_start3A_681 = tpu.memref_slice %arg6[%dma_start3A_677, %dma_start3A_679, %dma_start3A_680] : memref<4x128x128xf32, #tpu.memory_space<vmem>> -> memref<1x128x128xf32, #tpu.memory_space<vmem>>
    %dma_start3A_682 = tpu.memref_squeeze %dma_start3A_681 : memref<1x128x128xf32, #tpu.memory_space<vmem>> -> memref<128x128xf32, #tpu.memory_space<vmem>>
    %dma_start3A_683 = arith.constant 0 : i32
    %dma_start3A_684 = tpu.memref_slice %arg4[%dma_start3A_678, %mul3A_2, %dma_start3A_683] : memref<50x4096x128xf32, #tpu.memory_space<hbm>> -> memref<1x128x128xf32, #tpu.memory_space<hbm>>
    %dma_start3A_685 = tpu.memref_squeeze %dma_start3A_684 : memref<1x128x128xf32, #tpu.memory_space<hbm>> -> memref<128x128xf32, #tpu.memory_space<hbm>>
    %dma_start3A_686 = arith.constant 0 : i32
    %dma_start3A_687 = tpu.memref_slice %arg4[%dma_start3A_678, %mul3A_2, %dma_start3A_686] : memref<50x4096x128xf32, #tpu.memory_space<hbm>> -> memref<1x128x128xf32, #tpu.memory_space<hbm>>
    %dma_start3A_688 = tpu.memref_squeeze %dma_start3A_687 : memref<1x128x128xf32, #tpu.memory_space<hbm>> -> memref<128x128xf32, #tpu.memory_space<hbm>>
    %dma_start3A_689 = arith.constant 0 : i32
    %dma_start3A_690 = arith.constant 0 : i32
    %dma_start3A_691 = tpu.memref_slice %arg6[%dma_start3A_677, %dma_start3A_689, %dma_start3A_690] : memref<4x128x128xf32, #tpu.memory_space<vmem>> -> memref<1x128x128xf32, #tpu.memory_space<vmem>>
    %dma_start3A_692 = tpu.memref_squeeze %dma_start3A_691 : memref<1x128x128xf32, #tpu.memory_space<vmem>> -> memref<128x128xf32, #tpu.memory_space<vmem>>
    tpu.enqueue_dma source(%dma_start3A_692 : memref<128x128xf32, #tpu.memory_space<vmem>>) target(%dma_start3A_688 : memref<128x128xf32, #tpu.memory_space<hbm>>) target_semaphore(%arg14 : memref<!tpu.dma_semaphore, #tpu.memory_space<semaphore_mem>>)
    %dma_wait3A_693 = arith.constant 12 : i32
    %dma_wait3A_694 = arith.constant 0 : i32
    %dma_wait3A_695 = arith.constant 0 : i32
    %dma_wait3A_696 = arith.constant 0 : i32
    %dma_wait3A_697 = tpu.memref_slice %arg6[%dma_wait3A_694, %dma_wait3A_695, %dma_wait3A_696] : memref<4x128x128xf32, #tpu.memory_space<vmem>> -> memref<1x128x128xf32, #tpu.memory_space<vmem>>
    %dma_wait3A_698 = tpu.memref_squeeze %dma_wait3A_697 : memref<1x128x128xf32, #tpu.memory_space<vmem>> -> memref<128x128xf32, #tpu.memory_space<vmem>>
    %dma_wait3A_699 = arith.constant 0 : i32
    %dma_wait3A_700 = tpu.memref_slice %arg5[%dma_wait3A_693, %dma_wait3A_699] : memref<50x128xi32, #tpu.memory_space<vmem>> -> memref<1x128xi32, #tpu.memory_space<vmem>>
    %dma_wait3A_701 = tpu.memref_squeeze %dma_wait3A_700 : memref<1x128xi32, #tpu.memory_space<vmem>> -> memref<128xi32, #tpu.memory_space<vmem>>
    %dma_wait3A_702 = arith.constant 0 : i32
    %dma_wait3A_703 = arith.constant 0 : i32
    %dma_wait3A_704 = tpu.memref_slice %arg3[%dma_wait3A_702, %dma_wait3A_703] : memref<100000x128xf32, #tpu.memory_space<hbm>> -> memref<100000x128xf32, #tpu.memory_space<hbm>>
    tpu.wait_indirect_dma semaphore(%arg7 : memref<!tpu.dma_semaphore, #tpu.memory_space<semaphore_mem>>) src(%dma_wait3A_704 : memref<100000x128xf32, #tpu.memory_space<hbm>>) dst(%dma_wait3A_698 : memref<128x128xf32, #tpu.memory_space<vmem>>)
    %dma_wait3A_705 = arith.constant 3 : i32
    %dma_wait3A_706 = arith.constant 11 : i32
    %dma_wait3A_707 = arith.constant 0 : i32
    %dma_wait3A_708 = arith.constant 0 : i32
    %dma_wait3A_709 = tpu.memref_slice %arg6[%dma_wait3A_705, %dma_wait3A_707, %dma_wait3A_708] : memref<4x128x128xf32, #tpu.memory_space<vmem>> -> memref<1x128x128xf32, #tpu.memory_space<vmem>>
    %dma_wait3A_710 = tpu.memref_squeeze %dma_wait3A_709 : memref<1x128x128xf32, #tpu.memory_space<vmem>> -> memref<128x128xf32, #tpu.memory_space<vmem>>
    %dma_wait3A_711 = arith.constant 0 : i32
    %dma_wait3A_712 = tpu.memref_slice %arg4[%dma_wait3A_706, %mul3A_2, %dma_wait3A_711] : memref<50x4096x128xf32, #tpu.memory_space<hbm>> -> memref<1x128x128xf32, #tpu.memory_space<hbm>>
    %dma_wait3A_713 = tpu.memref_squeeze %dma_wait3A_712 : memref<1x128x128xf32, #tpu.memory_space<hbm>> -> memref<128x128xf32, #tpu.memory_space<hbm>>
    %dma_wait3A_714 = arith.constant 0 : i32
    %dma_wait3A_715 = tpu.memref_slice %arg4[%dma_wait3A_706, %mul3A_2, %dma_wait3A_714] : memref<50x4096x128xf32, #tpu.memory_space<hbm>> -> memref<1x128x128xf32, #tpu.memory_space<hbm>>
    %dma_wait3A_716 = tpu.memref_squeeze %dma_wait3A_715 : memref<1x128x128xf32, #tpu.memory_space<hbm>> -> memref<128x128xf32, #tpu.memory_space<hbm>>
    %dma_wait3A_717 = arith.constant 0 : i32
    %dma_wait3A_718 = arith.constant 0 : i32
    %dma_wait3A_719 = tpu.memref_slice %arg6[%dma_wait3A_705, %dma_wait3A_717, %dma_wait3A_718] : memref<4x128x128xf32, #tpu.memory_space<vmem>> -> memref<1x128x128xf32, #tpu.memory_space<vmem>>
    %dma_wait3A_720 = tpu.memref_squeeze %dma_wait3A_719 : memref<1x128x128xf32, #tpu.memory_space<vmem>> -> memref<128x128xf32, #tpu.memory_space<vmem>>
    tpu.wait_dma2 semaphore(%arg14 : memref<!tpu.dma_semaphore, #tpu.memory_space<semaphore_mem>>) src(%dma_wait3A_720 : memref<128x128xf32, #tpu.memory_space<vmem>>) dst(%dma_wait3A_716 : memref<128x128xf32, #tpu.memory_space<hbm>>)
    %dma_start3A_721 = arith.constant 15 : i32
    %dma_start3A_722 = arith.constant 3 : i32
    %dma_start3A_723 = arith.constant 0 : i32
    %dma_start3A_724 = arith.constant 0 : i32
    %dma_start3A_725 = tpu.memref_slice %arg6[%dma_start3A_722, %dma_start3A_723, %dma_start3A_724] : memref<4x128x128xf32, #tpu.memory_space<vmem>> -> memref<1x128x128xf32, #tpu.memory_space<vmem>>
    %dma_start3A_726 = tpu.memref_squeeze %dma_start3A_725 : memref<1x128x128xf32, #tpu.memory_space<vmem>> -> memref<128x128xf32, #tpu.memory_space<vmem>>
    %dma_start3A_727 = arith.constant 0 : i32
    %dma_start3A_728 = tpu.memref_slice %arg5[%dma_start3A_721, %dma_start3A_727] : memref<50x128xi32, #tpu.memory_space<vmem>> -> memref<1x128xi32, #tpu.memory_space<vmem>>
    %dma_start3A_729 = tpu.memref_squeeze %dma_start3A_728 : memref<1x128xi32, #tpu.memory_space<vmem>> -> memref<128xi32, #tpu.memory_space<vmem>>
    %dma_start3A_730 = arith.constant 0 : i32
    %dma_start3A_731 = arith.constant 0 : i32
    %dma_start3A_732 = tpu.memref_slice %arg3[%dma_start3A_730, %dma_start3A_731] : memref<100000x128xf32, #tpu.memory_space<hbm>> -> memref<100000x128xf32, #tpu.memory_space<hbm>>
    tpu.enqueue_indirect_dma source(%dma_start3A_732 : memref<100000x128xf32, #tpu.memory_space<hbm>>) target(%dma_start3A_726 : memref<128x128xf32, #tpu.memory_space<vmem>>) offsets(%dma_start3A_729 : memref<128xi32, #tpu.memory_space<vmem>>) semaphore(%arg10 : memref<!tpu.dma_semaphore, #tpu.memory_space<semaphore_mem>>)
    %dma_start3A_733 = arith.constant 0 : i32
    %dma_start3A_734 = arith.constant 12 : i32
    %dma_start3A_735 = arith.constant 0 : i32
    %dma_start3A_736 = arith.constant 0 : i32
    %dma_start3A_737 = tpu.memref_slice %arg6[%dma_start3A_733, %dma_start3A_735, %dma_start3A_736] : memref<4x128x128xf32, #tpu.memory_space<vmem>> -> memref<1x128x128xf32, #tpu.memory_space<vmem>>
    %dma_start3A_738 = tpu.memref_squeeze %dma_start3A_737 : memref<1x128x128xf32, #tpu.memory_space<vmem>> -> memref<128x128xf32, #tpu.memory_space<vmem>>
    %dma_start3A_739 = arith.constant 0 : i32
    %dma_start3A_740 = tpu.memref_slice %arg4[%dma_start3A_734, %mul3A_2, %dma_start3A_739] : memref<50x4096x128xf32, #tpu.memory_space<hbm>> -> memref<1x128x128xf32, #tpu.memory_space<hbm>>
    %dma_start3A_741 = tpu.memref_squeeze %dma_start3A_740 : memref<1x128x128xf32, #tpu.memory_space<hbm>> -> memref<128x128xf32, #tpu.memory_space<hbm>>
    %dma_start3A_742 = arith.constant 0 : i32
    %dma_start3A_743 = tpu.memref_slice %arg4[%dma_start3A_734, %mul3A_2, %dma_start3A_742] : memref<50x4096x128xf32, #tpu.memory_space<hbm>> -> memref<1x128x128xf32, #tpu.memory_space<hbm>>
    %dma_start3A_744 = tpu.memref_squeeze %dma_start3A_743 : memref<1x128x128xf32, #tpu.memory_space<hbm>> -> memref<128x128xf32, #tpu.memory_space<hbm>>
    %dma_start3A_745 = arith.constant 0 : i32
    %dma_start3A_746 = arith.constant 0 : i32
    %dma_start3A_747 = tpu.memref_slice %arg6[%dma_start3A_733, %dma_start3A_745, %dma_start3A_746] : memref<4x128x128xf32, #tpu.memory_space<vmem>> -> memref<1x128x128xf32, #tpu.memory_space<vmem>>
    %dma_start3A_748 = tpu.memref_squeeze %dma_start3A_747 : memref<1x128x128xf32, #tpu.memory_space<vmem>> -> memref<128x128xf32, #tpu.memory_space<vmem>>
    tpu.enqueue_dma source(%dma_start3A_748 : memref<128x128xf32, #tpu.memory_space<vmem>>) target(%dma_start3A_744 : memref<128x128xf32, #tpu.memory_space<hbm>>) target_semaphore(%arg11 : memref<!tpu.dma_semaphore, #tpu.memory_space<semaphore_mem>>)
    %dma_wait3A_749 = arith.constant 13 : i32
    %dma_wait3A_750 = arith.constant 1 : i32
    %dma_wait3A_751 = arith.constant 0 : i32
    %dma_wait3A_752 = arith.constant 0 : i32
    %dma_wait3A_753 = tpu.memref_slice %arg6[%dma_wait3A_750, %dma_wait3A_751, %dma_wait3A_752] : memref<4x128x128xf32, #tpu.memory_space<vmem>> -> memref<1x128x128xf32, #tpu.memory_space<vmem>>
    %dma_wait3A_754 = tpu.memref_squeeze %dma_wait3A_753 : memref<1x128x128xf32, #tpu.memory_space<vmem>> -> memref<128x128xf32, #tpu.memory_space<vmem>>
    %dma_wait3A_755 = arith.constant 0 : i32
    %dma_wait3A_756 = tpu.memref_slice %arg5[%dma_wait3A_749, %dma_wait3A_755] : memref<50x128xi32, #tpu.memory_space<vmem>> -> memref<1x128xi32, #tpu.memory_space<vmem>>
    %dma_wait3A_757 = tpu.memref_squeeze %dma_wait3A_756 : memref<1x128xi32, #tpu.memory_space<vmem>> -> memref<128xi32, #tpu.memory_space<vmem>>
    %dma_wait3A_758 = arith.constant 0 : i32
    %dma_wait3A_759 = arith.constant 0 : i32
    %dma_wait3A_760 = tpu.memref_slice %arg3[%dma_wait3A_758, %dma_wait3A_759] : memref<100000x128xf32, #tpu.memory_space<hbm>> -> memref<100000x128xf32, #tpu.memory_space<hbm>>
    tpu.wait_indirect_dma semaphore(%arg8 : memref<!tpu.dma_semaphore, #tpu.memory_space<semaphore_mem>>) src(%dma_wait3A_760 : memref<100000x128xf32, #tpu.memory_space<hbm>>) dst(%dma_wait3A_754 : memref<128x128xf32, #tpu.memory_space<vmem>>)
    %dma_wait3A_761 = arith.constant 0 : i32
    %dma_wait3A_762 = arith.constant 12 : i32
    %dma_wait3A_763 = arith.constant 0 : i32
    %dma_wait3A_764 = arith.constant 0 : i32
    %dma_wait3A_765 = tpu.memref_slice %arg6[%dma_wait3A_761, %dma_wait3A_763, %dma_wait3A_764] : memref<4x128x128xf32, #tpu.memory_space<vmem>> -> memref<1x128x128xf32, #tpu.memory_space<vmem>>
    %dma_wait3A_766 = tpu.memref_squeeze %dma_wait3A_765 : memref<1x128x128xf32, #tpu.memory_space<vmem>> -> memref<128x128xf32, #tpu.memory_space<vmem>>
    %dma_wait3A_767 = arith.constant 0 : i32
    %dma_wait3A_768 = tpu.memref_slice %arg4[%dma_wait3A_762, %mul3A_2, %dma_wait3A_767] : memref<50x4096x128xf32, #tpu.memory_space<hbm>> -> memref<1x128x128xf32, #tpu.memory_space<hbm>>
    %dma_wait3A_769 = tpu.memref_squeeze %dma_wait3A_768 : memref<1x128x128xf32, #tpu.memory_space<hbm>> -> memref<128x128xf32, #tpu.memory_space<hbm>>
    %dma_wait3A_770 = arith.constant 0 : i32
    %dma_wait3A_771 = tpu.memref_slice %arg4[%dma_wait3A_762, %mul3A_2, %dma_wait3A_770] : memref<50x4096x128xf32, #tpu.memory_space<hbm>> -> memref<1x128x128xf32, #tpu.memory_space<hbm>>
    %dma_wait3A_772 = tpu.memref_squeeze %dma_wait3A_771 : memref<1x128x128xf32, #tpu.memory_space<hbm>> -> memref<128x128xf32, #tpu.memory_space<hbm>>
    %dma_wait3A_773 = arith.constant 0 : i32
    %dma_wait3A_774 = arith.constant 0 : i32
    %dma_wait3A_775 = tpu.memref_slice %arg6[%dma_wait3A_761, %dma_wait3A_773, %dma_wait3A_774] : memref<4x128x128xf32, #tpu.memory_space<vmem>> -> memref<1x128x128xf32, #tpu.memory_space<vmem>>
    %dma_wait3A_776 = tpu.memref_squeeze %dma_wait3A_775 : memref<1x128x128xf32, #tpu.memory_space<vmem>> -> memref<128x128xf32, #tpu.memory_space<vmem>>
    tpu.wait_dma2 semaphore(%arg11 : memref<!tpu.dma_semaphore, #tpu.memory_space<semaphore_mem>>) src(%dma_wait3A_776 : memref<128x128xf32, #tpu.memory_space<vmem>>) dst(%dma_wait3A_772 : memref<128x128xf32, #tpu.memory_space<hbm>>)
    %dma_start3A_777 = arith.constant 16 : i32
    %dma_start3A_778 = arith.constant 0 : i32
    %dma_start3A_779 = arith.constant 0 : i32
    %dma_start3A_780 = arith.constant 0 : i32
    %dma_start3A_781 = tpu.memref_slice %arg6[%dma_start3A_778, %dma_start3A_779, %dma_start3A_780] : memref<4x128x128xf32, #tpu.memory_space<vmem>> -> memref<1x128x128xf32, #tpu.memory_space<vmem>>
    %dma_start3A_782 = tpu.memref_squeeze %dma_start3A_781 : memref<1x128x128xf32, #tpu.memory_space<vmem>> -> memref<128x128xf32, #tpu.memory_space<vmem>>
    %dma_start3A_783 = arith.constant 0 : i32
    %dma_start3A_784 = tpu.memref_slice %arg5[%dma_start3A_777, %dma_start3A_783] : memref<50x128xi32, #tpu.memory_space<vmem>> -> memref<1x128xi32, #tpu.memory_space<vmem>>
    %dma_start3A_785 = tpu.memref_squeeze %dma_start3A_784 : memref<1x128xi32, #tpu.memory_space<vmem>> -> memref<128xi32, #tpu.memory_space<vmem>>
    %dma_start3A_786 = arith.constant 0 : i32
    %dma_start3A_787 = arith.constant 0 : i32
    %dma_start3A_788 = tpu.memref_slice %arg3[%dma_start3A_786, %dma_start3A_787] : memref<100000x128xf32, #tpu.memory_space<hbm>> -> memref<100000x128xf32, #tpu.memory_space<hbm>>
    tpu.enqueue_indirect_dma source(%dma_start3A_788 : memref<100000x128xf32, #tpu.memory_space<hbm>>) target(%dma_start3A_782 : memref<128x128xf32, #tpu.memory_space<vmem>>) offsets(%dma_start3A_785 : memref<128xi32, #tpu.memory_space<vmem>>) semaphore(%arg7 : memref<!tpu.dma_semaphore, #tpu.memory_space<semaphore_mem>>)
    %dma_start3A_789 = arith.constant 1 : i32
    %dma_start3A_790 = arith.constant 13 : i32
    %dma_start3A_791 = arith.constant 0 : i32
    %dma_start3A_792 = arith.constant 0 : i32
    %dma_start3A_793 = tpu.memref_slice %arg6[%dma_start3A_789, %dma_start3A_791, %dma_start3A_792] : memref<4x128x128xf32, #tpu.memory_space<vmem>> -> memref<1x128x128xf32, #tpu.memory_space<vmem>>
    %dma_start3A_794 = tpu.memref_squeeze %dma_start3A_793 : memref<1x128x128xf32, #tpu.memory_space<vmem>> -> memref<128x128xf32, #tpu.memory_space<vmem>>
    %dma_start3A_795 = arith.constant 0 : i32
    %dma_start3A_796 = tpu.memref_slice %arg4[%dma_start3A_790, %mul3A_2, %dma_start3A_795] : memref<50x4096x128xf32, #tpu.memory_space<hbm>> -> memref<1x128x128xf32, #tpu.memory_space<hbm>>
    %dma_start3A_797 = tpu.memref_squeeze %dma_start3A_796 : memref<1x128x128xf32, #tpu.memory_space<hbm>> -> memref<128x128xf32, #tpu.memory_space<hbm>>
    %dma_start3A_798 = arith.constant 0 : i32
    %dma_start3A_799 = tpu.memref_slice %arg4[%dma_start3A_790, %mul3A_2, %dma_start3A_798] : memref<50x4096x128xf32, #tpu.memory_space<hbm>> -> memref<1x128x128xf32, #tpu.memory_space<hbm>>
    %dma_start3A_800 = tpu.memref_squeeze %dma_start3A_799 : memref<1x128x128xf32, #tpu.memory_space<hbm>> -> memref<128x128xf32, #tpu.memory_space<hbm>>
    %dma_start3A_801 = arith.constant 0 : i32
    %dma_start3A_802 = arith.constant 0 : i32
    %dma_start3A_803 = tpu.memref_slice %arg6[%dma_start3A_789, %dma_start3A_801, %dma_start3A_802] : memref<4x128x128xf32, #tpu.memory_space<vmem>> -> memref<1x128x128xf32, #tpu.memory_space<vmem>>
    %dma_start3A_804 = tpu.memref_squeeze %dma_start3A_803 : memref<1x128x128xf32, #tpu.memory_space<vmem>> -> memref<128x128xf32, #tpu.memory_space<vmem>>
    tpu.enqueue_dma source(%dma_start3A_804 : memref<128x128xf32, #tpu.memory_space<vmem>>) target(%dma_start3A_800 : memref<128x128xf32, #tpu.memory_space<hbm>>) target_semaphore(%arg12 : memref<!tpu.dma_semaphore, #tpu.memory_space<semaphore_mem>>)
    %dma_wait3A_805 = arith.constant 14 : i32
    %dma_wait3A_806 = arith.constant 2 : i32
    %dma_wait3A_807 = arith.constant 0 : i32
    %dma_wait3A_808 = arith.constant 0 : i32
    %dma_wait3A_809 = tpu.memref_slice %arg6[%dma_wait3A_806, %dma_wait3A_807, %dma_wait3A_808] : memref<4x128x128xf32, #tpu.memory_space<vmem>> -> memref<1x128x128xf32, #tpu.memory_space<vmem>>
    %dma_wait3A_810 = tpu.memref_squeeze %dma_wait3A_809 : memref<1x128x128xf32, #tpu.memory_space<vmem>> -> memref<128x128xf32, #tpu.memory_space<vmem>>
    %dma_wait3A_811 = arith.constant 0 : i32
    %dma_wait3A_812 = tpu.memref_slice %arg5[%dma_wait3A_805, %dma_wait3A_811] : memref<50x128xi32, #tpu.memory_space<vmem>> -> memref<1x128xi32, #tpu.memory_space<vmem>>
    %dma_wait3A_813 = tpu.memref_squeeze %dma_wait3A_812 : memref<1x128xi32, #tpu.memory_space<vmem>> -> memref<128xi32, #tpu.memory_space<vmem>>
    %dma_wait3A_814 = arith.constant 0 : i32
    %dma_wait3A_815 = arith.constant 0 : i32
    %dma_wait3A_816 = tpu.memref_slice %arg3[%dma_wait3A_814, %dma_wait3A_815] : memref<100000x128xf32, #tpu.memory_space<hbm>> -> memref<100000x128xf32, #tpu.memory_space<hbm>>
    tpu.wait_indirect_dma semaphore(%arg9 : memref<!tpu.dma_semaphore, #tpu.memory_space<semaphore_mem>>) src(%dma_wait3A_816 : memref<100000x128xf32, #tpu.memory_space<hbm>>) dst(%dma_wait3A_810 : memref<128x128xf32, #tpu.memory_space<vmem>>)
    %dma_wait3A_817 = arith.constant 1 : i32
    %dma_wait3A_818 = arith.constant 13 : i32
    %dma_wait3A_819 = arith.constant 0 : i32
    %dma_wait3A_820 = arith.constant 0 : i32
    %dma_wait3A_821 = tpu.memref_slice %arg6[%dma_wait3A_817, %dma_wait3A_819, %dma_wait3A_820] : memref<4x128x128xf32, #tpu.memory_space<vmem>> -> memref<1x128x128xf32, #tpu.memory_space<vmem>>
    %dma_wait3A_822 = tpu.memref_squeeze %dma_wait3A_821 : memref<1x128x128xf32, #tpu.memory_space<vmem>> -> memref<128x128xf32, #tpu.memory_space<vmem>>
    %dma_wait3A_823 = arith.constant 0 : i32
    %dma_wait3A_824 = tpu.memref_slice %arg4[%dma_wait3A_818, %mul3A_2, %dma_wait3A_823] : memref<50x4096x128xf32, #tpu.memory_space<hbm>> -> memref<1x128x128xf32, #tpu.memory_space<hbm>>
    %dma_wait3A_825 = tpu.memref_squeeze %dma_wait3A_824 : memref<1x128x128xf32, #tpu.memory_space<hbm>> -> memref<128x128xf32, #tpu.memory_space<hbm>>
    %dma_wait3A_826 = arith.constant 0 : i32
    %dma_wait3A_827 = tpu.memref_slice %arg4[%dma_wait3A_818, %mul3A_2, %dma_wait3A_826] : memref<50x4096x128xf32, #tpu.memory_space<hbm>> -> memref<1x128x128xf32, #tpu.memory_space<hbm>>
    %dma_wait3A_828 = tpu.memref_squeeze %dma_wait3A_827 : memref<1x128x128xf32, #tpu.memory_space<hbm>> -> memref<128x128xf32, #tpu.memory_space<hbm>>
    %dma_wait3A_829 = arith.constant 0 : i32
    %dma_wait3A_830 = arith.constant 0 : i32
    %dma_wait3A_831 = tpu.memref_slice %arg6[%dma_wait3A_817, %dma_wait3A_829, %dma_wait3A_830] : memref<4x128x128xf32, #tpu.memory_space<vmem>> -> memref<1x128x128xf32, #tpu.memory_space<vmem>>
    %dma_wait3A_832 = tpu.memref_squeeze %dma_wait3A_831 : memref<1x128x128xf32, #tpu.memory_space<vmem>> -> memref<128x128xf32, #tpu.memory_space<vmem>>
    tpu.wait_dma2 semaphore(%arg12 : memref<!tpu.dma_semaphore, #tpu.memory_space<semaphore_mem>>) src(%dma_wait3A_832 : memref<128x128xf32, #tpu.memory_space<vmem>>) dst(%dma_wait3A_828 : memref<128x128xf32, #tpu.memory_space<hbm>>)
    %dma_start3A_833 = arith.constant 17 : i32
    %dma_start3A_834 = arith.constant 1 : i32
    %dma_start3A_835 = arith.constant 0 : i32
    %dma_start3A_836 = arith.constant 0 : i32
    %dma_start3A_837 = tpu.memref_slice %arg6[%dma_start3A_834, %dma_start3A_835, %dma_start3A_836] : memref<4x128x128xf32, #tpu.memory_space<vmem>> -> memref<1x128x128xf32, #tpu.memory_space<vmem>>
    %dma_start3A_838 = tpu.memref_squeeze %dma_start3A_837 : memref<1x128x128xf32, #tpu.memory_space<vmem>> -> memref<128x128xf32, #tpu.memory_space<vmem>>
    %dma_start3A_839 = arith.constant 0 : i32
    %dma_start3A_840 = tpu.memref_slice %arg5[%dma_start3A_833, %dma_start3A_839] : memref<50x128xi32, #tpu.memory_space<vmem>> -> memref<1x128xi32, #tpu.memory_space<vmem>>
    %dma_start3A_841 = tpu.memref_squeeze %dma_start3A_840 : memref<1x128xi32, #tpu.memory_space<vmem>> -> memref<128xi32, #tpu.memory_space<vmem>>
    %dma_start3A_842 = arith.constant 0 : i32
    %dma_start3A_843 = arith.constant 0 : i32
    %dma_start3A_844 = tpu.memref_slice %arg3[%dma_start3A_842, %dma_start3A_843] : memref<100000x128xf32, #tpu.memory_space<hbm>> -> memref<100000x128xf32, #tpu.memory_space<hbm>>
    tpu.enqueue_indirect_dma source(%dma_start3A_844 : memref<100000x128xf32, #tpu.memory_space<hbm>>) target(%dma_start3A_838 : memref<128x128xf32, #tpu.memory_space<vmem>>) offsets(%dma_start3A_841 : memref<128xi32, #tpu.memory_space<vmem>>) semaphore(%arg8 : memref<!tpu.dma_semaphore, #tpu.memory_space<semaphore_mem>>)
    %dma_start3A_845 = arith.constant 2 : i32
    %dma_start3A_846 = arith.constant 14 : i32
    %dma_start3A_847 = arith.constant 0 : i32
    %dma_start3A_848 = arith.constant 0 : i32
    %dma_start3A_849 = tpu.memref_slice %arg6[%dma_start3A_845, %dma_start3A_847, %dma_start3A_848] : memref<4x128x128xf32, #tpu.memory_space<vmem>> -> memref<1x128x128xf32, #tpu.memory_space<vmem>>
    %dma_start3A_850 = tpu.memref_squeeze %dma_start3A_849 : memref<1x128x128xf32, #tpu.memory_space<vmem>> -> memref<128x128xf32, #tpu.memory_space<vmem>>
    %dma_start3A_851 = arith.constant 0 : i32
    %dma_start3A_852 = tpu.memref_slice %arg4[%dma_start3A_846, %mul3A_2, %dma_start3A_851] : memref<50x4096x128xf32, #tpu.memory_space<hbm>> -> memref<1x128x128xf32, #tpu.memory_space<hbm>>
    %dma_start3A_853 = tpu.memref_squeeze %dma_start3A_852 : memref<1x128x128xf32, #tpu.memory_space<hbm>> -> memref<128x128xf32, #tpu.memory_space<hbm>>
    %dma_start3A_854 = arith.constant 0 : i32
    %dma_start3A_855 = tpu.memref_slice %arg4[%dma_start3A_846, %mul3A_2, %dma_start3A_854] : memref<50x4096x128xf32, #tpu.memory_space<hbm>> -> memref<1x128x128xf32, #tpu.memory_space<hbm>>
    %dma_start3A_856 = tpu.memref_squeeze %dma_start3A_855 : memref<1x128x128xf32, #tpu.memory_space<hbm>> -> memref<128x128xf32, #tpu.memory_space<hbm>>
    %dma_start3A_857 = arith.constant 0 : i32
    %dma_start3A_858 = arith.constant 0 : i32
    %dma_start3A_859 = tpu.memref_slice %arg6[%dma_start3A_845, %dma_start3A_857, %dma_start3A_858] : memref<4x128x128xf32, #tpu.memory_space<vmem>> -> memref<1x128x128xf32, #tpu.memory_space<vmem>>
    %dma_start3A_860 = tpu.memref_squeeze %dma_start3A_859 : memref<1x128x128xf32, #tpu.memory_space<vmem>> -> memref<128x128xf32, #tpu.memory_space<vmem>>
    tpu.enqueue_dma source(%dma_start3A_860 : memref<128x128xf32, #tpu.memory_space<vmem>>) target(%dma_start3A_856 : memref<128x128xf32, #tpu.memory_space<hbm>>) target_semaphore(%arg13 : memref<!tpu.dma_semaphore, #tpu.memory_space<semaphore_mem>>)
    %dma_wait3A_861 = arith.constant 15 : i32
    %dma_wait3A_862 = arith.constant 3 : i32
    %dma_wait3A_863 = arith.constant 0 : i32
    %dma_wait3A_864 = arith.constant 0 : i32
    %dma_wait3A_865 = tpu.memref_slice %arg6[%dma_wait3A_862, %dma_wait3A_863, %dma_wait3A_864] : memref<4x128x128xf32, #tpu.memory_space<vmem>> -> memref<1x128x128xf32, #tpu.memory_space<vmem>>
    %dma_wait3A_866 = tpu.memref_squeeze %dma_wait3A_865 : memref<1x128x128xf32, #tpu.memory_space<vmem>> -> memref<128x128xf32, #tpu.memory_space<vmem>>
    %dma_wait3A_867 = arith.constant 0 : i32
    %dma_wait3A_868 = tpu.memref_slice %arg5[%dma_wait3A_861, %dma_wait3A_867] : memref<50x128xi32, #tpu.memory_space<vmem>> -> memref<1x128xi32, #tpu.memory_space<vmem>>
    %dma_wait3A_869 = tpu.memref_squeeze %dma_wait3A_868 : memref<1x128xi32, #tpu.memory_space<vmem>> -> memref<128xi32, #tpu.memory_space<vmem>>
    %dma_wait3A_870 = arith.constant 0 : i32
    %dma_wait3A_871 = arith.constant 0 : i32
    %dma_wait3A_872 = tpu.memref_slice %arg3[%dma_wait3A_870, %dma_wait3A_871] : memref<100000x128xf32, #tpu.memory_space<hbm>> -> memref<100000x128xf32, #tpu.memory_space<hbm>>
    tpu.wait_indirect_dma semaphore(%arg10 : memref<!tpu.dma_semaphore, #tpu.memory_space<semaphore_mem>>) src(%dma_wait3A_872 : memref<100000x128xf32, #tpu.memory_space<hbm>>) dst(%dma_wait3A_866 : memref<128x128xf32, #tpu.memory_space<vmem>>)
    %dma_wait3A_873 = arith.constant 2 : i32
    %dma_wait3A_874 = arith.constant 14 : i32
    %dma_wait3A_875 = arith.constant 0 : i32
    %dma_wait3A_876 = arith.constant 0 : i32
    %dma_wait3A_877 = tpu.memref_slice %arg6[%dma_wait3A_873, %dma_wait3A_875, %dma_wait3A_876] : memref<4x128x128xf32, #tpu.memory_space<vmem>> -> memref<1x128x128xf32, #tpu.memory_space<vmem>>
    %dma_wait3A_878 = tpu.memref_squeeze %dma_wait3A_877 : memref<1x128x128xf32, #tpu.memory_space<vmem>> -> memref<128x128xf32, #tpu.memory_space<vmem>>
    %dma_wait3A_879 = arith.constant 0 : i32
    %dma_wait3A_880 = tpu.memref_slice %arg4[%dma_wait3A_874, %mul3A_2, %dma_wait3A_879] : memref<50x4096x128xf32, #tpu.memory_space<hbm>> -> memref<1x128x128xf32, #tpu.memory_space<hbm>>
    %dma_wait3A_881 = tpu.memref_squeeze %dma_wait3A_880 : memref<1x128x128xf32, #tpu.memory_space<hbm>> -> memref<128x128xf32, #tpu.memory_space<hbm>>
    %dma_wait3A_882 = arith.constant 0 : i32
    %dma_wait3A_883 = tpu.memref_slice %arg4[%dma_wait3A_874, %mul3A_2, %dma_wait3A_882] : memref<50x4096x128xf32, #tpu.memory_space<hbm>> -> memref<1x128x128xf32, #tpu.memory_space<hbm>>
    %dma_wait3A_884 = tpu.memref_squeeze %dma_wait3A_883 : memref<1x128x128xf32, #tpu.memory_space<hbm>> -> memref<128x128xf32, #tpu.memory_space<hbm>>
    %dma_wait3A_885 = arith.constant 0 : i32
    %dma_wait3A_886 = arith.constant 0 : i32
    %dma_wait3A_887 = tpu.memref_slice %arg6[%dma_wait3A_873, %dma_wait3A_885, %dma_wait3A_886] : memref<4x128x128xf32, #tpu.memory_space<vmem>> -> memref<1x128x128xf32, #tpu.memory_space<vmem>>
    %dma_wait3A_888 = tpu.memref_squeeze %dma_wait3A_887 : memref<1x128x128xf32, #tpu.memory_space<vmem>> -> memref<128x128xf32, #tpu.memory_space<vmem>>
    tpu.wait_dma2 semaphore(%arg13 : memref<!tpu.dma_semaphore, #tpu.memory_space<semaphore_mem>>) src(%dma_wait3A_888 : memref<128x128xf32, #tpu.memory_space<vmem>>) dst(%dma_wait3A_884 : memref<128x128xf32, #tpu.memory_space<hbm>>)
    %dma_start3A_889 = arith.constant 18 : i32
    %dma_start3A_890 = arith.constant 2 : i32
    %dma_start3A_891 = arith.constant 0 : i32
    %dma_start3A_892 = arith.constant 0 : i32
    %dma_start3A_893 = tpu.memref_slice %arg6[%dma_start3A_890, %dma_start3A_891, %dma_start3A_892] : memref<4x128x128xf32, #tpu.memory_space<vmem>> -> memref<1x128x128xf32, #tpu.memory_space<vmem>>
    %dma_start3A_894 = tpu.memref_squeeze %dma_start3A_893 : memref<1x128x128xf32, #tpu.memory_space<vmem>> -> memref<128x128xf32, #tpu.memory_space<vmem>>
    %dma_start3A_895 = arith.constant 0 : i32
    %dma_start3A_896 = tpu.memref_slice %arg5[%dma_start3A_889, %dma_start3A_895] : memref<50x128xi32, #tpu.memory_space<vmem>> -> memref<1x128xi32, #tpu.memory_space<vmem>>
    %dma_start3A_897 = tpu.memref_squeeze %dma_start3A_896 : memref<1x128xi32, #tpu.memory_space<vmem>> -> memref<128xi32, #tpu.memory_space<vmem>>
    %dma_start3A_898 = arith.constant 0 : i32
    %dma_start3A_899 = arith.constant 0 : i32
    %dma_start3A_900 = tpu.memref_slice %arg3[%dma_start3A_898, %dma_start3A_899] : memref<100000x128xf32, #tpu.memory_space<hbm>> -> memref<100000x128xf32, #tpu.memory_space<hbm>>
    tpu.enqueue_indirect_dma source(%dma_start3A_900 : memref<100000x128xf32, #tpu.memory_space<hbm>>) target(%dma_start3A_894 : memref<128x128xf32, #tpu.memory_space<vmem>>) offsets(%dma_start3A_897 : memref<128xi32, #tpu.memory_space<vmem>>) semaphore(%arg9 : memref<!tpu.dma_semaphore, #tpu.memory_space<semaphore_mem>>)
    %dma_start3A_901 = arith.constant 3 : i32
    %dma_start3A_902 = arith.constant 15 : i32
    %dma_start3A_903 = arith.constant 0 : i32
    %dma_start3A_904 = arith.constant 0 : i32
    %dma_start3A_905 = tpu.memref_slice %arg6[%dma_start3A_901, %dma_start3A_903, %dma_start3A_904] : memref<4x128x128xf32, #tpu.memory_space<vmem>> -> memref<1x128x128xf32, #tpu.memory_space<vmem>>
    %dma_start3A_906 = tpu.memref_squeeze %dma_start3A_905 : memref<1x128x128xf32, #tpu.memory_space<vmem>> -> memref<128x128xf32, #tpu.memory_space<vmem>>
    %dma_start3A_907 = arith.constant 0 : i32
    %dma_start3A_908 = tpu.memref_slice %arg4[%dma_start3A_902, %mul3A_2, %dma_start3A_907] : memref<50x4096x128xf32, #tpu.memory_space<hbm>> -> memref<1x128x128xf32, #tpu.memory_space<hbm>>
    %dma_start3A_909 = tpu.memref_squeeze %dma_start3A_908 : memref<1x128x128xf32, #tpu.memory_space<hbm>> -> memref<128x128xf32, #tpu.memory_space<hbm>>
    %dma_start3A_910 = arith.constant 0 : i32
    %dma_start3A_911 = tpu.memref_slice %arg4[%dma_start3A_902, %mul3A_2, %dma_start3A_910] : memref<50x4096x128xf32, #tpu.memory_space<hbm>> -> memref<1x128x128xf32, #tpu.memory_space<hbm>>
    %dma_start3A_912 = tpu.memref_squeeze %dma_start3A_911 : memref<1x128x128xf32, #tpu.memory_space<hbm>> -> memref<128x128xf32, #tpu.memory_space<hbm>>
    %dma_start3A_913 = arith.constant 0 : i32
    %dma_start3A_914 = arith.constant 0 : i32
    %dma_start3A_915 = tpu.memref_slice %arg6[%dma_start3A_901, %dma_start3A_913, %dma_start3A_914] : memref<4x128x128xf32, #tpu.memory_space<vmem>> -> memref<1x128x128xf32, #tpu.memory_space<vmem>>
    %dma_start3A_916 = tpu.memref_squeeze %dma_start3A_915 : memref<1x128x128xf32, #tpu.memory_space<vmem>> -> memref<128x128xf32, #tpu.memory_space<vmem>>
    tpu.enqueue_dma source(%dma_start3A_916 : memref<128x128xf32, #tpu.memory_space<vmem>>) target(%dma_start3A_912 : memref<128x128xf32, #tpu.memory_space<hbm>>) target_semaphore(%arg14 : memref<!tpu.dma_semaphore, #tpu.memory_space<semaphore_mem>>)
    %dma_wait3A_917 = arith.constant 16 : i32
    %dma_wait3A_918 = arith.constant 0 : i32
    %dma_wait3A_919 = arith.constant 0 : i32
    %dma_wait3A_920 = arith.constant 0 : i32
    %dma_wait3A_921 = tpu.memref_slice %arg6[%dma_wait3A_918, %dma_wait3A_919, %dma_wait3A_920] : memref<4x128x128xf32, #tpu.memory_space<vmem>> -> memref<1x128x128xf32, #tpu.memory_space<vmem>>
    %dma_wait3A_922 = tpu.memref_squeeze %dma_wait3A_921 : memref<1x128x128xf32, #tpu.memory_space<vmem>> -> memref<128x128xf32, #tpu.memory_space<vmem>>
    %dma_wait3A_923 = arith.constant 0 : i32
    %dma_wait3A_924 = tpu.memref_slice %arg5[%dma_wait3A_917, %dma_wait3A_923] : memref<50x128xi32, #tpu.memory_space<vmem>> -> memref<1x128xi32, #tpu.memory_space<vmem>>
    %dma_wait3A_925 = tpu.memref_squeeze %dma_wait3A_924 : memref<1x128xi32, #tpu.memory_space<vmem>> -> memref<128xi32, #tpu.memory_space<vmem>>
    %dma_wait3A_926 = arith.constant 0 : i32
    %dma_wait3A_927 = arith.constant 0 : i32
    %dma_wait3A_928 = tpu.memref_slice %arg3[%dma_wait3A_926, %dma_wait3A_927] : memref<100000x128xf32, #tpu.memory_space<hbm>> -> memref<100000x128xf32, #tpu.memory_space<hbm>>
    tpu.wait_indirect_dma semaphore(%arg7 : memref<!tpu.dma_semaphore, #tpu.memory_space<semaphore_mem>>) src(%dma_wait3A_928 : memref<100000x128xf32, #tpu.memory_space<hbm>>) dst(%dma_wait3A_922 : memref<128x128xf32, #tpu.memory_space<vmem>>)
    %dma_wait3A_929 = arith.constant 3 : i32
    %dma_wait3A_930 = arith.constant 15 : i32
    %dma_wait3A_931 = arith.constant 0 : i32
    %dma_wait3A_932 = arith.constant 0 : i32
    %dma_wait3A_933 = tpu.memref_slice %arg6[%dma_wait3A_929, %dma_wait3A_931, %dma_wait3A_932] : memref<4x128x128xf32, #tpu.memory_space<vmem>> -> memref<1x128x128xf32, #tpu.memory_space<vmem>>
    %dma_wait3A_934 = tpu.memref_squeeze %dma_wait3A_933 : memref<1x128x128xf32, #tpu.memory_space<vmem>> -> memref<128x128xf32, #tpu.memory_space<vmem>>
    %dma_wait3A_935 = arith.constant 0 : i32
    %dma_wait3A_936 = tpu.memref_slice %arg4[%dma_wait3A_930, %mul3A_2, %dma_wait3A_935] : memref<50x4096x128xf32, #tpu.memory_space<hbm>> -> memref<1x128x128xf32, #tpu.memory_space<hbm>>
    %dma_wait3A_937 = tpu.memref_squeeze %dma_wait3A_936 : memref<1x128x128xf32, #tpu.memory_space<hbm>> -> memref<128x128xf32, #tpu.memory_space<hbm>>
    %dma_wait3A_938 = arith.constant 0 : i32
    %dma_wait3A_939 = tpu.memref_slice %arg4[%dma_wait3A_930, %mul3A_2, %dma_wait3A_938] : memref<50x4096x128xf32, #tpu.memory_space<hbm>> -> memref<1x128x128xf32, #tpu.memory_space<hbm>>
    %dma_wait3A_940 = tpu.memref_squeeze %dma_wait3A_939 : memref<1x128x128xf32, #tpu.memory_space<hbm>> -> memref<128x128xf32, #tpu.memory_space<hbm>>
    %dma_wait3A_941 = arith.constant 0 : i32
    %dma_wait3A_942 = arith.constant 0 : i32
    %dma_wait3A_943 = tpu.memref_slice %arg6[%dma_wait3A_929, %dma_wait3A_941, %dma_wait3A_942] : memref<4x128x128xf32, #tpu.memory_space<vmem>> -> memref<1x128x128xf32, #tpu.memory_space<vmem>>
    %dma_wait3A_944 = tpu.memref_squeeze %dma_wait3A_943 : memref<1x128x128xf32, #tpu.memory_space<vmem>> -> memref<128x128xf32, #tpu.memory_space<vmem>>
    tpu.wait_dma2 semaphore(%arg14 : memref<!tpu.dma_semaphore, #tpu.memory_space<semaphore_mem>>) src(%dma_wait3A_944 : memref<128x128xf32, #tpu.memory_space<vmem>>) dst(%dma_wait3A_940 : memref<128x128xf32, #tpu.memory_space<hbm>>)
    %dma_start3A_945 = arith.constant 19 : i32
    %dma_start3A_946 = arith.constant 3 : i32
    %dma_start3A_947 = arith.constant 0 : i32
    %dma_start3A_948 = arith.constant 0 : i32
    %dma_start3A_949 = tpu.memref_slice %arg6[%dma_start3A_946, %dma_start3A_947, %dma_start3A_948] : memref<4x128x128xf32, #tpu.memory_space<vmem>> -> memref<1x128x128xf32, #tpu.memory_space<vmem>>
    %dma_start3A_950 = tpu.memref_squeeze %dma_start3A_949 : memref<1x128x128xf32, #tpu.memory_space<vmem>> -> memref<128x128xf32, #tpu.memory_space<vmem>>
    %dma_start3A_951 = arith.constant 0 : i32
    %dma_start3A_952 = tpu.memref_slice %arg5[%dma_start3A_945, %dma_start3A_951] : memref<50x128xi32, #tpu.memory_space<vmem>> -> memref<1x128xi32, #tpu.memory_space<vmem>>
    %dma_start3A_953 = tpu.memref_squeeze %dma_start3A_952 : memref<1x128xi32, #tpu.memory_space<vmem>> -> memref<128xi32, #tpu.memory_space<vmem>>
    %dma_start3A_954 = arith.constant 0 : i32
    %dma_start3A_955 = arith.constant 0 : i32
    %dma_start3A_956 = tpu.memref_slice %arg3[%dma_start3A_954, %dma_start3A_955] : memref<100000x128xf32, #tpu.memory_space<hbm>> -> memref<100000x128xf32, #tpu.memory_space<hbm>>
    tpu.enqueue_indirect_dma source(%dma_start3A_956 : memref<100000x128xf32, #tpu.memory_space<hbm>>) target(%dma_start3A_950 : memref<128x128xf32, #tpu.memory_space<vmem>>) offsets(%dma_start3A_953 : memref<128xi32, #tpu.memory_space<vmem>>) semaphore(%arg10 : memref<!tpu.dma_semaphore, #tpu.memory_space<semaphore_mem>>)
    %dma_start3A_957 = arith.constant 0 : i32
    %dma_start3A_958 = arith.constant 16 : i32
    %dma_start3A_959 = arith.constant 0 : i32
    %dma_start3A_960 = arith.constant 0 : i32
    %dma_start3A_961 = tpu.memref_slice %arg6[%dma_start3A_957, %dma_start3A_959, %dma_start3A_960] : memref<4x128x128xf32, #tpu.memory_space<vmem>> -> memref<1x128x128xf32, #tpu.memory_space<vmem>>
    %dma_start3A_962 = tpu.memref_squeeze %dma_start3A_961 : memref<1x128x128xf32, #tpu.memory_space<vmem>> -> memref<128x128xf32, #tpu.memory_space<vmem>>
    %dma_start3A_963 = arith.constant 0 : i32
    %dma_start3A_964 = tpu.memref_slice %arg4[%dma_start3A_958, %mul3A_2, %dma_start3A_963] : memref<50x4096x128xf32, #tpu.memory_space<hbm>> -> memref<1x128x128xf32, #tpu.memory_space<hbm>>
    %dma_start3A_965 = tpu.memref_squeeze %dma_start3A_964 : memref<1x128x128xf32, #tpu.memory_space<hbm>> -> memref<128x128xf32, #tpu.memory_space<hbm>>
    %dma_start3A_966 = arith.constant 0 : i32
    %dma_start3A_967 = tpu.memref_slice %arg4[%dma_start3A_958, %mul3A_2, %dma_start3A_966] : memref<50x4096x128xf32, #tpu.memory_space<hbm>> -> memref<1x128x128xf32, #tpu.memory_space<hbm>>
    %dma_start3A_968 = tpu.memref_squeeze %dma_start3A_967 : memref<1x128x128xf32, #tpu.memory_space<hbm>> -> memref<128x128xf32, #tpu.memory_space<hbm>>
    %dma_start3A_969 = arith.constant 0 : i32
    %dma_start3A_970 = arith.constant 0 : i32
    %dma_start3A_971 = tpu.memref_slice %arg6[%dma_start3A_957, %dma_start3A_969, %dma_start3A_970] : memref<4x128x128xf32, #tpu.memory_space<vmem>> -> memref<1x128x128xf32, #tpu.memory_space<vmem>>
    %dma_start3A_972 = tpu.memref_squeeze %dma_start3A_971 : memref<1x128x128xf32, #tpu.memory_space<vmem>> -> memref<128x128xf32, #tpu.memory_space<vmem>>
    tpu.enqueue_dma source(%dma_start3A_972 : memref<128x128xf32, #tpu.memory_space<vmem>>) target(%dma_start3A_968 : memref<128x128xf32, #tpu.memory_space<hbm>>) target_semaphore(%arg11 : memref<!tpu.dma_semaphore, #tpu.memory_space<semaphore_mem>>)
    %dma_wait3A_973 = arith.constant 17 : i32
    %dma_wait3A_974 = arith.constant 1 : i32
    %dma_wait3A_975 = arith.constant 0 : i32
    %dma_wait3A_976 = arith.constant 0 : i32
    %dma_wait3A_977 = tpu.memref_slice %arg6[%dma_wait3A_974, %dma_wait3A_975, %dma_wait3A_976] : memref<4x128x128xf32, #tpu.memory_space<vmem>> -> memref<1x128x128xf32, #tpu.memory_space<vmem>>
    %dma_wait3A_978 = tpu.memref_squeeze %dma_wait3A_977 : memref<1x128x128xf32, #tpu.memory_space<vmem>> -> memref<128x128xf32, #tpu.memory_space<vmem>>
    %dma_wait3A_979 = arith.constant 0 : i32
    %dma_wait3A_980 = tpu.memref_slice %arg5[%dma_wait3A_973, %dma_wait3A_979] : memref<50x128xi32, #tpu.memory_space<vmem>> -> memref<1x128xi32, #tpu.memory_space<vmem>>
    %dma_wait3A_981 = tpu.memref_squeeze %dma_wait3A_980 : memref<1x128xi32, #tpu.memory_space<vmem>> -> memref<128xi32, #tpu.memory_space<vmem>>
    %dma_wait3A_982 = arith.constant 0 : i32
    %dma_wait3A_983 = arith.constant 0 : i32
    %dma_wait3A_984 = tpu.memref_slice %arg3[%dma_wait3A_982, %dma_wait3A_983] : memref<100000x128xf32, #tpu.memory_space<hbm>> -> memref<100000x128xf32, #tpu.memory_space<hbm>>
    tpu.wait_indirect_dma semaphore(%arg8 : memref<!tpu.dma_semaphore, #tpu.memory_space<semaphore_mem>>) src(%dma_wait3A_984 : memref<100000x128xf32, #tpu.memory_space<hbm>>) dst(%dma_wait3A_978 : memref<128x128xf32, #tpu.memory_space<vmem>>)
    %dma_wait3A_985 = arith.constant 0 : i32
    %dma_wait3A_986 = arith.constant 16 : i32
    %dma_wait3A_987 = arith.constant 0 : i32
    %dma_wait3A_988 = arith.constant 0 : i32
    %dma_wait3A_989 = tpu.memref_slice %arg6[%dma_wait3A_985, %dma_wait3A_987, %dma_wait3A_988] : memref<4x128x128xf32, #tpu.memory_space<vmem>> -> memref<1x128x128xf32, #tpu.memory_space<vmem>>
    %dma_wait3A_990 = tpu.memref_squeeze %dma_wait3A_989 : memref<1x128x128xf32, #tpu.memory_space<vmem>> -> memref<128x128xf32, #tpu.memory_space<vmem>>
    %dma_wait3A_991 = arith.constant 0 : i32
    %dma_wait3A_992 = tpu.memref_slice %arg4[%dma_wait3A_986, %mul3A_2, %dma_wait3A_991] : memref<50x4096x128xf32, #tpu.memory_space<hbm>> -> memref<1x128x128xf32, #tpu.memory_space<hbm>>
    %dma_wait3A_993 = tpu.memref_squeeze %dma_wait3A_992 : memref<1x128x128xf32, #tpu.memory_space<hbm>> -> memref<128x128xf32, #tpu.memory_space<hbm>>
    %dma_wait3A_994 = arith.constant 0 : i32
    %dma_wait3A_995 = tpu.memref_slice %arg4[%dma_wait3A_986, %mul3A_2, %dma_wait3A_994] : memref<50x4096x128xf32, #tpu.memory_space<hbm>> -> memref<1x128x128xf32, #tpu.memory_space<hbm>>
    %dma_wait3A_996 = tpu.memref_squeeze %dma_wait3A_995 : memref<1x128x128xf32, #tpu.memory_space<hbm>> -> memref<128x128xf32, #tpu.memory_space<hbm>>
    %dma_wait3A_997 = arith.constant 0 : i32
    %dma_wait3A_998 = arith.constant 0 : i32
    %dma_wait3A_999 = tpu.memref_slice %arg6[%dma_wait3A_985, %dma_wait3A_997, %dma_wait3A_998] : memref<4x128x128xf32, #tpu.memory_space<vmem>> -> memref<1x128x128xf32, #tpu.memory_space<vmem>>
    %dma_wait3A_1000 = tpu.memref_squeeze %dma_wait3A_999 : memref<1x128x128xf32, #tpu.memory_space<vmem>> -> memref<128x128xf32, #tpu.memory_space<vmem>>
    tpu.wait_dma2 semaphore(%arg11 : memref<!tpu.dma_semaphore, #tpu.memory_space<semaphore_mem>>) src(%dma_wait3A_1000 : memref<128x128xf32, #tpu.memory_space<vmem>>) dst(%dma_wait3A_996 : memref<128x128xf32, #tpu.memory_space<hbm>>)
    %dma_start3A_1001 = arith.constant 20 : i32
    %dma_start3A_1002 = arith.constant 0 : i32
    %dma_start3A_1003 = arith.constant 0 : i32
    %dma_start3A_1004 = arith.constant 0 : i32
    %dma_start3A_1005 = tpu.memref_slice %arg6[%dma_start3A_1002, %dma_start3A_1003, %dma_start3A_1004] : memref<4x128x128xf32, #tpu.memory_space<vmem>> -> memref<1x128x128xf32, #tpu.memory_space<vmem>>
    %dma_start3A_1006 = tpu.memref_squeeze %dma_start3A_1005 : memref<1x128x128xf32, #tpu.memory_space<vmem>> -> memref<128x128xf32, #tpu.memory_space<vmem>>
    %dma_start3A_1007 = arith.constant 0 : i32
    %dma_start3A_1008 = tpu.memref_slice %arg5[%dma_start3A_1001, %dma_start3A_1007] : memref<50x128xi32, #tpu.memory_space<vmem>> -> memref<1x128xi32, #tpu.memory_space<vmem>>
    %dma_start3A_1009 = tpu.memref_squeeze %dma_start3A_1008 : memref<1x128xi32, #tpu.memory_space<vmem>> -> memref<128xi32, #tpu.memory_space<vmem>>
    %dma_start3A_1010 = arith.constant 0 : i32
    %dma_start3A_1011 = arith.constant 0 : i32
    %dma_start3A_1012 = tpu.memref_slice %arg3[%dma_start3A_1010, %dma_start3A_1011] : memref<100000x128xf32, #tpu.memory_space<hbm>> -> memref<100000x128xf32, #tpu.memory_space<hbm>>
    tpu.enqueue_indirect_dma source(%dma_start3A_1012 : memref<100000x128xf32, #tpu.memory_space<hbm>>) target(%dma_start3A_1006 : memref<128x128xf32, #tpu.memory_space<vmem>>) offsets(%dma_start3A_1009 : memref<128xi32, #tpu.memory_space<vmem>>) semaphore(%arg7 : memref<!tpu.dma_semaphore, #tpu.memory_space<semaphore_mem>>)
    %dma_start3A_1013 = arith.constant 1 : i32
    %dma_start3A_1014 = arith.constant 17 : i32
    %dma_start3A_1015 = arith.constant 0 : i32
    %dma_start3A_1016 = arith.constant 0 : i32
    %dma_start3A_1017 = tpu.memref_slice %arg6[%dma_start3A_1013, %dma_start3A_1015, %dma_start3A_1016] : memref<4x128x128xf32, #tpu.memory_space<vmem>> -> memref<1x128x128xf32, #tpu.memory_space<vmem>>
    %dma_start3A_1018 = tpu.memref_squeeze %dma_start3A_1017 : memref<1x128x128xf32, #tpu.memory_space<vmem>> -> memref<128x128xf32, #tpu.memory_space<vmem>>
    %dma_start3A_1019 = arith.constant 0 : i32
    %dma_start3A_1020 = tpu.memref_slice %arg4[%dma_start3A_1014, %mul3A_2, %dma_start3A_1019] : memref<50x4096x128xf32, #tpu.memory_space<hbm>> -> memref<1x128x128xf32, #tpu.memory_space<hbm>>
    %dma_start3A_1021 = tpu.memref_squeeze %dma_start3A_1020 : memref<1x128x128xf32, #tpu.memory_space<hbm>> -> memref<128x128xf32, #tpu.memory_space<hbm>>
    %dma_start3A_1022 = arith.constant 0 : i32
    %dma_start3A_1023 = tpu.memref_slice %arg4[%dma_start3A_1014, %mul3A_2, %dma_start3A_1022] : memref<50x4096x128xf32, #tpu.memory_space<hbm>> -> memref<1x128x128xf32, #tpu.memory_space<hbm>>
    %dma_start3A_1024 = tpu.memref_squeeze %dma_start3A_1023 : memref<1x128x128xf32, #tpu.memory_space<hbm>> -> memref<128x128xf32, #tpu.memory_space<hbm>>
    %dma_start3A_1025 = arith.constant 0 : i32
    %dma_start3A_1026 = arith.constant 0 : i32
    %dma_start3A_1027 = tpu.memref_slice %arg6[%dma_start3A_1013, %dma_start3A_1025, %dma_start3A_1026] : memref<4x128x128xf32, #tpu.memory_space<vmem>> -> memref<1x128x128xf32, #tpu.memory_space<vmem>>
    %dma_start3A_1028 = tpu.memref_squeeze %dma_start3A_1027 : memref<1x128x128xf32, #tpu.memory_space<vmem>> -> memref<128x128xf32, #tpu.memory_space<vmem>>
    tpu.enqueue_dma source(%dma_start3A_1028 : memref<128x128xf32, #tpu.memory_space<vmem>>) target(%dma_start3A_1024 : memref<128x128xf32, #tpu.memory_space<hbm>>) target_semaphore(%arg12 : memref<!tpu.dma_semaphore, #tpu.memory_space<semaphore_mem>>)
    %dma_wait3A_1029 = arith.constant 18 : i32
    %dma_wait3A_1030 = arith.constant 2 : i32
    %dma_wait3A_1031 = arith.constant 0 : i32
    %dma_wait3A_1032 = arith.constant 0 : i32
    %dma_wait3A_1033 = tpu.memref_slice %arg6[%dma_wait3A_1030, %dma_wait3A_1031, %dma_wait3A_1032] : memref<4x128x128xf32, #tpu.memory_space<vmem>> -> memref<1x128x128xf32, #tpu.memory_space<vmem>>
    %dma_wait3A_1034 = tpu.memref_squeeze %dma_wait3A_1033 : memref<1x128x128xf32, #tpu.memory_space<vmem>> -> memref<128x128xf32, #tpu.memory_space<vmem>>
    %dma_wait3A_1035 = arith.constant 0 : i32
    %dma_wait3A_1036 = tpu.memref_slice %arg5[%dma_wait3A_1029, %dma_wait3A_1035] : memref<50x128xi32, #tpu.memory_space<vmem>> -> memref<1x128xi32, #tpu.memory_space<vmem>>
    %dma_wait3A_1037 = tpu.memref_squeeze %dma_wait3A_1036 : memref<1x128xi32, #tpu.memory_space<vmem>> -> memref<128xi32, #tpu.memory_space<vmem>>
    %dma_wait3A_1038 = arith.constant 0 : i32
    %dma_wait3A_1039 = arith.constant 0 : i32
    %dma_wait3A_1040 = tpu.memref_slice %arg3[%dma_wait3A_1038, %dma_wait3A_1039] : memref<100000x128xf32, #tpu.memory_space<hbm>> -> memref<100000x128xf32, #tpu.memory_space<hbm>>
    tpu.wait_indirect_dma semaphore(%arg9 : memref<!tpu.dma_semaphore, #tpu.memory_space<semaphore_mem>>) src(%dma_wait3A_1040 : memref<100000x128xf32, #tpu.memory_space<hbm>>) dst(%dma_wait3A_1034 : memref<128x128xf32, #tpu.memory_space<vmem>>)
    %dma_wait3A_1041 = arith.constant 1 : i32
    %dma_wait3A_1042 = arith.constant 17 : i32
    %dma_wait3A_1043 = arith.constant 0 : i32
    %dma_wait3A_1044 = arith.constant 0 : i32
    %dma_wait3A_1045 = tpu.memref_slice %arg6[%dma_wait3A_1041, %dma_wait3A_1043, %dma_wait3A_1044] : memref<4x128x128xf32, #tpu.memory_space<vmem>> -> memref<1x128x128xf32, #tpu.memory_space<vmem>>
    %dma_wait3A_1046 = tpu.memref_squeeze %dma_wait3A_1045 : memref<1x128x128xf32, #tpu.memory_space<vmem>> -> memref<128x128xf32, #tpu.memory_space<vmem>>
    %dma_wait3A_1047 = arith.constant 0 : i32
    %dma_wait3A_1048 = tpu.memref_slice %arg4[%dma_wait3A_1042, %mul3A_2, %dma_wait3A_1047] : memref<50x4096x128xf32, #tpu.memory_space<hbm>> -> memref<1x128x128xf32, #tpu.memory_space<hbm>>
    %dma_wait3A_1049 = tpu.memref_squeeze %dma_wait3A_1048 : memref<1x128x128xf32, #tpu.memory_space<hbm>> -> memref<128x128xf32, #tpu.memory_space<hbm>>
    %dma_wait3A_1050 = arith.constant 0 : i32
    %dma_wait3A_1051 = tpu.memref_slice %arg4[%dma_wait3A_1042, %mul3A_2, %dma_wait3A_1050] : memref<50x4096x128xf32, #tpu.memory_space<hbm>> -> memref<1x128x128xf32, #tpu.memory_space<hbm>>
    %dma_wait3A_1052 = tpu.memref_squeeze %dma_wait3A_1051 : memref<1x128x128xf32, #tpu.memory_space<hbm>> -> memref<128x128xf32, #tpu.memory_space<hbm>>
    %dma_wait3A_1053 = arith.constant 0 : i32
    %dma_wait3A_1054 = arith.constant 0 : i32
    %dma_wait3A_1055 = tpu.memref_slice %arg6[%dma_wait3A_1041, %dma_wait3A_1053, %dma_wait3A_1054] : memref<4x128x128xf32, #tpu.memory_space<vmem>> -> memref<1x128x128xf32, #tpu.memory_space<vmem>>
    %dma_wait3A_1056 = tpu.memref_squeeze %dma_wait3A_1055 : memref<1x128x128xf32, #tpu.memory_space<vmem>> -> memref<128x128xf32, #tpu.memory_space<vmem>>
    tpu.wait_dma2 semaphore(%arg12 : memref<!tpu.dma_semaphore, #tpu.memory_space<semaphore_mem>>) src(%dma_wait3A_1056 : memref<128x128xf32, #tpu.memory_space<vmem>>) dst(%dma_wait3A_1052 : memref<128x128xf32, #tpu.memory_space<hbm>>)
    %dma_start3A_1057 = arith.constant 21 : i32
    %dma_start3A_1058 = arith.constant 1 : i32
    %dma_start3A_1059 = arith.constant 0 : i32
    %dma_start3A_1060 = arith.constant 0 : i32
    %dma_start3A_1061 = tpu.memref_slice %arg6[%dma_start3A_1058, %dma_start3A_1059, %dma_start3A_1060] : memref<4x128x128xf32, #tpu.memory_space<vmem>> -> memref<1x128x128xf32, #tpu.memory_space<vmem>>
    %dma_start3A_1062 = tpu.memref_squeeze %dma_start3A_1061 : memref<1x128x128xf32, #tpu.memory_space<vmem>> -> memref<128x128xf32, #tpu.memory_space<vmem>>
    %dma_start3A_1063 = arith.constant 0 : i32
    %dma_start3A_1064 = tpu.memref_slice %arg5[%dma_start3A_1057, %dma_start3A_1063] : memref<50x128xi32, #tpu.memory_space<vmem>> -> memref<1x128xi32, #tpu.memory_space<vmem>>
    %dma_start3A_1065 = tpu.memref_squeeze %dma_start3A_1064 : memref<1x128xi32, #tpu.memory_space<vmem>> -> memref<128xi32, #tpu.memory_space<vmem>>
    %dma_start3A_1066 = arith.constant 0 : i32
    %dma_start3A_1067 = arith.constant 0 : i32
    %dma_start3A_1068 = tpu.memref_slice %arg3[%dma_start3A_1066, %dma_start3A_1067] : memref<100000x128xf32, #tpu.memory_space<hbm>> -> memref<100000x128xf32, #tpu.memory_space<hbm>>
    tpu.enqueue_indirect_dma source(%dma_start3A_1068 : memref<100000x128xf32, #tpu.memory_space<hbm>>) target(%dma_start3A_1062 : memref<128x128xf32, #tpu.memory_space<vmem>>) offsets(%dma_start3A_1065 : memref<128xi32, #tpu.memory_space<vmem>>) semaphore(%arg8 : memref<!tpu.dma_semaphore, #tpu.memory_space<semaphore_mem>>)
    %dma_start3A_1069 = arith.constant 2 : i32
    %dma_start3A_1070 = arith.constant 18 : i32
    %dma_start3A_1071 = arith.constant 0 : i32
    %dma_start3A_1072 = arith.constant 0 : i32
    %dma_start3A_1073 = tpu.memref_slice %arg6[%dma_start3A_1069, %dma_start3A_1071, %dma_start3A_1072] : memref<4x128x128xf32, #tpu.memory_space<vmem>> -> memref<1x128x128xf32, #tpu.memory_space<vmem>>
    %dma_start3A_1074 = tpu.memref_squeeze %dma_start3A_1073 : memref<1x128x128xf32, #tpu.memory_space<vmem>> -> memref<128x128xf32, #tpu.memory_space<vmem>>
    %dma_start3A_1075 = arith.constant 0 : i32
    %dma_start3A_1076 = tpu.memref_slice %arg4[%dma_start3A_1070, %mul3A_2, %dma_start3A_1075] : memref<50x4096x128xf32, #tpu.memory_space<hbm>> -> memref<1x128x128xf32, #tpu.memory_space<hbm>>
    %dma_start3A_1077 = tpu.memref_squeeze %dma_start3A_1076 : memref<1x128x128xf32, #tpu.memory_space<hbm>> -> memref<128x128xf32, #tpu.memory_space<hbm>>
    %dma_start3A_1078 = arith.constant 0 : i32
    %dma_start3A_1079 = tpu.memref_slice %arg4[%dma_start3A_1070, %mul3A_2, %dma_start3A_1078] : memref<50x4096x128xf32, #tpu.memory_space<hbm>> -> memref<1x128x128xf32, #tpu.memory_space<hbm>>
    %dma_start3A_1080 = tpu.memref_squeeze %dma_start3A_1079 : memref<1x128x128xf32, #tpu.memory_space<hbm>> -> memref<128x128xf32, #tpu.memory_space<hbm>>
    %dma_start3A_1081 = arith.constant 0 : i32
    %dma_start3A_1082 = arith.constant 0 : i32
    %dma_start3A_1083 = tpu.memref_slice %arg6[%dma_start3A_1069, %dma_start3A_1081, %dma_start3A_1082] : memref<4x128x128xf32, #tpu.memory_space<vmem>> -> memref<1x128x128xf32, #tpu.memory_space<vmem>>
    %dma_start3A_1084 = tpu.memref_squeeze %dma_start3A_1083 : memref<1x128x128xf32, #tpu.memory_space<vmem>> -> memref<128x128xf32, #tpu.memory_space<vmem>>
    tpu.enqueue_dma source(%dma_start3A_1084 : memref<128x128xf32, #tpu.memory_space<vmem>>) target(%dma_start3A_1080 : memref<128x128xf32, #tpu.memory_space<hbm>>) target_semaphore(%arg13 : memref<!tpu.dma_semaphore, #tpu.memory_space<semaphore_mem>>)
    %dma_wait3A_1085 = arith.constant 19 : i32
    %dma_wait3A_1086 = arith.constant 3 : i32
    %dma_wait3A_1087 = arith.constant 0 : i32
    %dma_wait3A_1088 = arith.constant 0 : i32
    %dma_wait3A_1089 = tpu.memref_slice %arg6[%dma_wait3A_1086, %dma_wait3A_1087, %dma_wait3A_1088] : memref<4x128x128xf32, #tpu.memory_space<vmem>> -> memref<1x128x128xf32, #tpu.memory_space<vmem>>
    %dma_wait3A_1090 = tpu.memref_squeeze %dma_wait3A_1089 : memref<1x128x128xf32, #tpu.memory_space<vmem>> -> memref<128x128xf32, #tpu.memory_space<vmem>>
    %dma_wait3A_1091 = arith.constant 0 : i32
    %dma_wait3A_1092 = tpu.memref_slice %arg5[%dma_wait3A_1085, %dma_wait3A_1091] : memref<50x128xi32, #tpu.memory_space<vmem>> -> memref<1x128xi32, #tpu.memory_space<vmem>>
    %dma_wait3A_1093 = tpu.memref_squeeze %dma_wait3A_1092 : memref<1x128xi32, #tpu.memory_space<vmem>> -> memref<128xi32, #tpu.memory_space<vmem>>
    %dma_wait3A_1094 = arith.constant 0 : i32
    %dma_wait3A_1095 = arith.constant 0 : i32
    %dma_wait3A_1096 = tpu.memref_slice %arg3[%dma_wait3A_1094, %dma_wait3A_1095] : memref<100000x128xf32, #tpu.memory_space<hbm>> -> memref<100000x128xf32, #tpu.memory_space<hbm>>
    tpu.wait_indirect_dma semaphore(%arg10 : memref<!tpu.dma_semaphore, #tpu.memory_space<semaphore_mem>>) src(%dma_wait3A_1096 : memref<100000x128xf32, #tpu.memory_space<hbm>>) dst(%dma_wait3A_1090 : memref<128x128xf32, #tpu.memory_space<vmem>>)
    %dma_wait3A_1097 = arith.constant 2 : i32
    %dma_wait3A_1098 = arith.constant 18 : i32
    %dma_wait3A_1099 = arith.constant 0 : i32
    %dma_wait3A_1100 = arith.constant 0 : i32
    %dma_wait3A_1101 = tpu.memref_slice %arg6[%dma_wait3A_1097, %dma_wait3A_1099, %dma_wait3A_1100] : memref<4x128x128xf32, #tpu.memory_space<vmem>> -> memref<1x128x128xf32, #tpu.memory_space<vmem>>
    %dma_wait3A_1102 = tpu.memref_squeeze %dma_wait3A_1101 : memref<1x128x128xf32, #tpu.memory_space<vmem>> -> memref<128x128xf32, #tpu.memory_space<vmem>>
    %dma_wait3A_1103 = arith.constant 0 : i32
    %dma_wait3A_1104 = tpu.memref_slice %arg4[%dma_wait3A_1098, %mul3A_2, %dma_wait3A_1103] : memref<50x4096x128xf32, #tpu.memory_space<hbm>> -> memref<1x128x128xf32, #tpu.memory_space<hbm>>
    %dma_wait3A_1105 = tpu.memref_squeeze %dma_wait3A_1104 : memref<1x128x128xf32, #tpu.memory_space<hbm>> -> memref<128x128xf32, #tpu.memory_space<hbm>>
    %dma_wait3A_1106 = arith.constant 0 : i32
    %dma_wait3A_1107 = tpu.memref_slice %arg4[%dma_wait3A_1098, %mul3A_2, %dma_wait3A_1106] : memref<50x4096x128xf32, #tpu.memory_space<hbm>> -> memref<1x128x128xf32, #tpu.memory_space<hbm>>
    %dma_wait3A_1108 = tpu.memref_squeeze %dma_wait3A_1107 : memref<1x128x128xf32, #tpu.memory_space<hbm>> -> memref<128x128xf32, #tpu.memory_space<hbm>>
    %dma_wait3A_1109 = arith.constant 0 : i32
    %dma_wait3A_1110 = arith.constant 0 : i32
    %dma_wait3A_1111 = tpu.memref_slice %arg6[%dma_wait3A_1097, %dma_wait3A_1109, %dma_wait3A_1110] : memref<4x128x128xf32, #tpu.memory_space<vmem>> -> memref<1x128x128xf32, #tpu.memory_space<vmem>>
    %dma_wait3A_1112 = tpu.memref_squeeze %dma_wait3A_1111 : memref<1x128x128xf32, #tpu.memory_space<vmem>> -> memref<128x128xf32, #tpu.memory_space<vmem>>
    tpu.wait_dma2 semaphore(%arg13 : memref<!tpu.dma_semaphore, #tpu.memory_space<semaphore_mem>>) src(%dma_wait3A_1112 : memref<128x128xf32, #tpu.memory_space<vmem>>) dst(%dma_wait3A_1108 : memref<128x128xf32, #tpu.memory_space<hbm>>)
    %dma_start3A_1113 = arith.constant 22 : i32
    %dma_start3A_1114 = arith.constant 2 : i32
    %dma_start3A_1115 = arith.constant 0 : i32
    %dma_start3A_1116 = arith.constant 0 : i32
    %dma_start3A_1117 = tpu.memref_slice %arg6[%dma_start3A_1114, %dma_start3A_1115, %dma_start3A_1116] : memref<4x128x128xf32, #tpu.memory_space<vmem>> -> memref<1x128x128xf32, #tpu.memory_space<vmem>>
    %dma_start3A_1118 = tpu.memref_squeeze %dma_start3A_1117 : memref<1x128x128xf32, #tpu.memory_space<vmem>> -> memref<128x128xf32, #tpu.memory_space<vmem>>
    %dma_start3A_1119 = arith.constant 0 : i32
    %dma_start3A_1120 = tpu.memref_slice %arg5[%dma_start3A_1113, %dma_start3A_1119] : memref<50x128xi32, #tpu.memory_space<vmem>> -> memref<1x128xi32, #tpu.memory_space<vmem>>
    %dma_start3A_1121 = tpu.memref_squeeze %dma_start3A_1120 : memref<1x128xi32, #tpu.memory_space<vmem>> -> memref<128xi32, #tpu.memory_space<vmem>>
    %dma_start3A_1122 = arith.constant 0 : i32
    %dma_start3A_1123 = arith.constant 0 : i32
    %dma_start3A_1124 = tpu.memref_slice %arg3[%dma_start3A_1122, %dma_start3A_1123] : memref<100000x128xf32, #tpu.memory_space<hbm>> -> memref<100000x128xf32, #tpu.memory_space<hbm>>
    tpu.enqueue_indirect_dma source(%dma_start3A_1124 : memref<100000x128xf32, #tpu.memory_space<hbm>>) target(%dma_start3A_1118 : memref<128x128xf32, #tpu.memory_space<vmem>>) offsets(%dma_start3A_1121 : memref<128xi32, #tpu.memory_space<vmem>>) semaphore(%arg9 : memref<!tpu.dma_semaphore, #tpu.memory_space<semaphore_mem>>)
    %dma_start3A_1125 = arith.constant 3 : i32
    %dma_start3A_1126 = arith.constant 19 : i32
    %dma_start3A_1127 = arith.constant 0 : i32
    %dma_start3A_1128 = arith.constant 0 : i32
    %dma_start3A_1129 = tpu.memref_slice %arg6[%dma_start3A_1125, %dma_start3A_1127, %dma_start3A_1128] : memref<4x128x128xf32, #tpu.memory_space<vmem>> -> memref<1x128x128xf32, #tpu.memory_space<vmem>>
    %dma_start3A_1130 = tpu.memref_squeeze %dma_start3A_1129 : memref<1x128x128xf32, #tpu.memory_space<vmem>> -> memref<128x128xf32, #tpu.memory_space<vmem>>
    %dma_start3A_1131 = arith.constant 0 : i32
    %dma_start3A_1132 = tpu.memref_slice %arg4[%dma_start3A_1126, %mul3A_2, %dma_start3A_1131] : memref<50x4096x128xf32, #tpu.memory_space<hbm>> -> memref<1x128x128xf32, #tpu.memory_space<hbm>>
    %dma_start3A_1133 = tpu.memref_squeeze %dma_start3A_1132 : memref<1x128x128xf32, #tpu.memory_space<hbm>> -> memref<128x128xf32, #tpu.memory_space<hbm>>
    %dma_start3A_1134 = arith.constant 0 : i32
    %dma_start3A_1135 = tpu.memref_slice %arg4[%dma_start3A_1126, %mul3A_2, %dma_start3A_1134] : memref<50x4096x128xf32, #tpu.memory_space<hbm>> -> memref<1x128x128xf32, #tpu.memory_space<hbm>>
    %dma_start3A_1136 = tpu.memref_squeeze %dma_start3A_1135 : memref<1x128x128xf32, #tpu.memory_space<hbm>> -> memref<128x128xf32, #tpu.memory_space<hbm>>
    %dma_start3A_1137 = arith.constant 0 : i32
    %dma_start3A_1138 = arith.constant 0 : i32
    %dma_start3A_1139 = tpu.memref_slice %arg6[%dma_start3A_1125, %dma_start3A_1137, %dma_start3A_1138] : memref<4x128x128xf32, #tpu.memory_space<vmem>> -> memref<1x128x128xf32, #tpu.memory_space<vmem>>
    %dma_start3A_1140 = tpu.memref_squeeze %dma_start3A_1139 : memref<1x128x128xf32, #tpu.memory_space<vmem>> -> memref<128x128xf32, #tpu.memory_space<vmem>>
    tpu.enqueue_dma source(%dma_start3A_1140 : memref<128x128xf32, #tpu.memory_space<vmem>>) target(%dma_start3A_1136 : memref<128x128xf32, #tpu.memory_space<hbm>>) target_semaphore(%arg14 : memref<!tpu.dma_semaphore, #tpu.memory_space<semaphore_mem>>)
    %dma_wait3A_1141 = arith.constant 20 : i32
    %dma_wait3A_1142 = arith.constant 0 : i32
    %dma_wait3A_1143 = arith.constant 0 : i32
    %dma_wait3A_1144 = arith.constant 0 : i32
    %dma_wait3A_1145 = tpu.memref_slice %arg6[%dma_wait3A_1142, %dma_wait3A_1143, %dma_wait3A_1144] : memref<4x128x128xf32, #tpu.memory_space<vmem>> -> memref<1x128x128xf32, #tpu.memory_space<vmem>>
    %dma_wait3A_1146 = tpu.memref_squeeze %dma_wait3A_1145 : memref<1x128x128xf32, #tpu.memory_space<vmem>> -> memref<128x128xf32, #tpu.memory_space<vmem>>
    %dma_wait3A_1147 = arith.constant 0 : i32
    %dma_wait3A_1148 = tpu.memref_slice %arg5[%dma_wait3A_1141, %dma_wait3A_1147] : memref<50x128xi32, #tpu.memory_space<vmem>> -> memref<1x128xi32, #tpu.memory_space<vmem>>
    %dma_wait3A_1149 = tpu.memref_squeeze %dma_wait3A_1148 : memref<1x128xi32, #tpu.memory_space<vmem>> -> memref<128xi32, #tpu.memory_space<vmem>>
    %dma_wait3A_1150 = arith.constant 0 : i32
    %dma_wait3A_1151 = arith.constant 0 : i32
    %dma_wait3A_1152 = tpu.memref_slice %arg3[%dma_wait3A_1150, %dma_wait3A_1151] : memref<100000x128xf32, #tpu.memory_space<hbm>> -> memref<100000x128xf32, #tpu.memory_space<hbm>>
    tpu.wait_indirect_dma semaphore(%arg7 : memref<!tpu.dma_semaphore, #tpu.memory_space<semaphore_mem>>) src(%dma_wait3A_1152 : memref<100000x128xf32, #tpu.memory_space<hbm>>) dst(%dma_wait3A_1146 : memref<128x128xf32, #tpu.memory_space<vmem>>)
    %dma_wait3A_1153 = arith.constant 3 : i32
    %dma_wait3A_1154 = arith.constant 19 : i32
    %dma_wait3A_1155 = arith.constant 0 : i32
    %dma_wait3A_1156 = arith.constant 0 : i32
    %dma_wait3A_1157 = tpu.memref_slice %arg6[%dma_wait3A_1153, %dma_wait3A_1155, %dma_wait3A_1156] : memref<4x128x128xf32, #tpu.memory_space<vmem>> -> memref<1x128x128xf32, #tpu.memory_space<vmem>>
    %dma_wait3A_1158 = tpu.memref_squeeze %dma_wait3A_1157 : memref<1x128x128xf32, #tpu.memory_space<vmem>> -> memref<128x128xf32, #tpu.memory_space<vmem>>
    %dma_wait3A_1159 = arith.constant 0 : i32
    %dma_wait3A_1160 = tpu.memref_slice %arg4[%dma_wait3A_1154, %mul3A_2, %dma_wait3A_1159] : memref<50x4096x128xf32, #tpu.memory_space<hbm>> -> memref<1x128x128xf32, #tpu.memory_space<hbm>>
    %dma_wait3A_1161 = tpu.memref_squeeze %dma_wait3A_1160 : memref<1x128x128xf32, #tpu.memory_space<hbm>> -> memref<128x128xf32, #tpu.memory_space<hbm>>
    %dma_wait3A_1162 = arith.constant 0 : i32
    %dma_wait3A_1163 = tpu.memref_slice %arg4[%dma_wait3A_1154, %mul3A_2, %dma_wait3A_1162] : memref<50x4096x128xf32, #tpu.memory_space<hbm>> -> memref<1x128x128xf32, #tpu.memory_space<hbm>>
    %dma_wait3A_1164 = tpu.memref_squeeze %dma_wait3A_1163 : memref<1x128x128xf32, #tpu.memory_space<hbm>> -> memref<128x128xf32, #tpu.memory_space<hbm>>
    %dma_wait3A_1165 = arith.constant 0 : i32
    %dma_wait3A_1166 = arith.constant 0 : i32
    %dma_wait3A_1167 = tpu.memref_slice %arg6[%dma_wait3A_1153, %dma_wait3A_1165, %dma_wait3A_1166] : memref<4x128x128xf32, #tpu.memory_space<vmem>> -> memref<1x128x128xf32, #tpu.memory_space<vmem>>
    %dma_wait3A_1168 = tpu.memref_squeeze %dma_wait3A_1167 : memref<1x128x128xf32, #tpu.memory_space<vmem>> -> memref<128x128xf32, #tpu.memory_space<vmem>>
    tpu.wait_dma2 semaphore(%arg14 : memref<!tpu.dma_semaphore, #tpu.memory_space<semaphore_mem>>) src(%dma_wait3A_1168 : memref<128x128xf32, #tpu.memory_space<vmem>>) dst(%dma_wait3A_1164 : memref<128x128xf32, #tpu.memory_space<hbm>>)
    %dma_start3A_1169 = arith.constant 23 : i32
    %dma_start3A_1170 = arith.constant 3 : i32
    %dma_start3A_1171 = arith.constant 0 : i32
    %dma_start3A_1172 = arith.constant 0 : i32
    %dma_start3A_1173 = tpu.memref_slice %arg6[%dma_start3A_1170, %dma_start3A_1171, %dma_start3A_1172] : memref<4x128x128xf32, #tpu.memory_space<vmem>> -> memref<1x128x128xf32, #tpu.memory_space<vmem>>
    %dma_start3A_1174 = tpu.memref_squeeze %dma_start3A_1173 : memref<1x128x128xf32, #tpu.memory_space<vmem>> -> memref<128x128xf32, #tpu.memory_space<vmem>>
    %dma_start3A_1175 = arith.constant 0 : i32
    %dma_start3A_1176 = tpu.memref_slice %arg5[%dma_start3A_1169, %dma_start3A_1175] : memref<50x128xi32, #tpu.memory_space<vmem>> -> memref<1x128xi32, #tpu.memory_space<vmem>>
    %dma_start3A_1177 = tpu.memref_squeeze %dma_start3A_1176 : memref<1x128xi32, #tpu.memory_space<vmem>> -> memref<128xi32, #tpu.memory_space<vmem>>
    %dma_start3A_1178 = arith.constant 0 : i32
    %dma_start3A_1179 = arith.constant 0 : i32
    %dma_start3A_1180 = tpu.memref_slice %arg3[%dma_start3A_1178, %dma_start3A_1179] : memref<100000x128xf32, #tpu.memory_space<hbm>> -> memref<100000x128xf32, #tpu.memory_space<hbm>>
    tpu.enqueue_indirect_dma source(%dma_start3A_1180 : memref<100000x128xf32, #tpu.memory_space<hbm>>) target(%dma_start3A_1174 : memref<128x128xf32, #tpu.memory_space<vmem>>) offsets(%dma_start3A_1177 : memref<128xi32, #tpu.memory_space<vmem>>) semaphore(%arg10 : memref<!tpu.dma_semaphore, #tpu.memory_space<semaphore_mem>>)
    %dma_start3A_1181 = arith.constant 0 : i32
    %dma_start3A_1182 = arith.constant 20 : i32
    %dma_start3A_1183 = arith.constant 0 : i32
    %dma_start3A_1184 = arith.constant 0 : i32
    %dma_start3A_1185 = tpu.memref_slice %arg6[%dma_start3A_1181, %dma_start3A_1183, %dma_start3A_1184] : memref<4x128x128xf32, #tpu.memory_space<vmem>> -> memref<1x128x128xf32, #tpu.memory_space<vmem>>
    %dma_start3A_1186 = tpu.memref_squeeze %dma_start3A_1185 : memref<1x128x128xf32, #tpu.memory_space<vmem>> -> memref<128x128xf32, #tpu.memory_space<vmem>>
    %dma_start3A_1187 = arith.constant 0 : i32
    %dma_start3A_1188 = tpu.memref_slice %arg4[%dma_start3A_1182, %mul3A_2, %dma_start3A_1187] : memref<50x4096x128xf32, #tpu.memory_space<hbm>> -> memref<1x128x128xf32, #tpu.memory_space<hbm>>
    %dma_start3A_1189 = tpu.memref_squeeze %dma_start3A_1188 : memref<1x128x128xf32, #tpu.memory_space<hbm>> -> memref<128x128xf32, #tpu.memory_space<hbm>>
    %dma_start3A_1190 = arith.constant 0 : i32
    %dma_start3A_1191 = tpu.memref_slice %arg4[%dma_start3A_1182, %mul3A_2, %dma_start3A_1190] : memref<50x4096x128xf32, #tpu.memory_space<hbm>> -> memref<1x128x128xf32, #tpu.memory_space<hbm>>
    %dma_start3A_1192 = tpu.memref_squeeze %dma_start3A_1191 : memref<1x128x128xf32, #tpu.memory_space<hbm>> -> memref<128x128xf32, #tpu.memory_space<hbm>>
    %dma_start3A_1193 = arith.constant 0 : i32
    %dma_start3A_1194 = arith.constant 0 : i32
    %dma_start3A_1195 = tpu.memref_slice %arg6[%dma_start3A_1181, %dma_start3A_1193, %dma_start3A_1194] : memref<4x128x128xf32, #tpu.memory_space<vmem>> -> memref<1x128x128xf32, #tpu.memory_space<vmem>>
    %dma_start3A_1196 = tpu.memref_squeeze %dma_start3A_1195 : memref<1x128x128xf32, #tpu.memory_space<vmem>> -> memref<128x128xf32, #tpu.memory_space<vmem>>
    tpu.enqueue_dma source(%dma_start3A_1196 : memref<128x128xf32, #tpu.memory_space<vmem>>) target(%dma_start3A_1192 : memref<128x128xf32, #tpu.memory_space<hbm>>) target_semaphore(%arg11 : memref<!tpu.dma_semaphore, #tpu.memory_space<semaphore_mem>>)
    %dma_wait3A_1197 = arith.constant 21 : i32
    %dma_wait3A_1198 = arith.constant 1 : i32
    %dma_wait3A_1199 = arith.constant 0 : i32
    %dma_wait3A_1200 = arith.constant 0 : i32
    %dma_wait3A_1201 = tpu.memref_slice %arg6[%dma_wait3A_1198, %dma_wait3A_1199, %dma_wait3A_1200] : memref<4x128x128xf32, #tpu.memory_space<vmem>> -> memref<1x128x128xf32, #tpu.memory_space<vmem>>
    %dma_wait3A_1202 = tpu.memref_squeeze %dma_wait3A_1201 : memref<1x128x128xf32, #tpu.memory_space<vmem>> -> memref<128x128xf32, #tpu.memory_space<vmem>>
    %dma_wait3A_1203 = arith.constant 0 : i32
    %dma_wait3A_1204 = tpu.memref_slice %arg5[%dma_wait3A_1197, %dma_wait3A_1203] : memref<50x128xi32, #tpu.memory_space<vmem>> -> memref<1x128xi32, #tpu.memory_space<vmem>>
    %dma_wait3A_1205 = tpu.memref_squeeze %dma_wait3A_1204 : memref<1x128xi32, #tpu.memory_space<vmem>> -> memref<128xi32, #tpu.memory_space<vmem>>
    %dma_wait3A_1206 = arith.constant 0 : i32
    %dma_wait3A_1207 = arith.constant 0 : i32
    %dma_wait3A_1208 = tpu.memref_slice %arg3[%dma_wait3A_1206, %dma_wait3A_1207] : memref<100000x128xf32, #tpu.memory_space<hbm>> -> memref<100000x128xf32, #tpu.memory_space<hbm>>
    tpu.wait_indirect_dma semaphore(%arg8 : memref<!tpu.dma_semaphore, #tpu.memory_space<semaphore_mem>>) src(%dma_wait3A_1208 : memref<100000x128xf32, #tpu.memory_space<hbm>>) dst(%dma_wait3A_1202 : memref<128x128xf32, #tpu.memory_space<vmem>>)
    %dma_wait3A_1209 = arith.constant 0 : i32
    %dma_wait3A_1210 = arith.constant 20 : i32
    %dma_wait3A_1211 = arith.constant 0 : i32
    %dma_wait3A_1212 = arith.constant 0 : i32
    %dma_wait3A_1213 = tpu.memref_slice %arg6[%dma_wait3A_1209, %dma_wait3A_1211, %dma_wait3A_1212] : memref<4x128x128xf32, #tpu.memory_space<vmem>> -> memref<1x128x128xf32, #tpu.memory_space<vmem>>
    %dma_wait3A_1214 = tpu.memref_squeeze %dma_wait3A_1213 : memref<1x128x128xf32, #tpu.memory_space<vmem>> -> memref<128x128xf32, #tpu.memory_space<vmem>>
    %dma_wait3A_1215 = arith.constant 0 : i32
    %dma_wait3A_1216 = tpu.memref_slice %arg4[%dma_wait3A_1210, %mul3A_2, %dma_wait3A_1215] : memref<50x4096x128xf32, #tpu.memory_space<hbm>> -> memref<1x128x128xf32, #tpu.memory_space<hbm>>
    %dma_wait3A_1217 = tpu.memref_squeeze %dma_wait3A_1216 : memref<1x128x128xf32, #tpu.memory_space<hbm>> -> memref<128x128xf32, #tpu.memory_space<hbm>>
    %dma_wait3A_1218 = arith.constant 0 : i32
    %dma_wait3A_1219 = tpu.memref_slice %arg4[%dma_wait3A_1210, %mul3A_2, %dma_wait3A_1218] : memref<50x4096x128xf32, #tpu.memory_space<hbm>> -> memref<1x128x128xf32, #tpu.memory_space<hbm>>
    %dma_wait3A_1220 = tpu.memref_squeeze %dma_wait3A_1219 : memref<1x128x128xf32, #tpu.memory_space<hbm>> -> memref<128x128xf32, #tpu.memory_space<hbm>>
    %dma_wait3A_1221 = arith.constant 0 : i32
    %dma_wait3A_1222 = arith.constant 0 : i32
    %dma_wait3A_1223 = tpu.memref_slice %arg6[%dma_wait3A_1209, %dma_wait3A_1221, %dma_wait3A_1222] : memref<4x128x128xf32, #tpu.memory_space<vmem>> -> memref<1x128x128xf32, #tpu.memory_space<vmem>>
    %dma_wait3A_1224 = tpu.memref_squeeze %dma_wait3A_1223 : memref<1x128x128xf32, #tpu.memory_space<vmem>> -> memref<128x128xf32, #tpu.memory_space<vmem>>
    tpu.wait_dma2 semaphore(%arg11 : memref<!tpu.dma_semaphore, #tpu.memory_space<semaphore_mem>>) src(%dma_wait3A_1224 : memref<128x128xf32, #tpu.memory_space<vmem>>) dst(%dma_wait3A_1220 : memref<128x128xf32, #tpu.memory_space<hbm>>)
    %dma_start3A_1225 = arith.constant 24 : i32
    %dma_start3A_1226 = arith.constant 0 : i32
    %dma_start3A_1227 = arith.constant 0 : i32
    %dma_start3A_1228 = arith.constant 0 : i32
    %dma_start3A_1229 = tpu.memref_slice %arg6[%dma_start3A_1226, %dma_start3A_1227, %dma_start3A_1228] : memref<4x128x128xf32, #tpu.memory_space<vmem>> -> memref<1x128x128xf32, #tpu.memory_space<vmem>>
    %dma_start3A_1230 = tpu.memref_squeeze %dma_start3A_1229 : memref<1x128x128xf32, #tpu.memory_space<vmem>> -> memref<128x128xf32, #tpu.memory_space<vmem>>
    %dma_start3A_1231 = arith.constant 0 : i32
    %dma_start3A_1232 = tpu.memref_slice %arg5[%dma_start3A_1225, %dma_start3A_1231] : memref<50x128xi32, #tpu.memory_space<vmem>> -> memref<1x128xi32, #tpu.memory_space<vmem>>
    %dma_start3A_1233 = tpu.memref_squeeze %dma_start3A_1232 : memref<1x128xi32, #tpu.memory_space<vmem>> -> memref<128xi32, #tpu.memory_space<vmem>>
    %dma_start3A_1234 = arith.constant 0 : i32
    %dma_start3A_1235 = arith.constant 0 : i32
    %dma_start3A_1236 = tpu.memref_slice %arg3[%dma_start3A_1234, %dma_start3A_1235] : memref<100000x128xf32, #tpu.memory_space<hbm>> -> memref<100000x128xf32, #tpu.memory_space<hbm>>
    tpu.enqueue_indirect_dma source(%dma_start3A_1236 : memref<100000x128xf32, #tpu.memory_space<hbm>>) target(%dma_start3A_1230 : memref<128x128xf32, #tpu.memory_space<vmem>>) offsets(%dma_start3A_1233 : memref<128xi32, #tpu.memory_space<vmem>>) semaphore(%arg7 : memref<!tpu.dma_semaphore, #tpu.memory_space<semaphore_mem>>)
    %dma_start3A_1237 = arith.constant 1 : i32
    %dma_start3A_1238 = arith.constant 21 : i32
    %dma_start3A_1239 = arith.constant 0 : i32
    %dma_start3A_1240 = arith.constant 0 : i32
    %dma_start3A_1241 = tpu.memref_slice %arg6[%dma_start3A_1237, %dma_start3A_1239, %dma_start3A_1240] : memref<4x128x128xf32, #tpu.memory_space<vmem>> -> memref<1x128x128xf32, #tpu.memory_space<vmem>>
    %dma_start3A_1242 = tpu.memref_squeeze %dma_start3A_1241 : memref<1x128x128xf32, #tpu.memory_space<vmem>> -> memref<128x128xf32, #tpu.memory_space<vmem>>
    %dma_start3A_1243 = arith.constant 0 : i32
    %dma_start3A_1244 = tpu.memref_slice %arg4[%dma_start3A_1238, %mul3A_2, %dma_start3A_1243] : memref<50x4096x128xf32, #tpu.memory_space<hbm>> -> memref<1x128x128xf32, #tpu.memory_space<hbm>>
    %dma_start3A_1245 = tpu.memref_squeeze %dma_start3A_1244 : memref<1x128x128xf32, #tpu.memory_space<hbm>> -> memref<128x128xf32, #tpu.memory_space<hbm>>
    %dma_start3A_1246 = arith.constant 0 : i32
    %dma_start3A_1247 = tpu.memref_slice %arg4[%dma_start3A_1238, %mul3A_2, %dma_start3A_1246] : memref<50x4096x128xf32, #tpu.memory_space<hbm>> -> memref<1x128x128xf32, #tpu.memory_space<hbm>>
    %dma_start3A_1248 = tpu.memref_squeeze %dma_start3A_1247 : memref<1x128x128xf32, #tpu.memory_space<hbm>> -> memref<128x128xf32, #tpu.memory_space<hbm>>
    %dma_start3A_1249 = arith.constant 0 : i32
    %dma_start3A_1250 = arith.constant 0 : i32
    %dma_start3A_1251 = tpu.memref_slice %arg6[%dma_start3A_1237, %dma_start3A_1249, %dma_start3A_1250] : memref<4x128x128xf32, #tpu.memory_space<vmem>> -> memref<1x128x128xf32, #tpu.memory_space<vmem>>
    %dma_start3A_1252 = tpu.memref_squeeze %dma_start3A_1251 : memref<1x128x128xf32, #tpu.memory_space<vmem>> -> memref<128x128xf32, #tpu.memory_space<vmem>>
    tpu.enqueue_dma source(%dma_start3A_1252 : memref<128x128xf32, #tpu.memory_space<vmem>>) target(%dma_start3A_1248 : memref<128x128xf32, #tpu.memory_space<hbm>>) target_semaphore(%arg12 : memref<!tpu.dma_semaphore, #tpu.memory_space<semaphore_mem>>)
    %dma_wait3A_1253 = arith.constant 22 : i32
    %dma_wait3A_1254 = arith.constant 2 : i32
    %dma_wait3A_1255 = arith.constant 0 : i32
    %dma_wait3A_1256 = arith.constant 0 : i32
    %dma_wait3A_1257 = tpu.memref_slice %arg6[%dma_wait3A_1254, %dma_wait3A_1255, %dma_wait3A_1256] : memref<4x128x128xf32, #tpu.memory_space<vmem>> -> memref<1x128x128xf32, #tpu.memory_space<vmem>>
    %dma_wait3A_1258 = tpu.memref_squeeze %dma_wait3A_1257 : memref<1x128x128xf32, #tpu.memory_space<vmem>> -> memref<128x128xf32, #tpu.memory_space<vmem>>
    %dma_wait3A_1259 = arith.constant 0 : i32
    %dma_wait3A_1260 = tpu.memref_slice %arg5[%dma_wait3A_1253, %dma_wait3A_1259] : memref<50x128xi32, #tpu.memory_space<vmem>> -> memref<1x128xi32, #tpu.memory_space<vmem>>
    %dma_wait3A_1261 = tpu.memref_squeeze %dma_wait3A_1260 : memref<1x128xi32, #tpu.memory_space<vmem>> -> memref<128xi32, #tpu.memory_space<vmem>>
    %dma_wait3A_1262 = arith.constant 0 : i32
    %dma_wait3A_1263 = arith.constant 0 : i32
    %dma_wait3A_1264 = tpu.memref_slice %arg3[%dma_wait3A_1262, %dma_wait3A_1263] : memref<100000x128xf32, #tpu.memory_space<hbm>> -> memref<100000x128xf32, #tpu.memory_space<hbm>>
    tpu.wait_indirect_dma semaphore(%arg9 : memref<!tpu.dma_semaphore, #tpu.memory_space<semaphore_mem>>) src(%dma_wait3A_1264 : memref<100000x128xf32, #tpu.memory_space<hbm>>) dst(%dma_wait3A_1258 : memref<128x128xf32, #tpu.memory_space<vmem>>)
    %dma_wait3A_1265 = arith.constant 1 : i32
    %dma_wait3A_1266 = arith.constant 21 : i32
    %dma_wait3A_1267 = arith.constant 0 : i32
    %dma_wait3A_1268 = arith.constant 0 : i32
    %dma_wait3A_1269 = tpu.memref_slice %arg6[%dma_wait3A_1265, %dma_wait3A_1267, %dma_wait3A_1268] : memref<4x128x128xf32, #tpu.memory_space<vmem>> -> memref<1x128x128xf32, #tpu.memory_space<vmem>>
    %dma_wait3A_1270 = tpu.memref_squeeze %dma_wait3A_1269 : memref<1x128x128xf32, #tpu.memory_space<vmem>> -> memref<128x128xf32, #tpu.memory_space<vmem>>
    %dma_wait3A_1271 = arith.constant 0 : i32
    %dma_wait3A_1272 = tpu.memref_slice %arg4[%dma_wait3A_1266, %mul3A_2, %dma_wait3A_1271] : memref<50x4096x128xf32, #tpu.memory_space<hbm>> -> memref<1x128x128xf32, #tpu.memory_space<hbm>>
    %dma_wait3A_1273 = tpu.memref_squeeze %dma_wait3A_1272 : memref<1x128x128xf32, #tpu.memory_space<hbm>> -> memref<128x128xf32, #tpu.memory_space<hbm>>
    %dma_wait3A_1274 = arith.constant 0 : i32
    %dma_wait3A_1275 = tpu.memref_slice %arg4[%dma_wait3A_1266, %mul3A_2, %dma_wait3A_1274] : memref<50x4096x128xf32, #tpu.memory_space<hbm>> -> memref<1x128x128xf32, #tpu.memory_space<hbm>>
    %dma_wait3A_1276 = tpu.memref_squeeze %dma_wait3A_1275 : memref<1x128x128xf32, #tpu.memory_space<hbm>> -> memref<128x128xf32, #tpu.memory_space<hbm>>
    %dma_wait3A_1277 = arith.constant 0 : i32
    %dma_wait3A_1278 = arith.constant 0 : i32
    %dma_wait3A_1279 = tpu.memref_slice %arg6[%dma_wait3A_1265, %dma_wait3A_1277, %dma_wait3A_1278] : memref<4x128x128xf32, #tpu.memory_space<vmem>> -> memref<1x128x128xf32, #tpu.memory_space<vmem>>
    %dma_wait3A_1280 = tpu.memref_squeeze %dma_wait3A_1279 : memref<1x128x128xf32, #tpu.memory_space<vmem>> -> memref<128x128xf32, #tpu.memory_space<vmem>>
    tpu.wait_dma2 semaphore(%arg12 : memref<!tpu.dma_semaphore, #tpu.memory_space<semaphore_mem>>) src(%dma_wait3A_1280 : memref<128x128xf32, #tpu.memory_space<vmem>>) dst(%dma_wait3A_1276 : memref<128x128xf32, #tpu.memory_space<hbm>>)
    %dma_start3A_1281 = arith.constant 25 : i32
    %dma_start3A_1282 = arith.constant 1 : i32
    %dma_start3A_1283 = arith.constant 0 : i32
    %dma_start3A_1284 = arith.constant 0 : i32
    %dma_start3A_1285 = tpu.memref_slice %arg6[%dma_start3A_1282, %dma_start3A_1283, %dma_start3A_1284] : memref<4x128x128xf32, #tpu.memory_space<vmem>> -> memref<1x128x128xf32, #tpu.memory_space<vmem>>
    %dma_start3A_1286 = tpu.memref_squeeze %dma_start3A_1285 : memref<1x128x128xf32, #tpu.memory_space<vmem>> -> memref<128x128xf32, #tpu.memory_space<vmem>>
    %dma_start3A_1287 = arith.constant 0 : i32
    %dma_start3A_1288 = tpu.memref_slice %arg5[%dma_start3A_1281, %dma_start3A_1287] : memref<50x128xi32, #tpu.memory_space<vmem>> -> memref<1x128xi32, #tpu.memory_space<vmem>>
    %dma_start3A_1289 = tpu.memref_squeeze %dma_start3A_1288 : memref<1x128xi32, #tpu.memory_space<vmem>> -> memref<128xi32, #tpu.memory_space<vmem>>
    %dma_start3A_1290 = arith.constant 0 : i32
    %dma_start3A_1291 = arith.constant 0 : i32
    %dma_start3A_1292 = tpu.memref_slice %arg3[%dma_start3A_1290, %dma_start3A_1291] : memref<100000x128xf32, #tpu.memory_space<hbm>> -> memref<100000x128xf32, #tpu.memory_space<hbm>>
    tpu.enqueue_indirect_dma source(%dma_start3A_1292 : memref<100000x128xf32, #tpu.memory_space<hbm>>) target(%dma_start3A_1286 : memref<128x128xf32, #tpu.memory_space<vmem>>) offsets(%dma_start3A_1289 : memref<128xi32, #tpu.memory_space<vmem>>) semaphore(%arg8 : memref<!tpu.dma_semaphore, #tpu.memory_space<semaphore_mem>>)
    %dma_start3A_1293 = arith.constant 2 : i32
    %dma_start3A_1294 = arith.constant 22 : i32
    %dma_start3A_1295 = arith.constant 0 : i32
    %dma_start3A_1296 = arith.constant 0 : i32
    %dma_start3A_1297 = tpu.memref_slice %arg6[%dma_start3A_1293, %dma_start3A_1295, %dma_start3A_1296] : memref<4x128x128xf32, #tpu.memory_space<vmem>> -> memref<1x128x128xf32, #tpu.memory_space<vmem>>
    %dma_start3A_1298 = tpu.memref_squeeze %dma_start3A_1297 : memref<1x128x128xf32, #tpu.memory_space<vmem>> -> memref<128x128xf32, #tpu.memory_space<vmem>>
    %dma_start3A_1299 = arith.constant 0 : i32
    %dma_start3A_1300 = tpu.memref_slice %arg4[%dma_start3A_1294, %mul3A_2, %dma_start3A_1299] : memref<50x4096x128xf32, #tpu.memory_space<hbm>> -> memref<1x128x128xf32, #tpu.memory_space<hbm>>
    %dma_start3A_1301 = tpu.memref_squeeze %dma_start3A_1300 : memref<1x128x128xf32, #tpu.memory_space<hbm>> -> memref<128x128xf32, #tpu.memory_space<hbm>>
    %dma_start3A_1302 = arith.constant 0 : i32
    %dma_start3A_1303 = tpu.memref_slice %arg4[%dma_start3A_1294, %mul3A_2, %dma_start3A_1302] : memref<50x4096x128xf32, #tpu.memory_space<hbm>> -> memref<1x128x128xf32, #tpu.memory_space<hbm>>
    %dma_start3A_1304 = tpu.memref_squeeze %dma_start3A_1303 : memref<1x128x128xf32, #tpu.memory_space<hbm>> -> memref<128x128xf32, #tpu.memory_space<hbm>>
    %dma_start3A_1305 = arith.constant 0 : i32
    %dma_start3A_1306 = arith.constant 0 : i32
    %dma_start3A_1307 = tpu.memref_slice %arg6[%dma_start3A_1293, %dma_start3A_1305, %dma_start3A_1306] : memref<4x128x128xf32, #tpu.memory_space<vmem>> -> memref<1x128x128xf32, #tpu.memory_space<vmem>>
    %dma_start3A_1308 = tpu.memref_squeeze %dma_start3A_1307 : memref<1x128x128xf32, #tpu.memory_space<vmem>> -> memref<128x128xf32, #tpu.memory_space<vmem>>
    tpu.enqueue_dma source(%dma_start3A_1308 : memref<128x128xf32, #tpu.memory_space<vmem>>) target(%dma_start3A_1304 : memref<128x128xf32, #tpu.memory_space<hbm>>) target_semaphore(%arg13 : memref<!tpu.dma_semaphore, #tpu.memory_space<semaphore_mem>>)
    %dma_wait3A_1309 = arith.constant 23 : i32
    %dma_wait3A_1310 = arith.constant 3 : i32
    %dma_wait3A_1311 = arith.constant 0 : i32
    %dma_wait3A_1312 = arith.constant 0 : i32
    %dma_wait3A_1313 = tpu.memref_slice %arg6[%dma_wait3A_1310, %dma_wait3A_1311, %dma_wait3A_1312] : memref<4x128x128xf32, #tpu.memory_space<vmem>> -> memref<1x128x128xf32, #tpu.memory_space<vmem>>
    %dma_wait3A_1314 = tpu.memref_squeeze %dma_wait3A_1313 : memref<1x128x128xf32, #tpu.memory_space<vmem>> -> memref<128x128xf32, #tpu.memory_space<vmem>>
    %dma_wait3A_1315 = arith.constant 0 : i32
    %dma_wait3A_1316 = tpu.memref_slice %arg5[%dma_wait3A_1309, %dma_wait3A_1315] : memref<50x128xi32, #tpu.memory_space<vmem>> -> memref<1x128xi32, #tpu.memory_space<vmem>>
    %dma_wait3A_1317 = tpu.memref_squeeze %dma_wait3A_1316 : memref<1x128xi32, #tpu.memory_space<vmem>> -> memref<128xi32, #tpu.memory_space<vmem>>
    %dma_wait3A_1318 = arith.constant 0 : i32
    %dma_wait3A_1319 = arith.constant 0 : i32
    %dma_wait3A_1320 = tpu.memref_slice %arg3[%dma_wait3A_1318, %dma_wait3A_1319] : memref<100000x128xf32, #tpu.memory_space<hbm>> -> memref<100000x128xf32, #tpu.memory_space<hbm>>
    tpu.wait_indirect_dma semaphore(%arg10 : memref<!tpu.dma_semaphore, #tpu.memory_space<semaphore_mem>>) src(%dma_wait3A_1320 : memref<100000x128xf32, #tpu.memory_space<hbm>>) dst(%dma_wait3A_1314 : memref<128x128xf32, #tpu.memory_space<vmem>>)
    %dma_wait3A_1321 = arith.constant 2 : i32
    %dma_wait3A_1322 = arith.constant 22 : i32
    %dma_wait3A_1323 = arith.constant 0 : i32
    %dma_wait3A_1324 = arith.constant 0 : i32
    %dma_wait3A_1325 = tpu.memref_slice %arg6[%dma_wait3A_1321, %dma_wait3A_1323, %dma_wait3A_1324] : memref<4x128x128xf32, #tpu.memory_space<vmem>> -> memref<1x128x128xf32, #tpu.memory_space<vmem>>
    %dma_wait3A_1326 = tpu.memref_squeeze %dma_wait3A_1325 : memref<1x128x128xf32, #tpu.memory_space<vmem>> -> memref<128x128xf32, #tpu.memory_space<vmem>>
    %dma_wait3A_1327 = arith.constant 0 : i32
    %dma_wait3A_1328 = tpu.memref_slice %arg4[%dma_wait3A_1322, %mul3A_2, %dma_wait3A_1327] : memref<50x4096x128xf32, #tpu.memory_space<hbm>> -> memref<1x128x128xf32, #tpu.memory_space<hbm>>
    %dma_wait3A_1329 = tpu.memref_squeeze %dma_wait3A_1328 : memref<1x128x128xf32, #tpu.memory_space<hbm>> -> memref<128x128xf32, #tpu.memory_space<hbm>>
    %dma_wait3A_1330 = arith.constant 0 : i32
    %dma_wait3A_1331 = tpu.memref_slice %arg4[%dma_wait3A_1322, %mul3A_2, %dma_wait3A_1330] : memref<50x4096x128xf32, #tpu.memory_space<hbm>> -> memref<1x128x128xf32, #tpu.memory_space<hbm>>
    %dma_wait3A_1332 = tpu.memref_squeeze %dma_wait3A_1331 : memref<1x128x128xf32, #tpu.memory_space<hbm>> -> memref<128x128xf32, #tpu.memory_space<hbm>>
    %dma_wait3A_1333 = arith.constant 0 : i32
    %dma_wait3A_1334 = arith.constant 0 : i32
    %dma_wait3A_1335 = tpu.memref_slice %arg6[%dma_wait3A_1321, %dma_wait3A_1333, %dma_wait3A_1334] : memref<4x128x128xf32, #tpu.memory_space<vmem>> -> memref<1x128x128xf32, #tpu.memory_space<vmem>>
    %dma_wait3A_1336 = tpu.memref_squeeze %dma_wait3A_1335 : memref<1x128x128xf32, #tpu.memory_space<vmem>> -> memref<128x128xf32, #tpu.memory_space<vmem>>
    tpu.wait_dma2 semaphore(%arg13 : memref<!tpu.dma_semaphore, #tpu.memory_space<semaphore_mem>>) src(%dma_wait3A_1336 : memref<128x128xf32, #tpu.memory_space<vmem>>) dst(%dma_wait3A_1332 : memref<128x128xf32, #tpu.memory_space<hbm>>)
    %dma_start3A_1337 = arith.constant 26 : i32
    %dma_start3A_1338 = arith.constant 2 : i32
    %dma_start3A_1339 = arith.constant 0 : i32
    %dma_start3A_1340 = arith.constant 0 : i32
    %dma_start3A_1341 = tpu.memref_slice %arg6[%dma_start3A_1338, %dma_start3A_1339, %dma_start3A_1340] : memref<4x128x128xf32, #tpu.memory_space<vmem>> -> memref<1x128x128xf32, #tpu.memory_space<vmem>>
    %dma_start3A_1342 = tpu.memref_squeeze %dma_start3A_1341 : memref<1x128x128xf32, #tpu.memory_space<vmem>> -> memref<128x128xf32, #tpu.memory_space<vmem>>
    %dma_start3A_1343 = arith.constant 0 : i32
    %dma_start3A_1344 = tpu.memref_slice %arg5[%dma_start3A_1337, %dma_start3A_1343] : memref<50x128xi32, #tpu.memory_space<vmem>> -> memref<1x128xi32, #tpu.memory_space<vmem>>
    %dma_start3A_1345 = tpu.memref_squeeze %dma_start3A_1344 : memref<1x128xi32, #tpu.memory_space<vmem>> -> memref<128xi32, #tpu.memory_space<vmem>>
    %dma_start3A_1346 = arith.constant 0 : i32
    %dma_start3A_1347 = arith.constant 0 : i32
    %dma_start3A_1348 = tpu.memref_slice %arg3[%dma_start3A_1346, %dma_start3A_1347] : memref<100000x128xf32, #tpu.memory_space<hbm>> -> memref<100000x128xf32, #tpu.memory_space<hbm>>
    tpu.enqueue_indirect_dma source(%dma_start3A_1348 : memref<100000x128xf32, #tpu.memory_space<hbm>>) target(%dma_start3A_1342 : memref<128x128xf32, #tpu.memory_space<vmem>>) offsets(%dma_start3A_1345 : memref<128xi32, #tpu.memory_space<vmem>>) semaphore(%arg9 : memref<!tpu.dma_semaphore, #tpu.memory_space<semaphore_mem>>)
    %dma_start3A_1349 = arith.constant 3 : i32
    %dma_start3A_1350 = arith.constant 23 : i32
    %dma_start3A_1351 = arith.constant 0 : i32
    %dma_start3A_1352 = arith.constant 0 : i32
    %dma_start3A_1353 = tpu.memref_slice %arg6[%dma_start3A_1349, %dma_start3A_1351, %dma_start3A_1352] : memref<4x128x128xf32, #tpu.memory_space<vmem>> -> memref<1x128x128xf32, #tpu.memory_space<vmem>>
    %dma_start3A_1354 = tpu.memref_squeeze %dma_start3A_1353 : memref<1x128x128xf32, #tpu.memory_space<vmem>> -> memref<128x128xf32, #tpu.memory_space<vmem>>
    %dma_start3A_1355 = arith.constant 0 : i32
    %dma_start3A_1356 = tpu.memref_slice %arg4[%dma_start3A_1350, %mul3A_2, %dma_start3A_1355] : memref<50x4096x128xf32, #tpu.memory_space<hbm>> -> memref<1x128x128xf32, #tpu.memory_space<hbm>>
    %dma_start3A_1357 = tpu.memref_squeeze %dma_start3A_1356 : memref<1x128x128xf32, #tpu.memory_space<hbm>> -> memref<128x128xf32, #tpu.memory_space<hbm>>
    %dma_start3A_1358 = arith.constant 0 : i32
    %dma_start3A_1359 = tpu.memref_slice %arg4[%dma_start3A_1350, %mul3A_2, %dma_start3A_1358] : memref<50x4096x128xf32, #tpu.memory_space<hbm>> -> memref<1x128x128xf32, #tpu.memory_space<hbm>>
    %dma_start3A_1360 = tpu.memref_squeeze %dma_start3A_1359 : memref<1x128x128xf32, #tpu.memory_space<hbm>> -> memref<128x128xf32, #tpu.memory_space<hbm>>
    %dma_start3A_1361 = arith.constant 0 : i32
    %dma_start3A_1362 = arith.constant 0 : i32
    %dma_start3A_1363 = tpu.memref_slice %arg6[%dma_start3A_1349, %dma_start3A_1361, %dma_start3A_1362] : memref<4x128x128xf32, #tpu.memory_space<vmem>> -> memref<1x128x128xf32, #tpu.memory_space<vmem>>
    %dma_start3A_1364 = tpu.memref_squeeze %dma_start3A_1363 : memref<1x128x128xf32, #tpu.memory_space<vmem>> -> memref<128x128xf32, #tpu.memory_space<vmem>>
    tpu.enqueue_dma source(%dma_start3A_1364 : memref<128x128xf32, #tpu.memory_space<vmem>>) target(%dma_start3A_1360 : memref<128x128xf32, #tpu.memory_space<hbm>>) target_semaphore(%arg14 : memref<!tpu.dma_semaphore, #tpu.memory_space<semaphore_mem>>)
    %dma_wait3A_1365 = arith.constant 24 : i32
    %dma_wait3A_1366 = arith.constant 0 : i32
    %dma_wait3A_1367 = arith.constant 0 : i32
    %dma_wait3A_1368 = arith.constant 0 : i32
    %dma_wait3A_1369 = tpu.memref_slice %arg6[%dma_wait3A_1366, %dma_wait3A_1367, %dma_wait3A_1368] : memref<4x128x128xf32, #tpu.memory_space<vmem>> -> memref<1x128x128xf32, #tpu.memory_space<vmem>>
    %dma_wait3A_1370 = tpu.memref_squeeze %dma_wait3A_1369 : memref<1x128x128xf32, #tpu.memory_space<vmem>> -> memref<128x128xf32, #tpu.memory_space<vmem>>
    %dma_wait3A_1371 = arith.constant 0 : i32
    %dma_wait3A_1372 = tpu.memref_slice %arg5[%dma_wait3A_1365, %dma_wait3A_1371] : memref<50x128xi32, #tpu.memory_space<vmem>> -> memref<1x128xi32, #tpu.memory_space<vmem>>
    %dma_wait3A_1373 = tpu.memref_squeeze %dma_wait3A_1372 : memref<1x128xi32, #tpu.memory_space<vmem>> -> memref<128xi32, #tpu.memory_space<vmem>>
    %dma_wait3A_1374 = arith.constant 0 : i32
    %dma_wait3A_1375 = arith.constant 0 : i32
    %dma_wait3A_1376 = tpu.memref_slice %arg3[%dma_wait3A_1374, %dma_wait3A_1375] : memref<100000x128xf32, #tpu.memory_space<hbm>> -> memref<100000x128xf32, #tpu.memory_space<hbm>>
    tpu.wait_indirect_dma semaphore(%arg7 : memref<!tpu.dma_semaphore, #tpu.memory_space<semaphore_mem>>) src(%dma_wait3A_1376 : memref<100000x128xf32, #tpu.memory_space<hbm>>) dst(%dma_wait3A_1370 : memref<128x128xf32, #tpu.memory_space<vmem>>)
    %dma_wait3A_1377 = arith.constant 3 : i32
    %dma_wait3A_1378 = arith.constant 23 : i32
    %dma_wait3A_1379 = arith.constant 0 : i32
    %dma_wait3A_1380 = arith.constant 0 : i32
    %dma_wait3A_1381 = tpu.memref_slice %arg6[%dma_wait3A_1377, %dma_wait3A_1379, %dma_wait3A_1380] : memref<4x128x128xf32, #tpu.memory_space<vmem>> -> memref<1x128x128xf32, #tpu.memory_space<vmem>>
    %dma_wait3A_1382 = tpu.memref_squeeze %dma_wait3A_1381 : memref<1x128x128xf32, #tpu.memory_space<vmem>> -> memref<128x128xf32, #tpu.memory_space<vmem>>
    %dma_wait3A_1383 = arith.constant 0 : i32
    %dma_wait3A_1384 = tpu.memref_slice %arg4[%dma_wait3A_1378, %mul3A_2, %dma_wait3A_1383] : memref<50x4096x128xf32, #tpu.memory_space<hbm>> -> memref<1x128x128xf32, #tpu.memory_space<hbm>>
    %dma_wait3A_1385 = tpu.memref_squeeze %dma_wait3A_1384 : memref<1x128x128xf32, #tpu.memory_space<hbm>> -> memref<128x128xf32, #tpu.memory_space<hbm>>
    %dma_wait3A_1386 = arith.constant 0 : i32
    %dma_wait3A_1387 = tpu.memref_slice %arg4[%dma_wait3A_1378, %mul3A_2, %dma_wait3A_1386] : memref<50x4096x128xf32, #tpu.memory_space<hbm>> -> memref<1x128x128xf32, #tpu.memory_space<hbm>>
    %dma_wait3A_1388 = tpu.memref_squeeze %dma_wait3A_1387 : memref<1x128x128xf32, #tpu.memory_space<hbm>> -> memref<128x128xf32, #tpu.memory_space<hbm>>
    %dma_wait3A_1389 = arith.constant 0 : i32
    %dma_wait3A_1390 = arith.constant 0 : i32
    %dma_wait3A_1391 = tpu.memref_slice %arg6[%dma_wait3A_1377, %dma_wait3A_1389, %dma_wait3A_1390] : memref<4x128x128xf32, #tpu.memory_space<vmem>> -> memref<1x128x128xf32, #tpu.memory_space<vmem>>
    %dma_wait3A_1392 = tpu.memref_squeeze %dma_wait3A_1391 : memref<1x128x128xf32, #tpu.memory_space<vmem>> -> memref<128x128xf32, #tpu.memory_space<vmem>>
    tpu.wait_dma2 semaphore(%arg14 : memref<!tpu.dma_semaphore, #tpu.memory_space<semaphore_mem>>) src(%dma_wait3A_1392 : memref<128x128xf32, #tpu.memory_space<vmem>>) dst(%dma_wait3A_1388 : memref<128x128xf32, #tpu.memory_space<hbm>>)
    %dma_start3A_1393 = arith.constant 27 : i32
    %dma_start3A_1394 = arith.constant 3 : i32
    %dma_start3A_1395 = arith.constant 0 : i32
    %dma_start3A_1396 = arith.constant 0 : i32
    %dma_start3A_1397 = tpu.memref_slice %arg6[%dma_start3A_1394, %dma_start3A_1395, %dma_start3A_1396] : memref<4x128x128xf32, #tpu.memory_space<vmem>> -> memref<1x128x128xf32, #tpu.memory_space<vmem>>
    %dma_start3A_1398 = tpu.memref_squeeze %dma_start3A_1397 : memref<1x128x128xf32, #tpu.memory_space<vmem>> -> memref<128x128xf32, #tpu.memory_space<vmem>>
    %dma_start3A_1399 = arith.constant 0 : i32
    %dma_start3A_1400 = tpu.memref_slice %arg5[%dma_start3A_1393, %dma_start3A_1399] : memref<50x128xi32, #tpu.memory_space<vmem>> -> memref<1x128xi32, #tpu.memory_space<vmem>>
    %dma_start3A_1401 = tpu.memref_squeeze %dma_start3A_1400 : memref<1x128xi32, #tpu.memory_space<vmem>> -> memref<128xi32, #tpu.memory_space<vmem>>
    %dma_start3A_1402 = arith.constant 0 : i32
    %dma_start3A_1403 = arith.constant 0 : i32
    %dma_start3A_1404 = tpu.memref_slice %arg3[%dma_start3A_1402, %dma_start3A_1403] : memref<100000x128xf32, #tpu.memory_space<hbm>> -> memref<100000x128xf32, #tpu.memory_space<hbm>>
    tpu.enqueue_indirect_dma source(%dma_start3A_1404 : memref<100000x128xf32, #tpu.memory_space<hbm>>) target(%dma_start3A_1398 : memref<128x128xf32, #tpu.memory_space<vmem>>) offsets(%dma_start3A_1401 : memref<128xi32, #tpu.memory_space<vmem>>) semaphore(%arg10 : memref<!tpu.dma_semaphore, #tpu.memory_space<semaphore_mem>>)
    %dma_start3A_1405 = arith.constant 0 : i32
    %dma_start3A_1406 = arith.constant 24 : i32
    %dma_start3A_1407 = arith.constant 0 : i32
    %dma_start3A_1408 = arith.constant 0 : i32
    %dma_start3A_1409 = tpu.memref_slice %arg6[%dma_start3A_1405, %dma_start3A_1407, %dma_start3A_1408] : memref<4x128x128xf32, #tpu.memory_space<vmem>> -> memref<1x128x128xf32, #tpu.memory_space<vmem>>
    %dma_start3A_1410 = tpu.memref_squeeze %dma_start3A_1409 : memref<1x128x128xf32, #tpu.memory_space<vmem>> -> memref<128x128xf32, #tpu.memory_space<vmem>>
    %dma_start3A_1411 = arith.constant 0 : i32
    %dma_start3A_1412 = tpu.memref_slice %arg4[%dma_start3A_1406, %mul3A_2, %dma_start3A_1411] : memref<50x4096x128xf32, #tpu.memory_space<hbm>> -> memref<1x128x128xf32, #tpu.memory_space<hbm>>
    %dma_start3A_1413 = tpu.memref_squeeze %dma_start3A_1412 : memref<1x128x128xf32, #tpu.memory_space<hbm>> -> memref<128x128xf32, #tpu.memory_space<hbm>>
    %dma_start3A_1414 = arith.constant 0 : i32
    %dma_start3A_1415 = tpu.memref_slice %arg4[%dma_start3A_1406, %mul3A_2, %dma_start3A_1414] : memref<50x4096x128xf32, #tpu.memory_space<hbm>> -> memref<1x128x128xf32, #tpu.memory_space<hbm>>
    %dma_start3A_1416 = tpu.memref_squeeze %dma_start3A_1415 : memref<1x128x128xf32, #tpu.memory_space<hbm>> -> memref<128x128xf32, #tpu.memory_space<hbm>>
    %dma_start3A_1417 = arith.constant 0 : i32
    %dma_start3A_1418 = arith.constant 0 : i32
    %dma_start3A_1419 = tpu.memref_slice %arg6[%dma_start3A_1405, %dma_start3A_1417, %dma_start3A_1418] : memref<4x128x128xf32, #tpu.memory_space<vmem>> -> memref<1x128x128xf32, #tpu.memory_space<vmem>>
    %dma_start3A_1420 = tpu.memref_squeeze %dma_start3A_1419 : memref<1x128x128xf32, #tpu.memory_space<vmem>> -> memref<128x128xf32, #tpu.memory_space<vmem>>
    tpu.enqueue_dma source(%dma_start3A_1420 : memref<128x128xf32, #tpu.memory_space<vmem>>) target(%dma_start3A_1416 : memref<128x128xf32, #tpu.memory_space<hbm>>) target_semaphore(%arg11 : memref<!tpu.dma_semaphore, #tpu.memory_space<semaphore_mem>>)
    %dma_wait3A_1421 = arith.constant 25 : i32
    %dma_wait3A_1422 = arith.constant 1 : i32
    %dma_wait3A_1423 = arith.constant 0 : i32
    %dma_wait3A_1424 = arith.constant 0 : i32
    %dma_wait3A_1425 = tpu.memref_slice %arg6[%dma_wait3A_1422, %dma_wait3A_1423, %dma_wait3A_1424] : memref<4x128x128xf32, #tpu.memory_space<vmem>> -> memref<1x128x128xf32, #tpu.memory_space<vmem>>
    %dma_wait3A_1426 = tpu.memref_squeeze %dma_wait3A_1425 : memref<1x128x128xf32, #tpu.memory_space<vmem>> -> memref<128x128xf32, #tpu.memory_space<vmem>>
    %dma_wait3A_1427 = arith.constant 0 : i32
    %dma_wait3A_1428 = tpu.memref_slice %arg5[%dma_wait3A_1421, %dma_wait3A_1427] : memref<50x128xi32, #tpu.memory_space<vmem>> -> memref<1x128xi32, #tpu.memory_space<vmem>>
    %dma_wait3A_1429 = tpu.memref_squeeze %dma_wait3A_1428 : memref<1x128xi32, #tpu.memory_space<vmem>> -> memref<128xi32, #tpu.memory_space<vmem>>
    %dma_wait3A_1430 = arith.constant 0 : i32
    %dma_wait3A_1431 = arith.constant 0 : i32
    %dma_wait3A_1432 = tpu.memref_slice %arg3[%dma_wait3A_1430, %dma_wait3A_1431] : memref<100000x128xf32, #tpu.memory_space<hbm>> -> memref<100000x128xf32, #tpu.memory_space<hbm>>
    tpu.wait_indirect_dma semaphore(%arg8 : memref<!tpu.dma_semaphore, #tpu.memory_space<semaphore_mem>>) src(%dma_wait3A_1432 : memref<100000x128xf32, #tpu.memory_space<hbm>>) dst(%dma_wait3A_1426 : memref<128x128xf32, #tpu.memory_space<vmem>>)
    %dma_wait3A_1433 = arith.constant 0 : i32
    %dma_wait3A_1434 = arith.constant 24 : i32
    %dma_wait3A_1435 = arith.constant 0 : i32
    %dma_wait3A_1436 = arith.constant 0 : i32
    %dma_wait3A_1437 = tpu.memref_slice %arg6[%dma_wait3A_1433, %dma_wait3A_1435, %dma_wait3A_1436] : memref<4x128x128xf32, #tpu.memory_space<vmem>> -> memref<1x128x128xf32, #tpu.memory_space<vmem>>
    %dma_wait3A_1438 = tpu.memref_squeeze %dma_wait3A_1437 : memref<1x128x128xf32, #tpu.memory_space<vmem>> -> memref<128x128xf32, #tpu.memory_space<vmem>>
    %dma_wait3A_1439 = arith.constant 0 : i32
    %dma_wait3A_1440 = tpu.memref_slice %arg4[%dma_wait3A_1434, %mul3A_2, %dma_wait3A_1439] : memref<50x4096x128xf32, #tpu.memory_space<hbm>> -> memref<1x128x128xf32, #tpu.memory_space<hbm>>
    %dma_wait3A_1441 = tpu.memref_squeeze %dma_wait3A_1440 : memref<1x128x128xf32, #tpu.memory_space<hbm>> -> memref<128x128xf32, #tpu.memory_space<hbm>>
    %dma_wait3A_1442 = arith.constant 0 : i32
    %dma_wait3A_1443 = tpu.memref_slice %arg4[%dma_wait3A_1434, %mul3A_2, %dma_wait3A_1442] : memref<50x4096x128xf32, #tpu.memory_space<hbm>> -> memref<1x128x128xf32, #tpu.memory_space<hbm>>
    %dma_wait3A_1444 = tpu.memref_squeeze %dma_wait3A_1443 : memref<1x128x128xf32, #tpu.memory_space<hbm>> -> memref<128x128xf32, #tpu.memory_space<hbm>>
    %dma_wait3A_1445 = arith.constant 0 : i32
    %dma_wait3A_1446 = arith.constant 0 : i32
    %dma_wait3A_1447 = tpu.memref_slice %arg6[%dma_wait3A_1433, %dma_wait3A_1445, %dma_wait3A_1446] : memref<4x128x128xf32, #tpu.memory_space<vmem>> -> memref<1x128x128xf32, #tpu.memory_space<vmem>>
    %dma_wait3A_1448 = tpu.memref_squeeze %dma_wait3A_1447 : memref<1x128x128xf32, #tpu.memory_space<vmem>> -> memref<128x128xf32, #tpu.memory_space<vmem>>
    tpu.wait_dma2 semaphore(%arg11 : memref<!tpu.dma_semaphore, #tpu.memory_space<semaphore_mem>>) src(%dma_wait3A_1448 : memref<128x128xf32, #tpu.memory_space<vmem>>) dst(%dma_wait3A_1444 : memref<128x128xf32, #tpu.memory_space<hbm>>)
    %dma_start3A_1449 = arith.constant 28 : i32
    %dma_start3A_1450 = arith.constant 0 : i32
    %dma_start3A_1451 = arith.constant 0 : i32
    %dma_start3A_1452 = arith.constant 0 : i32
    %dma_start3A_1453 = tpu.memref_slice %arg6[%dma_start3A_1450, %dma_start3A_1451, %dma_start3A_1452] : memref<4x128x128xf32, #tpu.memory_space<vmem>> -> memref<1x128x128xf32, #tpu.memory_space<vmem>>
    %dma_start3A_1454 = tpu.memref_squeeze %dma_start3A_1453 : memref<1x128x128xf32, #tpu.memory_space<vmem>> -> memref<128x128xf32, #tpu.memory_space<vmem>>
    %dma_start3A_1455 = arith.constant 0 : i32
    %dma_start3A_1456 = tpu.memref_slice %arg5[%dma_start3A_1449, %dma_start3A_1455] : memref<50x128xi32, #tpu.memory_space<vmem>> -> memref<1x128xi32, #tpu.memory_space<vmem>>
    %dma_start3A_1457 = tpu.memref_squeeze %dma_start3A_1456 : memref<1x128xi32, #tpu.memory_space<vmem>> -> memref<128xi32, #tpu.memory_space<vmem>>
    %dma_start3A_1458 = arith.constant 0 : i32
    %dma_start3A_1459 = arith.constant 0 : i32
    %dma_start3A_1460 = tpu.memref_slice %arg3[%dma_start3A_1458, %dma_start3A_1459] : memref<100000x128xf32, #tpu.memory_space<hbm>> -> memref<100000x128xf32, #tpu.memory_space<hbm>>
    tpu.enqueue_indirect_dma source(%dma_start3A_1460 : memref<100000x128xf32, #tpu.memory_space<hbm>>) target(%dma_start3A_1454 : memref<128x128xf32, #tpu.memory_space<vmem>>) offsets(%dma_start3A_1457 : memref<128xi32, #tpu.memory_space<vmem>>) semaphore(%arg7 : memref<!tpu.dma_semaphore, #tpu.memory_space<semaphore_mem>>)
    %dma_start3A_1461 = arith.constant 1 : i32
    %dma_start3A_1462 = arith.constant 25 : i32
    %dma_start3A_1463 = arith.constant 0 : i32
    %dma_start3A_1464 = arith.constant 0 : i32
    %dma_start3A_1465 = tpu.memref_slice %arg6[%dma_start3A_1461, %dma_start3A_1463, %dma_start3A_1464] : memref<4x128x128xf32, #tpu.memory_space<vmem>> -> memref<1x128x128xf32, #tpu.memory_space<vmem>>
    %dma_start3A_1466 = tpu.memref_squeeze %dma_start3A_1465 : memref<1x128x128xf32, #tpu.memory_space<vmem>> -> memref<128x128xf32, #tpu.memory_space<vmem>>
    %dma_start3A_1467 = arith.constant 0 : i32
    %dma_start3A_1468 = tpu.memref_slice %arg4[%dma_start3A_1462, %mul3A_2, %dma_start3A_1467] : memref<50x4096x128xf32, #tpu.memory_space<hbm>> -> memref<1x128x128xf32, #tpu.memory_space<hbm>>
    %dma_start3A_1469 = tpu.memref_squeeze %dma_start3A_1468 : memref<1x128x128xf32, #tpu.memory_space<hbm>> -> memref<128x128xf32, #tpu.memory_space<hbm>>
    %dma_start3A_1470 = arith.constant 0 : i32
    %dma_start3A_1471 = tpu.memref_slice %arg4[%dma_start3A_1462, %mul3A_2, %dma_start3A_1470] : memref<50x4096x128xf32, #tpu.memory_space<hbm>> -> memref<1x128x128xf32, #tpu.memory_space<hbm>>
    %dma_start3A_1472 = tpu.memref_squeeze %dma_start3A_1471 : memref<1x128x128xf32, #tpu.memory_space<hbm>> -> memref<128x128xf32, #tpu.memory_space<hbm>>
    %dma_start3A_1473 = arith.constant 0 : i32
    %dma_start3A_1474 = arith.constant 0 : i32
    %dma_start3A_1475 = tpu.memref_slice %arg6[%dma_start3A_1461, %dma_start3A_1473, %dma_start3A_1474] : memref<4x128x128xf32, #tpu.memory_space<vmem>> -> memref<1x128x128xf32, #tpu.memory_space<vmem>>
    %dma_start3A_1476 = tpu.memref_squeeze %dma_start3A_1475 : memref<1x128x128xf32, #tpu.memory_space<vmem>> -> memref<128x128xf32, #tpu.memory_space<vmem>>
    tpu.enqueue_dma source(%dma_start3A_1476 : memref<128x128xf32, #tpu.memory_space<vmem>>) target(%dma_start3A_1472 : memref<128x128xf32, #tpu.memory_space<hbm>>) target_semaphore(%arg12 : memref<!tpu.dma_semaphore, #tpu.memory_space<semaphore_mem>>)
    %dma_wait3A_1477 = arith.constant 26 : i32
    %dma_wait3A_1478 = arith.constant 2 : i32
    %dma_wait3A_1479 = arith.constant 0 : i32
    %dma_wait3A_1480 = arith.constant 0 : i32
    %dma_wait3A_1481 = tpu.memref_slice %arg6[%dma_wait3A_1478, %dma_wait3A_1479, %dma_wait3A_1480] : memref<4x128x128xf32, #tpu.memory_space<vmem>> -> memref<1x128x128xf32, #tpu.memory_space<vmem>>
    %dma_wait3A_1482 = tpu.memref_squeeze %dma_wait3A_1481 : memref<1x128x128xf32, #tpu.memory_space<vmem>> -> memref<128x128xf32, #tpu.memory_space<vmem>>
    %dma_wait3A_1483 = arith.constant 0 : i32
    %dma_wait3A_1484 = tpu.memref_slice %arg5[%dma_wait3A_1477, %dma_wait3A_1483] : memref<50x128xi32, #tpu.memory_space<vmem>> -> memref<1x128xi32, #tpu.memory_space<vmem>>
    %dma_wait3A_1485 = tpu.memref_squeeze %dma_wait3A_1484 : memref<1x128xi32, #tpu.memory_space<vmem>> -> memref<128xi32, #tpu.memory_space<vmem>>
    %dma_wait3A_1486 = arith.constant 0 : i32
    %dma_wait3A_1487 = arith.constant 0 : i32
    %dma_wait3A_1488 = tpu.memref_slice %arg3[%dma_wait3A_1486, %dma_wait3A_1487] : memref<100000x128xf32, #tpu.memory_space<hbm>> -> memref<100000x128xf32, #tpu.memory_space<hbm>>
    tpu.wait_indirect_dma semaphore(%arg9 : memref<!tpu.dma_semaphore, #tpu.memory_space<semaphore_mem>>) src(%dma_wait3A_1488 : memref<100000x128xf32, #tpu.memory_space<hbm>>) dst(%dma_wait3A_1482 : memref<128x128xf32, #tpu.memory_space<vmem>>)
    %dma_wait3A_1489 = arith.constant 1 : i32
    %dma_wait3A_1490 = arith.constant 25 : i32
    %dma_wait3A_1491 = arith.constant 0 : i32
    %dma_wait3A_1492 = arith.constant 0 : i32
    %dma_wait3A_1493 = tpu.memref_slice %arg6[%dma_wait3A_1489, %dma_wait3A_1491, %dma_wait3A_1492] : memref<4x128x128xf32, #tpu.memory_space<vmem>> -> memref<1x128x128xf32, #tpu.memory_space<vmem>>
    %dma_wait3A_1494 = tpu.memref_squeeze %dma_wait3A_1493 : memref<1x128x128xf32, #tpu.memory_space<vmem>> -> memref<128x128xf32, #tpu.memory_space<vmem>>
    %dma_wait3A_1495 = arith.constant 0 : i32
    %dma_wait3A_1496 = tpu.memref_slice %arg4[%dma_wait3A_1490, %mul3A_2, %dma_wait3A_1495] : memref<50x4096x128xf32, #tpu.memory_space<hbm>> -> memref<1x128x128xf32, #tpu.memory_space<hbm>>
    %dma_wait3A_1497 = tpu.memref_squeeze %dma_wait3A_1496 : memref<1x128x128xf32, #tpu.memory_space<hbm>> -> memref<128x128xf32, #tpu.memory_space<hbm>>
    %dma_wait3A_1498 = arith.constant 0 : i32
    %dma_wait3A_1499 = tpu.memref_slice %arg4[%dma_wait3A_1490, %mul3A_2, %dma_wait3A_1498] : memref<50x4096x128xf32, #tpu.memory_space<hbm>> -> memref<1x128x128xf32, #tpu.memory_space<hbm>>
    %dma_wait3A_1500 = tpu.memref_squeeze %dma_wait3A_1499 : memref<1x128x128xf32, #tpu.memory_space<hbm>> -> memref<128x128xf32, #tpu.memory_space<hbm>>
    %dma_wait3A_1501 = arith.constant 0 : i32
    %dma_wait3A_1502 = arith.constant 0 : i32
    %dma_wait3A_1503 = tpu.memref_slice %arg6[%dma_wait3A_1489, %dma_wait3A_1501, %dma_wait3A_1502] : memref<4x128x128xf32, #tpu.memory_space<vmem>> -> memref<1x128x128xf32, #tpu.memory_space<vmem>>
    %dma_wait3A_1504 = tpu.memref_squeeze %dma_wait3A_1503 : memref<1x128x128xf32, #tpu.memory_space<vmem>> -> memref<128x128xf32, #tpu.memory_space<vmem>>
    tpu.wait_dma2 semaphore(%arg12 : memref<!tpu.dma_semaphore, #tpu.memory_space<semaphore_mem>>) src(%dma_wait3A_1504 : memref<128x128xf32, #tpu.memory_space<vmem>>) dst(%dma_wait3A_1500 : memref<128x128xf32, #tpu.memory_space<hbm>>)
    %dma_start3A_1505 = arith.constant 29 : i32
    %dma_start3A_1506 = arith.constant 1 : i32
    %dma_start3A_1507 = arith.constant 0 : i32
    %dma_start3A_1508 = arith.constant 0 : i32
    %dma_start3A_1509 = tpu.memref_slice %arg6[%dma_start3A_1506, %dma_start3A_1507, %dma_start3A_1508] : memref<4x128x128xf32, #tpu.memory_space<vmem>> -> memref<1x128x128xf32, #tpu.memory_space<vmem>>
    %dma_start3A_1510 = tpu.memref_squeeze %dma_start3A_1509 : memref<1x128x128xf32, #tpu.memory_space<vmem>> -> memref<128x128xf32, #tpu.memory_space<vmem>>
    %dma_start3A_1511 = arith.constant 0 : i32
    %dma_start3A_1512 = tpu.memref_slice %arg5[%dma_start3A_1505, %dma_start3A_1511] : memref<50x128xi32, #tpu.memory_space<vmem>> -> memref<1x128xi32, #tpu.memory_space<vmem>>
    %dma_start3A_1513 = tpu.memref_squeeze %dma_start3A_1512 : memref<1x128xi32, #tpu.memory_space<vmem>> -> memref<128xi32, #tpu.memory_space<vmem>>
    %dma_start3A_1514 = arith.constant 0 : i32
    %dma_start3A_1515 = arith.constant 0 : i32
    %dma_start3A_1516 = tpu.memref_slice %arg3[%dma_start3A_1514, %dma_start3A_1515] : memref<100000x128xf32, #tpu.memory_space<hbm>> -> memref<100000x128xf32, #tpu.memory_space<hbm>>
    tpu.enqueue_indirect_dma source(%dma_start3A_1516 : memref<100000x128xf32, #tpu.memory_space<hbm>>) target(%dma_start3A_1510 : memref<128x128xf32, #tpu.memory_space<vmem>>) offsets(%dma_start3A_1513 : memref<128xi32, #tpu.memory_space<vmem>>) semaphore(%arg8 : memref<!tpu.dma_semaphore, #tpu.memory_space<semaphore_mem>>)
    %dma_start3A_1517 = arith.constant 2 : i32
    %dma_start3A_1518 = arith.constant 26 : i32
    %dma_start3A_1519 = arith.constant 0 : i32
    %dma_start3A_1520 = arith.constant 0 : i32
    %dma_start3A_1521 = tpu.memref_slice %arg6[%dma_start3A_1517, %dma_start3A_1519, %dma_start3A_1520] : memref<4x128x128xf32, #tpu.memory_space<vmem>> -> memref<1x128x128xf32, #tpu.memory_space<vmem>>
    %dma_start3A_1522 = tpu.memref_squeeze %dma_start3A_1521 : memref<1x128x128xf32, #tpu.memory_space<vmem>> -> memref<128x128xf32, #tpu.memory_space<vmem>>
    %dma_start3A_1523 = arith.constant 0 : i32
    %dma_start3A_1524 = tpu.memref_slice %arg4[%dma_start3A_1518, %mul3A_2, %dma_start3A_1523] : memref<50x4096x128xf32, #tpu.memory_space<hbm>> -> memref<1x128x128xf32, #tpu.memory_space<hbm>>
    %dma_start3A_1525 = tpu.memref_squeeze %dma_start3A_1524 : memref<1x128x128xf32, #tpu.memory_space<hbm>> -> memref<128x128xf32, #tpu.memory_space<hbm>>
    %dma_start3A_1526 = arith.constant 0 : i32
    %dma_start3A_1527 = tpu.memref_slice %arg4[%dma_start3A_1518, %mul3A_2, %dma_start3A_1526] : memref<50x4096x128xf32, #tpu.memory_space<hbm>> -> memref<1x128x128xf32, #tpu.memory_space<hbm>>
    %dma_start3A_1528 = tpu.memref_squeeze %dma_start3A_1527 : memref<1x128x128xf32, #tpu.memory_space<hbm>> -> memref<128x128xf32, #tpu.memory_space<hbm>>
    %dma_start3A_1529 = arith.constant 0 : i32
    %dma_start3A_1530 = arith.constant 0 : i32
    %dma_start3A_1531 = tpu.memref_slice %arg6[%dma_start3A_1517, %dma_start3A_1529, %dma_start3A_1530] : memref<4x128x128xf32, #tpu.memory_space<vmem>> -> memref<1x128x128xf32, #tpu.memory_space<vmem>>
    %dma_start3A_1532 = tpu.memref_squeeze %dma_start3A_1531 : memref<1x128x128xf32, #tpu.memory_space<vmem>> -> memref<128x128xf32, #tpu.memory_space<vmem>>
    tpu.enqueue_dma source(%dma_start3A_1532 : memref<128x128xf32, #tpu.memory_space<vmem>>) target(%dma_start3A_1528 : memref<128x128xf32, #tpu.memory_space<hbm>>) target_semaphore(%arg13 : memref<!tpu.dma_semaphore, #tpu.memory_space<semaphore_mem>>)
    %dma_wait3A_1533 = arith.constant 27 : i32
    %dma_wait3A_1534 = arith.constant 3 : i32
    %dma_wait3A_1535 = arith.constant 0 : i32
    %dma_wait3A_1536 = arith.constant 0 : i32
    %dma_wait3A_1537 = tpu.memref_slice %arg6[%dma_wait3A_1534, %dma_wait3A_1535, %dma_wait3A_1536] : memref<4x128x128xf32, #tpu.memory_space<vmem>> -> memref<1x128x128xf32, #tpu.memory_space<vmem>>
    %dma_wait3A_1538 = tpu.memref_squeeze %dma_wait3A_1537 : memref<1x128x128xf32, #tpu.memory_space<vmem>> -> memref<128x128xf32, #tpu.memory_space<vmem>>
    %dma_wait3A_1539 = arith.constant 0 : i32
    %dma_wait3A_1540 = tpu.memref_slice %arg5[%dma_wait3A_1533, %dma_wait3A_1539] : memref<50x128xi32, #tpu.memory_space<vmem>> -> memref<1x128xi32, #tpu.memory_space<vmem>>
    %dma_wait3A_1541 = tpu.memref_squeeze %dma_wait3A_1540 : memref<1x128xi32, #tpu.memory_space<vmem>> -> memref<128xi32, #tpu.memory_space<vmem>>
    %dma_wait3A_1542 = arith.constant 0 : i32
    %dma_wait3A_1543 = arith.constant 0 : i32
    %dma_wait3A_1544 = tpu.memref_slice %arg3[%dma_wait3A_1542, %dma_wait3A_1543] : memref<100000x128xf32, #tpu.memory_space<hbm>> -> memref<100000x128xf32, #tpu.memory_space<hbm>>
    tpu.wait_indirect_dma semaphore(%arg10 : memref<!tpu.dma_semaphore, #tpu.memory_space<semaphore_mem>>) src(%dma_wait3A_1544 : memref<100000x128xf32, #tpu.memory_space<hbm>>) dst(%dma_wait3A_1538 : memref<128x128xf32, #tpu.memory_space<vmem>>)
    %dma_wait3A_1545 = arith.constant 2 : i32
    %dma_wait3A_1546 = arith.constant 26 : i32
    %dma_wait3A_1547 = arith.constant 0 : i32
    %dma_wait3A_1548 = arith.constant 0 : i32
    %dma_wait3A_1549 = tpu.memref_slice %arg6[%dma_wait3A_1545, %dma_wait3A_1547, %dma_wait3A_1548] : memref<4x128x128xf32, #tpu.memory_space<vmem>> -> memref<1x128x128xf32, #tpu.memory_space<vmem>>
    %dma_wait3A_1550 = tpu.memref_squeeze %dma_wait3A_1549 : memref<1x128x128xf32, #tpu.memory_space<vmem>> -> memref<128x128xf32, #tpu.memory_space<vmem>>
    %dma_wait3A_1551 = arith.constant 0 : i32
    %dma_wait3A_1552 = tpu.memref_slice %arg4[%dma_wait3A_1546, %mul3A_2, %dma_wait3A_1551] : memref<50x4096x128xf32, #tpu.memory_space<hbm>> -> memref<1x128x128xf32, #tpu.memory_space<hbm>>
    %dma_wait3A_1553 = tpu.memref_squeeze %dma_wait3A_1552 : memref<1x128x128xf32, #tpu.memory_space<hbm>> -> memref<128x128xf32, #tpu.memory_space<hbm>>
    %dma_wait3A_1554 = arith.constant 0 : i32
    %dma_wait3A_1555 = tpu.memref_slice %arg4[%dma_wait3A_1546, %mul3A_2, %dma_wait3A_1554] : memref<50x4096x128xf32, #tpu.memory_space<hbm>> -> memref<1x128x128xf32, #tpu.memory_space<hbm>>
    %dma_wait3A_1556 = tpu.memref_squeeze %dma_wait3A_1555 : memref<1x128x128xf32, #tpu.memory_space<hbm>> -> memref<128x128xf32, #tpu.memory_space<hbm>>
    %dma_wait3A_1557 = arith.constant 0 : i32
    %dma_wait3A_1558 = arith.constant 0 : i32
    %dma_wait3A_1559 = tpu.memref_slice %arg6[%dma_wait3A_1545, %dma_wait3A_1557, %dma_wait3A_1558] : memref<4x128x128xf32, #tpu.memory_space<vmem>> -> memref<1x128x128xf32, #tpu.memory_space<vmem>>
    %dma_wait3A_1560 = tpu.memref_squeeze %dma_wait3A_1559 : memref<1x128x128xf32, #tpu.memory_space<vmem>> -> memref<128x128xf32, #tpu.memory_space<vmem>>
    tpu.wait_dma2 semaphore(%arg13 : memref<!tpu.dma_semaphore, #tpu.memory_space<semaphore_mem>>) src(%dma_wait3A_1560 : memref<128x128xf32, #tpu.memory_space<vmem>>) dst(%dma_wait3A_1556 : memref<128x128xf32, #tpu.memory_space<hbm>>)
    %dma_start3A_1561 = arith.constant 30 : i32
    %dma_start3A_1562 = arith.constant 2 : i32
    %dma_start3A_1563 = arith.constant 0 : i32
    %dma_start3A_1564 = arith.constant 0 : i32
    %dma_start3A_1565 = tpu.memref_slice %arg6[%dma_start3A_1562, %dma_start3A_1563, %dma_start3A_1564] : memref<4x128x128xf32, #tpu.memory_space<vmem>> -> memref<1x128x128xf32, #tpu.memory_space<vmem>>
    %dma_start3A_1566 = tpu.memref_squeeze %dma_start3A_1565 : memref<1x128x128xf32, #tpu.memory_space<vmem>> -> memref<128x128xf32, #tpu.memory_space<vmem>>
    %dma_start3A_1567 = arith.constant 0 : i32
    %dma_start3A_1568 = tpu.memref_slice %arg5[%dma_start3A_1561, %dma_start3A_1567] : memref<50x128xi32, #tpu.memory_space<vmem>> -> memref<1x128xi32, #tpu.memory_space<vmem>>
    %dma_start3A_1569 = tpu.memref_squeeze %dma_start3A_1568 : memref<1x128xi32, #tpu.memory_space<vmem>> -> memref<128xi32, #tpu.memory_space<vmem>>
    %dma_start3A_1570 = arith.constant 0 : i32
    %dma_start3A_1571 = arith.constant 0 : i32
    %dma_start3A_1572 = tpu.memref_slice %arg3[%dma_start3A_1570, %dma_start3A_1571] : memref<100000x128xf32, #tpu.memory_space<hbm>> -> memref<100000x128xf32, #tpu.memory_space<hbm>>
    tpu.enqueue_indirect_dma source(%dma_start3A_1572 : memref<100000x128xf32, #tpu.memory_space<hbm>>) target(%dma_start3A_1566 : memref<128x128xf32, #tpu.memory_space<vmem>>) offsets(%dma_start3A_1569 : memref<128xi32, #tpu.memory_space<vmem>>) semaphore(%arg9 : memref<!tpu.dma_semaphore, #tpu.memory_space<semaphore_mem>>)
    %dma_start3A_1573 = arith.constant 3 : i32
    %dma_start3A_1574 = arith.constant 27 : i32
    %dma_start3A_1575 = arith.constant 0 : i32
    %dma_start3A_1576 = arith.constant 0 : i32
    %dma_start3A_1577 = tpu.memref_slice %arg6[%dma_start3A_1573, %dma_start3A_1575, %dma_start3A_1576] : memref<4x128x128xf32, #tpu.memory_space<vmem>> -> memref<1x128x128xf32, #tpu.memory_space<vmem>>
    %dma_start3A_1578 = tpu.memref_squeeze %dma_start3A_1577 : memref<1x128x128xf32, #tpu.memory_space<vmem>> -> memref<128x128xf32, #tpu.memory_space<vmem>>
    %dma_start3A_1579 = arith.constant 0 : i32
    %dma_start3A_1580 = tpu.memref_slice %arg4[%dma_start3A_1574, %mul3A_2, %dma_start3A_1579] : memref<50x4096x128xf32, #tpu.memory_space<hbm>> -> memref<1x128x128xf32, #tpu.memory_space<hbm>>
    %dma_start3A_1581 = tpu.memref_squeeze %dma_start3A_1580 : memref<1x128x128xf32, #tpu.memory_space<hbm>> -> memref<128x128xf32, #tpu.memory_space<hbm>>
    %dma_start3A_1582 = arith.constant 0 : i32
    %dma_start3A_1583 = tpu.memref_slice %arg4[%dma_start3A_1574, %mul3A_2, %dma_start3A_1582] : memref<50x4096x128xf32, #tpu.memory_space<hbm>> -> memref<1x128x128xf32, #tpu.memory_space<hbm>>
    %dma_start3A_1584 = tpu.memref_squeeze %dma_start3A_1583 : memref<1x128x128xf32, #tpu.memory_space<hbm>> -> memref<128x128xf32, #tpu.memory_space<hbm>>
    %dma_start3A_1585 = arith.constant 0 : i32
    %dma_start3A_1586 = arith.constant 0 : i32
    %dma_start3A_1587 = tpu.memref_slice %arg6[%dma_start3A_1573, %dma_start3A_1585, %dma_start3A_1586] : memref<4x128x128xf32, #tpu.memory_space<vmem>> -> memref<1x128x128xf32, #tpu.memory_space<vmem>>
    %dma_start3A_1588 = tpu.memref_squeeze %dma_start3A_1587 : memref<1x128x128xf32, #tpu.memory_space<vmem>> -> memref<128x128xf32, #tpu.memory_space<vmem>>
    tpu.enqueue_dma source(%dma_start3A_1588 : memref<128x128xf32, #tpu.memory_space<vmem>>) target(%dma_start3A_1584 : memref<128x128xf32, #tpu.memory_space<hbm>>) target_semaphore(%arg14 : memref<!tpu.dma_semaphore, #tpu.memory_space<semaphore_mem>>)
    %dma_wait3A_1589 = arith.constant 28 : i32
    %dma_wait3A_1590 = arith.constant 0 : i32
    %dma_wait3A_1591 = arith.constant 0 : i32
    %dma_wait3A_1592 = arith.constant 0 : i32
    %dma_wait3A_1593 = tpu.memref_slice %arg6[%dma_wait3A_1590, %dma_wait3A_1591, %dma_wait3A_1592] : memref<4x128x128xf32, #tpu.memory_space<vmem>> -> memref<1x128x128xf32, #tpu.memory_space<vmem>>
    %dma_wait3A_1594 = tpu.memref_squeeze %dma_wait3A_1593 : memref<1x128x128xf32, #tpu.memory_space<vmem>> -> memref<128x128xf32, #tpu.memory_space<vmem>>
    %dma_wait3A_1595 = arith.constant 0 : i32
    %dma_wait3A_1596 = tpu.memref_slice %arg5[%dma_wait3A_1589, %dma_wait3A_1595] : memref<50x128xi32, #tpu.memory_space<vmem>> -> memref<1x128xi32, #tpu.memory_space<vmem>>
    %dma_wait3A_1597 = tpu.memref_squeeze %dma_wait3A_1596 : memref<1x128xi32, #tpu.memory_space<vmem>> -> memref<128xi32, #tpu.memory_space<vmem>>
    %dma_wait3A_1598 = arith.constant 0 : i32
    %dma_wait3A_1599 = arith.constant 0 : i32
    %dma_wait3A_1600 = tpu.memref_slice %arg3[%dma_wait3A_1598, %dma_wait3A_1599] : memref<100000x128xf32, #tpu.memory_space<hbm>> -> memref<100000x128xf32, #tpu.memory_space<hbm>>
    tpu.wait_indirect_dma semaphore(%arg7 : memref<!tpu.dma_semaphore, #tpu.memory_space<semaphore_mem>>) src(%dma_wait3A_1600 : memref<100000x128xf32, #tpu.memory_space<hbm>>) dst(%dma_wait3A_1594 : memref<128x128xf32, #tpu.memory_space<vmem>>)
    %dma_wait3A_1601 = arith.constant 3 : i32
    %dma_wait3A_1602 = arith.constant 27 : i32
    %dma_wait3A_1603 = arith.constant 0 : i32
    %dma_wait3A_1604 = arith.constant 0 : i32
    %dma_wait3A_1605 = tpu.memref_slice %arg6[%dma_wait3A_1601, %dma_wait3A_1603, %dma_wait3A_1604] : memref<4x128x128xf32, #tpu.memory_space<vmem>> -> memref<1x128x128xf32, #tpu.memory_space<vmem>>
    %dma_wait3A_1606 = tpu.memref_squeeze %dma_wait3A_1605 : memref<1x128x128xf32, #tpu.memory_space<vmem>> -> memref<128x128xf32, #tpu.memory_space<vmem>>
    %dma_wait3A_1607 = arith.constant 0 : i32
    %dma_wait3A_1608 = tpu.memref_slice %arg4[%dma_wait3A_1602, %mul3A_2, %dma_wait3A_1607] : memref<50x4096x128xf32, #tpu.memory_space<hbm>> -> memref<1x128x128xf32, #tpu.memory_space<hbm>>
    %dma_wait3A_1609 = tpu.memref_squeeze %dma_wait3A_1608 : memref<1x128x128xf32, #tpu.memory_space<hbm>> -> memref<128x128xf32, #tpu.memory_space<hbm>>
    %dma_wait3A_1610 = arith.constant 0 : i32
    %dma_wait3A_1611 = tpu.memref_slice %arg4[%dma_wait3A_1602, %mul3A_2, %dma_wait3A_1610] : memref<50x4096x128xf32, #tpu.memory_space<hbm>> -> memref<1x128x128xf32, #tpu.memory_space<hbm>>
    %dma_wait3A_1612 = tpu.memref_squeeze %dma_wait3A_1611 : memref<1x128x128xf32, #tpu.memory_space<hbm>> -> memref<128x128xf32, #tpu.memory_space<hbm>>
    %dma_wait3A_1613 = arith.constant 0 : i32
    %dma_wait3A_1614 = arith.constant 0 : i32
    %dma_wait3A_1615 = tpu.memref_slice %arg6[%dma_wait3A_1601, %dma_wait3A_1613, %dma_wait3A_1614] : memref<4x128x128xf32, #tpu.memory_space<vmem>> -> memref<1x128x128xf32, #tpu.memory_space<vmem>>
    %dma_wait3A_1616 = tpu.memref_squeeze %dma_wait3A_1615 : memref<1x128x128xf32, #tpu.memory_space<vmem>> -> memref<128x128xf32, #tpu.memory_space<vmem>>
    tpu.wait_dma2 semaphore(%arg14 : memref<!tpu.dma_semaphore, #tpu.memory_space<semaphore_mem>>) src(%dma_wait3A_1616 : memref<128x128xf32, #tpu.memory_space<vmem>>) dst(%dma_wait3A_1612 : memref<128x128xf32, #tpu.memory_space<hbm>>)
    %dma_start3A_1617 = arith.constant 31 : i32
    %dma_start3A_1618 = arith.constant 3 : i32
    %dma_start3A_1619 = arith.constant 0 : i32
    %dma_start3A_1620 = arith.constant 0 : i32
    %dma_start3A_1621 = tpu.memref_slice %arg6[%dma_start3A_1618, %dma_start3A_1619, %dma_start3A_1620] : memref<4x128x128xf32, #tpu.memory_space<vmem>> -> memref<1x128x128xf32, #tpu.memory_space<vmem>>
    %dma_start3A_1622 = tpu.memref_squeeze %dma_start3A_1621 : memref<1x128x128xf32, #tpu.memory_space<vmem>> -> memref<128x128xf32, #tpu.memory_space<vmem>>
    %dma_start3A_1623 = arith.constant 0 : i32
    %dma_start3A_1624 = tpu.memref_slice %arg5[%dma_start3A_1617, %dma_start3A_1623] : memref<50x128xi32, #tpu.memory_space<vmem>> -> memref<1x128xi32, #tpu.memory_space<vmem>>
    %dma_start3A_1625 = tpu.memref_squeeze %dma_start3A_1624 : memref<1x128xi32, #tpu.memory_space<vmem>> -> memref<128xi32, #tpu.memory_space<vmem>>
    %dma_start3A_1626 = arith.constant 0 : i32
    %dma_start3A_1627 = arith.constant 0 : i32
    %dma_start3A_1628 = tpu.memref_slice %arg3[%dma_start3A_1626, %dma_start3A_1627] : memref<100000x128xf32, #tpu.memory_space<hbm>> -> memref<100000x128xf32, #tpu.memory_space<hbm>>
    tpu.enqueue_indirect_dma source(%dma_start3A_1628 : memref<100000x128xf32, #tpu.memory_space<hbm>>) target(%dma_start3A_1622 : memref<128x128xf32, #tpu.memory_space<vmem>>) offsets(%dma_start3A_1625 : memref<128xi32, #tpu.memory_space<vmem>>) semaphore(%arg10 : memref<!tpu.dma_semaphore, #tpu.memory_space<semaphore_mem>>)
    %dma_start3A_1629 = arith.constant 0 : i32
    %dma_start3A_1630 = arith.constant 28 : i32
    %dma_start3A_1631 = arith.constant 0 : i32
    %dma_start3A_1632 = arith.constant 0 : i32
    %dma_start3A_1633 = tpu.memref_slice %arg6[%dma_start3A_1629, %dma_start3A_1631, %dma_start3A_1632] : memref<4x128x128xf32, #tpu.memory_space<vmem>> -> memref<1x128x128xf32, #tpu.memory_space<vmem>>
    %dma_start3A_1634 = tpu.memref_squeeze %dma_start3A_1633 : memref<1x128x128xf32, #tpu.memory_space<vmem>> -> memref<128x128xf32, #tpu.memory_space<vmem>>
    %dma_start3A_1635 = arith.constant 0 : i32
    %dma_start3A_1636 = tpu.memref_slice %arg4[%dma_start3A_1630, %mul3A_2, %dma_start3A_1635] : memref<50x4096x128xf32, #tpu.memory_space<hbm>> -> memref<1x128x128xf32, #tpu.memory_space<hbm>>
    %dma_start3A_1637 = tpu.memref_squeeze %dma_start3A_1636 : memref<1x128x128xf32, #tpu.memory_space<hbm>> -> memref<128x128xf32, #tpu.memory_space<hbm>>
    %dma_start3A_1638 = arith.constant 0 : i32
    %dma_start3A_1639 = tpu.memref_slice %arg4[%dma_start3A_1630, %mul3A_2, %dma_start3A_1638] : memref<50x4096x128xf32, #tpu.memory_space<hbm>> -> memref<1x128x128xf32, #tpu.memory_space<hbm>>
    %dma_start3A_1640 = tpu.memref_squeeze %dma_start3A_1639 : memref<1x128x128xf32, #tpu.memory_space<hbm>> -> memref<128x128xf32, #tpu.memory_space<hbm>>
    %dma_start3A_1641 = arith.constant 0 : i32
    %dma_start3A_1642 = arith.constant 0 : i32
    %dma_start3A_1643 = tpu.memref_slice %arg6[%dma_start3A_1629, %dma_start3A_1641, %dma_start3A_1642] : memref<4x128x128xf32, #tpu.memory_space<vmem>> -> memref<1x128x128xf32, #tpu.memory_space<vmem>>
    %dma_start3A_1644 = tpu.memref_squeeze %dma_start3A_1643 : memref<1x128x128xf32, #tpu.memory_space<vmem>> -> memref<128x128xf32, #tpu.memory_space<vmem>>
    tpu.enqueue_dma source(%dma_start3A_1644 : memref<128x128xf32, #tpu.memory_space<vmem>>) target(%dma_start3A_1640 : memref<128x128xf32, #tpu.memory_space<hbm>>) target_semaphore(%arg11 : memref<!tpu.dma_semaphore, #tpu.memory_space<semaphore_mem>>)
    %dma_wait3A_1645 = arith.constant 29 : i32
    %dma_wait3A_1646 = arith.constant 1 : i32
    %dma_wait3A_1647 = arith.constant 0 : i32
    %dma_wait3A_1648 = arith.constant 0 : i32
    %dma_wait3A_1649 = tpu.memref_slice %arg6[%dma_wait3A_1646, %dma_wait3A_1647, %dma_wait3A_1648] : memref<4x128x128xf32, #tpu.memory_space<vmem>> -> memref<1x128x128xf32, #tpu.memory_space<vmem>>
    %dma_wait3A_1650 = tpu.memref_squeeze %dma_wait3A_1649 : memref<1x128x128xf32, #tpu.memory_space<vmem>> -> memref<128x128xf32, #tpu.memory_space<vmem>>
    %dma_wait3A_1651 = arith.constant 0 : i32
    %dma_wait3A_1652 = tpu.memref_slice %arg5[%dma_wait3A_1645, %dma_wait3A_1651] : memref<50x128xi32, #tpu.memory_space<vmem>> -> memref<1x128xi32, #tpu.memory_space<vmem>>
    %dma_wait3A_1653 = tpu.memref_squeeze %dma_wait3A_1652 : memref<1x128xi32, #tpu.memory_space<vmem>> -> memref<128xi32, #tpu.memory_space<vmem>>
    %dma_wait3A_1654 = arith.constant 0 : i32
    %dma_wait3A_1655 = arith.constant 0 : i32
    %dma_wait3A_1656 = tpu.memref_slice %arg3[%dma_wait3A_1654, %dma_wait3A_1655] : memref<100000x128xf32, #tpu.memory_space<hbm>> -> memref<100000x128xf32, #tpu.memory_space<hbm>>
    tpu.wait_indirect_dma semaphore(%arg8 : memref<!tpu.dma_semaphore, #tpu.memory_space<semaphore_mem>>) src(%dma_wait3A_1656 : memref<100000x128xf32, #tpu.memory_space<hbm>>) dst(%dma_wait3A_1650 : memref<128x128xf32, #tpu.memory_space<vmem>>)
    %dma_wait3A_1657 = arith.constant 0 : i32
    %dma_wait3A_1658 = arith.constant 28 : i32
    %dma_wait3A_1659 = arith.constant 0 : i32
    %dma_wait3A_1660 = arith.constant 0 : i32
    %dma_wait3A_1661 = tpu.memref_slice %arg6[%dma_wait3A_1657, %dma_wait3A_1659, %dma_wait3A_1660] : memref<4x128x128xf32, #tpu.memory_space<vmem>> -> memref<1x128x128xf32, #tpu.memory_space<vmem>>
    %dma_wait3A_1662 = tpu.memref_squeeze %dma_wait3A_1661 : memref<1x128x128xf32, #tpu.memory_space<vmem>> -> memref<128x128xf32, #tpu.memory_space<vmem>>
    %dma_wait3A_1663 = arith.constant 0 : i32
    %dma_wait3A_1664 = tpu.memref_slice %arg4[%dma_wait3A_1658, %mul3A_2, %dma_wait3A_1663] : memref<50x4096x128xf32, #tpu.memory_space<hbm>> -> memref<1x128x128xf32, #tpu.memory_space<hbm>>
    %dma_wait3A_1665 = tpu.memref_squeeze %dma_wait3A_1664 : memref<1x128x128xf32, #tpu.memory_space<hbm>> -> memref<128x128xf32, #tpu.memory_space<hbm>>
    %dma_wait3A_1666 = arith.constant 0 : i32
    %dma_wait3A_1667 = tpu.memref_slice %arg4[%dma_wait3A_1658, %mul3A_2, %dma_wait3A_1666] : memref<50x4096x128xf32, #tpu.memory_space<hbm>> -> memref<1x128x128xf32, #tpu.memory_space<hbm>>
    %dma_wait3A_1668 = tpu.memref_squeeze %dma_wait3A_1667 : memref<1x128x128xf32, #tpu.memory_space<hbm>> -> memref<128x128xf32, #tpu.memory_space<hbm>>
    %dma_wait3A_1669 = arith.constant 0 : i32
    %dma_wait3A_1670 = arith.constant 0 : i32
    %dma_wait3A_1671 = tpu.memref_slice %arg6[%dma_wait3A_1657, %dma_wait3A_1669, %dma_wait3A_1670] : memref<4x128x128xf32, #tpu.memory_space<vmem>> -> memref<1x128x128xf32, #tpu.memory_space<vmem>>
    %dma_wait3A_1672 = tpu.memref_squeeze %dma_wait3A_1671 : memref<1x128x128xf32, #tpu.memory_space<vmem>> -> memref<128x128xf32, #tpu.memory_space<vmem>>
    tpu.wait_dma2 semaphore(%arg11 : memref<!tpu.dma_semaphore, #tpu.memory_space<semaphore_mem>>) src(%dma_wait3A_1672 : memref<128x128xf32, #tpu.memory_space<vmem>>) dst(%dma_wait3A_1668 : memref<128x128xf32, #tpu.memory_space<hbm>>)
    %dma_start3A_1673 = arith.constant 32 : i32
    %dma_start3A_1674 = arith.constant 0 : i32
    %dma_start3A_1675 = arith.constant 0 : i32
    %dma_start3A_1676 = arith.constant 0 : i32
    %dma_start3A_1677 = tpu.memref_slice %arg6[%dma_start3A_1674, %dma_start3A_1675, %dma_start3A_1676] : memref<4x128x128xf32, #tpu.memory_space<vmem>> -> memref<1x128x128xf32, #tpu.memory_space<vmem>>
    %dma_start3A_1678 = tpu.memref_squeeze %dma_start3A_1677 : memref<1x128x128xf32, #tpu.memory_space<vmem>> -> memref<128x128xf32, #tpu.memory_space<vmem>>
    %dma_start3A_1679 = arith.constant 0 : i32
    %dma_start3A_1680 = tpu.memref_slice %arg5[%dma_start3A_1673, %dma_start3A_1679] : memref<50x128xi32, #tpu.memory_space<vmem>> -> memref<1x128xi32, #tpu.memory_space<vmem>>
    %dma_start3A_1681 = tpu.memref_squeeze %dma_start3A_1680 : memref<1x128xi32, #tpu.memory_space<vmem>> -> memref<128xi32, #tpu.memory_space<vmem>>
    %dma_start3A_1682 = arith.constant 0 : i32
    %dma_start3A_1683 = arith.constant 0 : i32
    %dma_start3A_1684 = tpu.memref_slice %arg3[%dma_start3A_1682, %dma_start3A_1683] : memref<100000x128xf32, #tpu.memory_space<hbm>> -> memref<100000x128xf32, #tpu.memory_space<hbm>>
    tpu.enqueue_indirect_dma source(%dma_start3A_1684 : memref<100000x128xf32, #tpu.memory_space<hbm>>) target(%dma_start3A_1678 : memref<128x128xf32, #tpu.memory_space<vmem>>) offsets(%dma_start3A_1681 : memref<128xi32, #tpu.memory_space<vmem>>) semaphore(%arg7 : memref<!tpu.dma_semaphore, #tpu.memory_space<semaphore_mem>>)
    %dma_start3A_1685 = arith.constant 1 : i32
    %dma_start3A_1686 = arith.constant 29 : i32
    %dma_start3A_1687 = arith.constant 0 : i32
    %dma_start3A_1688 = arith.constant 0 : i32
    %dma_start3A_1689 = tpu.memref_slice %arg6[%dma_start3A_1685, %dma_start3A_1687, %dma_start3A_1688] : memref<4x128x128xf32, #tpu.memory_space<vmem>> -> memref<1x128x128xf32, #tpu.memory_space<vmem>>
    %dma_start3A_1690 = tpu.memref_squeeze %dma_start3A_1689 : memref<1x128x128xf32, #tpu.memory_space<vmem>> -> memref<128x128xf32, #tpu.memory_space<vmem>>
    %dma_start3A_1691 = arith.constant 0 : i32
    %dma_start3A_1692 = tpu.memref_slice %arg4[%dma_start3A_1686, %mul3A_2, %dma_start3A_1691] : memref<50x4096x128xf32, #tpu.memory_space<hbm>> -> memref<1x128x128xf32, #tpu.memory_space<hbm>>
    %dma_start3A_1693 = tpu.memref_squeeze %dma_start3A_1692 : memref<1x128x128xf32, #tpu.memory_space<hbm>> -> memref<128x128xf32, #tpu.memory_space<hbm>>
    %dma_start3A_1694 = arith.constant 0 : i32
    %dma_start3A_1695 = tpu.memref_slice %arg4[%dma_start3A_1686, %mul3A_2, %dma_start3A_1694] : memref<50x4096x128xf32, #tpu.memory_space<hbm>> -> memref<1x128x128xf32, #tpu.memory_space<hbm>>
    %dma_start3A_1696 = tpu.memref_squeeze %dma_start3A_1695 : memref<1x128x128xf32, #tpu.memory_space<hbm>> -> memref<128x128xf32, #tpu.memory_space<hbm>>
    %dma_start3A_1697 = arith.constant 0 : i32
    %dma_start3A_1698 = arith.constant 0 : i32
    %dma_start3A_1699 = tpu.memref_slice %arg6[%dma_start3A_1685, %dma_start3A_1697, %dma_start3A_1698] : memref<4x128x128xf32, #tpu.memory_space<vmem>> -> memref<1x128x128xf32, #tpu.memory_space<vmem>>
    %dma_start3A_1700 = tpu.memref_squeeze %dma_start3A_1699 : memref<1x128x128xf32, #tpu.memory_space<vmem>> -> memref<128x128xf32, #tpu.memory_space<vmem>>
    tpu.enqueue_dma source(%dma_start3A_1700 : memref<128x128xf32, #tpu.memory_space<vmem>>) target(%dma_start3A_1696 : memref<128x128xf32, #tpu.memory_space<hbm>>) target_semaphore(%arg12 : memref<!tpu.dma_semaphore, #tpu.memory_space<semaphore_mem>>)
    %dma_wait3A_1701 = arith.constant 30 : i32
    %dma_wait3A_1702 = arith.constant 2 : i32
    %dma_wait3A_1703 = arith.constant 0 : i32
    %dma_wait3A_1704 = arith.constant 0 : i32
    %dma_wait3A_1705 = tpu.memref_slice %arg6[%dma_wait3A_1702, %dma_wait3A_1703, %dma_wait3A_1704] : memref<4x128x128xf32, #tpu.memory_space<vmem>> -> memref<1x128x128xf32, #tpu.memory_space<vmem>>
    %dma_wait3A_1706 = tpu.memref_squeeze %dma_wait3A_1705 : memref<1x128x128xf32, #tpu.memory_space<vmem>> -> memref<128x128xf32, #tpu.memory_space<vmem>>
    %dma_wait3A_1707 = arith.constant 0 : i32
    %dma_wait3A_1708 = tpu.memref_slice %arg5[%dma_wait3A_1701, %dma_wait3A_1707] : memref<50x128xi32, #tpu.memory_space<vmem>> -> memref<1x128xi32, #tpu.memory_space<vmem>>
    %dma_wait3A_1709 = tpu.memref_squeeze %dma_wait3A_1708 : memref<1x128xi32, #tpu.memory_space<vmem>> -> memref<128xi32, #tpu.memory_space<vmem>>
    %dma_wait3A_1710 = arith.constant 0 : i32
    %dma_wait3A_1711 = arith.constant 0 : i32
    %dma_wait3A_1712 = tpu.memref_slice %arg3[%dma_wait3A_1710, %dma_wait3A_1711] : memref<100000x128xf32, #tpu.memory_space<hbm>> -> memref<100000x128xf32, #tpu.memory_space<hbm>>
    tpu.wait_indirect_dma semaphore(%arg9 : memref<!tpu.dma_semaphore, #tpu.memory_space<semaphore_mem>>) src(%dma_wait3A_1712 : memref<100000x128xf32, #tpu.memory_space<hbm>>) dst(%dma_wait3A_1706 : memref<128x128xf32, #tpu.memory_space<vmem>>)
    %dma_wait3A_1713 = arith.constant 1 : i32
    %dma_wait3A_1714 = arith.constant 29 : i32
    %dma_wait3A_1715 = arith.constant 0 : i32
    %dma_wait3A_1716 = arith.constant 0 : i32
    %dma_wait3A_1717 = tpu.memref_slice %arg6[%dma_wait3A_1713, %dma_wait3A_1715, %dma_wait3A_1716] : memref<4x128x128xf32, #tpu.memory_space<vmem>> -> memref<1x128x128xf32, #tpu.memory_space<vmem>>
    %dma_wait3A_1718 = tpu.memref_squeeze %dma_wait3A_1717 : memref<1x128x128xf32, #tpu.memory_space<vmem>> -> memref<128x128xf32, #tpu.memory_space<vmem>>
    %dma_wait3A_1719 = arith.constant 0 : i32
    %dma_wait3A_1720 = tpu.memref_slice %arg4[%dma_wait3A_1714, %mul3A_2, %dma_wait3A_1719] : memref<50x4096x128xf32, #tpu.memory_space<hbm>> -> memref<1x128x128xf32, #tpu.memory_space<hbm>>
    %dma_wait3A_1721 = tpu.memref_squeeze %dma_wait3A_1720 : memref<1x128x128xf32, #tpu.memory_space<hbm>> -> memref<128x128xf32, #tpu.memory_space<hbm>>
    %dma_wait3A_1722 = arith.constant 0 : i32
    %dma_wait3A_1723 = tpu.memref_slice %arg4[%dma_wait3A_1714, %mul3A_2, %dma_wait3A_1722] : memref<50x4096x128xf32, #tpu.memory_space<hbm>> -> memref<1x128x128xf32, #tpu.memory_space<hbm>>
    %dma_wait3A_1724 = tpu.memref_squeeze %dma_wait3A_1723 : memref<1x128x128xf32, #tpu.memory_space<hbm>> -> memref<128x128xf32, #tpu.memory_space<hbm>>
    %dma_wait3A_1725 = arith.constant 0 : i32
    %dma_wait3A_1726 = arith.constant 0 : i32
    %dma_wait3A_1727 = tpu.memref_slice %arg6[%dma_wait3A_1713, %dma_wait3A_1725, %dma_wait3A_1726] : memref<4x128x128xf32, #tpu.memory_space<vmem>> -> memref<1x128x128xf32, #tpu.memory_space<vmem>>
    %dma_wait3A_1728 = tpu.memref_squeeze %dma_wait3A_1727 : memref<1x128x128xf32, #tpu.memory_space<vmem>> -> memref<128x128xf32, #tpu.memory_space<vmem>>
    tpu.wait_dma2 semaphore(%arg12 : memref<!tpu.dma_semaphore, #tpu.memory_space<semaphore_mem>>) src(%dma_wait3A_1728 : memref<128x128xf32, #tpu.memory_space<vmem>>) dst(%dma_wait3A_1724 : memref<128x128xf32, #tpu.memory_space<hbm>>)
    %dma_start3A_1729 = arith.constant 33 : i32
    %dma_start3A_1730 = arith.constant 1 : i32
    %dma_start3A_1731 = arith.constant 0 : i32
    %dma_start3A_1732 = arith.constant 0 : i32
    %dma_start3A_1733 = tpu.memref_slice %arg6[%dma_start3A_1730, %dma_start3A_1731, %dma_start3A_1732] : memref<4x128x128xf32, #tpu.memory_space<vmem>> -> memref<1x128x128xf32, #tpu.memory_space<vmem>>
    %dma_start3A_1734 = tpu.memref_squeeze %dma_start3A_1733 : memref<1x128x128xf32, #tpu.memory_space<vmem>> -> memref<128x128xf32, #tpu.memory_space<vmem>>
    %dma_start3A_1735 = arith.constant 0 : i32
    %dma_start3A_1736 = tpu.memref_slice %arg5[%dma_start3A_1729, %dma_start3A_1735] : memref<50x128xi32, #tpu.memory_space<vmem>> -> memref<1x128xi32, #tpu.memory_space<vmem>>
    %dma_start3A_1737 = tpu.memref_squeeze %dma_start3A_1736 : memref<1x128xi32, #tpu.memory_space<vmem>> -> memref<128xi32, #tpu.memory_space<vmem>>
    %dma_start3A_1738 = arith.constant 0 : i32
    %dma_start3A_1739 = arith.constant 0 : i32
    %dma_start3A_1740 = tpu.memref_slice %arg3[%dma_start3A_1738, %dma_start3A_1739] : memref<100000x128xf32, #tpu.memory_space<hbm>> -> memref<100000x128xf32, #tpu.memory_space<hbm>>
    tpu.enqueue_indirect_dma source(%dma_start3A_1740 : memref<100000x128xf32, #tpu.memory_space<hbm>>) target(%dma_start3A_1734 : memref<128x128xf32, #tpu.memory_space<vmem>>) offsets(%dma_start3A_1737 : memref<128xi32, #tpu.memory_space<vmem>>) semaphore(%arg8 : memref<!tpu.dma_semaphore, #tpu.memory_space<semaphore_mem>>)
    %dma_start3A_1741 = arith.constant 2 : i32
    %dma_start3A_1742 = arith.constant 30 : i32
    %dma_start3A_1743 = arith.constant 0 : i32
    %dma_start3A_1744 = arith.constant 0 : i32
    %dma_start3A_1745 = tpu.memref_slice %arg6[%dma_start3A_1741, %dma_start3A_1743, %dma_start3A_1744] : memref<4x128x128xf32, #tpu.memory_space<vmem>> -> memref<1x128x128xf32, #tpu.memory_space<vmem>>
    %dma_start3A_1746 = tpu.memref_squeeze %dma_start3A_1745 : memref<1x128x128xf32, #tpu.memory_space<vmem>> -> memref<128x128xf32, #tpu.memory_space<vmem>>
    %dma_start3A_1747 = arith.constant 0 : i32
    %dma_start3A_1748 = tpu.memref_slice %arg4[%dma_start3A_1742, %mul3A_2, %dma_start3A_1747] : memref<50x4096x128xf32, #tpu.memory_space<hbm>> -> memref<1x128x128xf32, #tpu.memory_space<hbm>>
    %dma_start3A_1749 = tpu.memref_squeeze %dma_start3A_1748 : memref<1x128x128xf32, #tpu.memory_space<hbm>> -> memref<128x128xf32, #tpu.memory_space<hbm>>
    %dma_start3A_1750 = arith.constant 0 : i32
    %dma_start3A_1751 = tpu.memref_slice %arg4[%dma_start3A_1742, %mul3A_2, %dma_start3A_1750] : memref<50x4096x128xf32, #tpu.memory_space<hbm>> -> memref<1x128x128xf32, #tpu.memory_space<hbm>>
    %dma_start3A_1752 = tpu.memref_squeeze %dma_start3A_1751 : memref<1x128x128xf32, #tpu.memory_space<hbm>> -> memref<128x128xf32, #tpu.memory_space<hbm>>
    %dma_start3A_1753 = arith.constant 0 : i32
    %dma_start3A_1754 = arith.constant 0 : i32
    %dma_start3A_1755 = tpu.memref_slice %arg6[%dma_start3A_1741, %dma_start3A_1753, %dma_start3A_1754] : memref<4x128x128xf32, #tpu.memory_space<vmem>> -> memref<1x128x128xf32, #tpu.memory_space<vmem>>
    %dma_start3A_1756 = tpu.memref_squeeze %dma_start3A_1755 : memref<1x128x128xf32, #tpu.memory_space<vmem>> -> memref<128x128xf32, #tpu.memory_space<vmem>>
    tpu.enqueue_dma source(%dma_start3A_1756 : memref<128x128xf32, #tpu.memory_space<vmem>>) target(%dma_start3A_1752 : memref<128x128xf32, #tpu.memory_space<hbm>>) target_semaphore(%arg13 : memref<!tpu.dma_semaphore, #tpu.memory_space<semaphore_mem>>)
    %dma_wait3A_1757 = arith.constant 31 : i32
    %dma_wait3A_1758 = arith.constant 3 : i32
    %dma_wait3A_1759 = arith.constant 0 : i32
    %dma_wait3A_1760 = arith.constant 0 : i32
    %dma_wait3A_1761 = tpu.memref_slice %arg6[%dma_wait3A_1758, %dma_wait3A_1759, %dma_wait3A_1760] : memref<4x128x128xf32, #tpu.memory_space<vmem>> -> memref<1x128x128xf32, #tpu.memory_space<vmem>>
    %dma_wait3A_1762 = tpu.memref_squeeze %dma_wait3A_1761 : memref<1x128x128xf32, #tpu.memory_space<vmem>> -> memref<128x128xf32, #tpu.memory_space<vmem>>
    %dma_wait3A_1763 = arith.constant 0 : i32
    %dma_wait3A_1764 = tpu.memref_slice %arg5[%dma_wait3A_1757, %dma_wait3A_1763] : memref<50x128xi32, #tpu.memory_space<vmem>> -> memref<1x128xi32, #tpu.memory_space<vmem>>
    %dma_wait3A_1765 = tpu.memref_squeeze %dma_wait3A_1764 : memref<1x128xi32, #tpu.memory_space<vmem>> -> memref<128xi32, #tpu.memory_space<vmem>>
    %dma_wait3A_1766 = arith.constant 0 : i32
    %dma_wait3A_1767 = arith.constant 0 : i32
    %dma_wait3A_1768 = tpu.memref_slice %arg3[%dma_wait3A_1766, %dma_wait3A_1767] : memref<100000x128xf32, #tpu.memory_space<hbm>> -> memref<100000x128xf32, #tpu.memory_space<hbm>>
    tpu.wait_indirect_dma semaphore(%arg10 : memref<!tpu.dma_semaphore, #tpu.memory_space<semaphore_mem>>) src(%dma_wait3A_1768 : memref<100000x128xf32, #tpu.memory_space<hbm>>) dst(%dma_wait3A_1762 : memref<128x128xf32, #tpu.memory_space<vmem>>)
    %dma_wait3A_1769 = arith.constant 2 : i32
    %dma_wait3A_1770 = arith.constant 30 : i32
    %dma_wait3A_1771 = arith.constant 0 : i32
    %dma_wait3A_1772 = arith.constant 0 : i32
    %dma_wait3A_1773 = tpu.memref_slice %arg6[%dma_wait3A_1769, %dma_wait3A_1771, %dma_wait3A_1772] : memref<4x128x128xf32, #tpu.memory_space<vmem>> -> memref<1x128x128xf32, #tpu.memory_space<vmem>>
    %dma_wait3A_1774 = tpu.memref_squeeze %dma_wait3A_1773 : memref<1x128x128xf32, #tpu.memory_space<vmem>> -> memref<128x128xf32, #tpu.memory_space<vmem>>
    %dma_wait3A_1775 = arith.constant 0 : i32
    %dma_wait3A_1776 = tpu.memref_slice %arg4[%dma_wait3A_1770, %mul3A_2, %dma_wait3A_1775] : memref<50x4096x128xf32, #tpu.memory_space<hbm>> -> memref<1x128x128xf32, #tpu.memory_space<hbm>>
    %dma_wait3A_1777 = tpu.memref_squeeze %dma_wait3A_1776 : memref<1x128x128xf32, #tpu.memory_space<hbm>> -> memref<128x128xf32, #tpu.memory_space<hbm>>
    %dma_wait3A_1778 = arith.constant 0 : i32
    %dma_wait3A_1779 = tpu.memref_slice %arg4[%dma_wait3A_1770, %mul3A_2, %dma_wait3A_1778] : memref<50x4096x128xf32, #tpu.memory_space<hbm>> -> memref<1x128x128xf32, #tpu.memory_space<hbm>>
    %dma_wait3A_1780 = tpu.memref_squeeze %dma_wait3A_1779 : memref<1x128x128xf32, #tpu.memory_space<hbm>> -> memref<128x128xf32, #tpu.memory_space<hbm>>
    %dma_wait3A_1781 = arith.constant 0 : i32
    %dma_wait3A_1782 = arith.constant 0 : i32
    %dma_wait3A_1783 = tpu.memref_slice %arg6[%dma_wait3A_1769, %dma_wait3A_1781, %dma_wait3A_1782] : memref<4x128x128xf32, #tpu.memory_space<vmem>> -> memref<1x128x128xf32, #tpu.memory_space<vmem>>
    %dma_wait3A_1784 = tpu.memref_squeeze %dma_wait3A_1783 : memref<1x128x128xf32, #tpu.memory_space<vmem>> -> memref<128x128xf32, #tpu.memory_space<vmem>>
    tpu.wait_dma2 semaphore(%arg13 : memref<!tpu.dma_semaphore, #tpu.memory_space<semaphore_mem>>) src(%dma_wait3A_1784 : memref<128x128xf32, #tpu.memory_space<vmem>>) dst(%dma_wait3A_1780 : memref<128x128xf32, #tpu.memory_space<hbm>>)
    %dma_start3A_1785 = arith.constant 34 : i32
    %dma_start3A_1786 = arith.constant 2 : i32
    %dma_start3A_1787 = arith.constant 0 : i32
    %dma_start3A_1788 = arith.constant 0 : i32
    %dma_start3A_1789 = tpu.memref_slice %arg6[%dma_start3A_1786, %dma_start3A_1787, %dma_start3A_1788] : memref<4x128x128xf32, #tpu.memory_space<vmem>> -> memref<1x128x128xf32, #tpu.memory_space<vmem>>
    %dma_start3A_1790 = tpu.memref_squeeze %dma_start3A_1789 : memref<1x128x128xf32, #tpu.memory_space<vmem>> -> memref<128x128xf32, #tpu.memory_space<vmem>>
    %dma_start3A_1791 = arith.constant 0 : i32
    %dma_start3A_1792 = tpu.memref_slice %arg5[%dma_start3A_1785, %dma_start3A_1791] : memref<50x128xi32, #tpu.memory_space<vmem>> -> memref<1x128xi32, #tpu.memory_space<vmem>>
    %dma_start3A_1793 = tpu.memref_squeeze %dma_start3A_1792 : memref<1x128xi32, #tpu.memory_space<vmem>> -> memref<128xi32, #tpu.memory_space<vmem>>
    %dma_start3A_1794 = arith.constant 0 : i32
    %dma_start3A_1795 = arith.constant 0 : i32
    %dma_start3A_1796 = tpu.memref_slice %arg3[%dma_start3A_1794, %dma_start3A_1795] : memref<100000x128xf32, #tpu.memory_space<hbm>> -> memref<100000x128xf32, #tpu.memory_space<hbm>>
    tpu.enqueue_indirect_dma source(%dma_start3A_1796 : memref<100000x128xf32, #tpu.memory_space<hbm>>) target(%dma_start3A_1790 : memref<128x128xf32, #tpu.memory_space<vmem>>) offsets(%dma_start3A_1793 : memref<128xi32, #tpu.memory_space<vmem>>) semaphore(%arg9 : memref<!tpu.dma_semaphore, #tpu.memory_space<semaphore_mem>>)
    %dma_start3A_1797 = arith.constant 3 : i32
    %dma_start3A_1798 = arith.constant 31 : i32
    %dma_start3A_1799 = arith.constant 0 : i32
    %dma_start3A_1800 = arith.constant 0 : i32
    %dma_start3A_1801 = tpu.memref_slice %arg6[%dma_start3A_1797, %dma_start3A_1799, %dma_start3A_1800] : memref<4x128x128xf32, #tpu.memory_space<vmem>> -> memref<1x128x128xf32, #tpu.memory_space<vmem>>
    %dma_start3A_1802 = tpu.memref_squeeze %dma_start3A_1801 : memref<1x128x128xf32, #tpu.memory_space<vmem>> -> memref<128x128xf32, #tpu.memory_space<vmem>>
    %dma_start3A_1803 = arith.constant 0 : i32
    %dma_start3A_1804 = tpu.memref_slice %arg4[%dma_start3A_1798, %mul3A_2, %dma_start3A_1803] : memref<50x4096x128xf32, #tpu.memory_space<hbm>> -> memref<1x128x128xf32, #tpu.memory_space<hbm>>
    %dma_start3A_1805 = tpu.memref_squeeze %dma_start3A_1804 : memref<1x128x128xf32, #tpu.memory_space<hbm>> -> memref<128x128xf32, #tpu.memory_space<hbm>>
    %dma_start3A_1806 = arith.constant 0 : i32
    %dma_start3A_1807 = tpu.memref_slice %arg4[%dma_start3A_1798, %mul3A_2, %dma_start3A_1806] : memref<50x4096x128xf32, #tpu.memory_space<hbm>> -> memref<1x128x128xf32, #tpu.memory_space<hbm>>
    %dma_start3A_1808 = tpu.memref_squeeze %dma_start3A_1807 : memref<1x128x128xf32, #tpu.memory_space<hbm>> -> memref<128x128xf32, #tpu.memory_space<hbm>>
    %dma_start3A_1809 = arith.constant 0 : i32
    %dma_start3A_1810 = arith.constant 0 : i32
    %dma_start3A_1811 = tpu.memref_slice %arg6[%dma_start3A_1797, %dma_start3A_1809, %dma_start3A_1810] : memref<4x128x128xf32, #tpu.memory_space<vmem>> -> memref<1x128x128xf32, #tpu.memory_space<vmem>>
    %dma_start3A_1812 = tpu.memref_squeeze %dma_start3A_1811 : memref<1x128x128xf32, #tpu.memory_space<vmem>> -> memref<128x128xf32, #tpu.memory_space<vmem>>
    tpu.enqueue_dma source(%dma_start3A_1812 : memref<128x128xf32, #tpu.memory_space<vmem>>) target(%dma_start3A_1808 : memref<128x128xf32, #tpu.memory_space<hbm>>) target_semaphore(%arg14 : memref<!tpu.dma_semaphore, #tpu.memory_space<semaphore_mem>>)
    %dma_wait3A_1813 = arith.constant 32 : i32
    %dma_wait3A_1814 = arith.constant 0 : i32
    %dma_wait3A_1815 = arith.constant 0 : i32
    %dma_wait3A_1816 = arith.constant 0 : i32
    %dma_wait3A_1817 = tpu.memref_slice %arg6[%dma_wait3A_1814, %dma_wait3A_1815, %dma_wait3A_1816] : memref<4x128x128xf32, #tpu.memory_space<vmem>> -> memref<1x128x128xf32, #tpu.memory_space<vmem>>
    %dma_wait3A_1818 = tpu.memref_squeeze %dma_wait3A_1817 : memref<1x128x128xf32, #tpu.memory_space<vmem>> -> memref<128x128xf32, #tpu.memory_space<vmem>>
    %dma_wait3A_1819 = arith.constant 0 : i32
    %dma_wait3A_1820 = tpu.memref_slice %arg5[%dma_wait3A_1813, %dma_wait3A_1819] : memref<50x128xi32, #tpu.memory_space<vmem>> -> memref<1x128xi32, #tpu.memory_space<vmem>>
    %dma_wait3A_1821 = tpu.memref_squeeze %dma_wait3A_1820 : memref<1x128xi32, #tpu.memory_space<vmem>> -> memref<128xi32, #tpu.memory_space<vmem>>
    %dma_wait3A_1822 = arith.constant 0 : i32
    %dma_wait3A_1823 = arith.constant 0 : i32
    %dma_wait3A_1824 = tpu.memref_slice %arg3[%dma_wait3A_1822, %dma_wait3A_1823] : memref<100000x128xf32, #tpu.memory_space<hbm>> -> memref<100000x128xf32, #tpu.memory_space<hbm>>
    tpu.wait_indirect_dma semaphore(%arg7 : memref<!tpu.dma_semaphore, #tpu.memory_space<semaphore_mem>>) src(%dma_wait3A_1824 : memref<100000x128xf32, #tpu.memory_space<hbm>>) dst(%dma_wait3A_1818 : memref<128x128xf32, #tpu.memory_space<vmem>>)
    %dma_wait3A_1825 = arith.constant 3 : i32
    %dma_wait3A_1826 = arith.constant 31 : i32
    %dma_wait3A_1827 = arith.constant 0 : i32
    %dma_wait3A_1828 = arith.constant 0 : i32
    %dma_wait3A_1829 = tpu.memref_slice %arg6[%dma_wait3A_1825, %dma_wait3A_1827, %dma_wait3A_1828] : memref<4x128x128xf32, #tpu.memory_space<vmem>> -> memref<1x128x128xf32, #tpu.memory_space<vmem>>
    %dma_wait3A_1830 = tpu.memref_squeeze %dma_wait3A_1829 : memref<1x128x128xf32, #tpu.memory_space<vmem>> -> memref<128x128xf32, #tpu.memory_space<vmem>>
    %dma_wait3A_1831 = arith.constant 0 : i32
    %dma_wait3A_1832 = tpu.memref_slice %arg4[%dma_wait3A_1826, %mul3A_2, %dma_wait3A_1831] : memref<50x4096x128xf32, #tpu.memory_space<hbm>> -> memref<1x128x128xf32, #tpu.memory_space<hbm>>
    %dma_wait3A_1833 = tpu.memref_squeeze %dma_wait3A_1832 : memref<1x128x128xf32, #tpu.memory_space<hbm>> -> memref<128x128xf32, #tpu.memory_space<hbm>>
    %dma_wait3A_1834 = arith.constant 0 : i32
    %dma_wait3A_1835 = tpu.memref_slice %arg4[%dma_wait3A_1826, %mul3A_2, %dma_wait3A_1834] : memref<50x4096x128xf32, #tpu.memory_space<hbm>> -> memref<1x128x128xf32, #tpu.memory_space<hbm>>
    %dma_wait3A_1836 = tpu.memref_squeeze %dma_wait3A_1835 : memref<1x128x128xf32, #tpu.memory_space<hbm>> -> memref<128x128xf32, #tpu.memory_space<hbm>>
    %dma_wait3A_1837 = arith.constant 0 : i32
    %dma_wait3A_1838 = arith.constant 0 : i32
    %dma_wait3A_1839 = tpu.memref_slice %arg6[%dma_wait3A_1825, %dma_wait3A_1837, %dma_wait3A_1838] : memref<4x128x128xf32, #tpu.memory_space<vmem>> -> memref<1x128x128xf32, #tpu.memory_space<vmem>>
    %dma_wait3A_1840 = tpu.memref_squeeze %dma_wait3A_1839 : memref<1x128x128xf32, #tpu.memory_space<vmem>> -> memref<128x128xf32, #tpu.memory_space<vmem>>
    tpu.wait_dma2 semaphore(%arg14 : memref<!tpu.dma_semaphore, #tpu.memory_space<semaphore_mem>>) src(%dma_wait3A_1840 : memref<128x128xf32, #tpu.memory_space<vmem>>) dst(%dma_wait3A_1836 : memref<128x128xf32, #tpu.memory_space<hbm>>)
    %dma_start3A_1841 = arith.constant 35 : i32
    %dma_start3A_1842 = arith.constant 3 : i32
    %dma_start3A_1843 = arith.constant 0 : i32
    %dma_start3A_1844 = arith.constant 0 : i32
    %dma_start3A_1845 = tpu.memref_slice %arg6[%dma_start3A_1842, %dma_start3A_1843, %dma_start3A_1844] : memref<4x128x128xf32, #tpu.memory_space<vmem>> -> memref<1x128x128xf32, #tpu.memory_space<vmem>>
    %dma_start3A_1846 = tpu.memref_squeeze %dma_start3A_1845 : memref<1x128x128xf32, #tpu.memory_space<vmem>> -> memref<128x128xf32, #tpu.memory_space<vmem>>
    %dma_start3A_1847 = arith.constant 0 : i32
    %dma_start3A_1848 = tpu.memref_slice %arg5[%dma_start3A_1841, %dma_start3A_1847] : memref<50x128xi32, #tpu.memory_space<vmem>> -> memref<1x128xi32, #tpu.memory_space<vmem>>
    %dma_start3A_1849 = tpu.memref_squeeze %dma_start3A_1848 : memref<1x128xi32, #tpu.memory_space<vmem>> -> memref<128xi32, #tpu.memory_space<vmem>>
    %dma_start3A_1850 = arith.constant 0 : i32
    %dma_start3A_1851 = arith.constant 0 : i32
    %dma_start3A_1852 = tpu.memref_slice %arg3[%dma_start3A_1850, %dma_start3A_1851] : memref<100000x128xf32, #tpu.memory_space<hbm>> -> memref<100000x128xf32, #tpu.memory_space<hbm>>
    tpu.enqueue_indirect_dma source(%dma_start3A_1852 : memref<100000x128xf32, #tpu.memory_space<hbm>>) target(%dma_start3A_1846 : memref<128x128xf32, #tpu.memory_space<vmem>>) offsets(%dma_start3A_1849 : memref<128xi32, #tpu.memory_space<vmem>>) semaphore(%arg10 : memref<!tpu.dma_semaphore, #tpu.memory_space<semaphore_mem>>)
    %dma_start3A_1853 = arith.constant 0 : i32
    %dma_start3A_1854 = arith.constant 32 : i32
    %dma_start3A_1855 = arith.constant 0 : i32
    %dma_start3A_1856 = arith.constant 0 : i32
    %dma_start3A_1857 = tpu.memref_slice %arg6[%dma_start3A_1853, %dma_start3A_1855, %dma_start3A_1856] : memref<4x128x128xf32, #tpu.memory_space<vmem>> -> memref<1x128x128xf32, #tpu.memory_space<vmem>>
    %dma_start3A_1858 = tpu.memref_squeeze %dma_start3A_1857 : memref<1x128x128xf32, #tpu.memory_space<vmem>> -> memref<128x128xf32, #tpu.memory_space<vmem>>
    %dma_start3A_1859 = arith.constant 0 : i32
    %dma_start3A_1860 = tpu.memref_slice %arg4[%dma_start3A_1854, %mul3A_2, %dma_start3A_1859] : memref<50x4096x128xf32, #tpu.memory_space<hbm>> -> memref<1x128x128xf32, #tpu.memory_space<hbm>>
    %dma_start3A_1861 = tpu.memref_squeeze %dma_start3A_1860 : memref<1x128x128xf32, #tpu.memory_space<hbm>> -> memref<128x128xf32, #tpu.memory_space<hbm>>
    %dma_start3A_1862 = arith.constant 0 : i32
    %dma_start3A_1863 = tpu.memref_slice %arg4[%dma_start3A_1854, %mul3A_2, %dma_start3A_1862] : memref<50x4096x128xf32, #tpu.memory_space<hbm>> -> memref<1x128x128xf32, #tpu.memory_space<hbm>>
    %dma_start3A_1864 = tpu.memref_squeeze %dma_start3A_1863 : memref<1x128x128xf32, #tpu.memory_space<hbm>> -> memref<128x128xf32, #tpu.memory_space<hbm>>
    %dma_start3A_1865 = arith.constant 0 : i32
    %dma_start3A_1866 = arith.constant 0 : i32
    %dma_start3A_1867 = tpu.memref_slice %arg6[%dma_start3A_1853, %dma_start3A_1865, %dma_start3A_1866] : memref<4x128x128xf32, #tpu.memory_space<vmem>> -> memref<1x128x128xf32, #tpu.memory_space<vmem>>
    %dma_start3A_1868 = tpu.memref_squeeze %dma_start3A_1867 : memref<1x128x128xf32, #tpu.memory_space<vmem>> -> memref<128x128xf32, #tpu.memory_space<vmem>>
    tpu.enqueue_dma source(%dma_start3A_1868 : memref<128x128xf32, #tpu.memory_space<vmem>>) target(%dma_start3A_1864 : memref<128x128xf32, #tpu.memory_space<hbm>>) target_semaphore(%arg11 : memref<!tpu.dma_semaphore, #tpu.memory_space<semaphore_mem>>)
    %dma_wait3A_1869 = arith.constant 33 : i32
    %dma_wait3A_1870 = arith.constant 1 : i32
    %dma_wait3A_1871 = arith.constant 0 : i32
    %dma_wait3A_1872 = arith.constant 0 : i32
    %dma_wait3A_1873 = tpu.memref_slice %arg6[%dma_wait3A_1870, %dma_wait3A_1871, %dma_wait3A_1872] : memref<4x128x128xf32, #tpu.memory_space<vmem>> -> memref<1x128x128xf32, #tpu.memory_space<vmem>>
    %dma_wait3A_1874 = tpu.memref_squeeze %dma_wait3A_1873 : memref<1x128x128xf32, #tpu.memory_space<vmem>> -> memref<128x128xf32, #tpu.memory_space<vmem>>
    %dma_wait3A_1875 = arith.constant 0 : i32
    %dma_wait3A_1876 = tpu.memref_slice %arg5[%dma_wait3A_1869, %dma_wait3A_1875] : memref<50x128xi32, #tpu.memory_space<vmem>> -> memref<1x128xi32, #tpu.memory_space<vmem>>
    %dma_wait3A_1877 = tpu.memref_squeeze %dma_wait3A_1876 : memref<1x128xi32, #tpu.memory_space<vmem>> -> memref<128xi32, #tpu.memory_space<vmem>>
    %dma_wait3A_1878 = arith.constant 0 : i32
    %dma_wait3A_1879 = arith.constant 0 : i32
    %dma_wait3A_1880 = tpu.memref_slice %arg3[%dma_wait3A_1878, %dma_wait3A_1879] : memref<100000x128xf32, #tpu.memory_space<hbm>> -> memref<100000x128xf32, #tpu.memory_space<hbm>>
    tpu.wait_indirect_dma semaphore(%arg8 : memref<!tpu.dma_semaphore, #tpu.memory_space<semaphore_mem>>) src(%dma_wait3A_1880 : memref<100000x128xf32, #tpu.memory_space<hbm>>) dst(%dma_wait3A_1874 : memref<128x128xf32, #tpu.memory_space<vmem>>)
    %dma_wait3A_1881 = arith.constant 0 : i32
    %dma_wait3A_1882 = arith.constant 32 : i32
    %dma_wait3A_1883 = arith.constant 0 : i32
    %dma_wait3A_1884 = arith.constant 0 : i32
    %dma_wait3A_1885 = tpu.memref_slice %arg6[%dma_wait3A_1881, %dma_wait3A_1883, %dma_wait3A_1884] : memref<4x128x128xf32, #tpu.memory_space<vmem>> -> memref<1x128x128xf32, #tpu.memory_space<vmem>>
    %dma_wait3A_1886 = tpu.memref_squeeze %dma_wait3A_1885 : memref<1x128x128xf32, #tpu.memory_space<vmem>> -> memref<128x128xf32, #tpu.memory_space<vmem>>
    %dma_wait3A_1887 = arith.constant 0 : i32
    %dma_wait3A_1888 = tpu.memref_slice %arg4[%dma_wait3A_1882, %mul3A_2, %dma_wait3A_1887] : memref<50x4096x128xf32, #tpu.memory_space<hbm>> -> memref<1x128x128xf32, #tpu.memory_space<hbm>>
    %dma_wait3A_1889 = tpu.memref_squeeze %dma_wait3A_1888 : memref<1x128x128xf32, #tpu.memory_space<hbm>> -> memref<128x128xf32, #tpu.memory_space<hbm>>
    %dma_wait3A_1890 = arith.constant 0 : i32
    %dma_wait3A_1891 = tpu.memref_slice %arg4[%dma_wait3A_1882, %mul3A_2, %dma_wait3A_1890] : memref<50x4096x128xf32, #tpu.memory_space<hbm>> -> memref<1x128x128xf32, #tpu.memory_space<hbm>>
    %dma_wait3A_1892 = tpu.memref_squeeze %dma_wait3A_1891 : memref<1x128x128xf32, #tpu.memory_space<hbm>> -> memref<128x128xf32, #tpu.memory_space<hbm>>
    %dma_wait3A_1893 = arith.constant 0 : i32
    %dma_wait3A_1894 = arith.constant 0 : i32
    %dma_wait3A_1895 = tpu.memref_slice %arg6[%dma_wait3A_1881, %dma_wait3A_1893, %dma_wait3A_1894] : memref<4x128x128xf32, #tpu.memory_space<vmem>> -> memref<1x128x128xf32, #tpu.memory_space<vmem>>
    %dma_wait3A_1896 = tpu.memref_squeeze %dma_wait3A_1895 : memref<1x128x128xf32, #tpu.memory_space<vmem>> -> memref<128x128xf32, #tpu.memory_space<vmem>>
    tpu.wait_dma2 semaphore(%arg11 : memref<!tpu.dma_semaphore, #tpu.memory_space<semaphore_mem>>) src(%dma_wait3A_1896 : memref<128x128xf32, #tpu.memory_space<vmem>>) dst(%dma_wait3A_1892 : memref<128x128xf32, #tpu.memory_space<hbm>>)
    %dma_start3A_1897 = arith.constant 36 : i32
    %dma_start3A_1898 = arith.constant 0 : i32
    %dma_start3A_1899 = arith.constant 0 : i32
    %dma_start3A_1900 = arith.constant 0 : i32
    %dma_start3A_1901 = tpu.memref_slice %arg6[%dma_start3A_1898, %dma_start3A_1899, %dma_start3A_1900] : memref<4x128x128xf32, #tpu.memory_space<vmem>> -> memref<1x128x128xf32, #tpu.memory_space<vmem>>
    %dma_start3A_1902 = tpu.memref_squeeze %dma_start3A_1901 : memref<1x128x128xf32, #tpu.memory_space<vmem>> -> memref<128x128xf32, #tpu.memory_space<vmem>>
    %dma_start3A_1903 = arith.constant 0 : i32
    %dma_start3A_1904 = tpu.memref_slice %arg5[%dma_start3A_1897, %dma_start3A_1903] : memref<50x128xi32, #tpu.memory_space<vmem>> -> memref<1x128xi32, #tpu.memory_space<vmem>>
    %dma_start3A_1905 = tpu.memref_squeeze %dma_start3A_1904 : memref<1x128xi32, #tpu.memory_space<vmem>> -> memref<128xi32, #tpu.memory_space<vmem>>
    %dma_start3A_1906 = arith.constant 0 : i32
    %dma_start3A_1907 = arith.constant 0 : i32
    %dma_start3A_1908 = tpu.memref_slice %arg3[%dma_start3A_1906, %dma_start3A_1907] : memref<100000x128xf32, #tpu.memory_space<hbm>> -> memref<100000x128xf32, #tpu.memory_space<hbm>>
    tpu.enqueue_indirect_dma source(%dma_start3A_1908 : memref<100000x128xf32, #tpu.memory_space<hbm>>) target(%dma_start3A_1902 : memref<128x128xf32, #tpu.memory_space<vmem>>) offsets(%dma_start3A_1905 : memref<128xi32, #tpu.memory_space<vmem>>) semaphore(%arg7 : memref<!tpu.dma_semaphore, #tpu.memory_space<semaphore_mem>>)
    %dma_start3A_1909 = arith.constant 1 : i32
    %dma_start3A_1910 = arith.constant 33 : i32
    %dma_start3A_1911 = arith.constant 0 : i32
    %dma_start3A_1912 = arith.constant 0 : i32
    %dma_start3A_1913 = tpu.memref_slice %arg6[%dma_start3A_1909, %dma_start3A_1911, %dma_start3A_1912] : memref<4x128x128xf32, #tpu.memory_space<vmem>> -> memref<1x128x128xf32, #tpu.memory_space<vmem>>
    %dma_start3A_1914 = tpu.memref_squeeze %dma_start3A_1913 : memref<1x128x128xf32, #tpu.memory_space<vmem>> -> memref<128x128xf32, #tpu.memory_space<vmem>>
    %dma_start3A_1915 = arith.constant 0 : i32
    %dma_start3A_1916 = tpu.memref_slice %arg4[%dma_start3A_1910, %mul3A_2, %dma_start3A_1915] : memref<50x4096x128xf32, #tpu.memory_space<hbm>> -> memref<1x128x128xf32, #tpu.memory_space<hbm>>
    %dma_start3A_1917 = tpu.memref_squeeze %dma_start3A_1916 : memref<1x128x128xf32, #tpu.memory_space<hbm>> -> memref<128x128xf32, #tpu.memory_space<hbm>>
    %dma_start3A_1918 = arith.constant 0 : i32
    %dma_start3A_1919 = tpu.memref_slice %arg4[%dma_start3A_1910, %mul3A_2, %dma_start3A_1918] : memref<50x4096x128xf32, #tpu.memory_space<hbm>> -> memref<1x128x128xf32, #tpu.memory_space<hbm>>
    %dma_start3A_1920 = tpu.memref_squeeze %dma_start3A_1919 : memref<1x128x128xf32, #tpu.memory_space<hbm>> -> memref<128x128xf32, #tpu.memory_space<hbm>>
    %dma_start3A_1921 = arith.constant 0 : i32
    %dma_start3A_1922 = arith.constant 0 : i32
    %dma_start3A_1923 = tpu.memref_slice %arg6[%dma_start3A_1909, %dma_start3A_1921, %dma_start3A_1922] : memref<4x128x128xf32, #tpu.memory_space<vmem>> -> memref<1x128x128xf32, #tpu.memory_space<vmem>>
    %dma_start3A_1924 = tpu.memref_squeeze %dma_start3A_1923 : memref<1x128x128xf32, #tpu.memory_space<vmem>> -> memref<128x128xf32, #tpu.memory_space<vmem>>
    tpu.enqueue_dma source(%dma_start3A_1924 : memref<128x128xf32, #tpu.memory_space<vmem>>) target(%dma_start3A_1920 : memref<128x128xf32, #tpu.memory_space<hbm>>) target_semaphore(%arg12 : memref<!tpu.dma_semaphore, #tpu.memory_space<semaphore_mem>>)
    %dma_wait3A_1925 = arith.constant 34 : i32
    %dma_wait3A_1926 = arith.constant 2 : i32
    %dma_wait3A_1927 = arith.constant 0 : i32
    %dma_wait3A_1928 = arith.constant 0 : i32
    %dma_wait3A_1929 = tpu.memref_slice %arg6[%dma_wait3A_1926, %dma_wait3A_1927, %dma_wait3A_1928] : memref<4x128x128xf32, #tpu.memory_space<vmem>> -> memref<1x128x128xf32, #tpu.memory_space<vmem>>
    %dma_wait3A_1930 = tpu.memref_squeeze %dma_wait3A_1929 : memref<1x128x128xf32, #tpu.memory_space<vmem>> -> memref<128x128xf32, #tpu.memory_space<vmem>>
    %dma_wait3A_1931 = arith.constant 0 : i32
    %dma_wait3A_1932 = tpu.memref_slice %arg5[%dma_wait3A_1925, %dma_wait3A_1931] : memref<50x128xi32, #tpu.memory_space<vmem>> -> memref<1x128xi32, #tpu.memory_space<vmem>>
    %dma_wait3A_1933 = tpu.memref_squeeze %dma_wait3A_1932 : memref<1x128xi32, #tpu.memory_space<vmem>> -> memref<128xi32, #tpu.memory_space<vmem>>
    %dma_wait3A_1934 = arith.constant 0 : i32
    %dma_wait3A_1935 = arith.constant 0 : i32
    %dma_wait3A_1936 = tpu.memref_slice %arg3[%dma_wait3A_1934, %dma_wait3A_1935] : memref<100000x128xf32, #tpu.memory_space<hbm>> -> memref<100000x128xf32, #tpu.memory_space<hbm>>
    tpu.wait_indirect_dma semaphore(%arg9 : memref<!tpu.dma_semaphore, #tpu.memory_space<semaphore_mem>>) src(%dma_wait3A_1936 : memref<100000x128xf32, #tpu.memory_space<hbm>>) dst(%dma_wait3A_1930 : memref<128x128xf32, #tpu.memory_space<vmem>>)
    %dma_wait3A_1937 = arith.constant 1 : i32
    %dma_wait3A_1938 = arith.constant 33 : i32
    %dma_wait3A_1939 = arith.constant 0 : i32
    %dma_wait3A_1940 = arith.constant 0 : i32
    %dma_wait3A_1941 = tpu.memref_slice %arg6[%dma_wait3A_1937, %dma_wait3A_1939, %dma_wait3A_1940] : memref<4x128x128xf32, #tpu.memory_space<vmem>> -> memref<1x128x128xf32, #tpu.memory_space<vmem>>
    %dma_wait3A_1942 = tpu.memref_squeeze %dma_wait3A_1941 : memref<1x128x128xf32, #tpu.memory_space<vmem>> -> memref<128x128xf32, #tpu.memory_space<vmem>>
    %dma_wait3A_1943 = arith.constant 0 : i32
    %dma_wait3A_1944 = tpu.memref_slice %arg4[%dma_wait3A_1938, %mul3A_2, %dma_wait3A_1943] : memref<50x4096x128xf32, #tpu.memory_space<hbm>> -> memref<1x128x128xf32, #tpu.memory_space<hbm>>
    %dma_wait3A_1945 = tpu.memref_squeeze %dma_wait3A_1944 : memref<1x128x128xf32, #tpu.memory_space<hbm>> -> memref<128x128xf32, #tpu.memory_space<hbm>>
    %dma_wait3A_1946 = arith.constant 0 : i32
    %dma_wait3A_1947 = tpu.memref_slice %arg4[%dma_wait3A_1938, %mul3A_2, %dma_wait3A_1946] : memref<50x4096x128xf32, #tpu.memory_space<hbm>> -> memref<1x128x128xf32, #tpu.memory_space<hbm>>
    %dma_wait3A_1948 = tpu.memref_squeeze %dma_wait3A_1947 : memref<1x128x128xf32, #tpu.memory_space<hbm>> -> memref<128x128xf32, #tpu.memory_space<hbm>>
    %dma_wait3A_1949 = arith.constant 0 : i32
    %dma_wait3A_1950 = arith.constant 0 : i32
    %dma_wait3A_1951 = tpu.memref_slice %arg6[%dma_wait3A_1937, %dma_wait3A_1949, %dma_wait3A_1950] : memref<4x128x128xf32, #tpu.memory_space<vmem>> -> memref<1x128x128xf32, #tpu.memory_space<vmem>>
    %dma_wait3A_1952 = tpu.memref_squeeze %dma_wait3A_1951 : memref<1x128x128xf32, #tpu.memory_space<vmem>> -> memref<128x128xf32, #tpu.memory_space<vmem>>
    tpu.wait_dma2 semaphore(%arg12 : memref<!tpu.dma_semaphore, #tpu.memory_space<semaphore_mem>>) src(%dma_wait3A_1952 : memref<128x128xf32, #tpu.memory_space<vmem>>) dst(%dma_wait3A_1948 : memref<128x128xf32, #tpu.memory_space<hbm>>)
    %dma_start3A_1953 = arith.constant 37 : i32
    %dma_start3A_1954 = arith.constant 1 : i32
    %dma_start3A_1955 = arith.constant 0 : i32
    %dma_start3A_1956 = arith.constant 0 : i32
    %dma_start3A_1957 = tpu.memref_slice %arg6[%dma_start3A_1954, %dma_start3A_1955, %dma_start3A_1956] : memref<4x128x128xf32, #tpu.memory_space<vmem>> -> memref<1x128x128xf32, #tpu.memory_space<vmem>>
    %dma_start3A_1958 = tpu.memref_squeeze %dma_start3A_1957 : memref<1x128x128xf32, #tpu.memory_space<vmem>> -> memref<128x128xf32, #tpu.memory_space<vmem>>
    %dma_start3A_1959 = arith.constant 0 : i32
    %dma_start3A_1960 = tpu.memref_slice %arg5[%dma_start3A_1953, %dma_start3A_1959] : memref<50x128xi32, #tpu.memory_space<vmem>> -> memref<1x128xi32, #tpu.memory_space<vmem>>
    %dma_start3A_1961 = tpu.memref_squeeze %dma_start3A_1960 : memref<1x128xi32, #tpu.memory_space<vmem>> -> memref<128xi32, #tpu.memory_space<vmem>>
    %dma_start3A_1962 = arith.constant 0 : i32
    %dma_start3A_1963 = arith.constant 0 : i32
    %dma_start3A_1964 = tpu.memref_slice %arg3[%dma_start3A_1962, %dma_start3A_1963] : memref<100000x128xf32, #tpu.memory_space<hbm>> -> memref<100000x128xf32, #tpu.memory_space<hbm>>
    tpu.enqueue_indirect_dma source(%dma_start3A_1964 : memref<100000x128xf32, #tpu.memory_space<hbm>>) target(%dma_start3A_1958 : memref<128x128xf32, #tpu.memory_space<vmem>>) offsets(%dma_start3A_1961 : memref<128xi32, #tpu.memory_space<vmem>>) semaphore(%arg8 : memref<!tpu.dma_semaphore, #tpu.memory_space<semaphore_mem>>)
    %dma_start3A_1965 = arith.constant 2 : i32
    %dma_start3A_1966 = arith.constant 34 : i32
    %dma_start3A_1967 = arith.constant 0 : i32
    %dma_start3A_1968 = arith.constant 0 : i32
    %dma_start3A_1969 = tpu.memref_slice %arg6[%dma_start3A_1965, %dma_start3A_1967, %dma_start3A_1968] : memref<4x128x128xf32, #tpu.memory_space<vmem>> -> memref<1x128x128xf32, #tpu.memory_space<vmem>>
    %dma_start3A_1970 = tpu.memref_squeeze %dma_start3A_1969 : memref<1x128x128xf32, #tpu.memory_space<vmem>> -> memref<128x128xf32, #tpu.memory_space<vmem>>
    %dma_start3A_1971 = arith.constant 0 : i32
    %dma_start3A_1972 = tpu.memref_slice %arg4[%dma_start3A_1966, %mul3A_2, %dma_start3A_1971] : memref<50x4096x128xf32, #tpu.memory_space<hbm>> -> memref<1x128x128xf32, #tpu.memory_space<hbm>>
    %dma_start3A_1973 = tpu.memref_squeeze %dma_start3A_1972 : memref<1x128x128xf32, #tpu.memory_space<hbm>> -> memref<128x128xf32, #tpu.memory_space<hbm>>
    %dma_start3A_1974 = arith.constant 0 : i32
    %dma_start3A_1975 = tpu.memref_slice %arg4[%dma_start3A_1966, %mul3A_2, %dma_start3A_1974] : memref<50x4096x128xf32, #tpu.memory_space<hbm>> -> memref<1x128x128xf32, #tpu.memory_space<hbm>>
    %dma_start3A_1976 = tpu.memref_squeeze %dma_start3A_1975 : memref<1x128x128xf32, #tpu.memory_space<hbm>> -> memref<128x128xf32, #tpu.memory_space<hbm>>
    %dma_start3A_1977 = arith.constant 0 : i32
    %dma_start3A_1978 = arith.constant 0 : i32
    %dma_start3A_1979 = tpu.memref_slice %arg6[%dma_start3A_1965, %dma_start3A_1977, %dma_start3A_1978] : memref<4x128x128xf32, #tpu.memory_space<vmem>> -> memref<1x128x128xf32, #tpu.memory_space<vmem>>
    %dma_start3A_1980 = tpu.memref_squeeze %dma_start3A_1979 : memref<1x128x128xf32, #tpu.memory_space<vmem>> -> memref<128x128xf32, #tpu.memory_space<vmem>>
    tpu.enqueue_dma source(%dma_start3A_1980 : memref<128x128xf32, #tpu.memory_space<vmem>>) target(%dma_start3A_1976 : memref<128x128xf32, #tpu.memory_space<hbm>>) target_semaphore(%arg13 : memref<!tpu.dma_semaphore, #tpu.memory_space<semaphore_mem>>)
    %dma_wait3A_1981 = arith.constant 35 : i32
    %dma_wait3A_1982 = arith.constant 3 : i32
    %dma_wait3A_1983 = arith.constant 0 : i32
    %dma_wait3A_1984 = arith.constant 0 : i32
    %dma_wait3A_1985 = tpu.memref_slice %arg6[%dma_wait3A_1982, %dma_wait3A_1983, %dma_wait3A_1984] : memref<4x128x128xf32, #tpu.memory_space<vmem>> -> memref<1x128x128xf32, #tpu.memory_space<vmem>>
    %dma_wait3A_1986 = tpu.memref_squeeze %dma_wait3A_1985 : memref<1x128x128xf32, #tpu.memory_space<vmem>> -> memref<128x128xf32, #tpu.memory_space<vmem>>
    %dma_wait3A_1987 = arith.constant 0 : i32
    %dma_wait3A_1988 = tpu.memref_slice %arg5[%dma_wait3A_1981, %dma_wait3A_1987] : memref<50x128xi32, #tpu.memory_space<vmem>> -> memref<1x128xi32, #tpu.memory_space<vmem>>
    %dma_wait3A_1989 = tpu.memref_squeeze %dma_wait3A_1988 : memref<1x128xi32, #tpu.memory_space<vmem>> -> memref<128xi32, #tpu.memory_space<vmem>>
    %dma_wait3A_1990 = arith.constant 0 : i32
    %dma_wait3A_1991 = arith.constant 0 : i32
    %dma_wait3A_1992 = tpu.memref_slice %arg3[%dma_wait3A_1990, %dma_wait3A_1991] : memref<100000x128xf32, #tpu.memory_space<hbm>> -> memref<100000x128xf32, #tpu.memory_space<hbm>>
    tpu.wait_indirect_dma semaphore(%arg10 : memref<!tpu.dma_semaphore, #tpu.memory_space<semaphore_mem>>) src(%dma_wait3A_1992 : memref<100000x128xf32, #tpu.memory_space<hbm>>) dst(%dma_wait3A_1986 : memref<128x128xf32, #tpu.memory_space<vmem>>)
    %dma_wait3A_1993 = arith.constant 2 : i32
    %dma_wait3A_1994 = arith.constant 34 : i32
    %dma_wait3A_1995 = arith.constant 0 : i32
    %dma_wait3A_1996 = arith.constant 0 : i32
    %dma_wait3A_1997 = tpu.memref_slice %arg6[%dma_wait3A_1993, %dma_wait3A_1995, %dma_wait3A_1996] : memref<4x128x128xf32, #tpu.memory_space<vmem>> -> memref<1x128x128xf32, #tpu.memory_space<vmem>>
    %dma_wait3A_1998 = tpu.memref_squeeze %dma_wait3A_1997 : memref<1x128x128xf32, #tpu.memory_space<vmem>> -> memref<128x128xf32, #tpu.memory_space<vmem>>
    %dma_wait3A_1999 = arith.constant 0 : i32
    %dma_wait3A_2000 = tpu.memref_slice %arg4[%dma_wait3A_1994, %mul3A_2, %dma_wait3A_1999] : memref<50x4096x128xf32, #tpu.memory_space<hbm>> -> memref<1x128x128xf32, #tpu.memory_space<hbm>>
    %dma_wait3A_2001 = tpu.memref_squeeze %dma_wait3A_2000 : memref<1x128x128xf32, #tpu.memory_space<hbm>> -> memref<128x128xf32, #tpu.memory_space<hbm>>
    %dma_wait3A_2002 = arith.constant 0 : i32
    %dma_wait3A_2003 = tpu.memref_slice %arg4[%dma_wait3A_1994, %mul3A_2, %dma_wait3A_2002] : memref<50x4096x128xf32, #tpu.memory_space<hbm>> -> memref<1x128x128xf32, #tpu.memory_space<hbm>>
    %dma_wait3A_2004 = tpu.memref_squeeze %dma_wait3A_2003 : memref<1x128x128xf32, #tpu.memory_space<hbm>> -> memref<128x128xf32, #tpu.memory_space<hbm>>
    %dma_wait3A_2005 = arith.constant 0 : i32
    %dma_wait3A_2006 = arith.constant 0 : i32
    %dma_wait3A_2007 = tpu.memref_slice %arg6[%dma_wait3A_1993, %dma_wait3A_2005, %dma_wait3A_2006] : memref<4x128x128xf32, #tpu.memory_space<vmem>> -> memref<1x128x128xf32, #tpu.memory_space<vmem>>
    %dma_wait3A_2008 = tpu.memref_squeeze %dma_wait3A_2007 : memref<1x128x128xf32, #tpu.memory_space<vmem>> -> memref<128x128xf32, #tpu.memory_space<vmem>>
    tpu.wait_dma2 semaphore(%arg13 : memref<!tpu.dma_semaphore, #tpu.memory_space<semaphore_mem>>) src(%dma_wait3A_2008 : memref<128x128xf32, #tpu.memory_space<vmem>>) dst(%dma_wait3A_2004 : memref<128x128xf32, #tpu.memory_space<hbm>>)
    %dma_start3A_2009 = arith.constant 38 : i32
    %dma_start3A_2010 = arith.constant 2 : i32
    %dma_start3A_2011 = arith.constant 0 : i32
    %dma_start3A_2012 = arith.constant 0 : i32
    %dma_start3A_2013 = tpu.memref_slice %arg6[%dma_start3A_2010, %dma_start3A_2011, %dma_start3A_2012] : memref<4x128x128xf32, #tpu.memory_space<vmem>> -> memref<1x128x128xf32, #tpu.memory_space<vmem>>
    %dma_start3A_2014 = tpu.memref_squeeze %dma_start3A_2013 : memref<1x128x128xf32, #tpu.memory_space<vmem>> -> memref<128x128xf32, #tpu.memory_space<vmem>>
    %dma_start3A_2015 = arith.constant 0 : i32
    %dma_start3A_2016 = tpu.memref_slice %arg5[%dma_start3A_2009, %dma_start3A_2015] : memref<50x128xi32, #tpu.memory_space<vmem>> -> memref<1x128xi32, #tpu.memory_space<vmem>>
    %dma_start3A_2017 = tpu.memref_squeeze %dma_start3A_2016 : memref<1x128xi32, #tpu.memory_space<vmem>> -> memref<128xi32, #tpu.memory_space<vmem>>
    %dma_start3A_2018 = arith.constant 0 : i32
    %dma_start3A_2019 = arith.constant 0 : i32
    %dma_start3A_2020 = tpu.memref_slice %arg3[%dma_start3A_2018, %dma_start3A_2019] : memref<100000x128xf32, #tpu.memory_space<hbm>> -> memref<100000x128xf32, #tpu.memory_space<hbm>>
    tpu.enqueue_indirect_dma source(%dma_start3A_2020 : memref<100000x128xf32, #tpu.memory_space<hbm>>) target(%dma_start3A_2014 : memref<128x128xf32, #tpu.memory_space<vmem>>) offsets(%dma_start3A_2017 : memref<128xi32, #tpu.memory_space<vmem>>) semaphore(%arg9 : memref<!tpu.dma_semaphore, #tpu.memory_space<semaphore_mem>>)
    %dma_start3A_2021 = arith.constant 3 : i32
    %dma_start3A_2022 = arith.constant 35 : i32
    %dma_start3A_2023 = arith.constant 0 : i32
    %dma_start3A_2024 = arith.constant 0 : i32
    %dma_start3A_2025 = tpu.memref_slice %arg6[%dma_start3A_2021, %dma_start3A_2023, %dma_start3A_2024] : memref<4x128x128xf32, #tpu.memory_space<vmem>> -> memref<1x128x128xf32, #tpu.memory_space<vmem>>
    %dma_start3A_2026 = tpu.memref_squeeze %dma_start3A_2025 : memref<1x128x128xf32, #tpu.memory_space<vmem>> -> memref<128x128xf32, #tpu.memory_space<vmem>>
    %dma_start3A_2027 = arith.constant 0 : i32
    %dma_start3A_2028 = tpu.memref_slice %arg4[%dma_start3A_2022, %mul3A_2, %dma_start3A_2027] : memref<50x4096x128xf32, #tpu.memory_space<hbm>> -> memref<1x128x128xf32, #tpu.memory_space<hbm>>
    %dma_start3A_2029 = tpu.memref_squeeze %dma_start3A_2028 : memref<1x128x128xf32, #tpu.memory_space<hbm>> -> memref<128x128xf32, #tpu.memory_space<hbm>>
    %dma_start3A_2030 = arith.constant 0 : i32
    %dma_start3A_2031 = tpu.memref_slice %arg4[%dma_start3A_2022, %mul3A_2, %dma_start3A_2030] : memref<50x4096x128xf32, #tpu.memory_space<hbm>> -> memref<1x128x128xf32, #tpu.memory_space<hbm>>
    %dma_start3A_2032 = tpu.memref_squeeze %dma_start3A_2031 : memref<1x128x128xf32, #tpu.memory_space<hbm>> -> memref<128x128xf32, #tpu.memory_space<hbm>>
    %dma_start3A_2033 = arith.constant 0 : i32
    %dma_start3A_2034 = arith.constant 0 : i32
    %dma_start3A_2035 = tpu.memref_slice %arg6[%dma_start3A_2021, %dma_start3A_2033, %dma_start3A_2034] : memref<4x128x128xf32, #tpu.memory_space<vmem>> -> memref<1x128x128xf32, #tpu.memory_space<vmem>>
    %dma_start3A_2036 = tpu.memref_squeeze %dma_start3A_2035 : memref<1x128x128xf32, #tpu.memory_space<vmem>> -> memref<128x128xf32, #tpu.memory_space<vmem>>
    tpu.enqueue_dma source(%dma_start3A_2036 : memref<128x128xf32, #tpu.memory_space<vmem>>) target(%dma_start3A_2032 : memref<128x128xf32, #tpu.memory_space<hbm>>) target_semaphore(%arg14 : memref<!tpu.dma_semaphore, #tpu.memory_space<semaphore_mem>>)
    %dma_wait3A_2037 = arith.constant 36 : i32
    %dma_wait3A_2038 = arith.constant 0 : i32
    %dma_wait3A_2039 = arith.constant 0 : i32
    %dma_wait3A_2040 = arith.constant 0 : i32
    %dma_wait3A_2041 = tpu.memref_slice %arg6[%dma_wait3A_2038, %dma_wait3A_2039, %dma_wait3A_2040] : memref<4x128x128xf32, #tpu.memory_space<vmem>> -> memref<1x128x128xf32, #tpu.memory_space<vmem>>
    %dma_wait3A_2042 = tpu.memref_squeeze %dma_wait3A_2041 : memref<1x128x128xf32, #tpu.memory_space<vmem>> -> memref<128x128xf32, #tpu.memory_space<vmem>>
    %dma_wait3A_2043 = arith.constant 0 : i32
    %dma_wait3A_2044 = tpu.memref_slice %arg5[%dma_wait3A_2037, %dma_wait3A_2043] : memref<50x128xi32, #tpu.memory_space<vmem>> -> memref<1x128xi32, #tpu.memory_space<vmem>>
    %dma_wait3A_2045 = tpu.memref_squeeze %dma_wait3A_2044 : memref<1x128xi32, #tpu.memory_space<vmem>> -> memref<128xi32, #tpu.memory_space<vmem>>
    %dma_wait3A_2046 = arith.constant 0 : i32
    %dma_wait3A_2047 = arith.constant 0 : i32
    %dma_wait3A_2048 = tpu.memref_slice %arg3[%dma_wait3A_2046, %dma_wait3A_2047] : memref<100000x128xf32, #tpu.memory_space<hbm>> -> memref<100000x128xf32, #tpu.memory_space<hbm>>
    tpu.wait_indirect_dma semaphore(%arg7 : memref<!tpu.dma_semaphore, #tpu.memory_space<semaphore_mem>>) src(%dma_wait3A_2048 : memref<100000x128xf32, #tpu.memory_space<hbm>>) dst(%dma_wait3A_2042 : memref<128x128xf32, #tpu.memory_space<vmem>>)
    %dma_wait3A_2049 = arith.constant 3 : i32
    %dma_wait3A_2050 = arith.constant 35 : i32
    %dma_wait3A_2051 = arith.constant 0 : i32
    %dma_wait3A_2052 = arith.constant 0 : i32
    %dma_wait3A_2053 = tpu.memref_slice %arg6[%dma_wait3A_2049, %dma_wait3A_2051, %dma_wait3A_2052] : memref<4x128x128xf32, #tpu.memory_space<vmem>> -> memref<1x128x128xf32, #tpu.memory_space<vmem>>
    %dma_wait3A_2054 = tpu.memref_squeeze %dma_wait3A_2053 : memref<1x128x128xf32, #tpu.memory_space<vmem>> -> memref<128x128xf32, #tpu.memory_space<vmem>>
    %dma_wait3A_2055 = arith.constant 0 : i32
    %dma_wait3A_2056 = tpu.memref_slice %arg4[%dma_wait3A_2050, %mul3A_2, %dma_wait3A_2055] : memref<50x4096x128xf32, #tpu.memory_space<hbm>> -> memref<1x128x128xf32, #tpu.memory_space<hbm>>
    %dma_wait3A_2057 = tpu.memref_squeeze %dma_wait3A_2056 : memref<1x128x128xf32, #tpu.memory_space<hbm>> -> memref<128x128xf32, #tpu.memory_space<hbm>>
    %dma_wait3A_2058 = arith.constant 0 : i32
    %dma_wait3A_2059 = tpu.memref_slice %arg4[%dma_wait3A_2050, %mul3A_2, %dma_wait3A_2058] : memref<50x4096x128xf32, #tpu.memory_space<hbm>> -> memref<1x128x128xf32, #tpu.memory_space<hbm>>
    %dma_wait3A_2060 = tpu.memref_squeeze %dma_wait3A_2059 : memref<1x128x128xf32, #tpu.memory_space<hbm>> -> memref<128x128xf32, #tpu.memory_space<hbm>>
    %dma_wait3A_2061 = arith.constant 0 : i32
    %dma_wait3A_2062 = arith.constant 0 : i32
    %dma_wait3A_2063 = tpu.memref_slice %arg6[%dma_wait3A_2049, %dma_wait3A_2061, %dma_wait3A_2062] : memref<4x128x128xf32, #tpu.memory_space<vmem>> -> memref<1x128x128xf32, #tpu.memory_space<vmem>>
    %dma_wait3A_2064 = tpu.memref_squeeze %dma_wait3A_2063 : memref<1x128x128xf32, #tpu.memory_space<vmem>> -> memref<128x128xf32, #tpu.memory_space<vmem>>
    tpu.wait_dma2 semaphore(%arg14 : memref<!tpu.dma_semaphore, #tpu.memory_space<semaphore_mem>>) src(%dma_wait3A_2064 : memref<128x128xf32, #tpu.memory_space<vmem>>) dst(%dma_wait3A_2060 : memref<128x128xf32, #tpu.memory_space<hbm>>)
    %dma_start3A_2065 = arith.constant 39 : i32
    %dma_start3A_2066 = arith.constant 3 : i32
    %dma_start3A_2067 = arith.constant 0 : i32
    %dma_start3A_2068 = arith.constant 0 : i32
    %dma_start3A_2069 = tpu.memref_slice %arg6[%dma_start3A_2066, %dma_start3A_2067, %dma_start3A_2068] : memref<4x128x128xf32, #tpu.memory_space<vmem>> -> memref<1x128x128xf32, #tpu.memory_space<vmem>>
    %dma_start3A_2070 = tpu.memref_squeeze %dma_start3A_2069 : memref<1x128x128xf32, #tpu.memory_space<vmem>> -> memref<128x128xf32, #tpu.memory_space<vmem>>
    %dma_start3A_2071 = arith.constant 0 : i32
    %dma_start3A_2072 = tpu.memref_slice %arg5[%dma_start3A_2065, %dma_start3A_2071] : memref<50x128xi32, #tpu.memory_space<vmem>> -> memref<1x128xi32, #tpu.memory_space<vmem>>
    %dma_start3A_2073 = tpu.memref_squeeze %dma_start3A_2072 : memref<1x128xi32, #tpu.memory_space<vmem>> -> memref<128xi32, #tpu.memory_space<vmem>>
    %dma_start3A_2074 = arith.constant 0 : i32
    %dma_start3A_2075 = arith.constant 0 : i32
    %dma_start3A_2076 = tpu.memref_slice %arg3[%dma_start3A_2074, %dma_start3A_2075] : memref<100000x128xf32, #tpu.memory_space<hbm>> -> memref<100000x128xf32, #tpu.memory_space<hbm>>
    tpu.enqueue_indirect_dma source(%dma_start3A_2076 : memref<100000x128xf32, #tpu.memory_space<hbm>>) target(%dma_start3A_2070 : memref<128x128xf32, #tpu.memory_space<vmem>>) offsets(%dma_start3A_2073 : memref<128xi32, #tpu.memory_space<vmem>>) semaphore(%arg10 : memref<!tpu.dma_semaphore, #tpu.memory_space<semaphore_mem>>)
    %dma_start3A_2077 = arith.constant 0 : i32
    %dma_start3A_2078 = arith.constant 36 : i32
    %dma_start3A_2079 = arith.constant 0 : i32
    %dma_start3A_2080 = arith.constant 0 : i32
    %dma_start3A_2081 = tpu.memref_slice %arg6[%dma_start3A_2077, %dma_start3A_2079, %dma_start3A_2080] : memref<4x128x128xf32, #tpu.memory_space<vmem>> -> memref<1x128x128xf32, #tpu.memory_space<vmem>>
    %dma_start3A_2082 = tpu.memref_squeeze %dma_start3A_2081 : memref<1x128x128xf32, #tpu.memory_space<vmem>> -> memref<128x128xf32, #tpu.memory_space<vmem>>
    %dma_start3A_2083 = arith.constant 0 : i32
    %dma_start3A_2084 = tpu.memref_slice %arg4[%dma_start3A_2078, %mul3A_2, %dma_start3A_2083] : memref<50x4096x128xf32, #tpu.memory_space<hbm>> -> memref<1x128x128xf32, #tpu.memory_space<hbm>>
    %dma_start3A_2085 = tpu.memref_squeeze %dma_start3A_2084 : memref<1x128x128xf32, #tpu.memory_space<hbm>> -> memref<128x128xf32, #tpu.memory_space<hbm>>
    %dma_start3A_2086 = arith.constant 0 : i32
    %dma_start3A_2087 = tpu.memref_slice %arg4[%dma_start3A_2078, %mul3A_2, %dma_start3A_2086] : memref<50x4096x128xf32, #tpu.memory_space<hbm>> -> memref<1x128x128xf32, #tpu.memory_space<hbm>>
    %dma_start3A_2088 = tpu.memref_squeeze %dma_start3A_2087 : memref<1x128x128xf32, #tpu.memory_space<hbm>> -> memref<128x128xf32, #tpu.memory_space<hbm>>
    %dma_start3A_2089 = arith.constant 0 : i32
    %dma_start3A_2090 = arith.constant 0 : i32
    %dma_start3A_2091 = tpu.memref_slice %arg6[%dma_start3A_2077, %dma_start3A_2089, %dma_start3A_2090] : memref<4x128x128xf32, #tpu.memory_space<vmem>> -> memref<1x128x128xf32, #tpu.memory_space<vmem>>
    %dma_start3A_2092 = tpu.memref_squeeze %dma_start3A_2091 : memref<1x128x128xf32, #tpu.memory_space<vmem>> -> memref<128x128xf32, #tpu.memory_space<vmem>>
    tpu.enqueue_dma source(%dma_start3A_2092 : memref<128x128xf32, #tpu.memory_space<vmem>>) target(%dma_start3A_2088 : memref<128x128xf32, #tpu.memory_space<hbm>>) target_semaphore(%arg11 : memref<!tpu.dma_semaphore, #tpu.memory_space<semaphore_mem>>)
    %dma_wait3A_2093 = arith.constant 37 : i32
    %dma_wait3A_2094 = arith.constant 1 : i32
    %dma_wait3A_2095 = arith.constant 0 : i32
    %dma_wait3A_2096 = arith.constant 0 : i32
    %dma_wait3A_2097 = tpu.memref_slice %arg6[%dma_wait3A_2094, %dma_wait3A_2095, %dma_wait3A_2096] : memref<4x128x128xf32, #tpu.memory_space<vmem>> -> memref<1x128x128xf32, #tpu.memory_space<vmem>>
    %dma_wait3A_2098 = tpu.memref_squeeze %dma_wait3A_2097 : memref<1x128x128xf32, #tpu.memory_space<vmem>> -> memref<128x128xf32, #tpu.memory_space<vmem>>
    %dma_wait3A_2099 = arith.constant 0 : i32
    %dma_wait3A_2100 = tpu.memref_slice %arg5[%dma_wait3A_2093, %dma_wait3A_2099] : memref<50x128xi32, #tpu.memory_space<vmem>> -> memref<1x128xi32, #tpu.memory_space<vmem>>
    %dma_wait3A_2101 = tpu.memref_squeeze %dma_wait3A_2100 : memref<1x128xi32, #tpu.memory_space<vmem>> -> memref<128xi32, #tpu.memory_space<vmem>>
    %dma_wait3A_2102 = arith.constant 0 : i32
    %dma_wait3A_2103 = arith.constant 0 : i32
    %dma_wait3A_2104 = tpu.memref_slice %arg3[%dma_wait3A_2102, %dma_wait3A_2103] : memref<100000x128xf32, #tpu.memory_space<hbm>> -> memref<100000x128xf32, #tpu.memory_space<hbm>>
    tpu.wait_indirect_dma semaphore(%arg8 : memref<!tpu.dma_semaphore, #tpu.memory_space<semaphore_mem>>) src(%dma_wait3A_2104 : memref<100000x128xf32, #tpu.memory_space<hbm>>) dst(%dma_wait3A_2098 : memref<128x128xf32, #tpu.memory_space<vmem>>)
    %dma_wait3A_2105 = arith.constant 0 : i32
    %dma_wait3A_2106 = arith.constant 36 : i32
    %dma_wait3A_2107 = arith.constant 0 : i32
    %dma_wait3A_2108 = arith.constant 0 : i32
    %dma_wait3A_2109 = tpu.memref_slice %arg6[%dma_wait3A_2105, %dma_wait3A_2107, %dma_wait3A_2108] : memref<4x128x128xf32, #tpu.memory_space<vmem>> -> memref<1x128x128xf32, #tpu.memory_space<vmem>>
    %dma_wait3A_2110 = tpu.memref_squeeze %dma_wait3A_2109 : memref<1x128x128xf32, #tpu.memory_space<vmem>> -> memref<128x128xf32, #tpu.memory_space<vmem>>
    %dma_wait3A_2111 = arith.constant 0 : i32
    %dma_wait3A_2112 = tpu.memref_slice %arg4[%dma_wait3A_2106, %mul3A_2, %dma_wait3A_2111] : memref<50x4096x128xf32, #tpu.memory_space<hbm>> -> memref<1x128x128xf32, #tpu.memory_space<hbm>>
    %dma_wait3A_2113 = tpu.memref_squeeze %dma_wait3A_2112 : memref<1x128x128xf32, #tpu.memory_space<hbm>> -> memref<128x128xf32, #tpu.memory_space<hbm>>
    %dma_wait3A_2114 = arith.constant 0 : i32
    %dma_wait3A_2115 = tpu.memref_slice %arg4[%dma_wait3A_2106, %mul3A_2, %dma_wait3A_2114] : memref<50x4096x128xf32, #tpu.memory_space<hbm>> -> memref<1x128x128xf32, #tpu.memory_space<hbm>>
    %dma_wait3A_2116 = tpu.memref_squeeze %dma_wait3A_2115 : memref<1x128x128xf32, #tpu.memory_space<hbm>> -> memref<128x128xf32, #tpu.memory_space<hbm>>
    %dma_wait3A_2117 = arith.constant 0 : i32
    %dma_wait3A_2118 = arith.constant 0 : i32
    %dma_wait3A_2119 = tpu.memref_slice %arg6[%dma_wait3A_2105, %dma_wait3A_2117, %dma_wait3A_2118] : memref<4x128x128xf32, #tpu.memory_space<vmem>> -> memref<1x128x128xf32, #tpu.memory_space<vmem>>
    %dma_wait3A_2120 = tpu.memref_squeeze %dma_wait3A_2119 : memref<1x128x128xf32, #tpu.memory_space<vmem>> -> memref<128x128xf32, #tpu.memory_space<vmem>>
    tpu.wait_dma2 semaphore(%arg11 : memref<!tpu.dma_semaphore, #tpu.memory_space<semaphore_mem>>) src(%dma_wait3A_2120 : memref<128x128xf32, #tpu.memory_space<vmem>>) dst(%dma_wait3A_2116 : memref<128x128xf32, #tpu.memory_space<hbm>>)
    %dma_start3A_2121 = arith.constant 40 : i32
    %dma_start3A_2122 = arith.constant 0 : i32
    %dma_start3A_2123 = arith.constant 0 : i32
    %dma_start3A_2124 = arith.constant 0 : i32
    %dma_start3A_2125 = tpu.memref_slice %arg6[%dma_start3A_2122, %dma_start3A_2123, %dma_start3A_2124] : memref<4x128x128xf32, #tpu.memory_space<vmem>> -> memref<1x128x128xf32, #tpu.memory_space<vmem>>
    %dma_start3A_2126 = tpu.memref_squeeze %dma_start3A_2125 : memref<1x128x128xf32, #tpu.memory_space<vmem>> -> memref<128x128xf32, #tpu.memory_space<vmem>>
    %dma_start3A_2127 = arith.constant 0 : i32
    %dma_start3A_2128 = tpu.memref_slice %arg5[%dma_start3A_2121, %dma_start3A_2127] : memref<50x128xi32, #tpu.memory_space<vmem>> -> memref<1x128xi32, #tpu.memory_space<vmem>>
    %dma_start3A_2129 = tpu.memref_squeeze %dma_start3A_2128 : memref<1x128xi32, #tpu.memory_space<vmem>> -> memref<128xi32, #tpu.memory_space<vmem>>
    %dma_start3A_2130 = arith.constant 0 : i32
    %dma_start3A_2131 = arith.constant 0 : i32
    %dma_start3A_2132 = tpu.memref_slice %arg3[%dma_start3A_2130, %dma_start3A_2131] : memref<100000x128xf32, #tpu.memory_space<hbm>> -> memref<100000x128xf32, #tpu.memory_space<hbm>>
    tpu.enqueue_indirect_dma source(%dma_start3A_2132 : memref<100000x128xf32, #tpu.memory_space<hbm>>) target(%dma_start3A_2126 : memref<128x128xf32, #tpu.memory_space<vmem>>) offsets(%dma_start3A_2129 : memref<128xi32, #tpu.memory_space<vmem>>) semaphore(%arg7 : memref<!tpu.dma_semaphore, #tpu.memory_space<semaphore_mem>>)
    %dma_start3A_2133 = arith.constant 1 : i32
    %dma_start3A_2134 = arith.constant 37 : i32
    %dma_start3A_2135 = arith.constant 0 : i32
    %dma_start3A_2136 = arith.constant 0 : i32
    %dma_start3A_2137 = tpu.memref_slice %arg6[%dma_start3A_2133, %dma_start3A_2135, %dma_start3A_2136] : memref<4x128x128xf32, #tpu.memory_space<vmem>> -> memref<1x128x128xf32, #tpu.memory_space<vmem>>
    %dma_start3A_2138 = tpu.memref_squeeze %dma_start3A_2137 : memref<1x128x128xf32, #tpu.memory_space<vmem>> -> memref<128x128xf32, #tpu.memory_space<vmem>>
    %dma_start3A_2139 = arith.constant 0 : i32
    %dma_start3A_2140 = tpu.memref_slice %arg4[%dma_start3A_2134, %mul3A_2, %dma_start3A_2139] : memref<50x4096x128xf32, #tpu.memory_space<hbm>> -> memref<1x128x128xf32, #tpu.memory_space<hbm>>
    %dma_start3A_2141 = tpu.memref_squeeze %dma_start3A_2140 : memref<1x128x128xf32, #tpu.memory_space<hbm>> -> memref<128x128xf32, #tpu.memory_space<hbm>>
    %dma_start3A_2142 = arith.constant 0 : i32
    %dma_start3A_2143 = tpu.memref_slice %arg4[%dma_start3A_2134, %mul3A_2, %dma_start3A_2142] : memref<50x4096x128xf32, #tpu.memory_space<hbm>> -> memref<1x128x128xf32, #tpu.memory_space<hbm>>
    %dma_start3A_2144 = tpu.memref_squeeze %dma_start3A_2143 : memref<1x128x128xf32, #tpu.memory_space<hbm>> -> memref<128x128xf32, #tpu.memory_space<hbm>>
    %dma_start3A_2145 = arith.constant 0 : i32
    %dma_start3A_2146 = arith.constant 0 : i32
    %dma_start3A_2147 = tpu.memref_slice %arg6[%dma_start3A_2133, %dma_start3A_2145, %dma_start3A_2146] : memref<4x128x128xf32, #tpu.memory_space<vmem>> -> memref<1x128x128xf32, #tpu.memory_space<vmem>>
    %dma_start3A_2148 = tpu.memref_squeeze %dma_start3A_2147 : memref<1x128x128xf32, #tpu.memory_space<vmem>> -> memref<128x128xf32, #tpu.memory_space<vmem>>
    tpu.enqueue_dma source(%dma_start3A_2148 : memref<128x128xf32, #tpu.memory_space<vmem>>) target(%dma_start3A_2144 : memref<128x128xf32, #tpu.memory_space<hbm>>) target_semaphore(%arg12 : memref<!tpu.dma_semaphore, #tpu.memory_space<semaphore_mem>>)
    %dma_wait3A_2149 = arith.constant 38 : i32
    %dma_wait3A_2150 = arith.constant 2 : i32
    %dma_wait3A_2151 = arith.constant 0 : i32
    %dma_wait3A_2152 = arith.constant 0 : i32
    %dma_wait3A_2153 = tpu.memref_slice %arg6[%dma_wait3A_2150, %dma_wait3A_2151, %dma_wait3A_2152] : memref<4x128x128xf32, #tpu.memory_space<vmem>> -> memref<1x128x128xf32, #tpu.memory_space<vmem>>
    %dma_wait3A_2154 = tpu.memref_squeeze %dma_wait3A_2153 : memref<1x128x128xf32, #tpu.memory_space<vmem>> -> memref<128x128xf32, #tpu.memory_space<vmem>>
    %dma_wait3A_2155 = arith.constant 0 : i32
    %dma_wait3A_2156 = tpu.memref_slice %arg5[%dma_wait3A_2149, %dma_wait3A_2155] : memref<50x128xi32, #tpu.memory_space<vmem>> -> memref<1x128xi32, #tpu.memory_space<vmem>>
    %dma_wait3A_2157 = tpu.memref_squeeze %dma_wait3A_2156 : memref<1x128xi32, #tpu.memory_space<vmem>> -> memref<128xi32, #tpu.memory_space<vmem>>
    %dma_wait3A_2158 = arith.constant 0 : i32
    %dma_wait3A_2159 = arith.constant 0 : i32
    %dma_wait3A_2160 = tpu.memref_slice %arg3[%dma_wait3A_2158, %dma_wait3A_2159] : memref<100000x128xf32, #tpu.memory_space<hbm>> -> memref<100000x128xf32, #tpu.memory_space<hbm>>
    tpu.wait_indirect_dma semaphore(%arg9 : memref<!tpu.dma_semaphore, #tpu.memory_space<semaphore_mem>>) src(%dma_wait3A_2160 : memref<100000x128xf32, #tpu.memory_space<hbm>>) dst(%dma_wait3A_2154 : memref<128x128xf32, #tpu.memory_space<vmem>>)
    %dma_wait3A_2161 = arith.constant 1 : i32
    %dma_wait3A_2162 = arith.constant 37 : i32
    %dma_wait3A_2163 = arith.constant 0 : i32
    %dma_wait3A_2164 = arith.constant 0 : i32
    %dma_wait3A_2165 = tpu.memref_slice %arg6[%dma_wait3A_2161, %dma_wait3A_2163, %dma_wait3A_2164] : memref<4x128x128xf32, #tpu.memory_space<vmem>> -> memref<1x128x128xf32, #tpu.memory_space<vmem>>
    %dma_wait3A_2166 = tpu.memref_squeeze %dma_wait3A_2165 : memref<1x128x128xf32, #tpu.memory_space<vmem>> -> memref<128x128xf32, #tpu.memory_space<vmem>>
    %dma_wait3A_2167 = arith.constant 0 : i32
    %dma_wait3A_2168 = tpu.memref_slice %arg4[%dma_wait3A_2162, %mul3A_2, %dma_wait3A_2167] : memref<50x4096x128xf32, #tpu.memory_space<hbm>> -> memref<1x128x128xf32, #tpu.memory_space<hbm>>
    %dma_wait3A_2169 = tpu.memref_squeeze %dma_wait3A_2168 : memref<1x128x128xf32, #tpu.memory_space<hbm>> -> memref<128x128xf32, #tpu.memory_space<hbm>>
    %dma_wait3A_2170 = arith.constant 0 : i32
    %dma_wait3A_2171 = tpu.memref_slice %arg4[%dma_wait3A_2162, %mul3A_2, %dma_wait3A_2170] : memref<50x4096x128xf32, #tpu.memory_space<hbm>> -> memref<1x128x128xf32, #tpu.memory_space<hbm>>
    %dma_wait3A_2172 = tpu.memref_squeeze %dma_wait3A_2171 : memref<1x128x128xf32, #tpu.memory_space<hbm>> -> memref<128x128xf32, #tpu.memory_space<hbm>>
    %dma_wait3A_2173 = arith.constant 0 : i32
    %dma_wait3A_2174 = arith.constant 0 : i32
    %dma_wait3A_2175 = tpu.memref_slice %arg6[%dma_wait3A_2161, %dma_wait3A_2173, %dma_wait3A_2174] : memref<4x128x128xf32, #tpu.memory_space<vmem>> -> memref<1x128x128xf32, #tpu.memory_space<vmem>>
    %dma_wait3A_2176 = tpu.memref_squeeze %dma_wait3A_2175 : memref<1x128x128xf32, #tpu.memory_space<vmem>> -> memref<128x128xf32, #tpu.memory_space<vmem>>
    tpu.wait_dma2 semaphore(%arg12 : memref<!tpu.dma_semaphore, #tpu.memory_space<semaphore_mem>>) src(%dma_wait3A_2176 : memref<128x128xf32, #tpu.memory_space<vmem>>) dst(%dma_wait3A_2172 : memref<128x128xf32, #tpu.memory_space<hbm>>)
    %dma_start3A_2177 = arith.constant 41 : i32
    %dma_start3A_2178 = arith.constant 1 : i32
    %dma_start3A_2179 = arith.constant 0 : i32
    %dma_start3A_2180 = arith.constant 0 : i32
    %dma_start3A_2181 = tpu.memref_slice %arg6[%dma_start3A_2178, %dma_start3A_2179, %dma_start3A_2180] : memref<4x128x128xf32, #tpu.memory_space<vmem>> -> memref<1x128x128xf32, #tpu.memory_space<vmem>>
    %dma_start3A_2182 = tpu.memref_squeeze %dma_start3A_2181 : memref<1x128x128xf32, #tpu.memory_space<vmem>> -> memref<128x128xf32, #tpu.memory_space<vmem>>
    %dma_start3A_2183 = arith.constant 0 : i32
    %dma_start3A_2184 = tpu.memref_slice %arg5[%dma_start3A_2177, %dma_start3A_2183] : memref<50x128xi32, #tpu.memory_space<vmem>> -> memref<1x128xi32, #tpu.memory_space<vmem>>
    %dma_start3A_2185 = tpu.memref_squeeze %dma_start3A_2184 : memref<1x128xi32, #tpu.memory_space<vmem>> -> memref<128xi32, #tpu.memory_space<vmem>>
    %dma_start3A_2186 = arith.constant 0 : i32
    %dma_start3A_2187 = arith.constant 0 : i32
    %dma_start3A_2188 = tpu.memref_slice %arg3[%dma_start3A_2186, %dma_start3A_2187] : memref<100000x128xf32, #tpu.memory_space<hbm>> -> memref<100000x128xf32, #tpu.memory_space<hbm>>
    tpu.enqueue_indirect_dma source(%dma_start3A_2188 : memref<100000x128xf32, #tpu.memory_space<hbm>>) target(%dma_start3A_2182 : memref<128x128xf32, #tpu.memory_space<vmem>>) offsets(%dma_start3A_2185 : memref<128xi32, #tpu.memory_space<vmem>>) semaphore(%arg8 : memref<!tpu.dma_semaphore, #tpu.memory_space<semaphore_mem>>)
    %dma_start3A_2189 = arith.constant 2 : i32
    %dma_start3A_2190 = arith.constant 38 : i32
    %dma_start3A_2191 = arith.constant 0 : i32
    %dma_start3A_2192 = arith.constant 0 : i32
    %dma_start3A_2193 = tpu.memref_slice %arg6[%dma_start3A_2189, %dma_start3A_2191, %dma_start3A_2192] : memref<4x128x128xf32, #tpu.memory_space<vmem>> -> memref<1x128x128xf32, #tpu.memory_space<vmem>>
    %dma_start3A_2194 = tpu.memref_squeeze %dma_start3A_2193 : memref<1x128x128xf32, #tpu.memory_space<vmem>> -> memref<128x128xf32, #tpu.memory_space<vmem>>
    %dma_start3A_2195 = arith.constant 0 : i32
    %dma_start3A_2196 = tpu.memref_slice %arg4[%dma_start3A_2190, %mul3A_2, %dma_start3A_2195] : memref<50x4096x128xf32, #tpu.memory_space<hbm>> -> memref<1x128x128xf32, #tpu.memory_space<hbm>>
    %dma_start3A_2197 = tpu.memref_squeeze %dma_start3A_2196 : memref<1x128x128xf32, #tpu.memory_space<hbm>> -> memref<128x128xf32, #tpu.memory_space<hbm>>
    %dma_start3A_2198 = arith.constant 0 : i32
    %dma_start3A_2199 = tpu.memref_slice %arg4[%dma_start3A_2190, %mul3A_2, %dma_start3A_2198] : memref<50x4096x128xf32, #tpu.memory_space<hbm>> -> memref<1x128x128xf32, #tpu.memory_space<hbm>>
    %dma_start3A_2200 = tpu.memref_squeeze %dma_start3A_2199 : memref<1x128x128xf32, #tpu.memory_space<hbm>> -> memref<128x128xf32, #tpu.memory_space<hbm>>
    %dma_start3A_2201 = arith.constant 0 : i32
    %dma_start3A_2202 = arith.constant 0 : i32
    %dma_start3A_2203 = tpu.memref_slice %arg6[%dma_start3A_2189, %dma_start3A_2201, %dma_start3A_2202] : memref<4x128x128xf32, #tpu.memory_space<vmem>> -> memref<1x128x128xf32, #tpu.memory_space<vmem>>
    %dma_start3A_2204 = tpu.memref_squeeze %dma_start3A_2203 : memref<1x128x128xf32, #tpu.memory_space<vmem>> -> memref<128x128xf32, #tpu.memory_space<vmem>>
    tpu.enqueue_dma source(%dma_start3A_2204 : memref<128x128xf32, #tpu.memory_space<vmem>>) target(%dma_start3A_2200 : memref<128x128xf32, #tpu.memory_space<hbm>>) target_semaphore(%arg13 : memref<!tpu.dma_semaphore, #tpu.memory_space<semaphore_mem>>)
    %dma_wait3A_2205 = arith.constant 39 : i32
    %dma_wait3A_2206 = arith.constant 3 : i32
    %dma_wait3A_2207 = arith.constant 0 : i32
    %dma_wait3A_2208 = arith.constant 0 : i32
    %dma_wait3A_2209 = tpu.memref_slice %arg6[%dma_wait3A_2206, %dma_wait3A_2207, %dma_wait3A_2208] : memref<4x128x128xf32, #tpu.memory_space<vmem>> -> memref<1x128x128xf32, #tpu.memory_space<vmem>>
    %dma_wait3A_2210 = tpu.memref_squeeze %dma_wait3A_2209 : memref<1x128x128xf32, #tpu.memory_space<vmem>> -> memref<128x128xf32, #tpu.memory_space<vmem>>
    %dma_wait3A_2211 = arith.constant 0 : i32
    %dma_wait3A_2212 = tpu.memref_slice %arg5[%dma_wait3A_2205, %dma_wait3A_2211] : memref<50x128xi32, #tpu.memory_space<vmem>> -> memref<1x128xi32, #tpu.memory_space<vmem>>
    %dma_wait3A_2213 = tpu.memref_squeeze %dma_wait3A_2212 : memref<1x128xi32, #tpu.memory_space<vmem>> -> memref<128xi32, #tpu.memory_space<vmem>>
    %dma_wait3A_2214 = arith.constant 0 : i32
    %dma_wait3A_2215 = arith.constant 0 : i32
    %dma_wait3A_2216 = tpu.memref_slice %arg3[%dma_wait3A_2214, %dma_wait3A_2215] : memref<100000x128xf32, #tpu.memory_space<hbm>> -> memref<100000x128xf32, #tpu.memory_space<hbm>>
    tpu.wait_indirect_dma semaphore(%arg10 : memref<!tpu.dma_semaphore, #tpu.memory_space<semaphore_mem>>) src(%dma_wait3A_2216 : memref<100000x128xf32, #tpu.memory_space<hbm>>) dst(%dma_wait3A_2210 : memref<128x128xf32, #tpu.memory_space<vmem>>)
    %dma_wait3A_2217 = arith.constant 2 : i32
    %dma_wait3A_2218 = arith.constant 38 : i32
    %dma_wait3A_2219 = arith.constant 0 : i32
    %dma_wait3A_2220 = arith.constant 0 : i32
    %dma_wait3A_2221 = tpu.memref_slice %arg6[%dma_wait3A_2217, %dma_wait3A_2219, %dma_wait3A_2220] : memref<4x128x128xf32, #tpu.memory_space<vmem>> -> memref<1x128x128xf32, #tpu.memory_space<vmem>>
    %dma_wait3A_2222 = tpu.memref_squeeze %dma_wait3A_2221 : memref<1x128x128xf32, #tpu.memory_space<vmem>> -> memref<128x128xf32, #tpu.memory_space<vmem>>
    %dma_wait3A_2223 = arith.constant 0 : i32
    %dma_wait3A_2224 = tpu.memref_slice %arg4[%dma_wait3A_2218, %mul3A_2, %dma_wait3A_2223] : memref<50x4096x128xf32, #tpu.memory_space<hbm>> -> memref<1x128x128xf32, #tpu.memory_space<hbm>>
    %dma_wait3A_2225 = tpu.memref_squeeze %dma_wait3A_2224 : memref<1x128x128xf32, #tpu.memory_space<hbm>> -> memref<128x128xf32, #tpu.memory_space<hbm>>
    %dma_wait3A_2226 = arith.constant 0 : i32
    %dma_wait3A_2227 = tpu.memref_slice %arg4[%dma_wait3A_2218, %mul3A_2, %dma_wait3A_2226] : memref<50x4096x128xf32, #tpu.memory_space<hbm>> -> memref<1x128x128xf32, #tpu.memory_space<hbm>>
    %dma_wait3A_2228 = tpu.memref_squeeze %dma_wait3A_2227 : memref<1x128x128xf32, #tpu.memory_space<hbm>> -> memref<128x128xf32, #tpu.memory_space<hbm>>
    %dma_wait3A_2229 = arith.constant 0 : i32
    %dma_wait3A_2230 = arith.constant 0 : i32
    %dma_wait3A_2231 = tpu.memref_slice %arg6[%dma_wait3A_2217, %dma_wait3A_2229, %dma_wait3A_2230] : memref<4x128x128xf32, #tpu.memory_space<vmem>> -> memref<1x128x128xf32, #tpu.memory_space<vmem>>
    %dma_wait3A_2232 = tpu.memref_squeeze %dma_wait3A_2231 : memref<1x128x128xf32, #tpu.memory_space<vmem>> -> memref<128x128xf32, #tpu.memory_space<vmem>>
    tpu.wait_dma2 semaphore(%arg13 : memref<!tpu.dma_semaphore, #tpu.memory_space<semaphore_mem>>) src(%dma_wait3A_2232 : memref<128x128xf32, #tpu.memory_space<vmem>>) dst(%dma_wait3A_2228 : memref<128x128xf32, #tpu.memory_space<hbm>>)
    %dma_start3A_2233 = arith.constant 42 : i32
    %dma_start3A_2234 = arith.constant 2 : i32
    %dma_start3A_2235 = arith.constant 0 : i32
    %dma_start3A_2236 = arith.constant 0 : i32
    %dma_start3A_2237 = tpu.memref_slice %arg6[%dma_start3A_2234, %dma_start3A_2235, %dma_start3A_2236] : memref<4x128x128xf32, #tpu.memory_space<vmem>> -> memref<1x128x128xf32, #tpu.memory_space<vmem>>
    %dma_start3A_2238 = tpu.memref_squeeze %dma_start3A_2237 : memref<1x128x128xf32, #tpu.memory_space<vmem>> -> memref<128x128xf32, #tpu.memory_space<vmem>>
    %dma_start3A_2239 = arith.constant 0 : i32
    %dma_start3A_2240 = tpu.memref_slice %arg5[%dma_start3A_2233, %dma_start3A_2239] : memref<50x128xi32, #tpu.memory_space<vmem>> -> memref<1x128xi32, #tpu.memory_space<vmem>>
    %dma_start3A_2241 = tpu.memref_squeeze %dma_start3A_2240 : memref<1x128xi32, #tpu.memory_space<vmem>> -> memref<128xi32, #tpu.memory_space<vmem>>
    %dma_start3A_2242 = arith.constant 0 : i32
    %dma_start3A_2243 = arith.constant 0 : i32
    %dma_start3A_2244 = tpu.memref_slice %arg3[%dma_start3A_2242, %dma_start3A_2243] : memref<100000x128xf32, #tpu.memory_space<hbm>> -> memref<100000x128xf32, #tpu.memory_space<hbm>>
    tpu.enqueue_indirect_dma source(%dma_start3A_2244 : memref<100000x128xf32, #tpu.memory_space<hbm>>) target(%dma_start3A_2238 : memref<128x128xf32, #tpu.memory_space<vmem>>) offsets(%dma_start3A_2241 : memref<128xi32, #tpu.memory_space<vmem>>) semaphore(%arg9 : memref<!tpu.dma_semaphore, #tpu.memory_space<semaphore_mem>>)
    %dma_start3A_2245 = arith.constant 3 : i32
    %dma_start3A_2246 = arith.constant 39 : i32
    %dma_start3A_2247 = arith.constant 0 : i32
    %dma_start3A_2248 = arith.constant 0 : i32
    %dma_start3A_2249 = tpu.memref_slice %arg6[%dma_start3A_2245, %dma_start3A_2247, %dma_start3A_2248] : memref<4x128x128xf32, #tpu.memory_space<vmem>> -> memref<1x128x128xf32, #tpu.memory_space<vmem>>
    %dma_start3A_2250 = tpu.memref_squeeze %dma_start3A_2249 : memref<1x128x128xf32, #tpu.memory_space<vmem>> -> memref<128x128xf32, #tpu.memory_space<vmem>>
    %dma_start3A_2251 = arith.constant 0 : i32
    %dma_start3A_2252 = tpu.memref_slice %arg4[%dma_start3A_2246, %mul3A_2, %dma_start3A_2251] : memref<50x4096x128xf32, #tpu.memory_space<hbm>> -> memref<1x128x128xf32, #tpu.memory_space<hbm>>
    %dma_start3A_2253 = tpu.memref_squeeze %dma_start3A_2252 : memref<1x128x128xf32, #tpu.memory_space<hbm>> -> memref<128x128xf32, #tpu.memory_space<hbm>>
    %dma_start3A_2254 = arith.constant 0 : i32
    %dma_start3A_2255 = tpu.memref_slice %arg4[%dma_start3A_2246, %mul3A_2, %dma_start3A_2254] : memref<50x4096x128xf32, #tpu.memory_space<hbm>> -> memref<1x128x128xf32, #tpu.memory_space<hbm>>
    %dma_start3A_2256 = tpu.memref_squeeze %dma_start3A_2255 : memref<1x128x128xf32, #tpu.memory_space<hbm>> -> memref<128x128xf32, #tpu.memory_space<hbm>>
    %dma_start3A_2257 = arith.constant 0 : i32
    %dma_start3A_2258 = arith.constant 0 : i32
    %dma_start3A_2259 = tpu.memref_slice %arg6[%dma_start3A_2245, %dma_start3A_2257, %dma_start3A_2258] : memref<4x128x128xf32, #tpu.memory_space<vmem>> -> memref<1x128x128xf32, #tpu.memory_space<vmem>>
    %dma_start3A_2260 = tpu.memref_squeeze %dma_start3A_2259 : memref<1x128x128xf32, #tpu.memory_space<vmem>> -> memref<128x128xf32, #tpu.memory_space<vmem>>
    tpu.enqueue_dma source(%dma_start3A_2260 : memref<128x128xf32, #tpu.memory_space<vmem>>) target(%dma_start3A_2256 : memref<128x128xf32, #tpu.memory_space<hbm>>) target_semaphore(%arg14 : memref<!tpu.dma_semaphore, #tpu.memory_space<semaphore_mem>>)
    %dma_wait3A_2261 = arith.constant 40 : i32
    %dma_wait3A_2262 = arith.constant 0 : i32
    %dma_wait3A_2263 = arith.constant 0 : i32
    %dma_wait3A_2264 = arith.constant 0 : i32
    %dma_wait3A_2265 = tpu.memref_slice %arg6[%dma_wait3A_2262, %dma_wait3A_2263, %dma_wait3A_2264] : memref<4x128x128xf32, #tpu.memory_space<vmem>> -> memref<1x128x128xf32, #tpu.memory_space<vmem>>
    %dma_wait3A_2266 = tpu.memref_squeeze %dma_wait3A_2265 : memref<1x128x128xf32, #tpu.memory_space<vmem>> -> memref<128x128xf32, #tpu.memory_space<vmem>>
    %dma_wait3A_2267 = arith.constant 0 : i32
    %dma_wait3A_2268 = tpu.memref_slice %arg5[%dma_wait3A_2261, %dma_wait3A_2267] : memref<50x128xi32, #tpu.memory_space<vmem>> -> memref<1x128xi32, #tpu.memory_space<vmem>>
    %dma_wait3A_2269 = tpu.memref_squeeze %dma_wait3A_2268 : memref<1x128xi32, #tpu.memory_space<vmem>> -> memref<128xi32, #tpu.memory_space<vmem>>
    %dma_wait3A_2270 = arith.constant 0 : i32
    %dma_wait3A_2271 = arith.constant 0 : i32
    %dma_wait3A_2272 = tpu.memref_slice %arg3[%dma_wait3A_2270, %dma_wait3A_2271] : memref<100000x128xf32, #tpu.memory_space<hbm>> -> memref<100000x128xf32, #tpu.memory_space<hbm>>
    tpu.wait_indirect_dma semaphore(%arg7 : memref<!tpu.dma_semaphore, #tpu.memory_space<semaphore_mem>>) src(%dma_wait3A_2272 : memref<100000x128xf32, #tpu.memory_space<hbm>>) dst(%dma_wait3A_2266 : memref<128x128xf32, #tpu.memory_space<vmem>>)
    %dma_wait3A_2273 = arith.constant 3 : i32
    %dma_wait3A_2274 = arith.constant 39 : i32
    %dma_wait3A_2275 = arith.constant 0 : i32
    %dma_wait3A_2276 = arith.constant 0 : i32
    %dma_wait3A_2277 = tpu.memref_slice %arg6[%dma_wait3A_2273, %dma_wait3A_2275, %dma_wait3A_2276] : memref<4x128x128xf32, #tpu.memory_space<vmem>> -> memref<1x128x128xf32, #tpu.memory_space<vmem>>
    %dma_wait3A_2278 = tpu.memref_squeeze %dma_wait3A_2277 : memref<1x128x128xf32, #tpu.memory_space<vmem>> -> memref<128x128xf32, #tpu.memory_space<vmem>>
    %dma_wait3A_2279 = arith.constant 0 : i32
    %dma_wait3A_2280 = tpu.memref_slice %arg4[%dma_wait3A_2274, %mul3A_2, %dma_wait3A_2279] : memref<50x4096x128xf32, #tpu.memory_space<hbm>> -> memref<1x128x128xf32, #tpu.memory_space<hbm>>
    %dma_wait3A_2281 = tpu.memref_squeeze %dma_wait3A_2280 : memref<1x128x128xf32, #tpu.memory_space<hbm>> -> memref<128x128xf32, #tpu.memory_space<hbm>>
    %dma_wait3A_2282 = arith.constant 0 : i32
    %dma_wait3A_2283 = tpu.memref_slice %arg4[%dma_wait3A_2274, %mul3A_2, %dma_wait3A_2282] : memref<50x4096x128xf32, #tpu.memory_space<hbm>> -> memref<1x128x128xf32, #tpu.memory_space<hbm>>
    %dma_wait3A_2284 = tpu.memref_squeeze %dma_wait3A_2283 : memref<1x128x128xf32, #tpu.memory_space<hbm>> -> memref<128x128xf32, #tpu.memory_space<hbm>>
    %dma_wait3A_2285 = arith.constant 0 : i32
    %dma_wait3A_2286 = arith.constant 0 : i32
    %dma_wait3A_2287 = tpu.memref_slice %arg6[%dma_wait3A_2273, %dma_wait3A_2285, %dma_wait3A_2286] : memref<4x128x128xf32, #tpu.memory_space<vmem>> -> memref<1x128x128xf32, #tpu.memory_space<vmem>>
    %dma_wait3A_2288 = tpu.memref_squeeze %dma_wait3A_2287 : memref<1x128x128xf32, #tpu.memory_space<vmem>> -> memref<128x128xf32, #tpu.memory_space<vmem>>
    tpu.wait_dma2 semaphore(%arg14 : memref<!tpu.dma_semaphore, #tpu.memory_space<semaphore_mem>>) src(%dma_wait3A_2288 : memref<128x128xf32, #tpu.memory_space<vmem>>) dst(%dma_wait3A_2284 : memref<128x128xf32, #tpu.memory_space<hbm>>)
    %dma_start3A_2289 = arith.constant 43 : i32
    %dma_start3A_2290 = arith.constant 3 : i32
    %dma_start3A_2291 = arith.constant 0 : i32
    %dma_start3A_2292 = arith.constant 0 : i32
    %dma_start3A_2293 = tpu.memref_slice %arg6[%dma_start3A_2290, %dma_start3A_2291, %dma_start3A_2292] : memref<4x128x128xf32, #tpu.memory_space<vmem>> -> memref<1x128x128xf32, #tpu.memory_space<vmem>>
    %dma_start3A_2294 = tpu.memref_squeeze %dma_start3A_2293 : memref<1x128x128xf32, #tpu.memory_space<vmem>> -> memref<128x128xf32, #tpu.memory_space<vmem>>
    %dma_start3A_2295 = arith.constant 0 : i32
    %dma_start3A_2296 = tpu.memref_slice %arg5[%dma_start3A_2289, %dma_start3A_2295] : memref<50x128xi32, #tpu.memory_space<vmem>> -> memref<1x128xi32, #tpu.memory_space<vmem>>
    %dma_start3A_2297 = tpu.memref_squeeze %dma_start3A_2296 : memref<1x128xi32, #tpu.memory_space<vmem>> -> memref<128xi32, #tpu.memory_space<vmem>>
    %dma_start3A_2298 = arith.constant 0 : i32
    %dma_start3A_2299 = arith.constant 0 : i32
    %dma_start3A_2300 = tpu.memref_slice %arg3[%dma_start3A_2298, %dma_start3A_2299] : memref<100000x128xf32, #tpu.memory_space<hbm>> -> memref<100000x128xf32, #tpu.memory_space<hbm>>
    tpu.enqueue_indirect_dma source(%dma_start3A_2300 : memref<100000x128xf32, #tpu.memory_space<hbm>>) target(%dma_start3A_2294 : memref<128x128xf32, #tpu.memory_space<vmem>>) offsets(%dma_start3A_2297 : memref<128xi32, #tpu.memory_space<vmem>>) semaphore(%arg10 : memref<!tpu.dma_semaphore, #tpu.memory_space<semaphore_mem>>)
    %dma_start3A_2301 = arith.constant 0 : i32
    %dma_start3A_2302 = arith.constant 40 : i32
    %dma_start3A_2303 = arith.constant 0 : i32
    %dma_start3A_2304 = arith.constant 0 : i32
    %dma_start3A_2305 = tpu.memref_slice %arg6[%dma_start3A_2301, %dma_start3A_2303, %dma_start3A_2304] : memref<4x128x128xf32, #tpu.memory_space<vmem>> -> memref<1x128x128xf32, #tpu.memory_space<vmem>>
    %dma_start3A_2306 = tpu.memref_squeeze %dma_start3A_2305 : memref<1x128x128xf32, #tpu.memory_space<vmem>> -> memref<128x128xf32, #tpu.memory_space<vmem>>
    %dma_start3A_2307 = arith.constant 0 : i32
    %dma_start3A_2308 = tpu.memref_slice %arg4[%dma_start3A_2302, %mul3A_2, %dma_start3A_2307] : memref<50x4096x128xf32, #tpu.memory_space<hbm>> -> memref<1x128x128xf32, #tpu.memory_space<hbm>>
    %dma_start3A_2309 = tpu.memref_squeeze %dma_start3A_2308 : memref<1x128x128xf32, #tpu.memory_space<hbm>> -> memref<128x128xf32, #tpu.memory_space<hbm>>
    %dma_start3A_2310 = arith.constant 0 : i32
    %dma_start3A_2311 = tpu.memref_slice %arg4[%dma_start3A_2302, %mul3A_2, %dma_start3A_2310] : memref<50x4096x128xf32, #tpu.memory_space<hbm>> -> memref<1x128x128xf32, #tpu.memory_space<hbm>>
    %dma_start3A_2312 = tpu.memref_squeeze %dma_start3A_2311 : memref<1x128x128xf32, #tpu.memory_space<hbm>> -> memref<128x128xf32, #tpu.memory_space<hbm>>
    %dma_start3A_2313 = arith.constant 0 : i32
    %dma_start3A_2314 = arith.constant 0 : i32
    %dma_start3A_2315 = tpu.memref_slice %arg6[%dma_start3A_2301, %dma_start3A_2313, %dma_start3A_2314] : memref<4x128x128xf32, #tpu.memory_space<vmem>> -> memref<1x128x128xf32, #tpu.memory_space<vmem>>
    %dma_start3A_2316 = tpu.memref_squeeze %dma_start3A_2315 : memref<1x128x128xf32, #tpu.memory_space<vmem>> -> memref<128x128xf32, #tpu.memory_space<vmem>>
    tpu.enqueue_dma source(%dma_start3A_2316 : memref<128x128xf32, #tpu.memory_space<vmem>>) target(%dma_start3A_2312 : memref<128x128xf32, #tpu.memory_space<hbm>>) target_semaphore(%arg11 : memref<!tpu.dma_semaphore, #tpu.memory_space<semaphore_mem>>)
    %dma_wait3A_2317 = arith.constant 41 : i32
    %dma_wait3A_2318 = arith.constant 1 : i32
    %dma_wait3A_2319 = arith.constant 0 : i32
    %dma_wait3A_2320 = arith.constant 0 : i32
    %dma_wait3A_2321 = tpu.memref_slice %arg6[%dma_wait3A_2318, %dma_wait3A_2319, %dma_wait3A_2320] : memref<4x128x128xf32, #tpu.memory_space<vmem>> -> memref<1x128x128xf32, #tpu.memory_space<vmem>>
    %dma_wait3A_2322 = tpu.memref_squeeze %dma_wait3A_2321 : memref<1x128x128xf32, #tpu.memory_space<vmem>> -> memref<128x128xf32, #tpu.memory_space<vmem>>
    %dma_wait3A_2323 = arith.constant 0 : i32
    %dma_wait3A_2324 = tpu.memref_slice %arg5[%dma_wait3A_2317, %dma_wait3A_2323] : memref<50x128xi32, #tpu.memory_space<vmem>> -> memref<1x128xi32, #tpu.memory_space<vmem>>
    %dma_wait3A_2325 = tpu.memref_squeeze %dma_wait3A_2324 : memref<1x128xi32, #tpu.memory_space<vmem>> -> memref<128xi32, #tpu.memory_space<vmem>>
    %dma_wait3A_2326 = arith.constant 0 : i32
    %dma_wait3A_2327 = arith.constant 0 : i32
    %dma_wait3A_2328 = tpu.memref_slice %arg3[%dma_wait3A_2326, %dma_wait3A_2327] : memref<100000x128xf32, #tpu.memory_space<hbm>> -> memref<100000x128xf32, #tpu.memory_space<hbm>>
    tpu.wait_indirect_dma semaphore(%arg8 : memref<!tpu.dma_semaphore, #tpu.memory_space<semaphore_mem>>) src(%dma_wait3A_2328 : memref<100000x128xf32, #tpu.memory_space<hbm>>) dst(%dma_wait3A_2322 : memref<128x128xf32, #tpu.memory_space<vmem>>)
    %dma_wait3A_2329 = arith.constant 0 : i32
    %dma_wait3A_2330 = arith.constant 40 : i32
    %dma_wait3A_2331 = arith.constant 0 : i32
    %dma_wait3A_2332 = arith.constant 0 : i32
    %dma_wait3A_2333 = tpu.memref_slice %arg6[%dma_wait3A_2329, %dma_wait3A_2331, %dma_wait3A_2332] : memref<4x128x128xf32, #tpu.memory_space<vmem>> -> memref<1x128x128xf32, #tpu.memory_space<vmem>>
    %dma_wait3A_2334 = tpu.memref_squeeze %dma_wait3A_2333 : memref<1x128x128xf32, #tpu.memory_space<vmem>> -> memref<128x128xf32, #tpu.memory_space<vmem>>
    %dma_wait3A_2335 = arith.constant 0 : i32
    %dma_wait3A_2336 = tpu.memref_slice %arg4[%dma_wait3A_2330, %mul3A_2, %dma_wait3A_2335] : memref<50x4096x128xf32, #tpu.memory_space<hbm>> -> memref<1x128x128xf32, #tpu.memory_space<hbm>>
    %dma_wait3A_2337 = tpu.memref_squeeze %dma_wait3A_2336 : memref<1x128x128xf32, #tpu.memory_space<hbm>> -> memref<128x128xf32, #tpu.memory_space<hbm>>
    %dma_wait3A_2338 = arith.constant 0 : i32
    %dma_wait3A_2339 = tpu.memref_slice %arg4[%dma_wait3A_2330, %mul3A_2, %dma_wait3A_2338] : memref<50x4096x128xf32, #tpu.memory_space<hbm>> -> memref<1x128x128xf32, #tpu.memory_space<hbm>>
    %dma_wait3A_2340 = tpu.memref_squeeze %dma_wait3A_2339 : memref<1x128x128xf32, #tpu.memory_space<hbm>> -> memref<128x128xf32, #tpu.memory_space<hbm>>
    %dma_wait3A_2341 = arith.constant 0 : i32
    %dma_wait3A_2342 = arith.constant 0 : i32
    %dma_wait3A_2343 = tpu.memref_slice %arg6[%dma_wait3A_2329, %dma_wait3A_2341, %dma_wait3A_2342] : memref<4x128x128xf32, #tpu.memory_space<vmem>> -> memref<1x128x128xf32, #tpu.memory_space<vmem>>
    %dma_wait3A_2344 = tpu.memref_squeeze %dma_wait3A_2343 : memref<1x128x128xf32, #tpu.memory_space<vmem>> -> memref<128x128xf32, #tpu.memory_space<vmem>>
    tpu.wait_dma2 semaphore(%arg11 : memref<!tpu.dma_semaphore, #tpu.memory_space<semaphore_mem>>) src(%dma_wait3A_2344 : memref<128x128xf32, #tpu.memory_space<vmem>>) dst(%dma_wait3A_2340 : memref<128x128xf32, #tpu.memory_space<hbm>>)
    %dma_start3A_2345 = arith.constant 44 : i32
    %dma_start3A_2346 = arith.constant 0 : i32
    %dma_start3A_2347 = arith.constant 0 : i32
    %dma_start3A_2348 = arith.constant 0 : i32
    %dma_start3A_2349 = tpu.memref_slice %arg6[%dma_start3A_2346, %dma_start3A_2347, %dma_start3A_2348] : memref<4x128x128xf32, #tpu.memory_space<vmem>> -> memref<1x128x128xf32, #tpu.memory_space<vmem>>
    %dma_start3A_2350 = tpu.memref_squeeze %dma_start3A_2349 : memref<1x128x128xf32, #tpu.memory_space<vmem>> -> memref<128x128xf32, #tpu.memory_space<vmem>>
    %dma_start3A_2351 = arith.constant 0 : i32
    %dma_start3A_2352 = tpu.memref_slice %arg5[%dma_start3A_2345, %dma_start3A_2351] : memref<50x128xi32, #tpu.memory_space<vmem>> -> memref<1x128xi32, #tpu.memory_space<vmem>>
    %dma_start3A_2353 = tpu.memref_squeeze %dma_start3A_2352 : memref<1x128xi32, #tpu.memory_space<vmem>> -> memref<128xi32, #tpu.memory_space<vmem>>
    %dma_start3A_2354 = arith.constant 0 : i32
    %dma_start3A_2355 = arith.constant 0 : i32
    %dma_start3A_2356 = tpu.memref_slice %arg3[%dma_start3A_2354, %dma_start3A_2355] : memref<100000x128xf32, #tpu.memory_space<hbm>> -> memref<100000x128xf32, #tpu.memory_space<hbm>>
    tpu.enqueue_indirect_dma source(%dma_start3A_2356 : memref<100000x128xf32, #tpu.memory_space<hbm>>) target(%dma_start3A_2350 : memref<128x128xf32, #tpu.memory_space<vmem>>) offsets(%dma_start3A_2353 : memref<128xi32, #tpu.memory_space<vmem>>) semaphore(%arg7 : memref<!tpu.dma_semaphore, #tpu.memory_space<semaphore_mem>>)
    %dma_start3A_2357 = arith.constant 1 : i32
    %dma_start3A_2358 = arith.constant 41 : i32
    %dma_start3A_2359 = arith.constant 0 : i32
    %dma_start3A_2360 = arith.constant 0 : i32
    %dma_start3A_2361 = tpu.memref_slice %arg6[%dma_start3A_2357, %dma_start3A_2359, %dma_start3A_2360] : memref<4x128x128xf32, #tpu.memory_space<vmem>> -> memref<1x128x128xf32, #tpu.memory_space<vmem>>
    %dma_start3A_2362 = tpu.memref_squeeze %dma_start3A_2361 : memref<1x128x128xf32, #tpu.memory_space<vmem>> -> memref<128x128xf32, #tpu.memory_space<vmem>>
    %dma_start3A_2363 = arith.constant 0 : i32
    %dma_start3A_2364 = tpu.memref_slice %arg4[%dma_start3A_2358, %mul3A_2, %dma_start3A_2363] : memref<50x4096x128xf32, #tpu.memory_space<hbm>> -> memref<1x128x128xf32, #tpu.memory_space<hbm>>
    %dma_start3A_2365 = tpu.memref_squeeze %dma_start3A_2364 : memref<1x128x128xf32, #tpu.memory_space<hbm>> -> memref<128x128xf32, #tpu.memory_space<hbm>>
    %dma_start3A_2366 = arith.constant 0 : i32
    %dma_start3A_2367 = tpu.memref_slice %arg4[%dma_start3A_2358, %mul3A_2, %dma_start3A_2366] : memref<50x4096x128xf32, #tpu.memory_space<hbm>> -> memref<1x128x128xf32, #tpu.memory_space<hbm>>
    %dma_start3A_2368 = tpu.memref_squeeze %dma_start3A_2367 : memref<1x128x128xf32, #tpu.memory_space<hbm>> -> memref<128x128xf32, #tpu.memory_space<hbm>>
    %dma_start3A_2369 = arith.constant 0 : i32
    %dma_start3A_2370 = arith.constant 0 : i32
    %dma_start3A_2371 = tpu.memref_slice %arg6[%dma_start3A_2357, %dma_start3A_2369, %dma_start3A_2370] : memref<4x128x128xf32, #tpu.memory_space<vmem>> -> memref<1x128x128xf32, #tpu.memory_space<vmem>>
    %dma_start3A_2372 = tpu.memref_squeeze %dma_start3A_2371 : memref<1x128x128xf32, #tpu.memory_space<vmem>> -> memref<128x128xf32, #tpu.memory_space<vmem>>
    tpu.enqueue_dma source(%dma_start3A_2372 : memref<128x128xf32, #tpu.memory_space<vmem>>) target(%dma_start3A_2368 : memref<128x128xf32, #tpu.memory_space<hbm>>) target_semaphore(%arg12 : memref<!tpu.dma_semaphore, #tpu.memory_space<semaphore_mem>>)
    %dma_wait3A_2373 = arith.constant 42 : i32
    %dma_wait3A_2374 = arith.constant 2 : i32
    %dma_wait3A_2375 = arith.constant 0 : i32
    %dma_wait3A_2376 = arith.constant 0 : i32
    %dma_wait3A_2377 = tpu.memref_slice %arg6[%dma_wait3A_2374, %dma_wait3A_2375, %dma_wait3A_2376] : memref<4x128x128xf32, #tpu.memory_space<vmem>> -> memref<1x128x128xf32, #tpu.memory_space<vmem>>
    %dma_wait3A_2378 = tpu.memref_squeeze %dma_wait3A_2377 : memref<1x128x128xf32, #tpu.memory_space<vmem>> -> memref<128x128xf32, #tpu.memory_space<vmem>>
    %dma_wait3A_2379 = arith.constant 0 : i32
    %dma_wait3A_2380 = tpu.memref_slice %arg5[%dma_wait3A_2373, %dma_wait3A_2379] : memref<50x128xi32, #tpu.memory_space<vmem>> -> memref<1x128xi32, #tpu.memory_space<vmem>>
    %dma_wait3A_2381 = tpu.memref_squeeze %dma_wait3A_2380 : memref<1x128xi32, #tpu.memory_space<vmem>> -> memref<128xi32, #tpu.memory_space<vmem>>
    %dma_wait3A_2382 = arith.constant 0 : i32
    %dma_wait3A_2383 = arith.constant 0 : i32
    %dma_wait3A_2384 = tpu.memref_slice %arg3[%dma_wait3A_2382, %dma_wait3A_2383] : memref<100000x128xf32, #tpu.memory_space<hbm>> -> memref<100000x128xf32, #tpu.memory_space<hbm>>
    tpu.wait_indirect_dma semaphore(%arg9 : memref<!tpu.dma_semaphore, #tpu.memory_space<semaphore_mem>>) src(%dma_wait3A_2384 : memref<100000x128xf32, #tpu.memory_space<hbm>>) dst(%dma_wait3A_2378 : memref<128x128xf32, #tpu.memory_space<vmem>>)
    %dma_wait3A_2385 = arith.constant 1 : i32
    %dma_wait3A_2386 = arith.constant 41 : i32
    %dma_wait3A_2387 = arith.constant 0 : i32
    %dma_wait3A_2388 = arith.constant 0 : i32
    %dma_wait3A_2389 = tpu.memref_slice %arg6[%dma_wait3A_2385, %dma_wait3A_2387, %dma_wait3A_2388] : memref<4x128x128xf32, #tpu.memory_space<vmem>> -> memref<1x128x128xf32, #tpu.memory_space<vmem>>
    %dma_wait3A_2390 = tpu.memref_squeeze %dma_wait3A_2389 : memref<1x128x128xf32, #tpu.memory_space<vmem>> -> memref<128x128xf32, #tpu.memory_space<vmem>>
    %dma_wait3A_2391 = arith.constant 0 : i32
    %dma_wait3A_2392 = tpu.memref_slice %arg4[%dma_wait3A_2386, %mul3A_2, %dma_wait3A_2391] : memref<50x4096x128xf32, #tpu.memory_space<hbm>> -> memref<1x128x128xf32, #tpu.memory_space<hbm>>
    %dma_wait3A_2393 = tpu.memref_squeeze %dma_wait3A_2392 : memref<1x128x128xf32, #tpu.memory_space<hbm>> -> memref<128x128xf32, #tpu.memory_space<hbm>>
    %dma_wait3A_2394 = arith.constant 0 : i32
    %dma_wait3A_2395 = tpu.memref_slice %arg4[%dma_wait3A_2386, %mul3A_2, %dma_wait3A_2394] : memref<50x4096x128xf32, #tpu.memory_space<hbm>> -> memref<1x128x128xf32, #tpu.memory_space<hbm>>
    %dma_wait3A_2396 = tpu.memref_squeeze %dma_wait3A_2395 : memref<1x128x128xf32, #tpu.memory_space<hbm>> -> memref<128x128xf32, #tpu.memory_space<hbm>>
    %dma_wait3A_2397 = arith.constant 0 : i32
    %dma_wait3A_2398 = arith.constant 0 : i32
    %dma_wait3A_2399 = tpu.memref_slice %arg6[%dma_wait3A_2385, %dma_wait3A_2397, %dma_wait3A_2398] : memref<4x128x128xf32, #tpu.memory_space<vmem>> -> memref<1x128x128xf32, #tpu.memory_space<vmem>>
    %dma_wait3A_2400 = tpu.memref_squeeze %dma_wait3A_2399 : memref<1x128x128xf32, #tpu.memory_space<vmem>> -> memref<128x128xf32, #tpu.memory_space<vmem>>
    tpu.wait_dma2 semaphore(%arg12 : memref<!tpu.dma_semaphore, #tpu.memory_space<semaphore_mem>>) src(%dma_wait3A_2400 : memref<128x128xf32, #tpu.memory_space<vmem>>) dst(%dma_wait3A_2396 : memref<128x128xf32, #tpu.memory_space<hbm>>)
    %dma_start3A_2401 = arith.constant 45 : i32
    %dma_start3A_2402 = arith.constant 1 : i32
    %dma_start3A_2403 = arith.constant 0 : i32
    %dma_start3A_2404 = arith.constant 0 : i32
    %dma_start3A_2405 = tpu.memref_slice %arg6[%dma_start3A_2402, %dma_start3A_2403, %dma_start3A_2404] : memref<4x128x128xf32, #tpu.memory_space<vmem>> -> memref<1x128x128xf32, #tpu.memory_space<vmem>>
    %dma_start3A_2406 = tpu.memref_squeeze %dma_start3A_2405 : memref<1x128x128xf32, #tpu.memory_space<vmem>> -> memref<128x128xf32, #tpu.memory_space<vmem>>
    %dma_start3A_2407 = arith.constant 0 : i32
    %dma_start3A_2408 = tpu.memref_slice %arg5[%dma_start3A_2401, %dma_start3A_2407] : memref<50x128xi32, #tpu.memory_space<vmem>> -> memref<1x128xi32, #tpu.memory_space<vmem>>
    %dma_start3A_2409 = tpu.memref_squeeze %dma_start3A_2408 : memref<1x128xi32, #tpu.memory_space<vmem>> -> memref<128xi32, #tpu.memory_space<vmem>>
    %dma_start3A_2410 = arith.constant 0 : i32
    %dma_start3A_2411 = arith.constant 0 : i32
    %dma_start3A_2412 = tpu.memref_slice %arg3[%dma_start3A_2410, %dma_start3A_2411] : memref<100000x128xf32, #tpu.memory_space<hbm>> -> memref<100000x128xf32, #tpu.memory_space<hbm>>
    tpu.enqueue_indirect_dma source(%dma_start3A_2412 : memref<100000x128xf32, #tpu.memory_space<hbm>>) target(%dma_start3A_2406 : memref<128x128xf32, #tpu.memory_space<vmem>>) offsets(%dma_start3A_2409 : memref<128xi32, #tpu.memory_space<vmem>>) semaphore(%arg8 : memref<!tpu.dma_semaphore, #tpu.memory_space<semaphore_mem>>)
    %dma_start3A_2413 = arith.constant 2 : i32
    %dma_start3A_2414 = arith.constant 42 : i32
    %dma_start3A_2415 = arith.constant 0 : i32
    %dma_start3A_2416 = arith.constant 0 : i32
    %dma_start3A_2417 = tpu.memref_slice %arg6[%dma_start3A_2413, %dma_start3A_2415, %dma_start3A_2416] : memref<4x128x128xf32, #tpu.memory_space<vmem>> -> memref<1x128x128xf32, #tpu.memory_space<vmem>>
    %dma_start3A_2418 = tpu.memref_squeeze %dma_start3A_2417 : memref<1x128x128xf32, #tpu.memory_space<vmem>> -> memref<128x128xf32, #tpu.memory_space<vmem>>
    %dma_start3A_2419 = arith.constant 0 : i32
    %dma_start3A_2420 = tpu.memref_slice %arg4[%dma_start3A_2414, %mul3A_2, %dma_start3A_2419] : memref<50x4096x128xf32, #tpu.memory_space<hbm>> -> memref<1x128x128xf32, #tpu.memory_space<hbm>>
    %dma_start3A_2421 = tpu.memref_squeeze %dma_start3A_2420 : memref<1x128x128xf32, #tpu.memory_space<hbm>> -> memref<128x128xf32, #tpu.memory_space<hbm>>
    %dma_start3A_2422 = arith.constant 0 : i32
    %dma_start3A_2423 = tpu.memref_slice %arg4[%dma_start3A_2414, %mul3A_2, %dma_start3A_2422] : memref<50x4096x128xf32, #tpu.memory_space<hbm>> -> memref<1x128x128xf32, #tpu.memory_space<hbm>>
    %dma_start3A_2424 = tpu.memref_squeeze %dma_start3A_2423 : memref<1x128x128xf32, #tpu.memory_space<hbm>> -> memref<128x128xf32, #tpu.memory_space<hbm>>
    %dma_start3A_2425 = arith.constant 0 : i32
    %dma_start3A_2426 = arith.constant 0 : i32
    %dma_start3A_2427 = tpu.memref_slice %arg6[%dma_start3A_2413, %dma_start3A_2425, %dma_start3A_2426] : memref<4x128x128xf32, #tpu.memory_space<vmem>> -> memref<1x128x128xf32, #tpu.memory_space<vmem>>
    %dma_start3A_2428 = tpu.memref_squeeze %dma_start3A_2427 : memref<1x128x128xf32, #tpu.memory_space<vmem>> -> memref<128x128xf32, #tpu.memory_space<vmem>>
    tpu.enqueue_dma source(%dma_start3A_2428 : memref<128x128xf32, #tpu.memory_space<vmem>>) target(%dma_start3A_2424 : memref<128x128xf32, #tpu.memory_space<hbm>>) target_semaphore(%arg13 : memref<!tpu.dma_semaphore, #tpu.memory_space<semaphore_mem>>)
    %dma_wait3A_2429 = arith.constant 43 : i32
    %dma_wait3A_2430 = arith.constant 3 : i32
    %dma_wait3A_2431 = arith.constant 0 : i32
    %dma_wait3A_2432 = arith.constant 0 : i32
    %dma_wait3A_2433 = tpu.memref_slice %arg6[%dma_wait3A_2430, %dma_wait3A_2431, %dma_wait3A_2432] : memref<4x128x128xf32, #tpu.memory_space<vmem>> -> memref<1x128x128xf32, #tpu.memory_space<vmem>>
    %dma_wait3A_2434 = tpu.memref_squeeze %dma_wait3A_2433 : memref<1x128x128xf32, #tpu.memory_space<vmem>> -> memref<128x128xf32, #tpu.memory_space<vmem>>
    %dma_wait3A_2435 = arith.constant 0 : i32
    %dma_wait3A_2436 = tpu.memref_slice %arg5[%dma_wait3A_2429, %dma_wait3A_2435] : memref<50x128xi32, #tpu.memory_space<vmem>> -> memref<1x128xi32, #tpu.memory_space<vmem>>
    %dma_wait3A_2437 = tpu.memref_squeeze %dma_wait3A_2436 : memref<1x128xi32, #tpu.memory_space<vmem>> -> memref<128xi32, #tpu.memory_space<vmem>>
    %dma_wait3A_2438 = arith.constant 0 : i32
    %dma_wait3A_2439 = arith.constant 0 : i32
    %dma_wait3A_2440 = tpu.memref_slice %arg3[%dma_wait3A_2438, %dma_wait3A_2439] : memref<100000x128xf32, #tpu.memory_space<hbm>> -> memref<100000x128xf32, #tpu.memory_space<hbm>>
    tpu.wait_indirect_dma semaphore(%arg10 : memref<!tpu.dma_semaphore, #tpu.memory_space<semaphore_mem>>) src(%dma_wait3A_2440 : memref<100000x128xf32, #tpu.memory_space<hbm>>) dst(%dma_wait3A_2434 : memref<128x128xf32, #tpu.memory_space<vmem>>)
    %dma_wait3A_2441 = arith.constant 2 : i32
    %dma_wait3A_2442 = arith.constant 42 : i32
    %dma_wait3A_2443 = arith.constant 0 : i32
    %dma_wait3A_2444 = arith.constant 0 : i32
    %dma_wait3A_2445 = tpu.memref_slice %arg6[%dma_wait3A_2441, %dma_wait3A_2443, %dma_wait3A_2444] : memref<4x128x128xf32, #tpu.memory_space<vmem>> -> memref<1x128x128xf32, #tpu.memory_space<vmem>>
    %dma_wait3A_2446 = tpu.memref_squeeze %dma_wait3A_2445 : memref<1x128x128xf32, #tpu.memory_space<vmem>> -> memref<128x128xf32, #tpu.memory_space<vmem>>
    %dma_wait3A_2447 = arith.constant 0 : i32
    %dma_wait3A_2448 = tpu.memref_slice %arg4[%dma_wait3A_2442, %mul3A_2, %dma_wait3A_2447] : memref<50x4096x128xf32, #tpu.memory_space<hbm>> -> memref<1x128x128xf32, #tpu.memory_space<hbm>>
    %dma_wait3A_2449 = tpu.memref_squeeze %dma_wait3A_2448 : memref<1x128x128xf32, #tpu.memory_space<hbm>> -> memref<128x128xf32, #tpu.memory_space<hbm>>
    %dma_wait3A_2450 = arith.constant 0 : i32
    %dma_wait3A_2451 = tpu.memref_slice %arg4[%dma_wait3A_2442, %mul3A_2, %dma_wait3A_2450] : memref<50x4096x128xf32, #tpu.memory_space<hbm>> -> memref<1x128x128xf32, #tpu.memory_space<hbm>>
    %dma_wait3A_2452 = tpu.memref_squeeze %dma_wait3A_2451 : memref<1x128x128xf32, #tpu.memory_space<hbm>> -> memref<128x128xf32, #tpu.memory_space<hbm>>
    %dma_wait3A_2453 = arith.constant 0 : i32
    %dma_wait3A_2454 = arith.constant 0 : i32
    %dma_wait3A_2455 = tpu.memref_slice %arg6[%dma_wait3A_2441, %dma_wait3A_2453, %dma_wait3A_2454] : memref<4x128x128xf32, #tpu.memory_space<vmem>> -> memref<1x128x128xf32, #tpu.memory_space<vmem>>
    %dma_wait3A_2456 = tpu.memref_squeeze %dma_wait3A_2455 : memref<1x128x128xf32, #tpu.memory_space<vmem>> -> memref<128x128xf32, #tpu.memory_space<vmem>>
    tpu.wait_dma2 semaphore(%arg13 : memref<!tpu.dma_semaphore, #tpu.memory_space<semaphore_mem>>) src(%dma_wait3A_2456 : memref<128x128xf32, #tpu.memory_space<vmem>>) dst(%dma_wait3A_2452 : memref<128x128xf32, #tpu.memory_space<hbm>>)
    %dma_start3A_2457 = arith.constant 46 : i32
    %dma_start3A_2458 = arith.constant 2 : i32
    %dma_start3A_2459 = arith.constant 0 : i32
    %dma_start3A_2460 = arith.constant 0 : i32
    %dma_start3A_2461 = tpu.memref_slice %arg6[%dma_start3A_2458, %dma_start3A_2459, %dma_start3A_2460] : memref<4x128x128xf32, #tpu.memory_space<vmem>> -> memref<1x128x128xf32, #tpu.memory_space<vmem>>
    %dma_start3A_2462 = tpu.memref_squeeze %dma_start3A_2461 : memref<1x128x128xf32, #tpu.memory_space<vmem>> -> memref<128x128xf32, #tpu.memory_space<vmem>>
    %dma_start3A_2463 = arith.constant 0 : i32
    %dma_start3A_2464 = tpu.memref_slice %arg5[%dma_start3A_2457, %dma_start3A_2463] : memref<50x128xi32, #tpu.memory_space<vmem>> -> memref<1x128xi32, #tpu.memory_space<vmem>>
    %dma_start3A_2465 = tpu.memref_squeeze %dma_start3A_2464 : memref<1x128xi32, #tpu.memory_space<vmem>> -> memref<128xi32, #tpu.memory_space<vmem>>
    %dma_start3A_2466 = arith.constant 0 : i32
    %dma_start3A_2467 = arith.constant 0 : i32
    %dma_start3A_2468 = tpu.memref_slice %arg3[%dma_start3A_2466, %dma_start3A_2467] : memref<100000x128xf32, #tpu.memory_space<hbm>> -> memref<100000x128xf32, #tpu.memory_space<hbm>>
    tpu.enqueue_indirect_dma source(%dma_start3A_2468 : memref<100000x128xf32, #tpu.memory_space<hbm>>) target(%dma_start3A_2462 : memref<128x128xf32, #tpu.memory_space<vmem>>) offsets(%dma_start3A_2465 : memref<128xi32, #tpu.memory_space<vmem>>) semaphore(%arg9 : memref<!tpu.dma_semaphore, #tpu.memory_space<semaphore_mem>>)
    %dma_start3A_2469 = arith.constant 3 : i32
    %dma_start3A_2470 = arith.constant 43 : i32
    %dma_start3A_2471 = arith.constant 0 : i32
    %dma_start3A_2472 = arith.constant 0 : i32
    %dma_start3A_2473 = tpu.memref_slice %arg6[%dma_start3A_2469, %dma_start3A_2471, %dma_start3A_2472] : memref<4x128x128xf32, #tpu.memory_space<vmem>> -> memref<1x128x128xf32, #tpu.memory_space<vmem>>
    %dma_start3A_2474 = tpu.memref_squeeze %dma_start3A_2473 : memref<1x128x128xf32, #tpu.memory_space<vmem>> -> memref<128x128xf32, #tpu.memory_space<vmem>>
    %dma_start3A_2475 = arith.constant 0 : i32
    %dma_start3A_2476 = tpu.memref_slice %arg4[%dma_start3A_2470, %mul3A_2, %dma_start3A_2475] : memref<50x4096x128xf32, #tpu.memory_space<hbm>> -> memref<1x128x128xf32, #tpu.memory_space<hbm>>
    %dma_start3A_2477 = tpu.memref_squeeze %dma_start3A_2476 : memref<1x128x128xf32, #tpu.memory_space<hbm>> -> memref<128x128xf32, #tpu.memory_space<hbm>>
    %dma_start3A_2478 = arith.constant 0 : i32
    %dma_start3A_2479 = tpu.memref_slice %arg4[%dma_start3A_2470, %mul3A_2, %dma_start3A_2478] : memref<50x4096x128xf32, #tpu.memory_space<hbm>> -> memref<1x128x128xf32, #tpu.memory_space<hbm>>
    %dma_start3A_2480 = tpu.memref_squeeze %dma_start3A_2479 : memref<1x128x128xf32, #tpu.memory_space<hbm>> -> memref<128x128xf32, #tpu.memory_space<hbm>>
    %dma_start3A_2481 = arith.constant 0 : i32
    %dma_start3A_2482 = arith.constant 0 : i32
    %dma_start3A_2483 = tpu.memref_slice %arg6[%dma_start3A_2469, %dma_start3A_2481, %dma_start3A_2482] : memref<4x128x128xf32, #tpu.memory_space<vmem>> -> memref<1x128x128xf32, #tpu.memory_space<vmem>>
    %dma_start3A_2484 = tpu.memref_squeeze %dma_start3A_2483 : memref<1x128x128xf32, #tpu.memory_space<vmem>> -> memref<128x128xf32, #tpu.memory_space<vmem>>
    tpu.enqueue_dma source(%dma_start3A_2484 : memref<128x128xf32, #tpu.memory_space<vmem>>) target(%dma_start3A_2480 : memref<128x128xf32, #tpu.memory_space<hbm>>) target_semaphore(%arg14 : memref<!tpu.dma_semaphore, #tpu.memory_space<semaphore_mem>>)
    %dma_wait3A_2485 = arith.constant 44 : i32
    %dma_wait3A_2486 = arith.constant 0 : i32
    %dma_wait3A_2487 = arith.constant 0 : i32
    %dma_wait3A_2488 = arith.constant 0 : i32
    %dma_wait3A_2489 = tpu.memref_slice %arg6[%dma_wait3A_2486, %dma_wait3A_2487, %dma_wait3A_2488] : memref<4x128x128xf32, #tpu.memory_space<vmem>> -> memref<1x128x128xf32, #tpu.memory_space<vmem>>
    %dma_wait3A_2490 = tpu.memref_squeeze %dma_wait3A_2489 : memref<1x128x128xf32, #tpu.memory_space<vmem>> -> memref<128x128xf32, #tpu.memory_space<vmem>>
    %dma_wait3A_2491 = arith.constant 0 : i32
    %dma_wait3A_2492 = tpu.memref_slice %arg5[%dma_wait3A_2485, %dma_wait3A_2491] : memref<50x128xi32, #tpu.memory_space<vmem>> -> memref<1x128xi32, #tpu.memory_space<vmem>>
    %dma_wait3A_2493 = tpu.memref_squeeze %dma_wait3A_2492 : memref<1x128xi32, #tpu.memory_space<vmem>> -> memref<128xi32, #tpu.memory_space<vmem>>
    %dma_wait3A_2494 = arith.constant 0 : i32
    %dma_wait3A_2495 = arith.constant 0 : i32
    %dma_wait3A_2496 = tpu.memref_slice %arg3[%dma_wait3A_2494, %dma_wait3A_2495] : memref<100000x128xf32, #tpu.memory_space<hbm>> -> memref<100000x128xf32, #tpu.memory_space<hbm>>
    tpu.wait_indirect_dma semaphore(%arg7 : memref<!tpu.dma_semaphore, #tpu.memory_space<semaphore_mem>>) src(%dma_wait3A_2496 : memref<100000x128xf32, #tpu.memory_space<hbm>>) dst(%dma_wait3A_2490 : memref<128x128xf32, #tpu.memory_space<vmem>>)
    %dma_wait3A_2497 = arith.constant 3 : i32
    %dma_wait3A_2498 = arith.constant 43 : i32
    %dma_wait3A_2499 = arith.constant 0 : i32
    %dma_wait3A_2500 = arith.constant 0 : i32
    %dma_wait3A_2501 = tpu.memref_slice %arg6[%dma_wait3A_2497, %dma_wait3A_2499, %dma_wait3A_2500] : memref<4x128x128xf32, #tpu.memory_space<vmem>> -> memref<1x128x128xf32, #tpu.memory_space<vmem>>
    %dma_wait3A_2502 = tpu.memref_squeeze %dma_wait3A_2501 : memref<1x128x128xf32, #tpu.memory_space<vmem>> -> memref<128x128xf32, #tpu.memory_space<vmem>>
    %dma_wait3A_2503 = arith.constant 0 : i32
    %dma_wait3A_2504 = tpu.memref_slice %arg4[%dma_wait3A_2498, %mul3A_2, %dma_wait3A_2503] : memref<50x4096x128xf32, #tpu.memory_space<hbm>> -> memref<1x128x128xf32, #tpu.memory_space<hbm>>
    %dma_wait3A_2505 = tpu.memref_squeeze %dma_wait3A_2504 : memref<1x128x128xf32, #tpu.memory_space<hbm>> -> memref<128x128xf32, #tpu.memory_space<hbm>>
    %dma_wait3A_2506 = arith.constant 0 : i32
    %dma_wait3A_2507 = tpu.memref_slice %arg4[%dma_wait3A_2498, %mul3A_2, %dma_wait3A_2506] : memref<50x4096x128xf32, #tpu.memory_space<hbm>> -> memref<1x128x128xf32, #tpu.memory_space<hbm>>
    %dma_wait3A_2508 = tpu.memref_squeeze %dma_wait3A_2507 : memref<1x128x128xf32, #tpu.memory_space<hbm>> -> memref<128x128xf32, #tpu.memory_space<hbm>>
    %dma_wait3A_2509 = arith.constant 0 : i32
    %dma_wait3A_2510 = arith.constant 0 : i32
    %dma_wait3A_2511 = tpu.memref_slice %arg6[%dma_wait3A_2497, %dma_wait3A_2509, %dma_wait3A_2510] : memref<4x128x128xf32, #tpu.memory_space<vmem>> -> memref<1x128x128xf32, #tpu.memory_space<vmem>>
    %dma_wait3A_2512 = tpu.memref_squeeze %dma_wait3A_2511 : memref<1x128x128xf32, #tpu.memory_space<vmem>> -> memref<128x128xf32, #tpu.memory_space<vmem>>
    tpu.wait_dma2 semaphore(%arg14 : memref<!tpu.dma_semaphore, #tpu.memory_space<semaphore_mem>>) src(%dma_wait3A_2512 : memref<128x128xf32, #tpu.memory_space<vmem>>) dst(%dma_wait3A_2508 : memref<128x128xf32, #tpu.memory_space<hbm>>)
    %dma_start3A_2513 = arith.constant 47 : i32
    %dma_start3A_2514 = arith.constant 3 : i32
    %dma_start3A_2515 = arith.constant 0 : i32
    %dma_start3A_2516 = arith.constant 0 : i32
    %dma_start3A_2517 = tpu.memref_slice %arg6[%dma_start3A_2514, %dma_start3A_2515, %dma_start3A_2516] : memref<4x128x128xf32, #tpu.memory_space<vmem>> -> memref<1x128x128xf32, #tpu.memory_space<vmem>>
    %dma_start3A_2518 = tpu.memref_squeeze %dma_start3A_2517 : memref<1x128x128xf32, #tpu.memory_space<vmem>> -> memref<128x128xf32, #tpu.memory_space<vmem>>
    %dma_start3A_2519 = arith.constant 0 : i32
    %dma_start3A_2520 = tpu.memref_slice %arg5[%dma_start3A_2513, %dma_start3A_2519] : memref<50x128xi32, #tpu.memory_space<vmem>> -> memref<1x128xi32, #tpu.memory_space<vmem>>
    %dma_start3A_2521 = tpu.memref_squeeze %dma_start3A_2520 : memref<1x128xi32, #tpu.memory_space<vmem>> -> memref<128xi32, #tpu.memory_space<vmem>>
    %dma_start3A_2522 = arith.constant 0 : i32
    %dma_start3A_2523 = arith.constant 0 : i32
    %dma_start3A_2524 = tpu.memref_slice %arg3[%dma_start3A_2522, %dma_start3A_2523] : memref<100000x128xf32, #tpu.memory_space<hbm>> -> memref<100000x128xf32, #tpu.memory_space<hbm>>
    tpu.enqueue_indirect_dma source(%dma_start3A_2524 : memref<100000x128xf32, #tpu.memory_space<hbm>>) target(%dma_start3A_2518 : memref<128x128xf32, #tpu.memory_space<vmem>>) offsets(%dma_start3A_2521 : memref<128xi32, #tpu.memory_space<vmem>>) semaphore(%arg10 : memref<!tpu.dma_semaphore, #tpu.memory_space<semaphore_mem>>)
    %dma_start3A_2525 = arith.constant 0 : i32
    %dma_start3A_2526 = arith.constant 44 : i32
    %dma_start3A_2527 = arith.constant 0 : i32
    %dma_start3A_2528 = arith.constant 0 : i32
    %dma_start3A_2529 = tpu.memref_slice %arg6[%dma_start3A_2525, %dma_start3A_2527, %dma_start3A_2528] : memref<4x128x128xf32, #tpu.memory_space<vmem>> -> memref<1x128x128xf32, #tpu.memory_space<vmem>>
    %dma_start3A_2530 = tpu.memref_squeeze %dma_start3A_2529 : memref<1x128x128xf32, #tpu.memory_space<vmem>> -> memref<128x128xf32, #tpu.memory_space<vmem>>
    %dma_start3A_2531 = arith.constant 0 : i32
    %dma_start3A_2532 = tpu.memref_slice %arg4[%dma_start3A_2526, %mul3A_2, %dma_start3A_2531] : memref<50x4096x128xf32, #tpu.memory_space<hbm>> -> memref<1x128x128xf32, #tpu.memory_space<hbm>>
    %dma_start3A_2533 = tpu.memref_squeeze %dma_start3A_2532 : memref<1x128x128xf32, #tpu.memory_space<hbm>> -> memref<128x128xf32, #tpu.memory_space<hbm>>
    %dma_start3A_2534 = arith.constant 0 : i32
    %dma_start3A_2535 = tpu.memref_slice %arg4[%dma_start3A_2526, %mul3A_2, %dma_start3A_2534] : memref<50x4096x128xf32, #tpu.memory_space<hbm>> -> memref<1x128x128xf32, #tpu.memory_space<hbm>>
    %dma_start3A_2536 = tpu.memref_squeeze %dma_start3A_2535 : memref<1x128x128xf32, #tpu.memory_space<hbm>> -> memref<128x128xf32, #tpu.memory_space<hbm>>
    %dma_start3A_2537 = arith.constant 0 : i32
    %dma_start3A_2538 = arith.constant 0 : i32
    %dma_start3A_2539 = tpu.memref_slice %arg6[%dma_start3A_2525, %dma_start3A_2537, %dma_start3A_2538] : memref<4x128x128xf32, #tpu.memory_space<vmem>> -> memref<1x128x128xf32, #tpu.memory_space<vmem>>
    %dma_start3A_2540 = tpu.memref_squeeze %dma_start3A_2539 : memref<1x128x128xf32, #tpu.memory_space<vmem>> -> memref<128x128xf32, #tpu.memory_space<vmem>>
    tpu.enqueue_dma source(%dma_start3A_2540 : memref<128x128xf32, #tpu.memory_space<vmem>>) target(%dma_start3A_2536 : memref<128x128xf32, #tpu.memory_space<hbm>>) target_semaphore(%arg11 : memref<!tpu.dma_semaphore, #tpu.memory_space<semaphore_mem>>)
    %dma_wait3A_2541 = arith.constant 45 : i32
    %dma_wait3A_2542 = arith.constant 1 : i32
    %dma_wait3A_2543 = arith.constant 0 : i32
    %dma_wait3A_2544 = arith.constant 0 : i32
    %dma_wait3A_2545 = tpu.memref_slice %arg6[%dma_wait3A_2542, %dma_wait3A_2543, %dma_wait3A_2544] : memref<4x128x128xf32, #tpu.memory_space<vmem>> -> memref<1x128x128xf32, #tpu.memory_space<vmem>>
    %dma_wait3A_2546 = tpu.memref_squeeze %dma_wait3A_2545 : memref<1x128x128xf32, #tpu.memory_space<vmem>> -> memref<128x128xf32, #tpu.memory_space<vmem>>
    %dma_wait3A_2547 = arith.constant 0 : i32
    %dma_wait3A_2548 = tpu.memref_slice %arg5[%dma_wait3A_2541, %dma_wait3A_2547] : memref<50x128xi32, #tpu.memory_space<vmem>> -> memref<1x128xi32, #tpu.memory_space<vmem>>
    %dma_wait3A_2549 = tpu.memref_squeeze %dma_wait3A_2548 : memref<1x128xi32, #tpu.memory_space<vmem>> -> memref<128xi32, #tpu.memory_space<vmem>>
    %dma_wait3A_2550 = arith.constant 0 : i32
    %dma_wait3A_2551 = arith.constant 0 : i32
    %dma_wait3A_2552 = tpu.memref_slice %arg3[%dma_wait3A_2550, %dma_wait3A_2551] : memref<100000x128xf32, #tpu.memory_space<hbm>> -> memref<100000x128xf32, #tpu.memory_space<hbm>>
    tpu.wait_indirect_dma semaphore(%arg8 : memref<!tpu.dma_semaphore, #tpu.memory_space<semaphore_mem>>) src(%dma_wait3A_2552 : memref<100000x128xf32, #tpu.memory_space<hbm>>) dst(%dma_wait3A_2546 : memref<128x128xf32, #tpu.memory_space<vmem>>)
    %dma_wait3A_2553 = arith.constant 0 : i32
    %dma_wait3A_2554 = arith.constant 44 : i32
    %dma_wait3A_2555 = arith.constant 0 : i32
    %dma_wait3A_2556 = arith.constant 0 : i32
    %dma_wait3A_2557 = tpu.memref_slice %arg6[%dma_wait3A_2553, %dma_wait3A_2555, %dma_wait3A_2556] : memref<4x128x128xf32, #tpu.memory_space<vmem>> -> memref<1x128x128xf32, #tpu.memory_space<vmem>>
    %dma_wait3A_2558 = tpu.memref_squeeze %dma_wait3A_2557 : memref<1x128x128xf32, #tpu.memory_space<vmem>> -> memref<128x128xf32, #tpu.memory_space<vmem>>
    %dma_wait3A_2559 = arith.constant 0 : i32
    %dma_wait3A_2560 = tpu.memref_slice %arg4[%dma_wait3A_2554, %mul3A_2, %dma_wait3A_2559] : memref<50x4096x128xf32, #tpu.memory_space<hbm>> -> memref<1x128x128xf32, #tpu.memory_space<hbm>>
    %dma_wait3A_2561 = tpu.memref_squeeze %dma_wait3A_2560 : memref<1x128x128xf32, #tpu.memory_space<hbm>> -> memref<128x128xf32, #tpu.memory_space<hbm>>
    %dma_wait3A_2562 = arith.constant 0 : i32
    %dma_wait3A_2563 = tpu.memref_slice %arg4[%dma_wait3A_2554, %mul3A_2, %dma_wait3A_2562] : memref<50x4096x128xf32, #tpu.memory_space<hbm>> -> memref<1x128x128xf32, #tpu.memory_space<hbm>>
    %dma_wait3A_2564 = tpu.memref_squeeze %dma_wait3A_2563 : memref<1x128x128xf32, #tpu.memory_space<hbm>> -> memref<128x128xf32, #tpu.memory_space<hbm>>
    %dma_wait3A_2565 = arith.constant 0 : i32
    %dma_wait3A_2566 = arith.constant 0 : i32
    %dma_wait3A_2567 = tpu.memref_slice %arg6[%dma_wait3A_2553, %dma_wait3A_2565, %dma_wait3A_2566] : memref<4x128x128xf32, #tpu.memory_space<vmem>> -> memref<1x128x128xf32, #tpu.memory_space<vmem>>
    %dma_wait3A_2568 = tpu.memref_squeeze %dma_wait3A_2567 : memref<1x128x128xf32, #tpu.memory_space<vmem>> -> memref<128x128xf32, #tpu.memory_space<vmem>>
    tpu.wait_dma2 semaphore(%arg11 : memref<!tpu.dma_semaphore, #tpu.memory_space<semaphore_mem>>) src(%dma_wait3A_2568 : memref<128x128xf32, #tpu.memory_space<vmem>>) dst(%dma_wait3A_2564 : memref<128x128xf32, #tpu.memory_space<hbm>>)
    %dma_start3A_2569 = arith.constant 48 : i32
    %dma_start3A_2570 = arith.constant 0 : i32
    %dma_start3A_2571 = arith.constant 0 : i32
    %dma_start3A_2572 = arith.constant 0 : i32
    %dma_start3A_2573 = tpu.memref_slice %arg6[%dma_start3A_2570, %dma_start3A_2571, %dma_start3A_2572] : memref<4x128x128xf32, #tpu.memory_space<vmem>> -> memref<1x128x128xf32, #tpu.memory_space<vmem>>
    %dma_start3A_2574 = tpu.memref_squeeze %dma_start3A_2573 : memref<1x128x128xf32, #tpu.memory_space<vmem>> -> memref<128x128xf32, #tpu.memory_space<vmem>>
    %dma_start3A_2575 = arith.constant 0 : i32
    %dma_start3A_2576 = tpu.memref_slice %arg5[%dma_start3A_2569, %dma_start3A_2575] : memref<50x128xi32, #tpu.memory_space<vmem>> -> memref<1x128xi32, #tpu.memory_space<vmem>>
    %dma_start3A_2577 = tpu.memref_squeeze %dma_start3A_2576 : memref<1x128xi32, #tpu.memory_space<vmem>> -> memref<128xi32, #tpu.memory_space<vmem>>
    %dma_start3A_2578 = arith.constant 0 : i32
    %dma_start3A_2579 = arith.constant 0 : i32
    %dma_start3A_2580 = tpu.memref_slice %arg3[%dma_start3A_2578, %dma_start3A_2579] : memref<100000x128xf32, #tpu.memory_space<hbm>> -> memref<100000x128xf32, #tpu.memory_space<hbm>>
    tpu.enqueue_indirect_dma source(%dma_start3A_2580 : memref<100000x128xf32, #tpu.memory_space<hbm>>) target(%dma_start3A_2574 : memref<128x128xf32, #tpu.memory_space<vmem>>) offsets(%dma_start3A_2577 : memref<128xi32, #tpu.memory_space<vmem>>) semaphore(%arg7 : memref<!tpu.dma_semaphore, #tpu.memory_space<semaphore_mem>>)
    %dma_start3A_2581 = arith.constant 1 : i32
    %dma_start3A_2582 = arith.constant 45 : i32
    %dma_start3A_2583 = arith.constant 0 : i32
    %dma_start3A_2584 = arith.constant 0 : i32
    %dma_start3A_2585 = tpu.memref_slice %arg6[%dma_start3A_2581, %dma_start3A_2583, %dma_start3A_2584] : memref<4x128x128xf32, #tpu.memory_space<vmem>> -> memref<1x128x128xf32, #tpu.memory_space<vmem>>
    %dma_start3A_2586 = tpu.memref_squeeze %dma_start3A_2585 : memref<1x128x128xf32, #tpu.memory_space<vmem>> -> memref<128x128xf32, #tpu.memory_space<vmem>>
    %dma_start3A_2587 = arith.constant 0 : i32
    %dma_start3A_2588 = tpu.memref_slice %arg4[%dma_start3A_2582, %mul3A_2, %dma_start3A_2587] : memref<50x4096x128xf32, #tpu.memory_space<hbm>> -> memref<1x128x128xf32, #tpu.memory_space<hbm>>
    %dma_start3A_2589 = tpu.memref_squeeze %dma_start3A_2588 : memref<1x128x128xf32, #tpu.memory_space<hbm>> -> memref<128x128xf32, #tpu.memory_space<hbm>>
    %dma_start3A_2590 = arith.constant 0 : i32
    %dma_start3A_2591 = tpu.memref_slice %arg4[%dma_start3A_2582, %mul3A_2, %dma_start3A_2590] : memref<50x4096x128xf32, #tpu.memory_space<hbm>> -> memref<1x128x128xf32, #tpu.memory_space<hbm>>
    %dma_start3A_2592 = tpu.memref_squeeze %dma_start3A_2591 : memref<1x128x128xf32, #tpu.memory_space<hbm>> -> memref<128x128xf32, #tpu.memory_space<hbm>>
    %dma_start3A_2593 = arith.constant 0 : i32
    %dma_start3A_2594 = arith.constant 0 : i32
    %dma_start3A_2595 = tpu.memref_slice %arg6[%dma_start3A_2581, %dma_start3A_2593, %dma_start3A_2594] : memref<4x128x128xf32, #tpu.memory_space<vmem>> -> memref<1x128x128xf32, #tpu.memory_space<vmem>>
    %dma_start3A_2596 = tpu.memref_squeeze %dma_start3A_2595 : memref<1x128x128xf32, #tpu.memory_space<vmem>> -> memref<128x128xf32, #tpu.memory_space<vmem>>
    tpu.enqueue_dma source(%dma_start3A_2596 : memref<128x128xf32, #tpu.memory_space<vmem>>) target(%dma_start3A_2592 : memref<128x128xf32, #tpu.memory_space<hbm>>) target_semaphore(%arg12 : memref<!tpu.dma_semaphore, #tpu.memory_space<semaphore_mem>>)
    %dma_wait3A_2597 = arith.constant 46 : i32
    %dma_wait3A_2598 = arith.constant 2 : i32
    %dma_wait3A_2599 = arith.constant 0 : i32
    %dma_wait3A_2600 = arith.constant 0 : i32
    %dma_wait3A_2601 = tpu.memref_slice %arg6[%dma_wait3A_2598, %dma_wait3A_2599, %dma_wait3A_2600] : memref<4x128x128xf32, #tpu.memory_space<vmem>> -> memref<1x128x128xf32, #tpu.memory_space<vmem>>
    %dma_wait3A_2602 = tpu.memref_squeeze %dma_wait3A_2601 : memref<1x128x128xf32, #tpu.memory_space<vmem>> -> memref<128x128xf32, #tpu.memory_space<vmem>>
    %dma_wait3A_2603 = arith.constant 0 : i32
    %dma_wait3A_2604 = tpu.memref_slice %arg5[%dma_wait3A_2597, %dma_wait3A_2603] : memref<50x128xi32, #tpu.memory_space<vmem>> -> memref<1x128xi32, #tpu.memory_space<vmem>>
    %dma_wait3A_2605 = tpu.memref_squeeze %dma_wait3A_2604 : memref<1x128xi32, #tpu.memory_space<vmem>> -> memref<128xi32, #tpu.memory_space<vmem>>
    %dma_wait3A_2606 = arith.constant 0 : i32
    %dma_wait3A_2607 = arith.constant 0 : i32
    %dma_wait3A_2608 = tpu.memref_slice %arg3[%dma_wait3A_2606, %dma_wait3A_2607] : memref<100000x128xf32, #tpu.memory_space<hbm>> -> memref<100000x128xf32, #tpu.memory_space<hbm>>
    tpu.wait_indirect_dma semaphore(%arg9 : memref<!tpu.dma_semaphore, #tpu.memory_space<semaphore_mem>>) src(%dma_wait3A_2608 : memref<100000x128xf32, #tpu.memory_space<hbm>>) dst(%dma_wait3A_2602 : memref<128x128xf32, #tpu.memory_space<vmem>>)
    %dma_wait3A_2609 = arith.constant 1 : i32
    %dma_wait3A_2610 = arith.constant 45 : i32
    %dma_wait3A_2611 = arith.constant 0 : i32
    %dma_wait3A_2612 = arith.constant 0 : i32
    %dma_wait3A_2613 = tpu.memref_slice %arg6[%dma_wait3A_2609, %dma_wait3A_2611, %dma_wait3A_2612] : memref<4x128x128xf32, #tpu.memory_space<vmem>> -> memref<1x128x128xf32, #tpu.memory_space<vmem>>
    %dma_wait3A_2614 = tpu.memref_squeeze %dma_wait3A_2613 : memref<1x128x128xf32, #tpu.memory_space<vmem>> -> memref<128x128xf32, #tpu.memory_space<vmem>>
    %dma_wait3A_2615 = arith.constant 0 : i32
    %dma_wait3A_2616 = tpu.memref_slice %arg4[%dma_wait3A_2610, %mul3A_2, %dma_wait3A_2615] : memref<50x4096x128xf32, #tpu.memory_space<hbm>> -> memref<1x128x128xf32, #tpu.memory_space<hbm>>
    %dma_wait3A_2617 = tpu.memref_squeeze %dma_wait3A_2616 : memref<1x128x128xf32, #tpu.memory_space<hbm>> -> memref<128x128xf32, #tpu.memory_space<hbm>>
    %dma_wait3A_2618 = arith.constant 0 : i32
    %dma_wait3A_2619 = tpu.memref_slice %arg4[%dma_wait3A_2610, %mul3A_2, %dma_wait3A_2618] : memref<50x4096x128xf32, #tpu.memory_space<hbm>> -> memref<1x128x128xf32, #tpu.memory_space<hbm>>
    %dma_wait3A_2620 = tpu.memref_squeeze %dma_wait3A_2619 : memref<1x128x128xf32, #tpu.memory_space<hbm>> -> memref<128x128xf32, #tpu.memory_space<hbm>>
    %dma_wait3A_2621 = arith.constant 0 : i32
    %dma_wait3A_2622 = arith.constant 0 : i32
    %dma_wait3A_2623 = tpu.memref_slice %arg6[%dma_wait3A_2609, %dma_wait3A_2621, %dma_wait3A_2622] : memref<4x128x128xf32, #tpu.memory_space<vmem>> -> memref<1x128x128xf32, #tpu.memory_space<vmem>>
    %dma_wait3A_2624 = tpu.memref_squeeze %dma_wait3A_2623 : memref<1x128x128xf32, #tpu.memory_space<vmem>> -> memref<128x128xf32, #tpu.memory_space<vmem>>
    tpu.wait_dma2 semaphore(%arg12 : memref<!tpu.dma_semaphore, #tpu.memory_space<semaphore_mem>>) src(%dma_wait3A_2624 : memref<128x128xf32, #tpu.memory_space<vmem>>) dst(%dma_wait3A_2620 : memref<128x128xf32, #tpu.memory_space<hbm>>)
    %dma_start3A_2625 = arith.constant 49 : i32
    %dma_start3A_2626 = arith.constant 1 : i32
    %dma_start3A_2627 = arith.constant 0 : i32
    %dma_start3A_2628 = arith.constant 0 : i32
    %dma_start3A_2629 = tpu.memref_slice %arg6[%dma_start3A_2626, %dma_start3A_2627, %dma_start3A_2628] : memref<4x128x128xf32, #tpu.memory_space<vmem>> -> memref<1x128x128xf32, #tpu.memory_space<vmem>>
    %dma_start3A_2630 = tpu.memref_squeeze %dma_start3A_2629 : memref<1x128x128xf32, #tpu.memory_space<vmem>> -> memref<128x128xf32, #tpu.memory_space<vmem>>
    %dma_start3A_2631 = arith.constant 0 : i32
    %dma_start3A_2632 = tpu.memref_slice %arg5[%dma_start3A_2625, %dma_start3A_2631] : memref<50x128xi32, #tpu.memory_space<vmem>> -> memref<1x128xi32, #tpu.memory_space<vmem>>
    %dma_start3A_2633 = tpu.memref_squeeze %dma_start3A_2632 : memref<1x128xi32, #tpu.memory_space<vmem>> -> memref<128xi32, #tpu.memory_space<vmem>>
    %dma_start3A_2634 = arith.constant 0 : i32
    %dma_start3A_2635 = arith.constant 0 : i32
    %dma_start3A_2636 = tpu.memref_slice %arg3[%dma_start3A_2634, %dma_start3A_2635] : memref<100000x128xf32, #tpu.memory_space<hbm>> -> memref<100000x128xf32, #tpu.memory_space<hbm>>
    tpu.enqueue_indirect_dma source(%dma_start3A_2636 : memref<100000x128xf32, #tpu.memory_space<hbm>>) target(%dma_start3A_2630 : memref<128x128xf32, #tpu.memory_space<vmem>>) offsets(%dma_start3A_2633 : memref<128xi32, #tpu.memory_space<vmem>>) semaphore(%arg8 : memref<!tpu.dma_semaphore, #tpu.memory_space<semaphore_mem>>)
    %dma_start3A_2637 = arith.constant 2 : i32
    %dma_start3A_2638 = arith.constant 46 : i32
    %dma_start3A_2639 = arith.constant 0 : i32
    %dma_start3A_2640 = arith.constant 0 : i32
    %dma_start3A_2641 = tpu.memref_slice %arg6[%dma_start3A_2637, %dma_start3A_2639, %dma_start3A_2640] : memref<4x128x128xf32, #tpu.memory_space<vmem>> -> memref<1x128x128xf32, #tpu.memory_space<vmem>>
    %dma_start3A_2642 = tpu.memref_squeeze %dma_start3A_2641 : memref<1x128x128xf32, #tpu.memory_space<vmem>> -> memref<128x128xf32, #tpu.memory_space<vmem>>
    %dma_start3A_2643 = arith.constant 0 : i32
    %dma_start3A_2644 = tpu.memref_slice %arg4[%dma_start3A_2638, %mul3A_2, %dma_start3A_2643] : memref<50x4096x128xf32, #tpu.memory_space<hbm>> -> memref<1x128x128xf32, #tpu.memory_space<hbm>>
    %dma_start3A_2645 = tpu.memref_squeeze %dma_start3A_2644 : memref<1x128x128xf32, #tpu.memory_space<hbm>> -> memref<128x128xf32, #tpu.memory_space<hbm>>
    %dma_start3A_2646 = arith.constant 0 : i32
    %dma_start3A_2647 = tpu.memref_slice %arg4[%dma_start3A_2638, %mul3A_2, %dma_start3A_2646] : memref<50x4096x128xf32, #tpu.memory_space<hbm>> -> memref<1x128x128xf32, #tpu.memory_space<hbm>>
    %dma_start3A_2648 = tpu.memref_squeeze %dma_start3A_2647 : memref<1x128x128xf32, #tpu.memory_space<hbm>> -> memref<128x128xf32, #tpu.memory_space<hbm>>
    %dma_start3A_2649 = arith.constant 0 : i32
    %dma_start3A_2650 = arith.constant 0 : i32
    %dma_start3A_2651 = tpu.memref_slice %arg6[%dma_start3A_2637, %dma_start3A_2649, %dma_start3A_2650] : memref<4x128x128xf32, #tpu.memory_space<vmem>> -> memref<1x128x128xf32, #tpu.memory_space<vmem>>
    %dma_start3A_2652 = tpu.memref_squeeze %dma_start3A_2651 : memref<1x128x128xf32, #tpu.memory_space<vmem>> -> memref<128x128xf32, #tpu.memory_space<vmem>>
    tpu.enqueue_dma source(%dma_start3A_2652 : memref<128x128xf32, #tpu.memory_space<vmem>>) target(%dma_start3A_2648 : memref<128x128xf32, #tpu.memory_space<hbm>>) target_semaphore(%arg13 : memref<!tpu.dma_semaphore, #tpu.memory_space<semaphore_mem>>)
    %dma_wait3A_2653 = arith.constant 47 : i32
    %dma_wait3A_2654 = arith.constant 3 : i32
    %dma_wait3A_2655 = arith.constant 0 : i32
    %dma_wait3A_2656 = arith.constant 0 : i32
    %dma_wait3A_2657 = tpu.memref_slice %arg6[%dma_wait3A_2654, %dma_wait3A_2655, %dma_wait3A_2656] : memref<4x128x128xf32, #tpu.memory_space<vmem>> -> memref<1x128x128xf32, #tpu.memory_space<vmem>>
    %dma_wait3A_2658 = tpu.memref_squeeze %dma_wait3A_2657 : memref<1x128x128xf32, #tpu.memory_space<vmem>> -> memref<128x128xf32, #tpu.memory_space<vmem>>
    %dma_wait3A_2659 = arith.constant 0 : i32
    %dma_wait3A_2660 = tpu.memref_slice %arg5[%dma_wait3A_2653, %dma_wait3A_2659] : memref<50x128xi32, #tpu.memory_space<vmem>> -> memref<1x128xi32, #tpu.memory_space<vmem>>
    %dma_wait3A_2661 = tpu.memref_squeeze %dma_wait3A_2660 : memref<1x128xi32, #tpu.memory_space<vmem>> -> memref<128xi32, #tpu.memory_space<vmem>>
    %dma_wait3A_2662 = arith.constant 0 : i32
    %dma_wait3A_2663 = arith.constant 0 : i32
    %dma_wait3A_2664 = tpu.memref_slice %arg3[%dma_wait3A_2662, %dma_wait3A_2663] : memref<100000x128xf32, #tpu.memory_space<hbm>> -> memref<100000x128xf32, #tpu.memory_space<hbm>>
    tpu.wait_indirect_dma semaphore(%arg10 : memref<!tpu.dma_semaphore, #tpu.memory_space<semaphore_mem>>) src(%dma_wait3A_2664 : memref<100000x128xf32, #tpu.memory_space<hbm>>) dst(%dma_wait3A_2658 : memref<128x128xf32, #tpu.memory_space<vmem>>)
    %dma_start3A_2665 = arith.constant 3 : i32
    %dma_start3A_2666 = arith.constant 47 : i32
    %dma_start3A_2667 = arith.constant 0 : i32
    %dma_start3A_2668 = arith.constant 0 : i32
    %dma_start3A_2669 = tpu.memref_slice %arg6[%dma_start3A_2665, %dma_start3A_2667, %dma_start3A_2668] : memref<4x128x128xf32, #tpu.memory_space<vmem>> -> memref<1x128x128xf32, #tpu.memory_space<vmem>>
    %dma_start3A_2670 = tpu.memref_squeeze %dma_start3A_2669 : memref<1x128x128xf32, #tpu.memory_space<vmem>> -> memref<128x128xf32, #tpu.memory_space<vmem>>
    %dma_start3A_2671 = arith.constant 0 : i32
    %dma_start3A_2672 = tpu.memref_slice %arg4[%dma_start3A_2666, %mul3A_2, %dma_start3A_2671] : memref<50x4096x128xf32, #tpu.memory_space<hbm>> -> memref<1x128x128xf32, #tpu.memory_space<hbm>>
    %dma_start3A_2673 = tpu.memref_squeeze %dma_start3A_2672 : memref<1x128x128xf32, #tpu.memory_space<hbm>> -> memref<128x128xf32, #tpu.memory_space<hbm>>
    %dma_start3A_2674 = arith.constant 0 : i32
    %dma_start3A_2675 = tpu.memref_slice %arg4[%dma_start3A_2666, %mul3A_2, %dma_start3A_2674] : memref<50x4096x128xf32, #tpu.memory_space<hbm>> -> memref<1x128x128xf32, #tpu.memory_space<hbm>>
    %dma_start3A_2676 = tpu.memref_squeeze %dma_start3A_2675 : memref<1x128x128xf32, #tpu.memory_space<hbm>> -> memref<128x128xf32, #tpu.memory_space<hbm>>
    %dma_start3A_2677 = arith.constant 0 : i32
    %dma_start3A_2678 = arith.constant 0 : i32
    %dma_start3A_2679 = tpu.memref_slice %arg6[%dma_start3A_2665, %dma_start3A_2677, %dma_start3A_2678] : memref<4x128x128xf32, #tpu.memory_space<vmem>> -> memref<1x128x128xf32, #tpu.memory_space<vmem>>
    %dma_start3A_2680 = tpu.memref_squeeze %dma_start3A_2679 : memref<1x128x128xf32, #tpu.memory_space<vmem>> -> memref<128x128xf32, #tpu.memory_space<vmem>>
    tpu.enqueue_dma source(%dma_start3A_2680 : memref<128x128xf32, #tpu.memory_space<vmem>>) target(%dma_start3A_2676 : memref<128x128xf32, #tpu.memory_space<hbm>>) target_semaphore(%arg14 : memref<!tpu.dma_semaphore, #tpu.memory_space<semaphore_mem>>)
    %dma_wait3A_2681 = arith.constant 48 : i32
    %dma_wait3A_2682 = arith.constant 0 : i32
    %dma_wait3A_2683 = arith.constant 0 : i32
    %dma_wait3A_2684 = arith.constant 0 : i32
    %dma_wait3A_2685 = tpu.memref_slice %arg6[%dma_wait3A_2682, %dma_wait3A_2683, %dma_wait3A_2684] : memref<4x128x128xf32, #tpu.memory_space<vmem>> -> memref<1x128x128xf32, #tpu.memory_space<vmem>>
    %dma_wait3A_2686 = tpu.memref_squeeze %dma_wait3A_2685 : memref<1x128x128xf32, #tpu.memory_space<vmem>> -> memref<128x128xf32, #tpu.memory_space<vmem>>
    %dma_wait3A_2687 = arith.constant 0 : i32
    %dma_wait3A_2688 = tpu.memref_slice %arg5[%dma_wait3A_2681, %dma_wait3A_2687] : memref<50x128xi32, #tpu.memory_space<vmem>> -> memref<1x128xi32, #tpu.memory_space<vmem>>
    %dma_wait3A_2689 = tpu.memref_squeeze %dma_wait3A_2688 : memref<1x128xi32, #tpu.memory_space<vmem>> -> memref<128xi32, #tpu.memory_space<vmem>>
    %dma_wait3A_2690 = arith.constant 0 : i32
    %dma_wait3A_2691 = arith.constant 0 : i32
    %dma_wait3A_2692 = tpu.memref_slice %arg3[%dma_wait3A_2690, %dma_wait3A_2691] : memref<100000x128xf32, #tpu.memory_space<hbm>> -> memref<100000x128xf32, #tpu.memory_space<hbm>>
    tpu.wait_indirect_dma semaphore(%arg7 : memref<!tpu.dma_semaphore, #tpu.memory_space<semaphore_mem>>) src(%dma_wait3A_2692 : memref<100000x128xf32, #tpu.memory_space<hbm>>) dst(%dma_wait3A_2686 : memref<128x128xf32, #tpu.memory_space<vmem>>)
    %dma_start3A_2693 = arith.constant 0 : i32
    %dma_start3A_2694 = arith.constant 48 : i32
    %dma_start3A_2695 = arith.constant 0 : i32
    %dma_start3A_2696 = arith.constant 0 : i32
    %dma_start3A_2697 = tpu.memref_slice %arg6[%dma_start3A_2693, %dma_start3A_2695, %dma_start3A_2696] : memref<4x128x128xf32, #tpu.memory_space<vmem>> -> memref<1x128x128xf32, #tpu.memory_space<vmem>>
    %dma_start3A_2698 = tpu.memref_squeeze %dma_start3A_2697 : memref<1x128x128xf32, #tpu.memory_space<vmem>> -> memref<128x128xf32, #tpu.memory_space<vmem>>
    %dma_start3A_2699 = arith.constant 0 : i32
    %dma_start3A_2700 = tpu.memref_slice %arg4[%dma_start3A_2694, %mul3A_2, %dma_start3A_2699] : memref<50x4096x128xf32, #tpu.memory_space<hbm>> -> memref<1x128x128xf32, #tpu.memory_space<hbm>>
    %dma_start3A_2701 = tpu.memref_squeeze %dma_start3A_2700 : memref<1x128x128xf32, #tpu.memory_space<hbm>> -> memref<128x128xf32, #tpu.memory_space<hbm>>
    %dma_start3A_2702 = arith.constant 0 : i32
    %dma_start3A_2703 = tpu.memref_slice %arg4[%dma_start3A_2694, %mul3A_2, %dma_start3A_2702] : memref<50x4096x128xf32, #tpu.memory_space<hbm>> -> memref<1x128x128xf32, #tpu.memory_space<hbm>>
    %dma_start3A_2704 = tpu.memref_squeeze %dma_start3A_2703 : memref<1x128x128xf32, #tpu.memory_space<hbm>> -> memref<128x128xf32, #tpu.memory_space<hbm>>
    %dma_start3A_2705 = arith.constant 0 : i32
    %dma_start3A_2706 = arith.constant 0 : i32
    %dma_start3A_2707 = tpu.memref_slice %arg6[%dma_start3A_2693, %dma_start3A_2705, %dma_start3A_2706] : memref<4x128x128xf32, #tpu.memory_space<vmem>> -> memref<1x128x128xf32, #tpu.memory_space<vmem>>
    %dma_start3A_2708 = tpu.memref_squeeze %dma_start3A_2707 : memref<1x128x128xf32, #tpu.memory_space<vmem>> -> memref<128x128xf32, #tpu.memory_space<vmem>>
    tpu.enqueue_dma source(%dma_start3A_2708 : memref<128x128xf32, #tpu.memory_space<vmem>>) target(%dma_start3A_2704 : memref<128x128xf32, #tpu.memory_space<hbm>>) target_semaphore(%arg11 : memref<!tpu.dma_semaphore, #tpu.memory_space<semaphore_mem>>)
    %dma_wait3A_2709 = arith.constant 49 : i32
    %dma_wait3A_2710 = arith.constant 1 : i32
    %dma_wait3A_2711 = arith.constant 0 : i32
    %dma_wait3A_2712 = arith.constant 0 : i32
    %dma_wait3A_2713 = tpu.memref_slice %arg6[%dma_wait3A_2710, %dma_wait3A_2711, %dma_wait3A_2712] : memref<4x128x128xf32, #tpu.memory_space<vmem>> -> memref<1x128x128xf32, #tpu.memory_space<vmem>>
    %dma_wait3A_2714 = tpu.memref_squeeze %dma_wait3A_2713 : memref<1x128x128xf32, #tpu.memory_space<vmem>> -> memref<128x128xf32, #tpu.memory_space<vmem>>
    %dma_wait3A_2715 = arith.constant 0 : i32
    %dma_wait3A_2716 = tpu.memref_slice %arg5[%dma_wait3A_2709, %dma_wait3A_2715] : memref<50x128xi32, #tpu.memory_space<vmem>> -> memref<1x128xi32, #tpu.memory_space<vmem>>
    %dma_wait3A_2717 = tpu.memref_squeeze %dma_wait3A_2716 : memref<1x128xi32, #tpu.memory_space<vmem>> -> memref<128xi32, #tpu.memory_space<vmem>>
    %dma_wait3A_2718 = arith.constant 0 : i32
    %dma_wait3A_2719 = arith.constant 0 : i32
    %dma_wait3A_2720 = tpu.memref_slice %arg3[%dma_wait3A_2718, %dma_wait3A_2719] : memref<100000x128xf32, #tpu.memory_space<hbm>> -> memref<100000x128xf32, #tpu.memory_space<hbm>>
    tpu.wait_indirect_dma semaphore(%arg8 : memref<!tpu.dma_semaphore, #tpu.memory_space<semaphore_mem>>) src(%dma_wait3A_2720 : memref<100000x128xf32, #tpu.memory_space<hbm>>) dst(%dma_wait3A_2714 : memref<128x128xf32, #tpu.memory_space<vmem>>)
    %dma_start3A_2721 = arith.constant 1 : i32
    %dma_start3A_2722 = arith.constant 49 : i32
    %dma_start3A_2723 = arith.constant 0 : i32
    %dma_start3A_2724 = arith.constant 0 : i32
    %dma_start3A_2725 = tpu.memref_slice %arg6[%dma_start3A_2721, %dma_start3A_2723, %dma_start3A_2724] : memref<4x128x128xf32, #tpu.memory_space<vmem>> -> memref<1x128x128xf32, #tpu.memory_space<vmem>>
    %dma_start3A_2726 = tpu.memref_squeeze %dma_start3A_2725 : memref<1x128x128xf32, #tpu.memory_space<vmem>> -> memref<128x128xf32, #tpu.memory_space<vmem>>
    %dma_start3A_2727 = arith.constant 0 : i32
    %dma_start3A_2728 = tpu.memref_slice %arg4[%dma_start3A_2722, %mul3A_2, %dma_start3A_2727] : memref<50x4096x128xf32, #tpu.memory_space<hbm>> -> memref<1x128x128xf32, #tpu.memory_space<hbm>>
    %dma_start3A_2729 = tpu.memref_squeeze %dma_start3A_2728 : memref<1x128x128xf32, #tpu.memory_space<hbm>> -> memref<128x128xf32, #tpu.memory_space<hbm>>
    %dma_start3A_2730 = arith.constant 0 : i32
    %dma_start3A_2731 = tpu.memref_slice %arg4[%dma_start3A_2722, %mul3A_2, %dma_start3A_2730] : memref<50x4096x128xf32, #tpu.memory_space<hbm>> -> memref<1x128x128xf32, #tpu.memory_space<hbm>>
    %dma_start3A_2732 = tpu.memref_squeeze %dma_start3A_2731 : memref<1x128x128xf32, #tpu.memory_space<hbm>> -> memref<128x128xf32, #tpu.memory_space<hbm>>
    %dma_start3A_2733 = arith.constant 0 : i32
    %dma_start3A_2734 = arith.constant 0 : i32
    %dma_start3A_2735 = tpu.memref_slice %arg6[%dma_start3A_2721, %dma_start3A_2733, %dma_start3A_2734] : memref<4x128x128xf32, #tpu.memory_space<vmem>> -> memref<1x128x128xf32, #tpu.memory_space<vmem>>
    %dma_start3A_2736 = tpu.memref_squeeze %dma_start3A_2735 : memref<1x128x128xf32, #tpu.memory_space<vmem>> -> memref<128x128xf32, #tpu.memory_space<vmem>>
    tpu.enqueue_dma source(%dma_start3A_2736 : memref<128x128xf32, #tpu.memory_space<vmem>>) target(%dma_start3A_2732 : memref<128x128xf32, #tpu.memory_space<hbm>>) target_semaphore(%arg12 : memref<!tpu.dma_semaphore, #tpu.memory_space<semaphore_mem>>)
    %dma_wait3A_2737 = arith.constant 2 : i32
    %dma_wait3A_2738 = arith.constant 46 : i32
    %dma_wait3A_2739 = arith.constant 0 : i32
    %dma_wait3A_2740 = arith.constant 0 : i32
    %dma_wait3A_2741 = tpu.memref_slice %arg6[%dma_wait3A_2737, %dma_wait3A_2739, %dma_wait3A_2740] : memref<4x128x128xf32, #tpu.memory_space<vmem>> -> memref<1x128x128xf32, #tpu.memory_space<vmem>>
    %dma_wait3A_2742 = tpu.memref_squeeze %dma_wait3A_2741 : memref<1x128x128xf32, #tpu.memory_space<vmem>> -> memref<128x128xf32, #tpu.memory_space<vmem>>
    %dma_wait3A_2743 = arith.constant 0 : i32
    %dma_wait3A_2744 = tpu.memref_slice %arg4[%dma_wait3A_2738, %mul3A_2, %dma_wait3A_2743] : memref<50x4096x128xf32, #tpu.memory_space<hbm>> -> memref<1x128x128xf32, #tpu.memory_space<hbm>>
    %dma_wait3A_2745 = tpu.memref_squeeze %dma_wait3A_2744 : memref<1x128x128xf32, #tpu.memory_space<hbm>> -> memref<128x128xf32, #tpu.memory_space<hbm>>
    %dma_wait3A_2746 = arith.constant 0 : i32
    %dma_wait3A_2747 = tpu.memref_slice %arg4[%dma_wait3A_2738, %mul3A_2, %dma_wait3A_2746] : memref<50x4096x128xf32, #tpu.memory_space<hbm>> -> memref<1x128x128xf32, #tpu.memory_space<hbm>>
    %dma_wait3A_2748 = tpu.memref_squeeze %dma_wait3A_2747 : memref<1x128x128xf32, #tpu.memory_space<hbm>> -> memref<128x128xf32, #tpu.memory_space<hbm>>
    %dma_wait3A_2749 = arith.constant 0 : i32
    %dma_wait3A_2750 = arith.constant 0 : i32
    %dma_wait3A_2751 = tpu.memref_slice %arg6[%dma_wait3A_2737, %dma_wait3A_2749, %dma_wait3A_2750] : memref<4x128x128xf32, #tpu.memory_space<vmem>> -> memref<1x128x128xf32, #tpu.memory_space<vmem>>
    %dma_wait3A_2752 = tpu.memref_squeeze %dma_wait3A_2751 : memref<1x128x128xf32, #tpu.memory_space<vmem>> -> memref<128x128xf32, #tpu.memory_space<vmem>>
    tpu.wait_dma2 semaphore(%arg13 : memref<!tpu.dma_semaphore, #tpu.memory_space<semaphore_mem>>) src(%dma_wait3A_2752 : memref<128x128xf32, #tpu.memory_space<vmem>>) dst(%dma_wait3A_2748 : memref<128x128xf32, #tpu.memory_space<hbm>>)
    %dma_wait3A_2753 = arith.constant 3 : i32
    %dma_wait3A_2754 = arith.constant 47 : i32
    %dma_wait3A_2755 = arith.constant 0 : i32
    %dma_wait3A_2756 = arith.constant 0 : i32
    %dma_wait3A_2757 = tpu.memref_slice %arg6[%dma_wait3A_2753, %dma_wait3A_2755, %dma_wait3A_2756] : memref<4x128x128xf32, #tpu.memory_space<vmem>> -> memref<1x128x128xf32, #tpu.memory_space<vmem>>
    %dma_wait3A_2758 = tpu.memref_squeeze %dma_wait3A_2757 : memref<1x128x128xf32, #tpu.memory_space<vmem>> -> memref<128x128xf32, #tpu.memory_space<vmem>>
    %dma_wait3A_2759 = arith.constant 0 : i32
    %dma_wait3A_2760 = tpu.memref_slice %arg4[%dma_wait3A_2754, %mul3A_2, %dma_wait3A_2759] : memref<50x4096x128xf32, #tpu.memory_space<hbm>> -> memref<1x128x128xf32, #tpu.memory_space<hbm>>
    %dma_wait3A_2761 = tpu.memref_squeeze %dma_wait3A_2760 : memref<1x128x128xf32, #tpu.memory_space<hbm>> -> memref<128x128xf32, #tpu.memory_space<hbm>>
    %dma_wait3A_2762 = arith.constant 0 : i32
    %dma_wait3A_2763 = tpu.memref_slice %arg4[%dma_wait3A_2754, %mul3A_2, %dma_wait3A_2762] : memref<50x4096x128xf32, #tpu.memory_space<hbm>> -> memref<1x128x128xf32, #tpu.memory_space<hbm>>
    %dma_wait3A_2764 = tpu.memref_squeeze %dma_wait3A_2763 : memref<1x128x128xf32, #tpu.memory_space<hbm>> -> memref<128x128xf32, #tpu.memory_space<hbm>>
    %dma_wait3A_2765 = arith.constant 0 : i32
    %dma_wait3A_2766 = arith.constant 0 : i32
    %dma_wait3A_2767 = tpu.memref_slice %arg6[%dma_wait3A_2753, %dma_wait3A_2765, %dma_wait3A_2766] : memref<4x128x128xf32, #tpu.memory_space<vmem>> -> memref<1x128x128xf32, #tpu.memory_space<vmem>>
    %dma_wait3A_2768 = tpu.memref_squeeze %dma_wait3A_2767 : memref<1x128x128xf32, #tpu.memory_space<vmem>> -> memref<128x128xf32, #tpu.memory_space<vmem>>
    tpu.wait_dma2 semaphore(%arg14 : memref<!tpu.dma_semaphore, #tpu.memory_space<semaphore_mem>>) src(%dma_wait3A_2768 : memref<128x128xf32, #tpu.memory_space<vmem>>) dst(%dma_wait3A_2764 : memref<128x128xf32, #tpu.memory_space<hbm>>)
    %dma_wait3A_2769 = arith.constant 0 : i32
    %dma_wait3A_2770 = arith.constant 48 : i32
    %dma_wait3A_2771 = arith.constant 0 : i32
    %dma_wait3A_2772 = arith.constant 0 : i32
    %dma_wait3A_2773 = tpu.memref_slice %arg6[%dma_wait3A_2769, %dma_wait3A_2771, %dma_wait3A_2772] : memref<4x128x128xf32, #tpu.memory_space<vmem>> -> memref<1x128x128xf32, #tpu.memory_space<vmem>>
    %dma_wait3A_2774 = tpu.memref_squeeze %dma_wait3A_2773 : memref<1x128x128xf32, #tpu.memory_space<vmem>> -> memref<128x128xf32, #tpu.memory_space<vmem>>
    %dma_wait3A_2775 = arith.constant 0 : i32
    %dma_wait3A_2776 = tpu.memref_slice %arg4[%dma_wait3A_2770, %mul3A_2, %dma_wait3A_2775] : memref<50x4096x128xf32, #tpu.memory_space<hbm>> -> memref<1x128x128xf32, #tpu.memory_space<hbm>>
    %dma_wait3A_2777 = tpu.memref_squeeze %dma_wait3A_2776 : memref<1x128x128xf32, #tpu.memory_space<hbm>> -> memref<128x128xf32, #tpu.memory_space<hbm>>
    %dma_wait3A_2778 = arith.constant 0 : i32
    %dma_wait3A_2779 = tpu.memref_slice %arg4[%dma_wait3A_2770, %mul3A_2, %dma_wait3A_2778] : memref<50x4096x128xf32, #tpu.memory_space<hbm>> -> memref<1x128x128xf32, #tpu.memory_space<hbm>>
    %dma_wait3A_2780 = tpu.memref_squeeze %dma_wait3A_2779 : memref<1x128x128xf32, #tpu.memory_space<hbm>> -> memref<128x128xf32, #tpu.memory_space<hbm>>
    %dma_wait3A_2781 = arith.constant 0 : i32
    %dma_wait3A_2782 = arith.constant 0 : i32
    %dma_wait3A_2783 = tpu.memref_slice %arg6[%dma_wait3A_2769, %dma_wait3A_2781, %dma_wait3A_2782] : memref<4x128x128xf32, #tpu.memory_space<vmem>> -> memref<1x128x128xf32, #tpu.memory_space<vmem>>
    %dma_wait3A_2784 = tpu.memref_squeeze %dma_wait3A_2783 : memref<1x128x128xf32, #tpu.memory_space<vmem>> -> memref<128x128xf32, #tpu.memory_space<vmem>>
    tpu.wait_dma2 semaphore(%arg11 : memref<!tpu.dma_semaphore, #tpu.memory_space<semaphore_mem>>) src(%dma_wait3A_2784 : memref<128x128xf32, #tpu.memory_space<vmem>>) dst(%dma_wait3A_2780 : memref<128x128xf32, #tpu.memory_space<hbm>>)
    %dma_wait3A_2785 = arith.constant 1 : i32
    %dma_wait3A_2786 = arith.constant 49 : i32
    %dma_wait3A_2787 = arith.constant 0 : i32
    %dma_wait3A_2788 = arith.constant 0 : i32
    %dma_wait3A_2789 = tpu.memref_slice %arg6[%dma_wait3A_2785, %dma_wait3A_2787, %dma_wait3A_2788] : memref<4x128x128xf32, #tpu.memory_space<vmem>> -> memref<1x128x128xf32, #tpu.memory_space<vmem>>
    %dma_wait3A_2790 = tpu.memref_squeeze %dma_wait3A_2789 : memref<1x128x128xf32, #tpu.memory_space<vmem>> -> memref<128x128xf32, #tpu.memory_space<vmem>>
    %dma_wait3A_2791 = arith.constant 0 : i32
    %dma_wait3A_2792 = tpu.memref_slice %arg4[%dma_wait3A_2786, %mul3A_2, %dma_wait3A_2791] : memref<50x4096x128xf32, #tpu.memory_space<hbm>> -> memref<1x128x128xf32, #tpu.memory_space<hbm>>
    %dma_wait3A_2793 = tpu.memref_squeeze %dma_wait3A_2792 : memref<1x128x128xf32, #tpu.memory_space<hbm>> -> memref<128x128xf32, #tpu.memory_space<hbm>>
    %dma_wait3A_2794 = arith.constant 0 : i32
    %dma_wait3A_2795 = tpu.memref_slice %arg4[%dma_wait3A_2786, %mul3A_2, %dma_wait3A_2794] : memref<50x4096x128xf32, #tpu.memory_space<hbm>> -> memref<1x128x128xf32, #tpu.memory_space<hbm>>
    %dma_wait3A_2796 = tpu.memref_squeeze %dma_wait3A_2795 : memref<1x128x128xf32, #tpu.memory_space<hbm>> -> memref<128x128xf32, #tpu.memory_space<hbm>>
    %dma_wait3A_2797 = arith.constant 0 : i32
    %dma_wait3A_2798 = arith.constant 0 : i32
    %dma_wait3A_2799 = tpu.memref_slice %arg6[%dma_wait3A_2785, %dma_wait3A_2797, %dma_wait3A_2798] : memref<4x128x128xf32, #tpu.memory_space<vmem>> -> memref<1x128x128xf32, #tpu.memory_space<vmem>>
    %dma_wait3A_2800 = tpu.memref_squeeze %dma_wait3A_2799 : memref<1x128x128xf32, #tpu.memory_space<vmem>> -> memref<128x128xf32, #tpu.memory_space<vmem>>
    tpu.wait_dma2 semaphore(%arg12 : memref<!tpu.dma_semaphore, #tpu.memory_space<semaphore_mem>>) src(%dma_wait3A_2800 : memref<128x128xf32, #tpu.memory_space<vmem>>) dst(%dma_wait3A_2796 : memref<128x128xf32, #tpu.memory_space<hbm>>)
    return
  }
}

</mosaic_0001>

<sc_bundles>
// kernel: kernel.3.cloned.1.call-start
scs
__scs_entry_jumppad:
0x0: {  	(pc) =	sbr.rel $0x88, $3  }
0x1: {  	(tag) =	ssettag $0x0;
	lr =	simm.s32 $0x1  }
0x2: {  	[smem:$0x3F9F] =	sst lr;
	_ =	strace $0xD0000000  }
0x3: {  	_ = 	snop  }
0x4: {  	_ = 	snop  }
0x5: {  	_ = 	snop  }
0x6: {  	_ = 	snop  }
0x7: {  	_ = 	snop  }
__scs_overlays_trampoline_lowered:
0x8: {  	[smem:$0x3FAE] =	sst s0  }
0x9: {  	[smem:$0x3FAF] =	sst s1  }
0xa: {  	[smem:$0x3FB0] =	sst s2  }
0xb: {  	[smem:$0x3FB1] =	sst s3  }
0xc: {  	[smem:$0x3FB2] =	sst s4  }
0xd: {  	[smem:$0x3FB3] =	sst s5  }
0xe: {  	[smem:$0x3FB4] =	sst s6  }
0xf: {  	[smem:$0x3FB5] =	sst s7  }
0x10: {  	[smem:$0x3FB6] =	sst s8  }
0x11: {  	[smem:$0x3FB7] =	sst s9;
	s0 =	simm.s32 @!p0 $0x0  }
0x12: {  	s1 =	sld [smem:$0x3F9D];
	s0 =	simm.s32 @p0 $0x1  }
0x13: {  	[smem:$0x3FB8] =	sst s0;
	s0 =	simm.s32 @!p1 $0x0  }
0x14: {  	s2 =	sld [smem:$0x3F9C];
	s0 =	simm.s32 @p1 $0x1  }
0x15: {  	[smem:$0x3FB9] =	sst s0;
	s0 =	simm.s32 @!p2 $0x0  }
0x16: {  	s3 =	sld [smem:$0x3FDB];
	s0 =	simm.s32 @p2 $0x1  }
0x17: {  	s4 =	simm.s32 $0x1BF5;
	[smem:$0x3FBB] =	sst s0  }
0x18: {  	s0 =	sld [smem:$0x3F9E];
	_ =	swait.ge [sflag:s4], $0x0  }
0x19: {  	s7 =	sld [smem:$0x3F9F]  }
0x1a: {  	s8 =	sadd.s32 $0xFFFFE003, lr  }
0x1b: {  	s9 =	sadd.s32 $0xFFFFFEF7, lr;
	s5 =	simm.s32 $0xFFFFFFFF;
	p2 =	slt.u32 s8, $0xFFFFF086  }
0x1c: {  	p1 =	slt.u32 s9, $0xF7A;
	s5 =	simm.s32 @!p2 $0x0  }
0x1d: {  	s5 =	simm.s32 @p1 $0x1;
	p0 =	seq.s32 s7, s2  }
0x1e: {  	s7 =	smul.u32 @!p0 $0xF7A, s2;
	p2 =	seq.s32 @!p0 s5, $0x0  }
0x1f: {  	s9 =	smul.u32 $0xF7A, s1;
	s8 =	simm.s32 @!p0 $0x1BF5;
	p2 =	por !p2, p0  }
0x20: {  	[sflag:s8] =	ssyncset.s32 @!p0 $0xFFFFF086;
	s6 =	sadd.s32 @!p0 s3, s7;
	s7 =	simm.s32 @!p0 $0x108  }
0x21: {  	s3 =	sadd.s32 s3, s9;
	s6 =	sadd.s32 @!p0 $0x88, s6;
	s7 =	simm.s32 @p2 $0x1082  }
0x22: {  	[simem:s7], [sflag:s8] =	dma.local @!p0 [hbm:s6], $0xF7A  }
0x23: {  	s9 =	sor.u32 $0xD0000000, s2;
	s6 =	simm.s32 $0x108;
	_ =	swait.ge @!p0 [sflag:s8], $0x0  }
0x24: {  	s3 =	sadd.s32 $0x88, s3;
	s6 =	simm.s32 @!p1 $0x1082;
	[sflag:s4] =	ssyncset.s32 $0xFFFFF086  }
0x25: {  	[simem:s6], [sflag:s4] =	dma.local [hbm:s3], $0xF7A  }
0x26: {  	[smem:$0x3F9F] =	sst s1;
	(tag) =	ssettag s2;
	_ =	strace s9  }
0x27: {  	s1 =	sld [smem:$0x3FAF]  }
0x28: {  	s2 =	sld [smem:$0x3FB0]  }
0x29: {  	s4 =	sld [smem:$0x3FB2]  }
0x2a: {  	p0 =	seq.s32 s5, $0x0;
	s5 =	sld [smem:$0x3FB3]  }
0x2b: {  	s6 =	sld [smem:$0x3FB4]  }
0x2c: {  	s7 =	sld [smem:$0x3FB5]  }
0x2d: {  	s3 =	simm.s32 $0x108;
	s8 =	sld [smem:$0x3FB6]  }
0x2e: {  	s3 =	simm.s32 @!p0 $0x1082;
	s9 =	sld [smem:$0x3FB7]  }
0x2f: {  	lr =	sadd.s32 s0, s3;
	s0 =	sld [smem:$0x3FAE]  }
0x30: {  	s3 =	sld [smem:$0x3FB1]  }
0x31: {  	[smem:$0x3FBA] =	sst s10  }
0x32: {  	s10 =	sld [smem:$0x3FB8];
	_ =	sdelay $0x3  }
0x33: {  	p0 =	seq.s32 s10, $0x1;
	s10 =	sld [smem:$0x3FBA];
	_ =	sdelay $0x3  }
0x34: {  	[smem:$0x3FBA] =	sst s10  }
0x35: {  	s10 =	sld [smem:$0x3FB9];
	_ =	sdelay $0x3  }
0x36: {  	p1 =	seq.s32 s10, $0x1;
	s10 =	sld [smem:$0x3FBA];
	_ =	sdelay $0x3  }
0x37: {  	[smem:$0x3FBA] =	sst s10  }
0x38: {  	s10 =	sld [smem:$0x3FBB]  }
0x39: {  	_ = 	snop;
	(pc) =	sbr.ind lr, $3  }
0x3a: {  	_ = 	snop  }
0x3b: {  	_ = 	snop  }
0x3c: {  	p2 =	seq.s32 s10, $0x1;
	s10 =	sld [smem:$0x3FBA]  }
0x3d: {  	_ =	shalt  }
0x3e: {  	_ =	shalt  }
0x3f: {  	_ =	shalt  }
0x40: {  	_ =	shalt  }
0x41: {  	_ =	shalt  }
0x42: {  	_ =	shalt  }
0x43: {  	_ =	shalt  }
0x44: {  	_ =	shalt  }
0x45: {  	_ =	shalt  }
0x46: {  	_ =	shalt  }
0x47: {  	_ =	shalt  }
0x48: {  	_ =	shalt  }
0x49: {  	_ =	shalt  }
0x4a: {  	_ =	shalt  }
0x4b: {  	_ =	shalt  }
0x4c: {  	_ =	shalt  }
0x4d: {  	_ =	shalt  }
0x4e: {  	_ =	shalt  }
0x4f: {  	_ =	shalt  }
0x50: {  	_ =	shalt  }
0x51: {  	_ =	shalt  }
0x52: {  	_ =	shalt  }
0x53: {  	_ =	shalt  }
0x54: {  	_ =	shalt  }
0x55: {  	_ =	shalt  }
0x56: {  	_ =	shalt  }
0x57: {  	_ =	shalt  }
0x58: {  	_ =	shalt  }
0x59: {  	_ =	shalt  }
0x5a: {  	_ =	shalt  }
0x5b: {  	_ =	shalt  }
0x5c: {  	_ =	shalt  }
0x5d: {  	_ =	shalt  }
0x5e: {  	_ =	shalt  }
0x5f: {  	_ =	shalt  }
0x60: {  	_ =	shalt  }
0x61: {  	_ =	shalt  }
0x62: {  	_ =	shalt  }
0x63: {  	_ =	shalt  }
0x64: {  	_ =	shalt  }
0x65: {  	_ =	shalt  }
0x66: {  	_ =	shalt  }
0x67: {  	_ =	shalt  }
0x68: {  	_ =	shalt  }
0x69: {  	_ =	shalt  }
0x6a: {  	_ =	shalt  }
0x6b: {  	_ =	shalt  }
0x6c: {  	_ =	shalt  }
0x6d: {  	_ =	shalt  }
0x6e: {  	_ =	shalt  }
0x6f: {  	_ =	shalt  }
0x70: {  	_ =	shalt  }
0x71: {  	_ =	shalt  }
0x72: {  	_ =	shalt  }
0x73: {  	_ =	shalt  }
0x74: {  	_ =	shalt  }
0x75: {  	_ =	shalt  }
0x76: {  	_ =	shalt  }
0x77: {  	_ =	shalt  }
0x78: {  	_ =	shalt  }
0x79: {  	_ =	shalt  }
0x7a: {  	_ =	shalt  }
0x7b: {  	_ =	shalt  }
0x7c: {  	_ =	shalt  }
0x7d: {  	_ =	shalt  }
0x7e: {  	_ =	shalt  }
0x7f: {  	_ =	shalt  }
0x80: {  	_ =	shalt  }
0x81: {  	_ =	shalt  }
0x82: {  	_ =	shalt  }
0x83: {  	_ =	shalt  }
0x84: {  	_ =	shalt  }
0x85: {  	_ =	shalt  }
0x86: {  	_ =	shalt  }
0x87: {  	_ =	shalt  }
.Lfunc_end0:
.L_simem_size_0:
called_computation_lowered:
.L_overlay_start_0:
0x88: {  	s2 =	sld [smem:$0x3FD9]  }
0x89: {  	s3 =	sld [smem:$0x3FFE];
	_ =	sdelay $0x1  }
0x8a: {  	s1 =	srdreg.scid  }
0x8b: {  	s0 =	sand.u32 $0x1, s1  }
0x8c: {  	s18 =	sshll.u32 s0, $0xA;
	s2 =	sadd.s32 s3, s2  }
0x8d: {  	s2 =	sadd.s32 s2, s18  }
0x8e: {  	[smem:$0x3FC6] =	sst s2  }
0x8f: {  	_ = 	snop  }
0x90: {  	s2 =	sld [smem:$0x3FC9]  }
0x91: {  	s19 =	sld [smem:$0x3FC8]  }
0x92: {  	s4 =	sld [smem:$0x3FD0];
	(tm) =	ssettm $0x1  }
0x93: {  	s5 =	sld [smem:$0x3FFB];
	_ =	sdelay $0x3  }
0x94: {  	_ =	strace s5  }
0x95: {  	s5 =	sld [smem:$0x3FFC];
	_ =	sdelay $0x3  }
0x96: {  	_ =	strace s5  }
0x97: {  	s5 =	sld [smem:$0x3FFD];
	_ =	sdelay $0x3  }
0x98: {  	_ =	strace s5  }
0x99: {  	_ =	strace $0x8FFFFFFF  }
0x9a: {  	s20 =	sld [smem:$0x3FDB];
	_ =	sdelay $0x1  }
0x9b: {  	s6 =	simm.s32 $_scs_section_size  }
0x9c: {  	s7 =	simm.s32 $_size__tile_overlayer_lowered;
	s8 =	simm.s32 $_tile_overlayer_lowered  }
0x9d: {  	s23 =	simm.s32 $0x1BFF;
	s22 =	sshll.u32 s8, $0x1;
	s5 =	sadd.s32 s6, s20  }
0x9e: {  	s9 =	simm.s32 $0x0;
	s21 =	sshll.u32 s7, $0x1;
	s7 =	sadd.s32 s22, s5  }
0x9f: {  	[timem:s9], [sflag:s23] =	dma.local [hbm:s7], s21  }
0xa0: {  	_ =	swait.ge [sflag:s23], s21  }
0xa1: {  	s6 =	ssub.s32 $0x0, s21;
	[sflag:s23] =	ssyncset.done $0x0  }
0xa2: {  	[sflag:s23] =	ssyncadd.s32 s6;
	_ =	sdelay $0x1  }
0xa3: {  	s24 =	simm.s32 $0x1B8B  }
0xa4: {  	_ =	swait.ge [sflag:s24], $0x1  }
0xa5: {  	[sflag:s24] =	ssyncset.done $0x0  }
0xa6: {  	s25 =	simm.s32 $0x1B8E;
	[sflag:s24] =	ssyncadd.s32 $0xFFFFFFFF  }
0xa7: {  	s26 =	simm.s32 $execute0_lowered;
	[smem:$0x3FD2] =	sst s25  }
0xa8: {  	s6 =	sshll.u32 s26, $0x1;
	_ =	strace $0x80000046;
	[dreg:$0x1] =	wrdreg $0xFFFFFFFF  }
0xa9: {  	s28 =	simm.s32 $_size_execute0_lowered;
	s5 =	sadd.s32 s5, s6;
	[dreg:$0x0] =	wrdreg $0x0  }
0xaa: {  	s6 =	sshll.u32 s28, $0x1;
	[dreg:$0x2] =	wrdreg s5  }
0xab: {  	[dreg:$0x3] =	wrdreg s6  }
0xac: {  	[dreg:$0x4] =	wrdreg $0xC0  }
0xad: {  	_ =	task [dreg:s9], $0x5FFFF  }
0xae: {  	[dreg:$0x1] =	wrdreg $0xFFFFFFFF  }
0xaf: {  	[dreg:$0x0] =	wrdreg $0x60  }
0xb0: {  	[dreg:$0x2] =	wrdreg s2  }
0xb1: {  	[dreg:$0x3] =	wrdreg s19  }
0xb2: {  	[dreg:$0x4] =	wrdreg s4  }
0xb3: {  	[dreg:$0x5] =	wrdreg $0x9  }
0xb4: {  	_ =	task.clear_ibuf [dreg:s9], $0x6FFFF;
	_ =	strace $0x90000046  }
0xb5: {  	s29 =	simm.s32 $0x9;
	_ =	strace $0x80000048  }
0xb6: {  	_ =	swait.ge [sflag:s29], $0x1  }
0xb7: {  	[sflag:s29] =	ssyncadd.s32 $0xFFFFFFFF  }
0xb8: {  	_ =	strace $0x90000048  }
0xb9: {  	_ =	sfence  }
0xba: {  	s30 =	sld [smem:$0x0];
	_ =	sdelay $0x2  }
0xbb: {  	s31 =	sshll.u32 s1, $0xD;
	s1 =	sshrl.u32 s1, $0x2  }
0xbc: {  	s3 =	sand.u32 $0x4000, s31;
	s1 =	sadd.s32 s1, s30  }
0xbd: {  	s0 =	sor.u32 s3, s0;
	s1 =	sshll.u32 s1, $0x11  }
0xbe: {  	s0 =	sor.u32 s1, s0  }
0xbf: {  	s0 =	sadd.s32 $0x8F2B, s0  }
0xc0: {  	[sflag:s0] =	ssyncadd.remote.s32 $0x1  }
0xc1: {  	_ =	sfence.sel $0xFFFF  }
0xc2: {  	[dreg:$0x0] =	wrdreg $0xFFFFFFFF;
	(pc) =	sbr.abs _section_cstart, $3  }
0xc3: {  	[dreg:$0x1] =	wrdreg $0xFFFFFFFF  }
0xc4: {  	_ =	task.clear_ibuf [dreg:s9], $0x2FFFF;
	_ =	strace $0x9FFFFFFF  }
0xc5: {  	(tm) =	ssettm $0x7FFFFFFF  }
tec
execute0_lowered:
.L_overlay_start_1:
0x0: {  	(tag) =	ssettag $0x1  }
0x1: {  	s1 =	srdreg.scid  }
0x2: {  	s0 =	rddreg [dreg:$0x0];
	s18 =	stileid.u32;
	s1 =	sand.u32 $0x1, s1  }
0x3: {  	s3 =	rddreg [dreg:$0x1];
	s5 =	sshll.u32 s18, $0x8;
	s6 =	sshll.u32 s1, $0x7  }
0x4: {  	s4 =	rddreg [dreg:$0x2];
	s5 =	sor.u32 s6, s5  }
0x5: {  	s2 =	simm.s32 $0x0;
	s29 =	sadd.s32 s0, s5;
	s25 =	sshll.u32 s5, $0x4  }
0x6: {  	[smem:$0x7FF] =	sst s2;
	s26 =	sadd.s32 $0x6000, s29;
	s28 =	sadd.s32 s4, s25  }
0x7: {  	_ =	strace $0x80000047;
	[dreg:$0x4] =	wrdreg s26;
	s0 =	sadd.s32 $0x10000, s28  }
0x8: {  	s5 =	sadd.s32 $0x20000, s28;
	[dreg:$0x5] =	wrdreg s0  }
0x9: {  	s6 =	sadd.s32 $0x30000, s28;
	[dreg:$0x6] =	wrdreg s5  }
0xa: {  	s7 =	sadd.s32 $0x40000, s28;
	[dreg:$0x7] =	wrdreg s6  }
0xb: {  	s8 =	sadd.s32 $0x50000, s28;
	[dreg:$0x8] =	wrdreg s7  }
0xc: {  	s9 =	sadd.s32 $0x60000, s28;
	[dreg:$0x9] =	wrdreg s8  }
0xd: {  	s10 =	sadd.s32 $0x70000, s28;
	[dreg:$0xa] =	wrdreg s9  }
0xe: {  	s11 =	sadd.s32 $0x80000, s28;
	[dreg:$0xb] =	wrdreg s10  }
0xf: {  	s12 =	sadd.s32 $0x90000, s28;
	[dreg:$0xc] =	wrdreg s11  }
0x10: {  	s13 =	sadd.s32 $0xA0000, s28;
	[dreg:$0xd] =	wrdreg s12  }
0x11: {  	s14 =	sadd.s32 $0xB0000, s28;
	[dreg:$0xe] =	wrdreg s13  }
0x12: {  	s15 =	sadd.s32 $0xC0000, s28;
	[dreg:$0xf] =	wrdreg s14  }
0x13: {  	s16 =	sadd.s32 $0xD0000, s28;
	[dreg:$0x10] =	wrdreg s15  }
0x14: {  	s17 =	sadd.s32 $0xE0000, s28;
	[dreg:$0x11] =	wrdreg s16  }
0x15: {  	s19 =	sadd.s32 $0xF0000, s28;
	[dreg:$0x12] =	wrdreg s17  }
0x16: {  	s20 =	sadd.s32 $0x100000, s28;
	[dreg:$0x13] =	wrdreg s19  }
0x17: {  	s21 =	sadd.s32 $0x110000, s28;
	[dreg:$0x14] =	wrdreg s20  }
0x18: {  	s22 =	sadd.s32 $0x120000, s28;
	[dreg:$0x15] =	wrdreg s21  }
0x19: {  	s23 =	sadd.s32 $0x130000, s28;
	[dreg:$0x16] =	wrdreg s22  }
0x1a: {  	s24 =	sadd.s32 $0x140000, s28;
	[dreg:$0x17] =	wrdreg s23  }
0x1b: {  	s25 =	sadd.s32 $0x150000, s28;
	[dreg:$0x18] =	wrdreg s24  }
0x1c: {  	s26 =	sadd.s32 $0x160000, s28;
	[dreg:$0x19] =	wrdreg s25  }
0x1d: {  	s4 =	sadd.s32 $0x170000, s28;
	[dreg:$0x1a] =	wrdreg s26  }
0x1e: {  	[dreg:$0x1b] =	wrdreg s4;
	s5 =	sadd.s32 $0x180000, s28  }
0x1f: {  	s6 =	sadd.s32 $0x190000, s28;
	[dreg:$0x1c] =	wrdreg s5  }
0x20: {  	s7 =	sadd.s32 $0x1A0000, s28;
	[dreg:$0x1d] =	wrdreg s6  }
0x21: {  	s8 =	sadd.s32 $0x1B0000, s28;
	[dreg:$0x1e] =	wrdreg s7  }
0x22: {  	s9 =	sadd.s32 $0x1C0000, s28;
	[dreg:$0x1f] =	wrdreg s8  }
0x23: {  	s10 =	sadd.s32 $0x1D0000, s28;
	[smem:$0x7C2] =	sst s9  }
0x24: {  	s11 =	sadd.s32 $0x1E0000, s28;
	[smem:$0x7C3] =	sst s10  }
0x25: {  	s12 =	sadd.s32 $0x1F0000, s28;
	[smem:$0x7C4] =	sst s11  }
0x26: {  	s13 =	sadd.s32 $0x200000, s28;
	[smem:$0x7C5] =	sst s12  }
0x27: {  	s14 =	sadd.s32 $0x210000, s28;
	[smem:$0x7C6] =	sst s13  }
0x28: {  	s15 =	sadd.s32 $0x220000, s28;
	[smem:$0x7C7] =	sst s14  }
0x29: {  	s16 =	sadd.s32 $0x230000, s28;
	[smem:$0x7C8] =	sst s15  }
0x2a: {  	s17 =	sadd.s32 $0x240000, s28;
	[smem:$0x7C9] =	sst s16  }
0x2b: {  	s19 =	sadd.s32 $0x250000, s28;
	[smem:$0x7CA] =	sst s17  }
0x2c: {  	s20 =	sadd.s32 $0x260000, s28;
	[smem:$0x7CB] =	sst s19  }
0x2d: {  	s21 =	sadd.s32 $0x270000, s28;
	[smem:$0x7CC] =	sst s20  }
0x2e: {  	s22 =	sadd.s32 $0x280000, s28;
	[smem:$0x7CD] =	sst s21  }
0x2f: {  	s23 =	sadd.s32 $0x290000, s28;
	[smem:$0x7CE] =	sst s22  }
0x30: {  	s24 =	sadd.s32 $0x2A0000, s28;
	[smem:$0x7CF] =	sst s23  }
0x31: {  	s25 =	sadd.s32 $0x2B0000, s28;
	[smem:$0x7D0] =	sst s24  }
0x32: {  	s26 =	sadd.s32 $0x2C0000, s28;
	[smem:$0x7D1] =	sst s25  }
0x33: {  	s4 =	sadd.s32 $0x2D0000, s28;
	[smem:$0x7D2] =	sst s26  }
0x34: {  	[smem:$0x7D3] =	sst s4;
	s5 =	sadd.s32 $0x2E0000, s28  }
0x35: {  	s6 =	sadd.s32 $0x2F0000, s28;
	[smem:$0x7D4] =	sst s5  }
0x36: {  	s7 =	sadd.s32 $0x300000, s28;
	[smem:$0x7D5] =	sst s6  }
0x37: {  	s8 =	sadd.s32 $0x310000, s28;
	[smem:$0x7D6] =	sst s7  }
0x38: {  	s9 =	simm.s32 $0x8000;
	[smem:$0x7D7] =	sst s8  }
0x39: {  	s10 =	simm.s32 $0x100;
	[smem:$0x7FD] =	sst s9  }
0x3a: {  	s11 =	simm.s32 $0x180;
	[smem:$0x7D8] =	sst s10  }
0x3b: {  	s12 =	simm.s32 $0x200;
	[smem:$0x7D9] =	sst s11  }
0x3c: {  	s13 =	simm.s32 $0x280;
	[smem:$0x7DA] =	sst s12  }
0x3d: {  	s14 =	simm.s32 $0x300;
	[smem:$0x7DB] =	sst s13  }
0x3e: {  	s15 =	simm.s32 $0x380;
	[smem:$0x7DC] =	sst s14  }
0x3f: {  	s16 =	simm.s32 $0x480;
	[smem:$0x7DD] =	sst s15  }
0x40: {  	s17 =	simm.s32 $0x500;
	[smem:$0x7DE] =	sst s16  }
0x41: {  	s19 =	simm.s32 $0x580;
	[smem:$0x7DF] =	sst s17  }
0x42: {  	s20 =	simm.s32 $0x600;
	[smem:$0x7E0] =	sst s19  }
0x43: {  	s21 =	simm.s32 $0x680;
	[smem:$0x7E1] =	sst s20  }
0x44: {  	s22 =	simm.s32 $0x700;
	[smem:$0x7E2] =	sst s21  }
0x45: {  	s23 =	simm.s32 $0x780;
	[smem:$0x7E3] =	sst s22  }
0x46: {  	s24 =	simm.s32 $0x800;
	[smem:$0x7E4] =	sst s23  }
0x47: {  	s25 =	simm.s32 $0x880;
	[smem:$0x7E5] =	sst s24  }
0x48: {  	s30 =	simm.s32 $0x400;
	s26 =	simm.s32 $0x900;
	[smem:$0x7E6] =	sst s25  }
0x49: {  	s31 =	simm.s32 $0x9;
	s4 =	simm.s32 $0x980;
	[smem:$0x7E7] =	sst s26  }
0x4a: {  	p0 =	por $0x0, $0x0;
	[smem:$0x7E8] =	sst s4;
	s5 =	simm.s32 $0xA00  }
0x4b: {  	s1 =	ssub.s32 $0x2, s1;
	s6 =	simm.s32 $0xA80;
	[smem:$0x7E9] =	sst s5  }
0x4c: {  	s7 =	sshrl.u32 s1, $0x1;
	s8 =	simm.s32 $0xB00;
	[smem:$0x7EA] =	sst s6  }
0x4d: {  	s9 =	simm.s32 $0xB80;
	s10 =	simm.s32 $0xC00;
	[smem:$0x7EB] =	sst s8  }
0x4e: {  	s11 =	simm.s32 $0xC80;
	s12 =	simm.s32 $0xD00;
	[smem:$0x7EC] =	sst s9  }
0x4f: {  	s13 =	simm.s32 $0xD80;
	s14 =	simm.s32 $0xE00;
	[smem:$0x7ED] =	sst s10  }
0x50: {  	s15 =	simm.s32 $0xE80;
	s4 =	simm.s32 $0x5C00;
	[smem:$0x7EE] =	sst s11  }
0x51: {  	s16 =	simm.s32 $0xF00;
	s17 =	simm.s32 $0xF80;
	[smem:$0x7EF] =	sst s12  }
0x52: {  	s19 =	simm.s32 $0x1000;
	s20 =	simm.s32 $0x1080;
	[smem:$0x7F0] =	sst s13  }
0x53: {  	s21 =	simm.s32 $0x1100;
	s22 =	simm.s32 $0x1180;
	[smem:$0x7F1] =	sst s14  }
0x54: {  	s23 =	simm.s32 $0x1200;
	s24 =	simm.s32 $0x1280;
	[smem:$0x7F2] =	sst s15  }
0x55: {  	s25 =	simm.s32 $0x1300;
	s26 =	simm.s32 $0x1380;
	[smem:$0x7F3] =	sst s16  }
0x56: {  	s1 =	ssub.s32 s1, s7;
	s9 =	simm.s32 $0x1800;
	[smem:$0x7F4] =	sst s17  }
0x57: {  	s8 =	simm.s32 $0x80;
	s5 =	simm.s32 $0x1C00;
	[smem:$0x7F5] =	sst s19  }
0x58: {  	s13 =	simm.s32 $0x9C00;
	s12 =	simm.s32 $0xDC00;
	[smem:$0x7F6] =	sst s20  }
0x59: {  	s11 =	simm.s32 $0x1;
	s10 =	simm.s32 $0x2;
	[smem:$0x7F7] =	sst s21  }
0x5a: {  	s6 =	simm.s32 $0x5;
	s17 =	simm.s32 $0x3;
	[smem:$0x7F8] =	sst s22  }
0x5b: {  	s7 =	simm.s32 $0x6;
	[smem:$0x7F9] =	sst s23;
	s1 =	smax.u32 s1, $0x1  }
0x5c: {  	s16 =	simm.s32 $0x4;
	[smem:$0x7FA] =	sst s24;
	p1 =	sne.s32 s1, $0x1  }
.Ltmp0:
0x5d: {  	s14 =	simm.s32 $0x7;
	[smem:$0x7FB] =	sst s25;
	(pc) =	sbr.rel @!p1 .LBB2_1-.Ltmp0, $4  }
0x5e: {  	s15 =	simm.s32 $0x8;
	[smem:$0x7FC] =	sst s26;
	s26 =	simm.s32 $0x1480  }
0x5f: {  	s25 =	simm.s32 $0x1500;
	s24 =	simm.s32 $0x1580;
	s23 =	simm.s32 $0x1600  }
0x60: {  	s22 =	simm.s32 $0x1680;
	s21 =	simm.s32 $0x1700;
	s20 =	simm.s32 $0x1780  }
0x61: {  	s19 =	simm.s32 $0x1880;
	s0 =	sld [smem:$0x7FD];
	s1 =	sadd.s32 $0xFFFFFFFF, s1  }
0x62: {  	_ =	sdelay $0x1  }
0x63: {  	[tilespmem:s2], [sflag:$0x9] =	stream.strided.gather [hbm4b:s29+s30], $0x1800, s0, s30, $0x38;
	[tilespmem:$0x11C00] =	vst v63  }
0x64: {  	s18 =	smov.u32 s1;
	s1 =	rddreg [dreg:$0x4]  }
0x65: {  	[tilespmem:s9], [sflag:$0x9] =	stream.linear.gather [hbm4b:s1+s2], $0x100, $0x38;
	[tilespmem:$0x11C00] =	vst v63  }
0x66: {  	_ =	swait.ge [sflag:s31], $0x1900  }
0x67: {  	[sflag:s31] =	ssyncset.done $0x0  }
0x68: {  	[sflag:s31] =	ssyncadd.s32 $0xFFFFE700  }
0x69: {  	[tilespmem:s5], [sflag:$0x1] =	stream.indirect.gather [hbm4b:s3+s8], $0x80, s2, s8, $0xb8;
	[tilespmem:$0x11C00] =	vst v63  }
0x6a: {  	s0 =	sld [smem:$0x7D8]  }
0x6b: {  	[tilespmem:s4], [sflag:$0x2] =	stream.indirect.gather [hbm4b:s3+s8], $0x80, s8, s8, $0xb8;
	[tilespmem:$0x11C00] =	vst v63  }
0x6c: {  	s1 =	sld [smem:$0x7D9]  }
0x6d: {  	[tilespmem:s13], [sflag:$0x3] =	stream.indirect.gather [hbm4b:s3+s8], $0x80, s0, s8, $0xb8;
	[tilespmem:$0x11C00] =	vst v63  }
0x6e: {  	_ = 	snop  }
0x6f: {  	[tilespmem:s12], [sflag:$0x4] =	stream.indirect.gather [hbm4b:s3+s8], $0x80, s1, s8, $0xb8;
	[tilespmem:$0x11C00] =	vst v63  }
0x70: {  	_ =	swait.ge [sflag:s11], $0x4000  }
0x71: {  	[sflag:s11] =	ssyncset.done $0x0  }
0x72: {  	[sflag:s11] =	ssyncadd.s32 $0xFFFFC000  }
0x73: {  	[hbm4b:s28+s2] =	stream.linear.scatter [tilespmem:s5], [sflag:$0x5], $0x4000, $0x38;
	[tilespmem:$0x11C00] =	vst v63  }
0x74: {  	_ =	swait.ge [sflag:s10], $0x4000  }
0x75: {  	[sflag:s10] =	ssyncset.done $0x0  }
0x76: {  	[sflag:s10] =	ssyncadd.s32 $0xFFFFC000  }
0x77: {  	_ =	swait.ge [sflag:s6], $0x4000  }
0x78: {  	s0 =	sld [smem:$0x7DA]  }
0x79: {  	[sflag:s6] =	ssyncset.done $0x0  }
0x7a: {  	[sflag:s6] =	ssyncadd.s32 $0xFFFFC000  }
0x7b: {  	[tilespmem:s5], [sflag:$0x1] =	stream.indirect.gather [hbm4b:s3+s8], $0x80, s0, s8, $0xb8;
	[tilespmem:$0x11C00] =	vst v63  }
0x7c: {  	s1 =	rddreg [dreg:$0x5]  }
0x7d: {  	[hbm4b:s1+s2] =	stream.linear.scatter [tilespmem:s4], [sflag:$0x6], $0x4000, $0x38;
	[tilespmem:$0x11C00] =	vst v63  }
0x7e: {  	_ =	swait.ge [sflag:s17], $0x4000  }
0x7f: {  	[sflag:s17] =	ssyncset.done $0x0  }
0x80: {  	[sflag:s17] =	ssyncadd.s32 $0xFFFFC000  }
0x81: {  	_ =	swait.ge [sflag:s7], $0x4000  }
0x82: {  	s0 =	sld [smem:$0x7DB]  }
0x83: {  	[sflag:s7] =	ssyncset.done $0x0  }
0x84: {  	[sflag:s7] =	ssyncadd.s32 $0xFFFFC000  }
0x85: {  	[tilespmem:s4], [sflag:$0x2] =	stream.indirect.gather [hbm4b:s3+s8], $0x80, s0, s8, $0xb8;
	[tilespmem:$0x11C00] =	vst v63  }
0x86: {  	s1 =	rddreg [dreg:$0x6]  }
0x87: {  	[hbm4b:s1+s2] =	stream.linear.scatter [tilespmem:s13], [sflag:$0x7], $0x4000, $0x38;
	[tilespmem:$0x11C00] =	vst v63  }
0x88: {  	_ =	swait.ge [sflag:s16], $0x4000  }
0x89: {  	[sflag:s16] =	ssyncset.done $0x0  }
0x8a: {  	[sflag:s16] =	ssyncadd.s32 $0xFFFFC000  }
0x8b: {  	_ =	swait.ge [sflag:s14], $0x4000  }
0x8c: {  	s0 =	sld [smem:$0x7DC]  }
0x8d: {  	[sflag:s14] =	ssyncset.done $0x0  }
0x8e: {  	[sflag:s14] =	ssyncadd.s32 $0xFFFFC000  }
0x8f: {  	[tilespmem:s13], [sflag:$0x3] =	stream.indirect.gather [hbm4b:s3+s8], $0x80, s0, s8, $0xb8;
	[tilespmem:$0x11C00] =	vst v63  }
0x90: {  	s1 =	rddreg [dreg:$0x7]  }
0x91: {  	[hbm4b:s1+s2] =	stream.linear.scatter [tilespmem:s12], [sflag:$0x8], $0x4000, $0x38;
	[tilespmem:$0x11C00] =	vst v63  }
0x92: {  	_ =	swait.ge [sflag:s11], $0x4000  }
0x93: {  	[sflag:s11] =	ssyncset.done $0x0  }
0x94: {  	[sflag:s11] =	ssyncadd.s32 $0xFFFFC000  }
0x95: {  	_ =	swait.ge [sflag:s15], $0x4000  }
0x96: {  	s0 =	sld [smem:$0x7DD]  }
0x97: {  	[sflag:s15] =	ssyncset.done $0x0  }
0x98: {  	[sflag:s15] =	ssyncadd.s32 $0xFFFFC000  }
0x99: {  	[tilespmem:s12], [sflag:$0x4] =	stream.indirect.gather [hbm4b:s3+s8], $0x80, s0, s8, $0xb8;
	[tilespmem:$0x11C00] =	vst v63  }
0x9a: {  	s1 =	rddreg [dreg:$0x8]  }
0x9b: {  	[hbm4b:s1+s2] =	stream.linear.scatter [tilespmem:s5], [sflag:$0x5], $0x4000, $0x38;
	[tilespmem:$0x11C00] =	vst v63  }
0x9c: {  	_ =	swait.ge [sflag:s10], $0x4000  }
0x9d: {  	[sflag:s10] =	ssyncset.done $0x0  }
0x9e: {  	[sflag:s10] =	ssyncadd.s32 $0xFFFFC000  }
0x9f: {  	_ =	swait.ge [sflag:s6], $0x4000  }
0xa0: {  	[sflag:s6] =	ssyncset.done $0x0  }
0xa1: {  	[sflag:s6] =	ssyncadd.s32 $0xFFFFC000  }
0xa2: {  	[tilespmem:s5], [sflag:$0x1] =	stream.indirect.gather [hbm4b:s3+s8], $0x80, s30, s8, $0xb8;
	[tilespmem:$0x11C00] =	vst v63  }
0xa3: {  	s1 =	rddreg [dreg:$0x9]  }
0xa4: {  	[hbm4b:s1+s2] =	stream.linear.scatter [tilespmem:s4], [sflag:$0x6], $0x4000, $0x38;
	[tilespmem:$0x11C00] =	vst v63  }
0xa5: {  	_ =	swait.ge [sflag:s17], $0x4000  }
0xa6: {  	[sflag:s17] =	ssyncset.done $0x0  }
0xa7: {  	[sflag:s17] =	ssyncadd.s32 $0xFFFFC000  }
0xa8: {  	_ =	swait.ge [sflag:s7], $0x4000  }
0xa9: {  	s0 =	sld [smem:$0x7DE]  }
0xaa: {  	[sflag:s7] =	ssyncset.done $0x0  }
0xab: {  	[sflag:s7] =	ssyncadd.s32 $0xFFFFC000  }
0xac: {  	[tilespmem:s4], [sflag:$0x2] =	stream.indirect.gather [hbm4b:s3+s8], $0x80, s0, s8, $0xb8;
	[tilespmem:$0x11C00] =	vst v63  }
0xad: {  	s1 =	rddreg [dreg:$0xa]  }
0xae: {  	[hbm4b:s1+s2] =	stream.linear.scatter [tilespmem:s13], [sflag:$0x7], $0x4000, $0x38;
	[tilespmem:$0x11C00] =	vst v63  }
0xaf: {  	_ =	swait.ge [sflag:s16], $0x4000  }
0xb0: {  	[sflag:s16] =	ssyncset.done $0x0  }
0xb1: {  	[sflag:s16] =	ssyncadd.s32 $0xFFFFC000  }
0xb2: {  	_ =	swait.ge [sflag:s14], $0x4000  }
0xb3: {  	s0 =	sld [smem:$0x7DF]  }
0xb4: {  	[sflag:s14] =	ssyncset.done $0x0  }
0xb5: {  	[sflag:s14] =	ssyncadd.s32 $0xFFFFC000  }
0xb6: {  	[tilespmem:s13], [sflag:$0x3] =	stream.indirect.gather [hbm4b:s3+s8], $0x80, s0, s8, $0xb8;
	[tilespmem:$0x11C00] =	vst v63  }
0xb7: {  	s1 =	rddreg [dreg:$0xb]  }
0xb8: {  	[hbm4b:s1+s2] =	stream.linear.scatter [tilespmem:s12], [sflag:$0x8], $0x4000, $0x38;
	[tilespmem:$0x11C00] =	vst v63  }
0xb9: {  	_ =	swait.ge [sflag:s11], $0x4000  }
0xba: {  	[sflag:s11] =	ssyncset.done $0x0  }
0xbb: {  	[sflag:s11] =	ssyncadd.s32 $0xFFFFC000  }
0xbc: {  	_ =	swait.ge [sflag:s15], $0x4000  }
0xbd: {  	s0 =	sld [smem:$0x7E0]  }
0xbe: {  	[sflag:s15] =	ssyncset.done $0x0  }
0xbf: {  	[sflag:s15] =	ssyncadd.s32 $0xFFFFC000  }
0xc0: {  	[tilespmem:s12], [sflag:$0x4] =	stream.indirect.gather [hbm4b:s3+s8], $0x80, s0, s8, $0xb8;
	[tilespmem:$0x11C00] =	vst v63  }
0xc1: {  	s1 =	rddreg [dreg:$0xc]  }
0xc2: {  	[hbm4b:s1+s2] =	stream.linear.scatter [tilespmem:s5], [sflag:$0x5], $0x4000, $0x38;
	[tilespmem:$0x11C00] =	vst v63  }
0xc3: {  	_ =	swait.ge [sflag:s10], $0x4000  }
0xc4: {  	[sflag:s10] =	ssyncset.done $0x0  }
0xc5: {  	[sflag:s10] =	ssyncadd.s32 $0xFFFFC000  }
0xc6: {  	_ =	swait.ge [sflag:s6], $0x4000  }
0xc7: {  	s0 =	sld [smem:$0x7E1]  }
0xc8: {  	[sflag:s6] =	ssyncset.done $0x0  }
0xc9: {  	[sflag:s6] =	ssyncadd.s32 $0xFFFFC000  }
0xca: {  	[tilespmem:s5], [sflag:$0x1] =	stream.indirect.gather [hbm4b:s3+s8], $0x80, s0, s8, $0xb8;
	[tilespmem:$0x11C00] =	vst v63  }
0xcb: {  	s1 =	rddreg [dreg:$0xd]  }
0xcc: {  	[hbm4b:s1+s2] =	stream.linear.scatter [tilespmem:s4], [sflag:$0x6], $0x4000, $0x38;
	[tilespmem:$0x11C00] =	vst v63  }
0xcd: {  	_ =	swait.ge [sflag:s17], $0x4000  }
0xce: {  	[sflag:s17] =	ssyncset.done $0x0  }
0xcf: {  	[sflag:s17] =	ssyncadd.s32 $0xFFFFC000  }
0xd0: {  	_ =	swait.ge [sflag:s7], $0x4000  }
0xd1: {  	s0 =	sld [smem:$0x7E2]  }
0xd2: {  	[sflag:s7] =	ssyncset.done $0x0  }
0xd3: {  	[sflag:s7] =	ssyncadd.s32 $0xFFFFC000  }
0xd4: {  	[tilespmem:s4], [sflag:$0x2] =	stream.indirect.gather [hbm4b:s3+s8], $0x80, s0, s8, $0xb8;
	[tilespmem:$0x11C00] =	vst v63  }
0xd5: {  	s1 =	rddreg [dreg:$0xe]  }
0xd6: {  	[hbm4b:s1+s2] =	stream.linear.scatter [tilespmem:s13], [sflag:$0x7], $0x4000, $0x38;
	[tilespmem:$0x11C00] =	vst v63  }
0xd7: {  	_ =	swait.ge [sflag:s16], $0x4000  }
0xd8: {  	[sflag:s16] =	ssyncset.done $0x0  }
0xd9: {  	[sflag:s16] =	ssyncadd.s32 $0xFFFFC000  }
0xda: {  	_ =	swait.ge [sflag:s14], $0x4000  }
0xdb: {  	s0 =	sld [smem:$0x7E3]  }
0xdc: {  	[sflag:s14] =	ssyncset.done $0x0  }
0xdd: {  	[sflag:s14] =	ssyncadd.s32 $0xFFFFC000  }
0xde: {  	[tilespmem:s13], [sflag:$0x3] =	stream.indirect.gather [hbm4b:s3+s8], $0x80, s0, s8, $0xb8;
	[tilespmem:$0x11C00] =	vst v63  }
0xdf: {  	s1 =	rddreg [dreg:$0xf]  }
0xe0: {  	[hbm4b:s1+s2] =	stream.linear.scatter [tilespmem:s12], [sflag:$0x8], $0x4000, $0x38;
	[tilespmem:$0x11C00] =	vst v63  }
0xe1: {  	_ =	swait.ge [sflag:s11], $0x4000  }
0xe2: {  	[sflag:s11] =	ssyncset.done $0x0  }
0xe3: {  	[sflag:s11] =	ssyncadd.s32 $0xFFFFC000  }
0xe4: {  	_ =	swait.ge [sflag:s15], $0x4000  }
0xe5: {  	s0 =	sld [smem:$0x7E4]  }
0xe6: {  	[sflag:s15] =	ssyncset.done $0x0  }
0xe7: {  	[sflag:s15] =	ssyncadd.s32 $0xFFFFC000  }
0xe8: {  	[tilespmem:s12], [sflag:$0x4] =	stream.indirect.gather [hbm4b:s3+s8], $0x80, s0, s8, $0xb8;
	[tilespmem:$0x11C00] =	vst v63  }
0xe9: {  	s1 =	rddreg [dreg:$0x10]  }
0xea: {  	[hbm4b:s1+s2] =	stream.linear.scatter [tilespmem:s5], [sflag:$0x5], $0x4000, $0x38;
	[tilespmem:$0x11C00] =	vst v63  }
0xeb: {  	_ =	swait.ge [sflag:s10], $0x4000  }
0xec: {  	[sflag:s10] =	ssyncset.done $0x0  }
0xed: {  	[sflag:s10] =	ssyncadd.s32 $0xFFFFC000  }
0xee: {  	_ =	swait.ge [sflag:s6], $0x4000  }
0xef: {  	s0 =	sld [smem:$0x7E5]  }
0xf0: {  	[sflag:s6] =	ssyncset.done $0x0  }
0xf1: {  	[sflag:s6] =	ssyncadd.s32 $0xFFFFC000  }
0xf2: {  	[tilespmem:s5], [sflag:$0x1] =	stream.indirect.gather [hbm4b:s3+s8], $0x80, s0, s8, $0xb8;
	[tilespmem:$0x11C00] =	vst v63  }
0xf3: {  	s1 =	rddreg [dreg:$0x11]  }
0xf4: {  	[hbm4b:s1+s2] =	stream.linear.scatter [tilespmem:s4], [sflag:$0x6], $0x4000, $0x38;
	[tilespmem:$0x11C00] =	vst v63  }
0xf5: {  	_ =	swait.ge [sflag:s17], $0x4000  }
0xf6: {  	[sflag:s17] =	ssyncset.done $0x0  }
0xf7: {  	[sflag:s17] =	ssyncadd.s32 $0xFFFFC000  }
0xf8: {  	_ =	swait.ge [sflag:s7], $0x4000  }
0xf9: {  	s0 =	sld [smem:$0x7E6]  }
0xfa: {  	[sflag:s7] =	ssyncset.done $0x0  }
0xfb: {  	[sflag:s7] =	ssyncadd.s32 $0xFFFFC000  }
0xfc: {  	[tilespmem:s4], [sflag:$0x2] =	stream.indirect.gather [hbm4b:s3+s8], $0x80, s0, s8, $0xb8;
	[tilespmem:$0x11C00] =	vst v63  }
0xfd: {  	s1 =	rddreg [dreg:$0x12]  }
0xfe: {  	[hbm4b:s1+s2] =	stream.linear.scatter [tilespmem:s13], [sflag:$0x7], $0x4000, $0x38;
	[tilespmem:$0x11C00] =	vst v63  }
0xff: {  	_ =	swait.ge [sflag:s16], $0x4000  }
0x100: {  	[sflag:s16] =	ssyncset.done $0x0  }
0x101: {  	[sflag:s16] =	ssyncadd.s32 $0xFFFFC000  }
0x102: {  	_ =	swait.ge [sflag:s14], $0x4000  }
0x103: {  	s0 =	sld [smem:$0x7E7]  }
0x104: {  	[sflag:s14] =	ssyncset.done $0x0  }
0x105: {  	[sflag:s14] =	ssyncadd.s32 $0xFFFFC000  }
0x106: {  	[tilespmem:s13], [sflag:$0x3] =	stream.indirect.gather [hbm4b:s3+s8], $0x80, s0, s8, $0xb8;
	[tilespmem:$0x11C00] =	vst v63  }
0x107: {  	s1 =	rddreg [dreg:$0x13]  }
0x108: {  	[hbm4b:s1+s2] =	stream.linear.scatter [tilespmem:s12], [sflag:$0x8], $0x4000, $0x38;
	[tilespmem:$0x11C00] =	vst v63  }
0x109: {  	_ =	swait.ge [sflag:s11], $0x4000  }
0x10a: {  	[sflag:s11] =	ssyncset.done $0x0  }
0x10b: {  	[sflag:s11] =	ssyncadd.s32 $0xFFFFC000  }
0x10c: {  	_ =	swait.ge [sflag:s15], $0x4000  }
0x10d: {  	s0 =	sld [smem:$0x7E8]  }
0x10e: {  	[sflag:s15] =	ssyncset.done $0x0  }
0x10f: {  	[sflag:s15] =	ssyncadd.s32 $0xFFFFC000  }
0x110: {  	[tilespmem:s12], [sflag:$0x4] =	stream.indirect.gather [hbm4b:s3+s8], $0x80, s0, s8, $0xb8;
	[tilespmem:$0x11C00] =	vst v63  }
0x111: {  	s1 =	rddreg [dreg:$0x14]  }
0x112: {  	[hbm4b:s1+s2] =	stream.linear.scatter [tilespmem:s5], [sflag:$0x5], $0x4000, $0x38;
	[tilespmem:$0x11C00] =	vst v63  }
0x113: {  	_ =	swait.ge [sflag:s10], $0x4000  }
0x114: {  	[sflag:s10] =	ssyncset.done $0x0  }
0x115: {  	[sflag:s10] =	ssyncadd.s32 $0xFFFFC000  }
0x116: {  	_ =	swait.ge [sflag:s6], $0x4000  }
0x117: {  	s0 =	sld [smem:$0x7E9]  }
0x118: {  	[sflag:s6] =	ssyncset.done $0x0  }
0x119: {  	[sflag:s6] =	ssyncadd.s32 $0xFFFFC000  }
0x11a: {  	[tilespmem:s5], [sflag:$0x1] =	stream.indirect.gather [hbm4b:s3+s8], $0x80, s0, s8, $0xb8;
	[tilespmem:$0x11C00] =	vst v63  }
0x11b: {  	s1 =	rddreg [dreg:$0x15]  }
0x11c: {  	[hbm4b:s1+s2] =	stream.linear.scatter [tilespmem:s4], [sflag:$0x6], $0x4000, $0x38;
	[tilespmem:$0x11C00] =	vst v63  }
0x11d: {  	_ =	swait.ge [sflag:s17], $0x4000  }
0x11e: {  	[sflag:s17] =	ssyncset.done $0x0  }
0x11f: {  	[sflag:s17] =	ssyncadd.s32 $0xFFFFC000  }
0x120: {  	_ =	swait.ge [sflag:s7], $0x4000  }
0x121: {  	s0 =	sld [smem:$0x7EA]  }
0x122: {  	[sflag:s7] =	ssyncset.done $0x0  }
0x123: {  	[sflag:s7] =	ssyncadd.s32 $0xFFFFC000  }
0x124: {  	[tilespmem:s4], [sflag:$0x2] =	stream.indirect.gather [hbm4b:s3+s8], $0x80, s0, s8, $0xb8;
	[tilespmem:$0x11C00] =	vst v63  }
0x125: {  	s1 =	rddreg [dreg:$0x16]  }
0x126: {  	[hbm4b:s1+s2] =	stream.linear.scatter [tilespmem:s13], [sflag:$0x7], $0x4000, $0x38;
	[tilespmem:$0x11C00] =	vst v63  }
0x127: {  	_ =	swait.ge [sflag:s16], $0x4000  }
0x128: {  	[sflag:s16] =	ssyncset.done $0x0  }
0x129: {  	[sflag:s16] =	ssyncadd.s32 $0xFFFFC000  }
0x12a: {  	_ =	swait.ge [sflag:s14], $0x4000  }
0x12b: {  	s0 =	sld [smem:$0x7EB]  }
0x12c: {  	[sflag:s14] =	ssyncset.done $0x0  }
0x12d: {  	[sflag:s14] =	ssyncadd.s32 $0xFFFFC000  }
0x12e: {  	[tilespmem:s13], [sflag:$0x3] =	stream.indirect.gather [hbm4b:s3+s8], $0x80, s0, s8, $0xb8;
	[tilespmem:$0x11C00] =	vst v63  }
0x12f: {  	s1 =	rddreg [dreg:$0x17]  }
0x130: {  	[hbm4b:s1+s2] =	stream.linear.scatter [tilespmem:s12], [sflag:$0x8], $0x4000, $0x38;
	[tilespmem:$0x11C00] =	vst v63  }
0x131: {  	_ =	swait.ge [sflag:s11], $0x4000  }
0x132: {  	[sflag:s11] =	ssyncset.done $0x0  }
0x133: {  	[sflag:s11] =	ssyncadd.s32 $0xFFFFC000  }
0x134: {  	_ =	swait.ge [sflag:s15], $0x4000  }
0x135: {  	s0 =	sld [smem:$0x7EC]  }
0x136: {  	[sflag:s15] =	ssyncset.done $0x0  }
0x137: {  	[sflag:s15] =	ssyncadd.s32 $0xFFFFC000  }
0x138: {  	[tilespmem:s12], [sflag:$0x4] =	stream.indirect.gather [hbm4b:s3+s8], $0x80, s0, s8, $0xb8;
	[tilespmem:$0x11C00] =	vst v63  }
0x139: {  	s1 =	rddreg [dreg:$0x18]  }
0x13a: {  	[hbm4b:s1+s2] =	stream.linear.scatter [tilespmem:s5], [sflag:$0x5], $0x4000, $0x38;
	[tilespmem:$0x11C00] =	vst v63  }
0x13b: {  	_ =	swait.ge [sflag:s10], $0x4000  }
0x13c: {  	[sflag:s10] =	ssyncset.done $0x0  }
0x13d: {  	[sflag:s10] =	ssyncadd.s32 $0xFFFFC000  }
0x13e: {  	_ =	swait.ge [sflag:s6], $0x4000  }
0x13f: {  	s0 =	sld [smem:$0x7ED]  }
0x140: {  	[sflag:s6] =	ssyncset.done $0x0  }
0x141: {  	[sflag:s6] =	ssyncadd.s32 $0xFFFFC000  }
0x142: {  	[tilespmem:s5], [sflag:$0x1] =	stream.indirect.gather [hbm4b:s3+s8], $0x80, s0, s8, $0xb8;
	[tilespmem:$0x11C00] =	vst v63  }
0x143: {  	s1 =	rddreg [dreg:$0x19]  }
0x144: {  	[hbm4b:s1+s2] =	stream.linear.scatter [tilespmem:s4], [sflag:$0x6], $0x4000, $0x38;
	[tilespmem:$0x11C00] =	vst v63  }
0x145: {  	_ =	swait.ge [sflag:s17], $0x4000  }
0x146: {  	[sflag:s17] =	ssyncset.done $0x0  }
0x147: {  	[sflag:s17] =	ssyncadd.s32 $0xFFFFC000  }
0x148: {  	_ =	swait.ge [sflag:s7], $0x4000  }
0x149: {  	s0 =	sld [smem:$0x7EE]  }
0x14a: {  	[sflag:s7] =	ssyncset.done $0x0  }
0x14b: {  	[sflag:s7] =	ssyncadd.s32 $0xFFFFC000  }
0x14c: {  	[tilespmem:s4], [sflag:$0x2] =	stream.indirect.gather [hbm4b:s3+s8], $0x80, s0, s8, $0xb8;
	[tilespmem:$0x11C00] =	vst v63  }
0x14d: {  	s1 =	rddreg [dreg:$0x1a]  }
0x14e: {  	[hbm4b:s1+s2] =	stream.linear.scatter [tilespmem:s13], [sflag:$0x7], $0x4000, $0x38;
	[tilespmem:$0x11C00] =	vst v63  }
0x14f: {  	_ =	swait.ge [sflag:s16], $0x4000  }
0x150: {  	[sflag:s16] =	ssyncset.done $0x0  }
0x151: {  	[sflag:s16] =	ssyncadd.s32 $0xFFFFC000  }
0x152: {  	_ =	swait.ge [sflag:s14], $0x4000  }
0x153: {  	s0 =	sld [smem:$0x7EF]  }
0x154: {  	[sflag:s14] =	ssyncset.done $0x0  }
0x155: {  	[sflag:s14] =	ssyncadd.s32 $0xFFFFC000  }
0x156: {  	[tilespmem:s13], [sflag:$0x3] =	stream.indirect.gather [hbm4b:s3+s8], $0x80, s0, s8, $0xb8;
	[tilespmem:$0x11C00] =	vst v63  }
0x157: {  	s1 =	rddreg [dreg:$0x1b]  }
0x158: {  	[hbm4b:s1+s2] =	stream.linear.scatter [tilespmem:s12], [sflag:$0x8], $0x4000, $0x38;
	[tilespmem:$0x11C00] =	vst v63  }
0x159: {  	_ =	swait.ge [sflag:s11], $0x4000  }
0x15a: {  	[sflag:s11] =	ssyncset.done $0x0  }
0x15b: {  	[sflag:s11] =	ssyncadd.s32 $0xFFFFC000  }
0x15c: {  	_ =	swait.ge [sflag:s15], $0x4000  }
0x15d: {  	s0 =	sld [smem:$0x7F0]  }
0x15e: {  	[sflag:s15] =	ssyncset.done $0x0  }
0x15f: {  	[sflag:s15] =	ssyncadd.s32 $0xFFFFC000  }
0x160: {  	[tilespmem:s12], [sflag:$0x4] =	stream.indirect.gather [hbm4b:s3+s8], $0x80, s0, s8, $0xb8;
	[tilespmem:$0x11C00] =	vst v63  }
0x161: {  	s1 =	rddreg [dreg:$0x1c]  }
0x162: {  	[hbm4b:s1+s2] =	stream.linear.scatter [tilespmem:s5], [sflag:$0x5], $0x4000, $0x38;
	[tilespmem:$0x11C00] =	vst v63  }
0x163: {  	_ =	swait.ge [sflag:s10], $0x4000  }
0x164: {  	[sflag:s10] =	ssyncset.done $0x0  }
0x165: {  	[sflag:s10] =	ssyncadd.s32 $0xFFFFC000  }
0x166: {  	_ =	swait.ge [sflag:s6], $0x4000  }
0x167: {  	s0 =	sld [smem:$0x7F1]  }
0x168: {  	[sflag:s6] =	ssyncset.done $0x0  }
0x169: {  	[sflag:s6] =	ssyncadd.s32 $0xFFFFC000  }
0x16a: {  	[tilespmem:s5], [sflag:$0x1] =	stream.indirect.gather [hbm4b:s3+s8], $0x80, s0, s8, $0xb8;
	[tilespmem:$0x11C00] =	vst v63  }
0x16b: {  	s1 =	rddreg [dreg:$0x1d]  }
0x16c: {  	[hbm4b:s1+s2] =	stream.linear.scatter [tilespmem:s4], [sflag:$0x6], $0x4000, $0x38;
	[tilespmem:$0x11C00] =	vst v63  }
0x16d: {  	_ =	swait.ge [sflag:s17], $0x4000  }
0x16e: {  	[sflag:s17] =	ssyncset.done $0x0  }
0x16f: {  	[sflag:s17] =	ssyncadd.s32 $0xFFFFC000  }
0x170: {  	_ =	swait.ge [sflag:s7], $0x4000  }
0x171: {  	s0 =	sld [smem:$0x7F2]  }
0x172: {  	[sflag:s7] =	ssyncset.done $0x0  }
0x173: {  	[sflag:s7] =	ssyncadd.s32 $0xFFFFC000  }
0x174: {  	[tilespmem:s4], [sflag:$0x2] =	stream.indirect.gather [hbm4b:s3+s8], $0x80, s0, s8, $0xb8;
	[tilespmem:$0x11C00] =	vst v63  }
0x175: {  	s1 =	rddreg [dreg:$0x1e]  }
0x176: {  	[hbm4b:s1+s2] =	stream.linear.scatter [tilespmem:s13], [sflag:$0x7], $0x4000, $0x38;
	[tilespmem:$0x11C00] =	vst v63  }
0x177: {  	_ =	swait.ge [sflag:s16], $0x4000  }
0x178: {  	[sflag:s16] =	ssyncset.done $0x0  }
0x179: {  	[sflag:s16] =	ssyncadd.s32 $0xFFFFC000  }
0x17a: {  	_ =	swait.ge [sflag:s14], $0x4000  }
0x17b: {  	s0 =	sld [smem:$0x7F3]  }
0x17c: {  	[sflag:s14] =	ssyncset.done $0x0  }
0x17d: {  	[sflag:s14] =	ssyncadd.s32 $0xFFFFC000  }
0x17e: {  	[tilespmem:s13], [sflag:$0x3] =	stream.indirect.gather [hbm4b:s3+s8], $0x80, s0, s8, $0xb8;
	[tilespmem:$0x11C00] =	vst v63  }
0x17f: {  	s1 =	rddreg [dreg:$0x1f]  }
0x180: {  	[hbm4b:s1+s2] =	stream.linear.scatter [tilespmem:s12], [sflag:$0x8], $0x4000, $0x38;
	[tilespmem:$0x11C00] =	vst v63  }
0x181: {  	_ =	swait.ge [sflag:s11], $0x4000  }
0x182: {  	[sflag:s11] =	ssyncset.done $0x0  }
0x183: {  	[sflag:s11] =	ssyncadd.s32 $0xFFFFC000  }
0x184: {  	_ =	swait.ge [sflag:s15], $0x4000  }
0x185: {  	s0 =	sld [smem:$0x7F4]  }
0x186: {  	[sflag:s15] =	ssyncset.done $0x0  }
0x187: {  	s1 =	sld [smem:$0x7C2];
	[sflag:s15] =	ssyncadd.s32 $0xFFFFC000  }
0x188: {  	[tilespmem:s12], [sflag:$0x4] =	stream.indirect.gather [hbm4b:s3+s8], $0x80, s0, s8, $0xb8;
	[tilespmem:$0x11C00] =	vst v63  }
0x189: {  	_ = 	snop  }
0x18a: {  	[hbm4b:s1+s2] =	stream.linear.scatter [tilespmem:s5], [sflag:$0x5], $0x4000, $0x38;
	[tilespmem:$0x11C00] =	vst v63  }
0x18b: {  	_ =	swait.ge [sflag:s10], $0x4000  }
0x18c: {  	[sflag:s10] =	ssyncset.done $0x0  }
0x18d: {  	[sflag:s10] =	ssyncadd.s32 $0xFFFFC000  }
0x18e: {  	_ =	swait.ge [sflag:s6], $0x4000  }
0x18f: {  	s0 =	sld [smem:$0x7F5]  }
0x190: {  	[sflag:s6] =	ssyncset.done $0x0  }
0x191: {  	s1 =	sld [smem:$0x7C3];
	[sflag:s6] =	ssyncadd.s32 $0xFFFFC000  }
0x192: {  	[tilespmem:s5], [sflag:$0x1] =	stream.indirect.gather [hbm4b:s3+s8], $0x80, s0, s8, $0xb8;
	[tilespmem:$0x11C00] =	vst v63  }
0x193: {  	_ = 	snop  }
0x194: {  	[hbm4b:s1+s2] =	stream.linear.scatter [tilespmem:s4], [sflag:$0x6], $0x4000, $0x38;
	[tilespmem:$0x11C00] =	vst v63  }
0x195: {  	_ =	swait.ge [sflag:s17], $0x4000  }
0x196: {  	[sflag:s17] =	ssyncset.done $0x0  }
0x197: {  	[sflag:s17] =	ssyncadd.s32 $0xFFFFC000  }
0x198: {  	_ =	swait.ge [sflag:s7], $0x4000  }
0x199: {  	s0 =	sld [smem:$0x7F6]  }
0x19a: {  	[sflag:s7] =	ssyncset.done $0x0  }
0x19b: {  	s1 =	sld [smem:$0x7C4];
	[sflag:s7] =	ssyncadd.s32 $0xFFFFC000  }
0x19c: {  	[tilespmem:s4], [sflag:$0x2] =	stream.indirect.gather [hbm4b:s3+s8], $0x80, s0, s8, $0xb8;
	[tilespmem:$0x11C00] =	vst v63  }
0x19d: {  	_ = 	snop  }
0x19e: {  	[hbm4b:s1+s2] =	stream.linear.scatter [tilespmem:s13], [sflag:$0x7], $0x4000, $0x38;
	[tilespmem:$0x11C00] =	vst v63  }
0x19f: {  	_ =	swait.ge [sflag:s16], $0x4000  }
0x1a0: {  	[sflag:s16] =	ssyncset.done $0x0  }
0x1a1: {  	[sflag:s16] =	ssyncadd.s32 $0xFFFFC000  }
0x1a2: {  	_ =	swait.ge [sflag:s14], $0x4000  }
0x1a3: {  	s0 =	sld [smem:$0x7F7]  }
0x1a4: {  	[sflag:s14] =	ssyncset.done $0x0  }
0x1a5: {  	s1 =	sld [smem:$0x7C5];
	[sflag:s14] =	ssyncadd.s32 $0xFFFFC000  }
0x1a6: {  	[tilespmem:s13], [sflag:$0x3] =	stream.indirect.gather [hbm4b:s3+s8], $0x80, s0, s8, $0xb8;
	[tilespmem:$0x11C00] =	vst v63  }
0x1a7: {  	_ = 	snop  }
0x1a8: {  	[hbm4b:s1+s2] =	stream.linear.scatter [tilespmem:s12], [sflag:$0x8], $0x4000, $0x38;
	[tilespmem:$0x11C00] =	vst v63  }
0x1a9: {  	_ =	swait.ge [sflag:s11], $0x4000  }
0x1aa: {  	[sflag:s11] =	ssyncset.done $0x0  }
0x1ab: {  	[sflag:s11] =	ssyncadd.s32 $0xFFFFC000  }
0x1ac: {  	_ =	swait.ge [sflag:s15], $0x4000  }
0x1ad: {  	s0 =	sld [smem:$0x7F8]  }
0x1ae: {  	[sflag:s15] =	ssyncset.done $0x0  }
0x1af: {  	s1 =	sld [smem:$0x7C6];
	[sflag:s15] =	ssyncadd.s32 $0xFFFFC000  }
0x1b0: {  	[tilespmem:s12], [sflag:$0x4] =	stream.indirect.gather [hbm4b:s3+s8], $0x80, s0, s8, $0xb8;
	[tilespmem:$0x11C00] =	vst v63  }
0x1b1: {  	_ = 	snop  }
0x1b2: {  	[hbm4b:s1+s2] =	stream.linear.scatter [tilespmem:s5], [sflag:$0x5], $0x4000, $0x38;
	[tilespmem:$0x11C00] =	vst v63  }
0x1b3: {  	_ =	swait.ge [sflag:s10], $0x4000  }
0x1b4: {  	[sflag:s10] =	ssyncset.done $0x0  }
0x1b5: {  	[sflag:s10] =	ssyncadd.s32 $0xFFFFC000  }
0x1b6: {  	_ =	swait.ge [sflag:s6], $0x4000  }
0x1b7: {  	s0 =	sld [smem:$0x7F9]  }
0x1b8: {  	[sflag:s6] =	ssyncset.done $0x0  }
0x1b9: {  	s1 =	sld [smem:$0x7C7];
	[sflag:s6] =	ssyncadd.s32 $0xFFFFC000  }
0x1ba: {  	[tilespmem:s5], [sflag:$0x1] =	stream.indirect.gather [hbm4b:s3+s8], $0x80, s0, s8, $0xb8;
	[tilespmem:$0x11C00] =	vst v63  }
0x1bb: {  	_ = 	snop  }
0x1bc: {  	[hbm4b:s1+s2] =	stream.linear.scatter [tilespmem:s4], [sflag:$0x6], $0x4000, $0x38;
	[tilespmem:$0x11C00] =	vst v63  }
0x1bd: {  	_ =	swait.ge [sflag:s17], $0x4000  }
0x1be: {  	[sflag:s17] =	ssyncset.done $0x0  }
0x1bf: {  	[sflag:s17] =	ssyncadd.s32 $0xFFFFC000  }
0x1c0: {  	_ =	swait.ge [sflag:s7], $0x4000  }
0x1c1: {  	s0 =	sld [smem:$0x7FA]  }
0x1c2: {  	[sflag:s7] =	ssyncset.done $0x0  }
0x1c3: {  	s1 =	sld [smem:$0x7C8];
	[sflag:s7] =	ssyncadd.s32 $0xFFFFC000  }
0x1c4: {  	[tilespmem:s4], [sflag:$0x2] =	stream.indirect.gather [hbm4b:s3+s8], $0x80, s0, s8, $0xb8;
	[tilespmem:$0x11C00] =	vst v63  }
0x1c5: {  	_ = 	snop  }
0x1c6: {  	[hbm4b:s1+s2] =	stream.linear.scatter [tilespmem:s13], [sflag:$0x7], $0x4000, $0x38;
	[tilespmem:$0x11C00] =	vst v63  }
0x1c7: {  	_ =	swait.ge [sflag:s16], $0x4000  }
0x1c8: {  	[sflag:s16] =	ssyncset.done $0x0  }
0x1c9: {  	[sflag:s16] =	ssyncadd.s32 $0xFFFFC000  }
0x1ca: {  	_ =	swait.ge [sflag:s14], $0x4000  }
0x1cb: {  	s0 =	sld [smem:$0x7FB]  }
0x1cc: {  	[sflag:s14] =	ssyncset.done $0x0  }
0x1cd: {  	s1 =	sld [smem:$0x7C9];
	[sflag:s14] =	ssyncadd.s32 $0xFFFFC000  }
0x1ce: {  	[tilespmem:s13], [sflag:$0x3] =	stream.indirect.gather [hbm4b:s3+s8], $0x80, s0, s8, $0xb8;
	[tilespmem:$0x11C00] =	vst v63  }
0x1cf: {  	_ = 	snop  }
0x1d0: {  	[hbm4b:s1+s2] =	stream.linear.scatter [tilespmem:s12], [sflag:$0x8], $0x4000, $0x38;
	[tilespmem:$0x11C00] =	vst v63  }
0x1d1: {  	_ =	swait.ge [sflag:s11], $0x4000  }
0x1d2: {  	[sflag:s11] =	ssyncset.done $0x0  }
0x1d3: {  	[sflag:s11] =	ssyncadd.s32 $0xFFFFC000  }
0x1d4: {  	_ =	swait.ge [sflag:s15], $0x4000  }
0x1d5: {  	s0 =	sld [smem:$0x7FC]  }
0x1d6: {  	[sflag:s15] =	ssyncset.done $0x0  }
0x1d7: {  	s1 =	sld [smem:$0x7CA];
	[sflag:s15] =	ssyncadd.s32 $0xFFFFC000  }
0x1d8: {  	[tilespmem:s12], [sflag:$0x4] =	stream.indirect.gather [hbm4b:s3+s8], $0x80, s0, s8, $0xb8;
	[tilespmem:$0x11C00] =	vst v63  }
0x1d9: {  	_ = 	snop  }
0x1da: {  	[hbm4b:s1+s2] =	stream.linear.scatter [tilespmem:s5], [sflag:$0x5], $0x4000, $0x38;
	[tilespmem:$0x11C00] =	vst v63  }
0x1db: {  	_ =	swait.ge [sflag:s10], $0x4000  }
0x1dc: {  	[sflag:s10] =	ssyncset.done $0x0  }
0x1dd: {  	[sflag:s10] =	ssyncadd.s32 $0xFFFFC000  }
0x1de: {  	_ =	swait.ge [sflag:s6], $0x4000  }
0x1df: {  	[sflag:s6] =	ssyncset.done $0x0  }
0x1e0: {  	s1 =	simm.s32 $0x1400;
	s0 =	sld [smem:$0x7CB];
	[sflag:s6] =	ssyncadd.s32 $0xFFFFC000  }
0x1e1: {  	[tilespmem:s5], [sflag:$0x1] =	stream.indirect.gather [hbm4b:s3+s8], $0x80, s1, s8, $0xb8;
	[tilespmem:$0x11C00] =	vst v63  }
0x1e2: {  	_ = 	snop  }
0x1e3: {  	[hbm4b:s0+s2] =	stream.linear.scatter [tilespmem:s4], [sflag:$0x6], $0x4000, $0x38;
	[tilespmem:$0x11C00] =	vst v63  }
0x1e4: {  	_ =	swait.ge [sflag:s17], $0x4000  }
0x1e5: {  	[sflag:s17] =	ssyncset.done $0x0  }
0x1e6: {  	[sflag:s17] =	ssyncadd.s32 $0xFFFFC000  }
0x1e7: {  	_ =	swait.ge [sflag:s7], $0x4000  }
0x1e8: {  	[sflag:s7] =	ssyncset.done $0x0  }
0x1e9: {  	s1 =	sld [smem:$0x7CC];
	[sflag:s7] =	ssyncadd.s32 $0xFFFFC000  }
0x1ea: {  	[tilespmem:s4], [sflag:$0x2] =	stream.indirect.gather [hbm4b:s3+s8], $0x80, s26, s8, $0xb8;
	[tilespmem:$0x11C00] =	vst v63  }
0x1eb: {  	_ = 	snop  }
0x1ec: {  	[hbm4b:s1+s2] =	stream.linear.scatter [tilespmem:s13], [sflag:$0x7], $0x4000, $0x38;
	[tilespmem:$0x11C00] =	vst v63  }
0x1ed: {  	_ =	swait.ge [sflag:s16], $0x4000  }
0x1ee: {  	[sflag:s16] =	ssyncset.done $0x0  }
0x1ef: {  	[sflag:s16] =	ssyncadd.s32 $0xFFFFC000  }
0x1f0: {  	_ =	swait.ge [sflag:s14], $0x4000  }
0x1f1: {  	[sflag:s14] =	ssyncset.done $0x0  }
0x1f2: {  	s1 =	sld [smem:$0x7CD];
	[sflag:s14] =	ssyncadd.s32 $0xFFFFC000  }
0x1f3: {  	[tilespmem:s13], [sflag:$0x3] =	stream.indirect.gather [hbm4b:s3+s8], $0x80, s25, s8, $0xb8;
	[tilespmem:$0x11C00] =	vst v63  }
0x1f4: {  	_ = 	snop  }
0x1f5: {  	[hbm4b:s1+s2] =	stream.linear.scatter [tilespmem:s12], [sflag:$0x8], $0x4000, $0x38;
	[tilespmem:$0x11C00] =	vst v63  }
0x1f6: {  	_ =	swait.ge [sflag:s11], $0x4000  }
0x1f7: {  	[sflag:s11] =	ssyncset.done $0x0  }
0x1f8: {  	[sflag:s11] =	ssyncadd.s32 $0xFFFFC000  }
0x1f9: {  	_ =	swait.ge [sflag:s15], $0x4000  }
0x1fa: {  	[sflag:s15] =	ssyncset.done $0x0  }
0x1fb: {  	s1 =	sld [smem:$0x7CE];
	[sflag:s15] =	ssyncadd.s32 $0xFFFFC000  }
0x1fc: {  	[tilespmem:s12], [sflag:$0x4] =	stream.indirect.gather [hbm4b:s3+s8], $0x80, s24, s8, $0xb8;
	[tilespmem:$0x11C00] =	vst v63  }
0x1fd: {  	_ = 	snop  }
0x1fe: {  	[hbm4b:s1+s2] =	stream.linear.scatter [tilespmem:s5], [sflag:$0x5], $0x4000, $0x38;
	[tilespmem:$0x11C00] =	vst v63  }
0x1ff: {  	_ =	swait.ge [sflag:s10], $0x4000  }
0x200: {  	[sflag:s10] =	ssyncset.done $0x0  }
0x201: {  	[sflag:s10] =	ssyncadd.s32 $0xFFFFC000  }
0x202: {  	_ =	swait.ge [sflag:s6], $0x4000  }
0x203: {  	[sflag:s6] =	ssyncset.done $0x0  }
0x204: {  	s1 =	sld [smem:$0x7CF];
	[sflag:s6] =	ssyncadd.s32 $0xFFFFC000  }
0x205: {  	[tilespmem:s5], [sflag:$0x1] =	stream.indirect.gather [hbm4b:s3+s8], $0x80, s23, s8, $0xb8;
	[tilespmem:$0x11C00] =	vst v63  }
0x206: {  	_ = 	snop  }
0x207: {  	[hbm4b:s1+s2] =	stream.linear.scatter [tilespmem:s4], [sflag:$0x6], $0x4000, $0x38;
	[tilespmem:$0x11C00] =	vst v63  }
0x208: {  	_ =	swait.ge [sflag:s17], $0x4000  }
0x209: {  	[sflag:s17] =	ssyncset.done $0x0  }
0x20a: {  	[sflag:s17] =	ssyncadd.s32 $0xFFFFC000  }
0x20b: {  	_ =	swait.ge [sflag:s7], $0x4000  }
0x20c: {  	[sflag:s7] =	ssyncset.done $0x0  }
0x20d: {  	s1 =	sld [smem:$0x7D0];
	[sflag:s7] =	ssyncadd.s32 $0xFFFFC000  }
0x20e: {  	[tilespmem:s4], [sflag:$0x2] =	stream.indirect.gather [hbm4b:s3+s8], $0x80, s22, s8, $0xb8;
	[tilespmem:$0x11C00] =	vst v63  }
0x20f: {  	_ = 	snop  }
0x210: {  	[hbm4b:s1+s2] =	stream.linear.scatter [tilespmem:s13], [sflag:$0x7], $0x4000, $0x38;
	[tilespmem:$0x11C00] =	vst v63  }
0x211: {  	_ =	swait.ge [sflag:s16], $0x4000  }
0x212: {  	[sflag:s16] =	ssyncset.done $0x0  }
0x213: {  	[sflag:s16] =	ssyncadd.s32 $0xFFFFC000  }
0x214: {  	_ =	swait.ge [sflag:s14], $0x4000  }
0x215: {  	[sflag:s14] =	ssyncset.done $0x0  }
0x216: {  	s1 =	sld [smem:$0x7D1];
	[sflag:s14] =	ssyncadd.s32 $0xFFFFC000  }
0x217: {  	[tilespmem:s13], [sflag:$0x3] =	stream.indirect.gather [hbm4b:s3+s8], $0x80, s21, s8, $0xb8;
	[tilespmem:$0x11C00] =	vst v63  }
0x218: {  	_ = 	snop  }
0x219: {  	[hbm4b:s1+s2] =	stream.linear.scatter [tilespmem:s12], [sflag:$0x8], $0x4000, $0x38;
	[tilespmem:$0x11C00] =	vst v63  }
0x21a: {  	_ =	swait.ge [sflag:s11], $0x4000  }
0x21b: {  	[sflag:s11] =	ssyncset.done $0x0  }
0x21c: {  	[sflag:s11] =	ssyncadd.s32 $0xFFFFC000  }
0x21d: {  	_ =	swait.ge [sflag:s15], $0x4000  }
0x21e: {  	[sflag:s15] =	ssyncset.done $0x0  }
0x21f: {  	s1 =	sld [smem:$0x7D2];
	[sflag:s15] =	ssyncadd.s32 $0xFFFFC000  }
0x220: {  	[tilespmem:s12], [sflag:$0x4] =	stream.indirect.gather [hbm4b:s3+s8], $0x80, s20, s8, $0xb8;
	[tilespmem:$0x11C00] =	vst v63  }
0x221: {  	_ = 	snop  }
0x222: {  	[hbm4b:s1+s2] =	stream.linear.scatter [tilespmem:s5], [sflag:$0x5], $0x4000, $0x38;
	[tilespmem:$0x11C00] =	vst v63  }
0x223: {  	_ =	swait.ge [sflag:s10], $0x4000  }
0x224: {  	[sflag:s10] =	ssyncset.done $0x0  }
0x225: {  	[sflag:s10] =	ssyncadd.s32 $0xFFFFC000  }
0x226: {  	_ =	swait.ge [sflag:s6], $0x4000  }
0x227: {  	[sflag:s6] =	ssyncset.done $0x0  }
0x228: {  	s1 =	sld [smem:$0x7D3];
	[sflag:s6] =	ssyncadd.s32 $0xFFFFC000  }
0x229: {  	[tilespmem:s5], [sflag:$0x1] =	stream.indirect.gather [hbm4b:s3+s8], $0x80, s9, s8, $0xb8;
	[tilespmem:$0x11C00] =	vst v63  }
0x22a: {  	_ = 	snop  }
0x22b: {  	[hbm4b:s1+s2] =	stream.linear.scatter [tilespmem:s4], [sflag:$0x6], $0x4000, $0x38;
	[tilespmem:$0x11C00] =	vst v63  }
0x22c: {  	_ =	swait.ge [sflag:s17], $0x4000  }
0x22d: {  	[sflag:s17] =	ssyncset.done $0x0  }
0x22e: {  	[sflag:s17] =	ssyncadd.s32 $0xFFFFC000  }
0x22f: {  	_ =	swait.ge [sflag:s7], $0x4000  }
0x230: {  	[sflag:s7] =	ssyncset.done $0x0  }
0x231: {  	s1 =	sld [smem:$0x7D4];
	[sflag:s7] =	ssyncadd.s32 $0xFFFFC000  }
0x232: {  	[tilespmem:s4], [sflag:$0x2] =	stream.indirect.gather [hbm4b:s3+s8], $0x80, s19, s8, $0xb8;
	[tilespmem:$0x11C00] =	vst v63  }
0x233: {  	_ = 	snop  }
0x234: {  	[hbm4b:s1+s2] =	stream.linear.scatter [tilespmem:s13], [sflag:$0x7], $0x4000, $0x38;
	[tilespmem:$0x11C00] =	vst v63  }
0x235: {  	_ =	swait.ge [sflag:s16], $0x4000  }
0x236: {  	s1 =	sld [smem:$0x7D5]  }
0x237: {  	[sflag:s16] =	ssyncset.done $0x0  }
0x238: {  	[sflag:s16] =	ssyncadd.s32 $0xFFFFC000  }
0x239: {  	[hbm4b:s1+s2] =	stream.linear.scatter [tilespmem:s12], [sflag:$0x8], $0x4000, $0x38;
	[tilespmem:$0x11C00] =	vst v63  }
0x23a: {  	_ =	swait.ge [sflag:s11], $0x4000  }
0x23b: {  	s1 =	sld [smem:$0x7D6]  }
0x23c: {  	[sflag:s11] =	ssyncset.done $0x0  }
0x23d: {  	[sflag:s11] =	ssyncadd.s32 $0xFFFFC000  }
0x23e: {  	[hbm4b:s1+s2] =	stream.linear.scatter [tilespmem:s5], [sflag:$0x5], $0x4000, $0x38;
	[tilespmem:$0x11C00] =	vst v63  }
0x23f: {  	_ =	swait.ge [sflag:s10], $0x4000  }
0x240: {  	s1 =	sld [smem:$0x7D7]  }
0x241: {  	[sflag:s10] =	ssyncset.done $0x0  }
0x242: {  	[sflag:s10] =	ssyncadd.s32 $0xFFFFC000  }
0x243: {  	[hbm4b:s1+s2] =	stream.linear.scatter [tilespmem:s4], [sflag:$0x6], $0x4000, $0x38;
	[tilespmem:$0x11C00] =	vst v63  }
0x244: {  	_ =	swait.ge [sflag:s14], $0x4000  }
0x245: {  	[sflag:s14] =	ssyncset.done $0x0  }
0x246: {  	[sflag:s14] =	ssyncadd.s32 $0xFFFFC000  }
0x247: {  	_ =	swait.ge [sflag:s15], $0x4000  }
0x248: {  	[sflag:s15] =	ssyncset.done $0x0  }
0x249: {  	p1 =	sne.s32 s18, $0x1;
	[sflag:s15] =	ssyncadd.s32 $0xFFFFC000  }
.Ltmp1:
0x24a: {  	_ =	swait.ge [sflag:s6], $0x4000;
	(pc) =	sbr.rel @!p1 .LBB2_3-.Ltmp1, $4  }
0x24b: {  	[sflag:s6] =	ssyncset.done $0x0  }
0x24c: {  	[sflag:s6] =	ssyncadd.s32 $0xFFFFC000  }
0x24d: {  	p0 =	por $0x1, $0x1;
	_ =	swait.ge [sflag:s7], $0x4000  }
0x24e: {  	s1 =	sadd.s32 $0xFFFFFFFF, s18;
	s0 =	sld [smem:$0x7FD];
	[sflag:s7] =	ssyncset.done $0x0  }
.LBB2_4:
0x24f: {  	_ = 	snop  }
0x250: {  	[sflag:s7] =	ssyncadd.s32 $0xFFFFC000  }
0x251: {  	[tilespmem:s2], [sflag:$0x9] =	stream.strided.gather [hbm4b:s29+s30], $0x1800, s0, s30, $0x38;
	[tilespmem:$0x11C00] =	vst v63  }
0x252: {  	s18 =	rddreg [dreg:$0x4]  }
0x253: {  	[tilespmem:s9], [sflag:$0x9] =	stream.linear.gather [hbm4b:s18+s2], $0x100, $0x38;
	[tilespmem:$0x11C00] =	vst v63  }
0x254: {  	_ =	swait.ge [sflag:s31], $0x1900  }
0x255: {  	[sflag:s31] =	ssyncset.done $0x0  }
0x256: {  	[sflag:s31] =	ssyncadd.s32 $0xFFFFE700  }
0x257: {  	[tilespmem:s5], [sflag:$0x1] =	stream.indirect.gather [hbm4b:s3+s8], $0x80, s2, s8, $0xb8;
	[tilespmem:$0x11C00] =	vst v63  }
0x258: {  	s0 =	sld [smem:$0x7D8]  }
0x259: {  	[tilespmem:s4], [sflag:$0x2] =	stream.indirect.gather [hbm4b:s3+s8], $0x80, s8, s8, $0xb8;
	[tilespmem:$0x11C00] =	vst v63  }
0x25a: {  	s18 =	sld [smem:$0x7D9]  }
0x25b: {  	[tilespmem:s13], [sflag:$0x3] =	stream.indirect.gather [hbm4b:s3+s8], $0x80, s0, s8, $0xb8;
	[tilespmem:$0x11C00] =	vst v63  }
0x25c: {  	_ = 	snop  }
0x25d: {  	[tilespmem:s12], [sflag:$0x4] =	stream.indirect.gather [hbm4b:s3+s8], $0x80, s18, s8, $0xb8;
	[tilespmem:$0x11C00] =	vst v63  }
0x25e: {  	_ =	swait.ge [sflag:s11], $0x4000  }
0x25f: {  	[sflag:s11] =	ssyncset.done $0x0  }
0x260: {  	[sflag:s11] =	ssyncadd.s32 $0xFFFFC000  }
0x261: {  	[hbm4b:s28+s2] =	stream.linear.scatter [tilespmem:s5], [sflag:$0x5], $0x4000, $0x38;
	[tilespmem:$0x11C00] =	vst v63  }
0x262: {  	_ =	swait.ge [sflag:s10], $0x4000  }
0x263: {  	[sflag:s10] =	ssyncset.done $0x0  }
0x264: {  	[sflag:s10] =	ssyncadd.s32 $0xFFFFC000  }
0x265: {  	_ =	swait.ge [sflag:s6], $0x4000  }
0x266: {  	s0 =	sld [smem:$0x7DA]  }
0x267: {  	[sflag:s6] =	ssyncset.done $0x0  }
0x268: {  	[sflag:s6] =	ssyncadd.s32 $0xFFFFC000  }
0x269: {  	[tilespmem:s5], [sflag:$0x1] =	stream.indirect.gather [hbm4b:s3+s8], $0x80, s0, s8, $0xb8;
	[tilespmem:$0x11C00] =	vst v63  }
0x26a: {  	s18 =	rddreg [dreg:$0x5]  }
0x26b: {  	[hbm4b:s18+s2] =	stream.linear.scatter [tilespmem:s4], [sflag:$0x6], $0x4000, $0x38;
	[tilespmem:$0x11C00] =	vst v63  }
0x26c: {  	_ =	swait.ge [sflag:s17], $0x4000  }
0x26d: {  	[sflag:s17] =	ssyncset.done $0x0  }
0x26e: {  	[sflag:s17] =	ssyncadd.s32 $0xFFFFC000  }
0x26f: {  	_ =	swait.ge [sflag:s7], $0x4000  }
0x270: {  	s0 =	sld [smem:$0x7DB]  }
0x271: {  	[sflag:s7] =	ssyncset.done $0x0  }
0x272: {  	[sflag:s7] =	ssyncadd.s32 $0xFFFFC000  }
0x273: {  	[tilespmem:s4], [sflag:$0x2] =	stream.indirect.gather [hbm4b:s3+s8], $0x80, s0, s8, $0xb8;
	[tilespmem:$0x11C00] =	vst v63  }
0x274: {  	s18 =	rddreg [dreg:$0x6]  }
0x275: {  	[hbm4b:s18+s2] =	stream.linear.scatter [tilespmem:s13], [sflag:$0x7], $0x4000, $0x38;
	[tilespmem:$0x11C00] =	vst v63  }
0x276: {  	_ =	swait.ge [sflag:s16], $0x4000  }
0x277: {  	[sflag:s16] =	ssyncset.done $0x0  }
0x278: {  	[sflag:s16] =	ssyncadd.s32 $0xFFFFC000  }
0x279: {  	_ =	swait.ge [sflag:s14], $0x4000  }
0x27a: {  	s0 =	sld [smem:$0x7DC]  }
0x27b: {  	[sflag:s14] =	ssyncset.done $0x0  }
0x27c: {  	[sflag:s14] =	ssyncadd.s32 $0xFFFFC000  }
0x27d: {  	[tilespmem:s13], [sflag:$0x3] =	stream.indirect.gather [hbm4b:s3+s8], $0x80, s0, s8, $0xb8;
	[tilespmem:$0x11C00] =	vst v63  }
0x27e: {  	s18 =	rddreg [dreg:$0x7]  }
0x27f: {  	[hbm4b:s18+s2] =	stream.linear.scatter [tilespmem:s12], [sflag:$0x8], $0x4000, $0x38;
	[tilespmem:$0x11C00] =	vst v63  }
0x280: {  	_ =	swait.ge [sflag:s11], $0x4000  }
0x281: {  	[sflag:s11] =	ssyncset.done $0x0  }
0x282: {  	[sflag:s11] =	ssyncadd.s32 $0xFFFFC000  }
0x283: {  	_ =	swait.ge [sflag:s15], $0x4000  }
0x284: {  	s0 =	sld [smem:$0x7DD]  }
0x285: {  	[sflag:s15] =	ssyncset.done $0x0  }
0x286: {  	[sflag:s15] =	ssyncadd.s32 $0xFFFFC000  }
0x287: {  	[tilespmem:s12], [sflag:$0x4] =	stream.indirect.gather [hbm4b:s3+s8], $0x80, s0, s8, $0xb8;
	[tilespmem:$0x11C00] =	vst v63  }
0x288: {  	s18 =	rddreg [dreg:$0x8]  }
0x289: {  	[hbm4b:s18+s2] =	stream.linear.scatter [tilespmem:s5], [sflag:$0x5], $0x4000, $0x38;
	[tilespmem:$0x11C00] =	vst v63  }
0x28a: {  	_ =	swait.ge [sflag:s10], $0x4000  }
0x28b: {  	[sflag:s10] =	ssyncset.done $0x0  }
0x28c: {  	[sflag:s10] =	ssyncadd.s32 $0xFFFFC000  }
0x28d: {  	_ =	swait.ge [sflag:s6], $0x4000  }
0x28e: {  	[sflag:s6] =	ssyncset.done $0x0  }
0x28f: {  	[sflag:s6] =	ssyncadd.s32 $0xFFFFC000  }
0x290: {  	[tilespmem:s5], [sflag:$0x1] =	stream.indirect.gather [hbm4b:s3+s8], $0x80, s30, s8, $0xb8;
	[tilespmem:$0x11C00] =	vst v63  }
0x291: {  	s18 =	rddreg [dreg:$0x9]  }
0x292: {  	[hbm4b:s18+s2] =	stream.linear.scatter [tilespmem:s4], [sflag:$0x6], $0x4000, $0x38;
	[tilespmem:$0x11C00] =	vst v63  }
0x293: {  	_ =	swait.ge [sflag:s17], $0x4000  }
0x294: {  	[sflag:s17] =	ssyncset.done $0x0  }
0x295: {  	[sflag:s17] =	ssyncadd.s32 $0xFFFFC000  }
0x296: {  	_ =	swait.ge [sflag:s7], $0x4000  }
0x297: {  	s0 =	sld [smem:$0x7DE]  }
0x298: {  	[sflag:s7] =	ssyncset.done $0x0  }
0x299: {  	[sflag:s7] =	ssyncadd.s32 $0xFFFFC000  }
0x29a: {  	[tilespmem:s4], [sflag:$0x2] =	stream.indirect.gather [hbm4b:s3+s8], $0x80, s0, s8, $0xb8;
	[tilespmem:$0x11C00] =	vst v63  }
0x29b: {  	s18 =	rddreg [dreg:$0xa]  }
0x29c: {  	[hbm4b:s18+s2] =	stream.linear.scatter [tilespmem:s13], [sflag:$0x7], $0x4000, $0x38;
	[tilespmem:$0x11C00] =	vst v63  }
0x29d: {  	_ =	swait.ge [sflag:s16], $0x4000  }
0x29e: {  	[sflag:s16] =	ssyncset.done $0x0  }
0x29f: {  	[sflag:s16] =	ssyncadd.s32 $0xFFFFC000  }
0x2a0: {  	_ =	swait.ge [sflag:s14], $0x4000  }
0x2a1: {  	s0 =	sld [smem:$0x7DF]  }
0x2a2: {  	[sflag:s14] =	ssyncset.done $0x0  }
0x2a3: {  	[sflag:s14] =	ssyncadd.s32 $0xFFFFC000  }
0x2a4: {  	[tilespmem:s13], [sflag:$0x3] =	stream.indirect.gather [hbm4b:s3+s8], $0x80, s0, s8, $0xb8;
	[tilespmem:$0x11C00] =	vst v63  }
0x2a5: {  	s18 =	rddreg [dreg:$0xb]  }
0x2a6: {  	[hbm4b:s18+s2] =	stream.linear.scatter [tilespmem:s12], [sflag:$0x8], $0x4000, $0x38;
	[tilespmem:$0x11C00] =	vst v63  }
0x2a7: {  	_ =	swait.ge [sflag:s11], $0x4000  }
0x2a8: {  	[sflag:s11] =	ssyncset.done $0x0  }
0x2a9: {  	[sflag:s11] =	ssyncadd.s32 $0xFFFFC000  }
0x2aa: {  	_ =	swait.ge [sflag:s15], $0x4000  }
0x2ab: {  	s0 =	sld [smem:$0x7E0]  }
0x2ac: {  	[sflag:s15] =	ssyncset.done $0x0  }
0x2ad: {  	[sflag:s15] =	ssyncadd.s32 $0xFFFFC000  }
0x2ae: {  	[tilespmem:s12], [sflag:$0x4] =	stream.indirect.gather [hbm4b:s3+s8], $0x80, s0, s8, $0xb8;
	[tilespmem:$0x11C00] =	vst v63  }
0x2af: {  	s18 =	rddreg [dreg:$0xc]  }
0x2b0: {  	[hbm4b:s18+s2] =	stream.linear.scatter [tilespmem:s5], [sflag:$0x5], $0x4000, $0x38;
	[tilespmem:$0x11C00] =	vst v63  }
0x2b1: {  	_ =	swait.ge [sflag:s10], $0x4000  }
0x2b2: {  	[sflag:s10] =	ssyncset.done $0x0  }
0x2b3: {  	[sflag:s10] =	ssyncadd.s32 $0xFFFFC000  }
0x2b4: {  	_ =	swait.ge [sflag:s6], $0x4000  }
0x2b5: {  	s0 =	sld [smem:$0x7E1]  }
0x2b6: {  	[sflag:s6] =	ssyncset.done $0x0  }
0x2b7: {  	[sflag:s6] =	ssyncadd.s32 $0xFFFFC000  }
0x2b8: {  	[tilespmem:s5], [sflag:$0x1] =	stream.indirect.gather [hbm4b:s3+s8], $0x80, s0, s8, $0xb8;
	[tilespmem:$0x11C00] =	vst v63  }
0x2b9: {  	s18 =	rddreg [dreg:$0xd]  }
0x2ba: {  	[hbm4b:s18+s2] =	stream.linear.scatter [tilespmem:s4], [sflag:$0x6], $0x4000, $0x38;
	[tilespmem:$0x11C00] =	vst v63  }
0x2bb: {  	_ =	swait.ge [sflag:s17], $0x4000  }
0x2bc: {  	[sflag:s17] =	ssyncset.done $0x0  }
0x2bd: {  	[sflag:s17] =	ssyncadd.s32 $0xFFFFC000  }
0x2be: {  	_ =	swait.ge [sflag:s7], $0x4000  }
0x2bf: {  	s0 =	sld [smem:$0x7E2]  }
0x2c0: {  	[sflag:s7] =	ssyncset.done $0x0  }
0x2c1: {  	[sflag:s7] =	ssyncadd.s32 $0xFFFFC000  }
0x2c2: {  	[tilespmem:s4], [sflag:$0x2] =	stream.indirect.gather [hbm4b:s3+s8], $0x80, s0, s8, $0xb8;
	[tilespmem:$0x11C00] =	vst v63  }
0x2c3: {  	s18 =	rddreg [dreg:$0xe]  }
0x2c4: {  	[hbm4b:s18+s2] =	stream.linear.scatter [tilespmem:s13], [sflag:$0x7], $0x4000, $0x38;
	[tilespmem:$0x11C00] =	vst v63  }
0x2c5: {  	_ =	swait.ge [sflag:s16], $0x4000  }
0x2c6: {  	[sflag:s16] =	ssyncset.done $0x0  }
0x2c7: {  	[sflag:s16] =	ssyncadd.s32 $0xFFFFC000  }
0x2c8: {  	_ =	swait.ge [sflag:s14], $0x4000  }
0x2c9: {  	s0 =	sld [smem:$0x7E3]  }
0x2ca: {  	[sflag:s14] =	ssyncset.done $0x0  }
0x2cb: {  	[sflag:s14] =	ssyncadd.s32 $0xFFFFC000  }
0x2cc: {  	[tilespmem:s13], [sflag:$0x3] =	stream.indirect.gather [hbm4b:s3+s8], $0x80, s0, s8, $0xb8;
	[tilespmem:$0x11C00] =	vst v63  }
0x2cd: {  	s18 =	rddreg [dreg:$0xf]  }
0x2ce: {  	[hbm4b:s18+s2] =	stream.linear.scatter [tilespmem:s12], [sflag:$0x8], $0x4000, $0x38;
	[tilespmem:$0x11C00] =	vst v63  }
0x2cf: {  	_ =	swait.ge [sflag:s11], $0x4000  }
0x2d0: {  	[sflag:s11] =	ssyncset.done $0x0  }
0x2d1: {  	[sflag:s11] =	ssyncadd.s32 $0xFFFFC000  }
0x2d2: {  	_ =	swait.ge [sflag:s15], $0x4000  }
0x2d3: {  	s0 =	sld [smem:$0x7E4]  }
0x2d4: {  	[sflag:s15] =	ssyncset.done $0x0  }
0x2d5: {  	[sflag:s15] =	ssyncadd.s32 $0xFFFFC000  }
0x2d6: {  	[tilespmem:s12], [sflag:$0x4] =	stream.indirect.gather [hbm4b:s3+s8], $0x80, s0, s8, $0xb8;
	[tilespmem:$0x11C00] =	vst v63  }
0x2d7: {  	s18 =	rddreg [dreg:$0x10]  }
0x2d8: {  	[hbm4b:s18+s2] =	stream.linear.scatter [tilespmem:s5], [sflag:$0x5], $0x4000, $0x38;
	[tilespmem:$0x11C00] =	vst v63  }
0x2d9: {  	_ =	swait.ge [sflag:s10], $0x4000  }
0x2da: {  	[sflag:s10] =	ssyncset.done $0x0  }
0x2db: {  	[sflag:s10] =	ssyncadd.s32 $0xFFFFC000  }
0x2dc: {  	_ =	swait.ge [sflag:s6], $0x4000  }
0x2dd: {  	s0 =	sld [smem:$0x7E5]  }
0x2de: {  	[sflag:s6] =	ssyncset.done $0x0  }
0x2df: {  	[sflag:s6] =	ssyncadd.s32 $0xFFFFC000  }
0x2e0: {  	[tilespmem:s5], [sflag:$0x1] =	stream.indirect.gather [hbm4b:s3+s8], $0x80, s0, s8, $0xb8;
	[tilespmem:$0x11C00] =	vst v63  }
0x2e1: {  	s18 =	rddreg [dreg:$0x11]  }
0x2e2: {  	[hbm4b:s18+s2] =	stream.linear.scatter [tilespmem:s4], [sflag:$0x6], $0x4000, $0x38;
	[tilespmem:$0x11C00] =	vst v63  }
0x2e3: {  	_ =	swait.ge [sflag:s17], $0x4000  }
0x2e4: {  	[sflag:s17] =	ssyncset.done $0x0  }
0x2e5: {  	[sflag:s17] =	ssyncadd.s32 $0xFFFFC000  }
0x2e6: {  	_ =	swait.ge [sflag:s7], $0x4000  }
0x2e7: {  	s0 =	sld [smem:$0x7E6]  }
0x2e8: {  	[sflag:s7] =	ssyncset.done $0x0  }
0x2e9: {  	[sflag:s7] =	ssyncadd.s32 $0xFFFFC000  }
0x2ea: {  	[tilespmem:s4], [sflag:$0x2] =	stream.indirect.gather [hbm4b:s3+s8], $0x80, s0, s8, $0xb8;
	[tilespmem:$0x11C00] =	vst v63  }
0x2eb: {  	s18 =	rddreg [dreg:$0x12]  }
0x2ec: {  	[hbm4b:s18+s2] =	stream.linear.scatter [tilespmem:s13], [sflag:$0x7], $0x4000, $0x38;
	[tilespmem:$0x11C00] =	vst v63  }
0x2ed: {  	_ =	swait.ge [sflag:s16], $0x4000  }
0x2ee: {  	[sflag:s16] =	ssyncset.done $0x0  }
0x2ef: {  	[sflag:s16] =	ssyncadd.s32 $0xFFFFC000  }
0x2f0: {  	_ =	swait.ge [sflag:s14], $0x4000  }
0x2f1: {  	s0 =	sld [smem:$0x7E7]  }
0x2f2: {  	[sflag:s14] =	ssyncset.done $0x0  }
0x2f3: {  	[sflag:s14] =	ssyncadd.s32 $0xFFFFC000  }
0x2f4: {  	[tilespmem:s13], [sflag:$0x3] =	stream.indirect.gather [hbm4b:s3+s8], $0x80, s0, s8, $0xb8;
	[tilespmem:$0x11C00] =	vst v63  }
0x2f5: {  	s18 =	rddreg [dreg:$0x13]  }
0x2f6: {  	[hbm4b:s18+s2] =	stream.linear.scatter [tilespmem:s12], [sflag:$0x8], $0x4000, $0x38;
	[tilespmem:$0x11C00] =	vst v63  }
0x2f7: {  	_ =	swait.ge [sflag:s11], $0x4000  }
0x2f8: {  	[sflag:s11] =	ssyncset.done $0x0  }
0x2f9: {  	[sflag:s11] =	ssyncadd.s32 $0xFFFFC000  }
0x2fa: {  	_ =	swait.ge [sflag:s15], $0x4000  }
0x2fb: {  	s0 =	sld [smem:$0x7E8]  }
0x2fc: {  	[sflag:s15] =	ssyncset.done $0x0  }
0x2fd: {  	[sflag:s15] =	ssyncadd.s32 $0xFFFFC000  }
0x2fe: {  	[tilespmem:s12], [sflag:$0x4] =	stream.indirect.gather [hbm4b:s3+s8], $0x80, s0, s8, $0xb8;
	[tilespmem:$0x11C00] =	vst v63  }
0x2ff: {  	s18 =	rddreg [dreg:$0x14]  }
0x300: {  	[hbm4b:s18+s2] =	stream.linear.scatter [tilespmem:s5], [sflag:$0x5], $0x4000, $0x38;
	[tilespmem:$0x11C00] =	vst v63  }
0x301: {  	_ =	swait.ge [sflag:s10], $0x4000  }
0x302: {  	[sflag:s10] =	ssyncset.done $0x0  }
0x303: {  	[sflag:s10] =	ssyncadd.s32 $0xFFFFC000  }
0x304: {  	_ =	swait.ge [sflag:s6], $0x4000  }
0x305: {  	s0 =	sld [smem:$0x7E9]  }
0x306: {  	[sflag:s6] =	ssyncset.done $0x0  }
0x307: {  	[sflag:s6] =	ssyncadd.s32 $0xFFFFC000  }
0x308: {  	[tilespmem:s5], [sflag:$0x1] =	stream.indirect.gather [hbm4b:s3+s8], $0x80, s0, s8, $0xb8;
	[tilespmem:$0x11C00] =	vst v63  }
0x309: {  	s18 =	rddreg [dreg:$0x15]  }
0x30a: {  	[hbm4b:s18+s2] =	stream.linear.scatter [tilespmem:s4], [sflag:$0x6], $0x4000, $0x38;
	[tilespmem:$0x11C00] =	vst v63  }
0x30b: {  	_ =	swait.ge [sflag:s17], $0x4000  }
0x30c: {  	[sflag:s17] =	ssyncset.done $0x0  }
0x30d: {  	[sflag:s17] =	ssyncadd.s32 $0xFFFFC000  }
0x30e: {  	_ =	swait.ge [sflag:s7], $0x4000  }
0x30f: {  	s0 =	sld [smem:$0x7EA]  }
0x310: {  	[sflag:s7] =	ssyncset.done $0x0  }
0x311: {  	[sflag:s7] =	ssyncadd.s32 $0xFFFFC000  }
0x312: {  	[tilespmem:s4], [sflag:$0x2] =	stream.indirect.gather [hbm4b:s3+s8], $0x80, s0, s8, $0xb8;
	[tilespmem:$0x11C00] =	vst v63  }
0x313: {  	s18 =	rddreg [dreg:$0x16]  }
0x314: {  	[hbm4b:s18+s2] =	stream.linear.scatter [tilespmem:s13], [sflag:$0x7], $0x4000, $0x38;
	[tilespmem:$0x11C00] =	vst v63  }
0x315: {  	_ =	swait.ge [sflag:s16], $0x4000  }
0x316: {  	[sflag:s16] =	ssyncset.done $0x0  }
0x317: {  	[sflag:s16] =	ssyncadd.s32 $0xFFFFC000  }
0x318: {  	_ =	swait.ge [sflag:s14], $0x4000  }
0x319: {  	s0 =	sld [smem:$0x7EB]  }
0x31a: {  	[sflag:s14] =	ssyncset.done $0x0  }
0x31b: {  	[sflag:s14] =	ssyncadd.s32 $0xFFFFC000  }
0x31c: {  	[tilespmem:s13], [sflag:$0x3] =	stream.indirect.gather [hbm4b:s3+s8], $0x80, s0, s8, $0xb8;
	[tilespmem:$0x11C00] =	vst v63  }
0x31d: {  	s18 =	rddreg [dreg:$0x17]  }
0x31e: {  	[hbm4b:s18+s2] =	stream.linear.scatter [tilespmem:s12], [sflag:$0x8], $0x4000, $0x38;
	[tilespmem:$0x11C00] =	vst v63  }
0x31f: {  	_ =	swait.ge [sflag:s11], $0x4000  }
0x320: {  	[sflag:s11] =	ssyncset.done $0x0  }
0x321: {  	[sflag:s11] =	ssyncadd.s32 $0xFFFFC000  }
0x322: {  	_ =	swait.ge [sflag:s15], $0x4000  }
0x323: {  	s0 =	sld [smem:$0x7EC]  }
0x324: {  	[sflag:s15] =	ssyncset.done $0x0  }
0x325: {  	[sflag:s15] =	ssyncadd.s32 $0xFFFFC000  }
0x326: {  	[tilespmem:s12], [sflag:$0x4] =	stream.indirect.gather [hbm4b:s3+s8], $0x80, s0, s8, $0xb8;
	[tilespmem:$0x11C00] =	vst v63  }
0x327: {  	s18 =	rddreg [dreg:$0x18]  }
0x328: {  	[hbm4b:s18+s2] =	stream.linear.scatter [tilespmem:s5], [sflag:$0x5], $0x4000, $0x38;
	[tilespmem:$0x11C00] =	vst v63  }
0x329: {  	_ =	swait.ge [sflag:s10], $0x4000  }
0x32a: {  	[sflag:s10] =	ssyncset.done $0x0  }
0x32b: {  	[sflag:s10] =	ssyncadd.s32 $0xFFFFC000  }
0x32c: {  	_ =	swait.ge [sflag:s6], $0x4000  }
0x32d: {  	s0 =	sld [smem:$0x7ED]  }
0x32e: {  	[sflag:s6] =	ssyncset.done $0x0  }
0x32f: {  	[sflag:s6] =	ssyncadd.s32 $0xFFFFC000  }
0x330: {  	[tilespmem:s5], [sflag:$0x1] =	stream.indirect.gather [hbm4b:s3+s8], $0x80, s0, s8, $0xb8;
	[tilespmem:$0x11C00] =	vst v63  }
0x331: {  	s18 =	rddreg [dreg:$0x19]  }
0x332: {  	[hbm4b:s18+s2] =	stream.linear.scatter [tilespmem:s4], [sflag:$0x6], $0x4000, $0x38;
	[tilespmem:$0x11C00] =	vst v63  }
0x333: {  	_ =	swait.ge [sflag:s17], $0x4000  }
0x334: {  	[sflag:s17] =	ssyncset.done $0x0  }
0x335: {  	[sflag:s17] =	ssyncadd.s32 $0xFFFFC000  }
0x336: {  	_ =	swait.ge [sflag:s7], $0x4000  }
0x337: {  	s0 =	sld [smem:$0x7EE]  }
0x338: {  	[sflag:s7] =	ssyncset.done $0x0  }
0x339: {  	[sflag:s7] =	ssyncadd.s32 $0xFFFFC000  }
0x33a: {  	[tilespmem:s4], [sflag:$0x2] =	stream.indirect.gather [hbm4b:s3+s8], $0x80, s0, s8, $0xb8;
	[tilespmem:$0x11C00] =	vst v63  }
0x33b: {  	s18 =	rddreg [dreg:$0x1a]  }
0x33c: {  	[hbm4b:s18+s2] =	stream.linear.scatter [tilespmem:s13], [sflag:$0x7], $0x4000, $0x38;
	[tilespmem:$0x11C00] =	vst v63  }
0x33d: {  	_ =	swait.ge [sflag:s16], $0x4000  }
0x33e: {  	[sflag:s16] =	ssyncset.done $0x0  }
0x33f: {  	[sflag:s16] =	ssyncadd.s32 $0xFFFFC000  }
0x340: {  	_ =	swait.ge [sflag:s14], $0x4000  }
0x341: {  	s0 =	sld [smem:$0x7EF]  }
0x342: {  	[sflag:s14] =	ssyncset.done $0x0  }
0x343: {  	[sflag:s14] =	ssyncadd.s32 $0xFFFFC000  }
0x344: {  	[tilespmem:s13], [sflag:$0x3] =	stream.indirect.gather [hbm4b:s3+s8], $0x80, s0, s8, $0xb8;
	[tilespmem:$0x11C00] =	vst v63  }
0x345: {  	s18 =	rddreg [dreg:$0x1b]  }
0x346: {  	[hbm4b:s18+s2] =	stream.linear.scatter [tilespmem:s12], [sflag:$0x8], $0x4000, $0x38;
	[tilespmem:$0x11C00] =	vst v63  }
0x347: {  	_ =	swait.ge [sflag:s11], $0x4000  }
0x348: {  	[sflag:s11] =	ssyncset.done $0x0  }
0x349: {  	[sflag:s11] =	ssyncadd.s32 $0xFFFFC000  }
0x34a: {  	_ =	swait.ge [sflag:s15], $0x4000  }
0x34b: {  	s0 =	sld [smem:$0x7F0]  }
0x34c: {  	[sflag:s15] =	ssyncset.done $0x0  }
0x34d: {  	[sflag:s15] =	ssyncadd.s32 $0xFFFFC000  }
0x34e: {  	[tilespmem:s12], [sflag:$0x4] =	stream.indirect.gather [hbm4b:s3+s8], $0x80, s0, s8, $0xb8;
	[tilespmem:$0x11C00] =	vst v63  }
0x34f: {  	s18 =	rddreg [dreg:$0x1c]  }
0x350: {  	[hbm4b:s18+s2] =	stream.linear.scatter [tilespmem:s5], [sflag:$0x5], $0x4000, $0x38;
	[tilespmem:$0x11C00] =	vst v63  }
0x351: {  	_ =	swait.ge [sflag:s10], $0x4000  }
0x352: {  	[sflag:s10] =	ssyncset.done $0x0  }
0x353: {  	[sflag:s10] =	ssyncadd.s32 $0xFFFFC000  }
0x354: {  	_ =	swait.ge [sflag:s6], $0x4000  }
0x355: {  	s0 =	sld [smem:$0x7F1]  }
0x356: {  	[sflag:s6] =	ssyncset.done $0x0  }
0x357: {  	[sflag:s6] =	ssyncadd.s32 $0xFFFFC000  }
0x358: {  	[tilespmem:s5], [sflag:$0x1] =	stream.indirect.gather [hbm4b:s3+s8], $0x80, s0, s8, $0xb8;
	[tilespmem:$0x11C00] =	vst v63  }
0x359: {  	s18 =	rddreg [dreg:$0x1d]  }
0x35a: {  	[hbm4b:s18+s2] =	stream.linear.scatter [tilespmem:s4], [sflag:$0x6], $0x4000, $0x38;
	[tilespmem:$0x11C00] =	vst v63  }
0x35b: {  	_ =	swait.ge [sflag:s17], $0x4000  }
0x35c: {  	[sflag:s17] =	ssyncset.done $0x0  }
0x35d: {  	[sflag:s17] =	ssyncadd.s32 $0xFFFFC000  }
0x35e: {  	_ =	swait.ge [sflag:s7], $0x4000  }
0x35f: {  	s0 =	sld [smem:$0x7F2]  }
0x360: {  	[sflag:s7] =	ssyncset.done $0x0  }
0x361: {  	[sflag:s7] =	ssyncadd.s32 $0xFFFFC000  }
0x362: {  	[tilespmem:s4], [sflag:$0x2] =	stream.indirect.gather [hbm4b:s3+s8], $0x80, s0, s8, $0xb8;
	[tilespmem:$0x11C00] =	vst v63  }
0x363: {  	s18 =	rddreg [dreg:$0x1e]  }
0x364: {  	[hbm4b:s18+s2] =	stream.linear.scatter [tilespmem:s13], [sflag:$0x7], $0x4000, $0x38;
	[tilespmem:$0x11C00] =	vst v63  }
0x365: {  	_ =	swait.ge [sflag:s16], $0x4000  }
0x366: {  	[sflag:s16] =	ssyncset.done $0x0  }
0x367: {  	[sflag:s16] =	ssyncadd.s32 $0xFFFFC000  }
0x368: {  	_ =	swait.ge [sflag:s14], $0x4000  }
0x369: {  	s0 =	sld [smem:$0x7F3]  }
0x36a: {  	[sflag:s14] =	ssyncset.done $0x0  }
0x36b: {  	[sflag:s14] =	ssyncadd.s32 $0xFFFFC000  }
0x36c: {  	[tilespmem:s13], [sflag:$0x3] =	stream.indirect.gather [hbm4b:s3+s8], $0x80, s0, s8, $0xb8;
	[tilespmem:$0x11C00] =	vst v63  }
0x36d: {  	s18 =	rddreg [dreg:$0x1f]  }
0x36e: {  	[hbm4b:s18+s2] =	stream.linear.scatter [tilespmem:s12], [sflag:$0x8], $0x4000, $0x38;
	[tilespmem:$0x11C00] =	vst v63  }
0x36f: {  	_ =	swait.ge [sflag:s11], $0x4000  }
0x370: {  	[sflag:s11] =	ssyncset.done $0x0  }
0x371: {  	[sflag:s11] =	ssyncadd.s32 $0xFFFFC000  }
0x372: {  	_ =	swait.ge [sflag:s15], $0x4000  }
0x373: {  	s0 =	sld [smem:$0x7F4]  }
0x374: {  	[sflag:s15] =	ssyncset.done $0x0  }
0x375: {  	s18 =	sld [smem:$0x7C2];
	[sflag:s15] =	ssyncadd.s32 $0xFFFFC000  }
0x376: {  	[tilespmem:s12], [sflag:$0x4] =	stream.indirect.gather [hbm4b:s3+s8], $0x80, s0, s8, $0xb8;
	[tilespmem:$0x11C00] =	vst v63  }
0x377: {  	_ = 	snop  }
0x378: {  	[hbm4b:s18+s2] =	stream.linear.scatter [tilespmem:s5], [sflag:$0x5], $0x4000, $0x38;
	[tilespmem:$0x11C00] =	vst v63  }
0x379: {  	_ =	swait.ge [sflag:s10], $0x4000  }
0x37a: {  	[sflag:s10] =	ssyncset.done $0x0  }
0x37b: {  	[sflag:s10] =	ssyncadd.s32 $0xFFFFC000  }
0x37c: {  	_ =	swait.ge [sflag:s6], $0x4000  }
0x37d: {  	s0 =	sld [smem:$0x7F5]  }
0x37e: {  	[sflag:s6] =	ssyncset.done $0x0  }
0x37f: {  	s18 =	sld [smem:$0x7C3];
	[sflag:s6] =	ssyncadd.s32 $0xFFFFC000  }
0x380: {  	[tilespmem:s5], [sflag:$0x1] =	stream.indirect.gather [hbm4b:s3+s8], $0x80, s0, s8, $0xb8;
	[tilespmem:$0x11C00] =	vst v63  }
0x381: {  	_ = 	snop  }
0x382: {  	[hbm4b:s18+s2] =	stream.linear.scatter [tilespmem:s4], [sflag:$0x6], $0x4000, $0x38;
	[tilespmem:$0x11C00] =	vst v63  }
0x383: {  	_ =	swait.ge [sflag:s17], $0x4000  }
0x384: {  	[sflag:s17] =	ssyncset.done $0x0  }
0x385: {  	[sflag:s17] =	ssyncadd.s32 $0xFFFFC000  }
0x386: {  	_ =	swait.ge [sflag:s7], $0x4000  }
0x387: {  	s0 =	sld [smem:$0x7F6]  }
0x388: {  	[sflag:s7] =	ssyncset.done $0x0  }
0x389: {  	s18 =	sld [smem:$0x7C4];
	[sflag:s7] =	ssyncadd.s32 $0xFFFFC000  }
0x38a: {  	[tilespmem:s4], [sflag:$0x2] =	stream.indirect.gather [hbm4b:s3+s8], $0x80, s0, s8, $0xb8;
	[tilespmem:$0x11C00] =	vst v63  }
0x38b: {  	_ = 	snop  }
0x38c: {  	[hbm4b:s18+s2] =	stream.linear.scatter [tilespmem:s13], [sflag:$0x7], $0x4000, $0x38;
	[tilespmem:$0x11C00] =	vst v63  }
0x38d: {  	_ =	swait.ge [sflag:s16], $0x4000  }
0x38e: {  	[sflag:s16] =	ssyncset.done $0x0  }
0x38f: {  	[sflag:s16] =	ssyncadd.s32 $0xFFFFC000  }
0x390: {  	_ =	swait.ge [sflag:s14], $0x4000  }
0x391: {  	s0 =	sld [smem:$0x7F7]  }
0x392: {  	[sflag:s14] =	ssyncset.done $0x0  }
0x393: {  	s18 =	sld [smem:$0x7C5];
	[sflag:s14] =	ssyncadd.s32 $0xFFFFC000  }
0x394: {  	[tilespmem:s13], [sflag:$0x3] =	stream.indirect.gather [hbm4b:s3+s8], $0x80, s0, s8, $0xb8;
	[tilespmem:$0x11C00] =	vst v63  }
0x395: {  	_ = 	snop  }
0x396: {  	[hbm4b:s18+s2] =	stream.linear.scatter [tilespmem:s12], [sflag:$0x8], $0x4000, $0x38;
	[tilespmem:$0x11C00] =	vst v63  }
0x397: {  	_ =	swait.ge [sflag:s11], $0x4000  }
0x398: {  	[sflag:s11] =	ssyncset.done $0x0  }
0x399: {  	[sflag:s11] =	ssyncadd.s32 $0xFFFFC000  }
0x39a: {  	_ =	swait.ge [sflag:s15], $0x4000  }
0x39b: {  	s0 =	sld [smem:$0x7F8]  }
0x39c: {  	[sflag:s15] =	ssyncset.done $0x0  }
0x39d: {  	s18 =	sld [smem:$0x7C6];
	[sflag:s15] =	ssyncadd.s32 $0xFFFFC000  }
0x39e: {  	[tilespmem:s12], [sflag:$0x4] =	stream.indirect.gather [hbm4b:s3+s8], $0x80, s0, s8, $0xb8;
	[tilespmem:$0x11C00] =	vst v63  }
0x39f: {  	_ = 	snop  }
0x3a0: {  	[hbm4b:s18+s2] =	stream.linear.scatter [tilespmem:s5], [sflag:$0x5], $0x4000, $0x38;
	[tilespmem:$0x11C00] =	vst v63  }
0x3a1: {  	_ =	swait.ge [sflag:s10], $0x4000  }
0x3a2: {  	[sflag:s10] =	ssyncset.done $0x0  }
0x3a3: {  	[sflag:s10] =	ssyncadd.s32 $0xFFFFC000  }
0x3a4: {  	_ =	swait.ge [sflag:s6], $0x4000  }
0x3a5: {  	s0 =	sld [smem:$0x7F9]  }
0x3a6: {  	[sflag:s6] =	ssyncset.done $0x0  }
0x3a7: {  	s18 =	sld [smem:$0x7C7];
	[sflag:s6] =	ssyncadd.s32 $0xFFFFC000  }
0x3a8: {  	[tilespmem:s5], [sflag:$0x1] =	stream.indirect.gather [hbm4b:s3+s8], $0x80, s0, s8, $0xb8;
	[tilespmem:$0x11C00] =	vst v63  }
0x3a9: {  	_ = 	snop  }
0x3aa: {  	[hbm4b:s18+s2] =	stream.linear.scatter [tilespmem:s4], [sflag:$0x6], $0x4000, $0x38;
	[tilespmem:$0x11C00] =	vst v63  }
0x3ab: {  	_ =	swait.ge [sflag:s17], $0x4000  }
0x3ac: {  	[sflag:s17] =	ssyncset.done $0x0  }
0x3ad: {  	[sflag:s17] =	ssyncadd.s32 $0xFFFFC000  }
0x3ae: {  	_ =	swait.ge [sflag:s7], $0x4000  }
0x3af: {  	s0 =	sld [smem:$0x7FA]  }
0x3b0: {  	[sflag:s7] =	ssyncset.done $0x0  }
0x3b1: {  	s18 =	sld [smem:$0x7C8];
	[sflag:s7] =	ssyncadd.s32 $0xFFFFC000  }
0x3b2: {  	[tilespmem:s4], [sflag:$0x2] =	stream.indirect.gather [hbm4b:s3+s8], $0x80, s0, s8, $0xb8;
	[tilespmem:$0x11C00] =	vst v63  }
0x3b3: {  	_ = 	snop  }
0x3b4: {  	[hbm4b:s18+s2] =	stream.linear.scatter [tilespmem:s13], [sflag:$0x7], $0x4000, $0x38;
	[tilespmem:$0x11C00] =	vst v63  }
0x3b5: {  	_ =	swait.ge [sflag:s16], $0x4000  }
0x3b6: {  	[sflag:s16] =	ssyncset.done $0x0  }
0x3b7: {  	[sflag:s16] =	ssyncadd.s32 $0xFFFFC000  }
0x3b8: {  	_ =	swait.ge [sflag:s14], $0x4000  }
0x3b9: {  	s0 =	sld [smem:$0x7FB]  }
0x3ba: {  	[sflag:s14] =	ssyncset.done $0x0  }
0x3bb: {  	s18 =	sld [smem:$0x7C9];
	[sflag:s14] =	ssyncadd.s32 $0xFFFFC000  }
0x3bc: {  	[tilespmem:s13], [sflag:$0x3] =	stream.indirect.gather [hbm4b:s3+s8], $0x80, s0, s8, $0xb8;
	[tilespmem:$0x11C00] =	vst v63  }
0x3bd: {  	_ = 	snop  }
0x3be: {  	[hbm4b:s18+s2] =	stream.linear.scatter [tilespmem:s12], [sflag:$0x8], $0x4000, $0x38;
	[tilespmem:$0x11C00] =	vst v63  }
0x3bf: {  	_ =	swait.ge [sflag:s11], $0x4000  }
0x3c0: {  	[sflag:s11] =	ssyncset.done $0x0  }
0x3c1: {  	[sflag:s11] =	ssyncadd.s32 $0xFFFFC000  }
0x3c2: {  	_ =	swait.ge [sflag:s15], $0x4000  }
0x3c3: {  	s0 =	sld [smem:$0x7FC]  }
0x3c4: {  	[sflag:s15] =	ssyncset.done $0x0  }
0x3c5: {  	s18 =	sld [smem:$0x7CA];
	[sflag:s15] =	ssyncadd.s32 $0xFFFFC000  }
0x3c6: {  	[tilespmem:s12], [sflag:$0x4] =	stream.indirect.gather [hbm4b:s3+s8], $0x80, s0, s8, $0xb8;
	[tilespmem:$0x11C00] =	vst v63  }
0x3c7: {  	_ = 	snop  }
0x3c8: {  	[hbm4b:s18+s2] =	stream.linear.scatter [tilespmem:s5], [sflag:$0x5], $0x4000, $0x38;
	[tilespmem:$0x11C00] =	vst v63  }
0x3c9: {  	_ =	swait.ge [sflag:s10], $0x4000  }
0x3ca: {  	[sflag:s10] =	ssyncset.done $0x0  }
0x3cb: {  	[sflag:s10] =	ssyncadd.s32 $0xFFFFC000  }
0x3cc: {  	_ =	swait.ge [sflag:s6], $0x4000  }
0x3cd: {  	[sflag:s6] =	ssyncset.done $0x0  }
0x3ce: {  	s18 =	simm.s32 $0x1400;
	s0 =	sld [smem:$0x7CB];
	[sflag:s6] =	ssyncadd.s32 $0xFFFFC000  }
0x3cf: {  	[tilespmem:s5], [sflag:$0x1] =	stream.indirect.gather [hbm4b:s3+s8], $0x80, s18, s8, $0xb8;
	[tilespmem:$0x11C00] =	vst v63  }
0x3d0: {  	_ = 	snop  }
0x3d1: {  	[hbm4b:s0+s2] =	stream.linear.scatter [tilespmem:s4], [sflag:$0x6], $0x4000, $0x38;
	[tilespmem:$0x11C00] =	vst v63  }
0x3d2: {  	_ =	swait.ge [sflag:s17], $0x4000  }
0x3d3: {  	[sflag:s17] =	ssyncset.done $0x0  }
0x3d4: {  	[sflag:s17] =	ssyncadd.s32 $0xFFFFC000  }
0x3d5: {  	_ =	swait.ge [sflag:s7], $0x4000  }
0x3d6: {  	[sflag:s7] =	ssyncset.done $0x0  }
0x3d7: {  	s18 =	sld [smem:$0x7CC];
	[sflag:s7] =	ssyncadd.s32 $0xFFFFC000  }
0x3d8: {  	[tilespmem:s4], [sflag:$0x2] =	stream.indirect.gather [hbm4b:s3+s8], $0x80, s26, s8, $0xb8;
	[tilespmem:$0x11C00] =	vst v63  }
0x3d9: {  	_ = 	snop  }
0x3da: {  	[hbm4b:s18+s2] =	stream.linear.scatter [tilespmem:s13], [sflag:$0x7], $0x4000, $0x38;
	[tilespmem:$0x11C00] =	vst v63  }
0x3db: {  	_ =	swait.ge [sflag:s16], $0x4000  }
0x3dc: {  	[sflag:s16] =	ssyncset.done $0x0  }
0x3dd: {  	[sflag:s16] =	ssyncadd.s32 $0xFFFFC000  }
0x3de: {  	_ =	swait.ge [sflag:s14], $0x4000  }
0x3df: {  	[sflag:s14] =	ssyncset.done $0x0  }
0x3e0: {  	s18 =	sld [smem:$0x7CD];
	[sflag:s14] =	ssyncadd.s32 $0xFFFFC000  }
0x3e1: {  	[tilespmem:s13], [sflag:$0x3] =	stream.indirect.gather [hbm4b:s3+s8], $0x80, s25, s8, $0xb8;
	[tilespmem:$0x11C00] =	vst v63  }
0x3e2: {  	_ = 	snop  }
0x3e3: {  	[hbm4b:s18+s2] =	stream.linear.scatter [tilespmem:s12], [sflag:$0x8], $0x4000, $0x38;
	[tilespmem:$0x11C00] =	vst v63  }
0x3e4: {  	_ =	swait.ge [sflag:s11], $0x4000  }
0x3e5: {  	[sflag:s11] =	ssyncset.done $0x0  }
0x3e6: {  	[sflag:s11] =	ssyncadd.s32 $0xFFFFC000  }
0x3e7: {  	_ =	swait.ge [sflag:s15], $0x4000  }
0x3e8: {  	[sflag:s15] =	ssyncset.done $0x0  }
0x3e9: {  	s18 =	sld [smem:$0x7CE];
	[sflag:s15] =	ssyncadd.s32 $0xFFFFC000  }
0x3ea: {  	[tilespmem:s12], [sflag:$0x4] =	stream.indirect.gather [hbm4b:s3+s8], $0x80, s24, s8, $0xb8;
	[tilespmem:$0x11C00] =	vst v63  }
0x3eb: {  	_ = 	snop  }
0x3ec: {  	[hbm4b:s18+s2] =	stream.linear.scatter [tilespmem:s5], [sflag:$0x5], $0x4000, $0x38;
	[tilespmem:$0x11C00] =	vst v63  }
0x3ed: {  	_ =	swait.ge [sflag:s10], $0x4000  }
0x3ee: {  	[sflag:s10] =	ssyncset.done $0x0  }
0x3ef: {  	[sflag:s10] =	ssyncadd.s32 $0xFFFFC000  }
0x3f0: {  	_ =	swait.ge [sflag:s6], $0x4000  }
0x3f1: {  	[sflag:s6] =	ssyncset.done $0x0  }
0x3f2: {  	s18 =	sld [smem:$0x7CF];
	[sflag:s6] =	ssyncadd.s32 $0xFFFFC000  }
0x3f3: {  	[tilespmem:s5], [sflag:$0x1] =	stream.indirect.gather [hbm4b:s3+s8], $0x80, s23, s8, $0xb8;
	[tilespmem:$0x11C00] =	vst v63  }
0x3f4: {  	_ = 	snop  }
0x3f5: {  	[hbm4b:s18+s2] =	stream.linear.scatter [tilespmem:s4], [sflag:$0x6], $0x4000, $0x38;
	[tilespmem:$0x11C00] =	vst v63  }
0x3f6: {  	_ =	swait.ge [sflag:s17], $0x4000  }
0x3f7: {  	[sflag:s17] =	ssyncset.done $0x0  }
0x3f8: {  	[sflag:s17] =	ssyncadd.s32 $0xFFFFC000  }
0x3f9: {  	_ =	swait.ge [sflag:s7], $0x4000  }
0x3fa: {  	[sflag:s7] =	ssyncset.done $0x0  }
0x3fb: {  	s18 =	sld [smem:$0x7D0];
	[sflag:s7] =	ssyncadd.s32 $0xFFFFC000  }
0x3fc: {  	[tilespmem:s4], [sflag:$0x2] =	stream.indirect.gather [hbm4b:s3+s8], $0x80, s22, s8, $0xb8;
	[tilespmem:$0x11C00] =	vst v63  }
0x3fd: {  	_ = 	snop  }
0x3fe: {  	[hbm4b:s18+s2] =	stream.linear.scatter [tilespmem:s13], [sflag:$0x7], $0x4000, $0x38;
	[tilespmem:$0x11C00] =	vst v63  }
0x3ff: {  	_ =	swait.ge [sflag:s16], $0x4000  }
0x400: {  	[sflag:s16] =	ssyncset.done $0x0  }
0x401: {  	[sflag:s16] =	ssyncadd.s32 $0xFFFFC000  }
0x402: {  	_ =	swait.ge [sflag:s14], $0x4000  }
0x403: {  	[sflag:s14] =	ssyncset.done $0x0  }
0x404: {  	s18 =	sld [smem:$0x7D1];
	[sflag:s14] =	ssyncadd.s32 $0xFFFFC000  }
0x405: {  	[tilespmem:s13], [sflag:$0x3] =	stream.indirect.gather [hbm4b:s3+s8], $0x80, s21, s8, $0xb8;
	[tilespmem:$0x11C00] =	vst v63  }
0x406: {  	_ = 	snop  }
0x407: {  	[hbm4b:s18+s2] =	stream.linear.scatter [tilespmem:s12], [sflag:$0x8], $0x4000, $0x38;
	[tilespmem:$0x11C00] =	vst v63  }
0x408: {  	_ =	swait.ge [sflag:s11], $0x4000  }
0x409: {  	[sflag:s11] =	ssyncset.done $0x0  }
0x40a: {  	[sflag:s11] =	ssyncadd.s32 $0xFFFFC000  }
0x40b: {  	_ =	swait.ge [sflag:s15], $0x4000  }
0x40c: {  	[sflag:s15] =	ssyncset.done $0x0  }
0x40d: {  	s18 =	sld [smem:$0x7D2];
	[sflag:s15] =	ssyncadd.s32 $0xFFFFC000  }
0x40e: {  	[tilespmem:s12], [sflag:$0x4] =	stream.indirect.gather [hbm4b:s3+s8], $0x80, s20, s8, $0xb8;
	[tilespmem:$0x11C00] =	vst v63  }
0x40f: {  	_ = 	snop  }
0x410: {  	[hbm4b:s18+s2] =	stream.linear.scatter [tilespmem:s5], [sflag:$0x5], $0x4000, $0x38;
	[tilespmem:$0x11C00] =	vst v63  }
0x411: {  	_ =	swait.ge [sflag:s10], $0x4000  }
0x412: {  	[sflag:s10] =	ssyncset.done $0x0  }
0x413: {  	[sflag:s10] =	ssyncadd.s32 $0xFFFFC000  }
0x414: {  	_ =	swait.ge [sflag:s6], $0x4000  }
0x415: {  	[sflag:s6] =	ssyncset.done $0x0  }
0x416: {  	s18 =	sld [smem:$0x7D3];
	[sflag:s6] =	ssyncadd.s32 $0xFFFFC000  }
0x417: {  	[tilespmem:s5], [sflag:$0x1] =	stream.indirect.gather [hbm4b:s3+s8], $0x80, s9, s8, $0xb8;
	[tilespmem:$0x11C00] =	vst v63  }
0x418: {  	_ = 	snop  }
0x419: {  	[hbm4b:s18+s2] =	stream.linear.scatter [tilespmem:s4], [sflag:$0x6], $0x4000, $0x38;
	[tilespmem:$0x11C00] =	vst v63  }
0x41a: {  	_ =	swait.ge [sflag:s17], $0x4000  }
0x41b: {  	[sflag:s17] =	ssyncset.done $0x0  }
0x41c: {  	[sflag:s17] =	ssyncadd.s32 $0xFFFFC000  }
0x41d: {  	_ =	swait.ge [sflag:s7], $0x4000  }
0x41e: {  	[sflag:s7] =	ssyncset.done $0x0  }
0x41f: {  	s18 =	sld [smem:$0x7D4];
	[sflag:s7] =	ssyncadd.s32 $0xFFFFC000  }
0x420: {  	[tilespmem:s4], [sflag:$0x2] =	stream.indirect.gather [hbm4b:s3+s8], $0x80, s19, s8, $0xb8;
	[tilespmem:$0x11C00] =	vst v63  }
0x421: {  	_ = 	snop  }
0x422: {  	[hbm4b:s18+s2] =	stream.linear.scatter [tilespmem:s13], [sflag:$0x7], $0x4000, $0x38;
	[tilespmem:$0x11C00] =	vst v63  }
0x423: {  	_ =	swait.ge [sflag:s16], $0x4000  }
0x424: {  	s18 =	sld [smem:$0x7D5]  }
0x425: {  	[sflag:s16] =	ssyncset.done $0x0  }
0x426: {  	[sflag:s16] =	ssyncadd.s32 $0xFFFFC000  }
0x427: {  	[hbm4b:s18+s2] =	stream.linear.scatter [tilespmem:s12], [sflag:$0x8], $0x4000, $0x38;
	[tilespmem:$0x11C00] =	vst v63  }
0x428: {  	_ =	swait.ge [sflag:s11], $0x4000  }
0x429: {  	s18 =	sld [smem:$0x7D6]  }
0x42a: {  	[sflag:s11] =	ssyncset.done $0x0  }
0x42b: {  	[sflag:s11] =	ssyncadd.s32 $0xFFFFC000  }
0x42c: {  	[hbm4b:s18+s2] =	stream.linear.scatter [tilespmem:s5], [sflag:$0x5], $0x4000, $0x38;
	[tilespmem:$0x11C00] =	vst v63  }
0x42d: {  	_ =	swait.ge [sflag:s10], $0x4000  }
0x42e: {  	s18 =	sld [smem:$0x7D7]  }
0x42f: {  	[sflag:s10] =	ssyncset.done $0x0  }
0x430: {  	[sflag:s10] =	ssyncadd.s32 $0xFFFFC000  }
0x431: {  	[hbm4b:s18+s2] =	stream.linear.scatter [tilespmem:s4], [sflag:$0x6], $0x4000, $0x38;
	[tilespmem:$0x11C00] =	vst v63  }
0x432: {  	_ =	swait.ge [sflag:s14], $0x4000  }
0x433: {  	[sflag:s14] =	ssyncset.done $0x0  }
0x434: {  	[sflag:s14] =	ssyncadd.s32 $0xFFFFC000  }
0x435: {  	_ =	swait.ge [sflag:s15], $0x4000  }
0x436: {  	[sflag:s15] =	ssyncset.done $0x0  }
0x437: {  	p1 =	sne.s32 s1, $0x1;
	[sflag:s15] =	ssyncadd.s32 $0xFFFFC000  }
.Ltmp2:
0x438: {  	_ =	swait.ge [sflag:s6], $0x4000;
	(pc) =	sbr.rel @p1 .LBB2_4-.Ltmp2, $4  }
0x439: {  	[sflag:s6] =	ssyncset.done $0x0  }
0x43a: {  	[sflag:s6] =	ssyncadd.s32 $0xFFFFC000  }
0x43b: {  	_ =	swait.ge [sflag:s7], $0x4000  }
0x43c: {  	s1 =	sadd.s32 $0xFFFFFFFF, s1;
	s0 =	sld [smem:$0x7FD];
	[sflag:s7] =	ssyncset.done $0x0  }
0x43d: {  	s19 =	simm.s32 $0x1400;
	s26 =	simm.s32 $0x1480;
	s25 =	simm.s32 $0x1500  }
0x43e: {  	s24 =	simm.s32 $0x1580;
	s23 =	simm.s32 $0x1600;
	s22 =	simm.s32 $0x1680  }
0x43f: {  	s21 =	simm.s32 $0x1700;
	s20 =	simm.s32 $0x1780;
	s18 =	stileid.u32  }
.LBB2_6:
0x440: {  	[sflag:s7] =	ssyncadd.s32 @p0 $0xFFFFC000  }
0x441: {  	[tilespmem:s2], [sflag:$0x9] =	stream.strided.gather [hbm4b:s29+s30], $0x1800, s0, s30, $0x38;
	[tilespmem:$0x11C00] =	vst v63  }
0x442: {  	s1 =	rddreg [dreg:$0x4]  }
0x443: {  	[tilespmem:s9], [sflag:$0x9] =	stream.linear.gather [hbm4b:s1+s2], $0x100, $0x38;
	[tilespmem:$0x11C00] =	vst v63  }
0x444: {  	_ =	swait.ge [sflag:s31], $0x1900  }
0x445: {  	[sflag:s31] =	ssyncset.done $0x0  }
0x446: {  	[sflag:s31] =	ssyncadd.s32 $0xFFFFE700  }
0x447: {  	[tilespmem:s5], [sflag:$0x1] =	stream.indirect.gather [hbm4b:s3+s8], $0x80, s2, s8, $0xb8;
	[tilespmem:$0x11C00] =	vst v63  }
0x448: {  	s29 =	sld [smem:$0x7D8]  }
0x449: {  	[tilespmem:s4], [sflag:$0x2] =	stream.indirect.gather [hbm4b:s3+s8], $0x80, s8, s8, $0xb8;
	[tilespmem:$0x11C00] =	vst v63  }
0x44a: {  	s31 =	sld [smem:$0x7D9]  }
0x44b: {  	[tilespmem:s13], [sflag:$0x3] =	stream.indirect.gather [hbm4b:s3+s8], $0x80, s29, s8, $0xb8;
	[tilespmem:$0x11C00] =	vst v63  }
0x44c: {  	_ = 	snop  }
0x44d: {  	[tilespmem:s12], [sflag:$0x4] =	stream.indirect.gather [hbm4b:s3+s8], $0x80, s31, s8, $0xb8;
	[tilespmem:$0x11C00] =	vst v63  }
0x44e: {  	_ =	swait.ge [sflag:s11], $0x4000  }
0x44f: {  	[sflag:s11] =	ssyncset.done $0x0  }
0x450: {  	[sflag:s11] =	ssyncadd.s32 $0xFFFFC000  }
0x451: {  	[hbm4b:s28+s2] =	stream.linear.scatter [tilespmem:s5], [sflag:$0x5], $0x4000, $0x38;
	[tilespmem:$0x11C00] =	vst v63  }
0x452: {  	_ =	swait.ge [sflag:s10], $0x4000  }
0x453: {  	[sflag:s10] =	ssyncset.done $0x0  }
0x454: {  	[sflag:s10] =	ssyncadd.s32 $0xFFFFC000  }
0x455: {  	_ =	swait.ge [sflag:s6], $0x4000  }
0x456: {  	s29 =	sld [smem:$0x7DA]  }
0x457: {  	[sflag:s6] =	ssyncset.done $0x0  }
0x458: {  	[sflag:s6] =	ssyncadd.s32 $0xFFFFC000  }
0x459: {  	[tilespmem:s5], [sflag:$0x1] =	stream.indirect.gather [hbm4b:s3+s8], $0x80, s29, s8, $0xb8;
	[tilespmem:$0x11C00] =	vst v63  }
0x45a: {  	s31 =	rddreg [dreg:$0x5]  }
0x45b: {  	[hbm4b:s31+s2] =	stream.linear.scatter [tilespmem:s4], [sflag:$0x6], $0x4000, $0x38;
	[tilespmem:$0x11C00] =	vst v63  }
0x45c: {  	_ =	swait.ge [sflag:s17], $0x4000  }
0x45d: {  	[sflag:s17] =	ssyncset.done $0x0  }
0x45e: {  	[sflag:s17] =	ssyncadd.s32 $0xFFFFC000  }
0x45f: {  	_ =	swait.ge [sflag:s7], $0x4000  }
0x460: {  	s1 =	sld [smem:$0x7DB]  }
0x461: {  	[sflag:s7] =	ssyncset.done $0x0  }
0x462: {  	[sflag:s7] =	ssyncadd.s32 $0xFFFFC000  }
0x463: {  	[tilespmem:s4], [sflag:$0x2] =	stream.indirect.gather [hbm4b:s3+s8], $0x80, s1, s8, $0xb8;
	[tilespmem:$0x11C00] =	vst v63  }
0x464: {  	s28 =	rddreg [dreg:$0x6]  }
0x465: {  	[hbm4b:s28+s2] =	stream.linear.scatter [tilespmem:s13], [sflag:$0x7], $0x4000, $0x38;
	[tilespmem:$0x11C00] =	vst v63  }
0x466: {  	_ =	swait.ge [sflag:s16], $0x4000  }
0x467: {  	[sflag:s16] =	ssyncset.done $0x0  }
0x468: {  	[sflag:s16] =	ssyncadd.s32 $0xFFFFC000  }
0x469: {  	_ =	swait.ge [sflag:s14], $0x4000  }
0x46a: {  	s29 =	sld [smem:$0x7DC]  }
0x46b: {  	[sflag:s14] =	ssyncset.done $0x0  }
0x46c: {  	[sflag:s14] =	ssyncadd.s32 $0xFFFFC000  }
0x46d: {  	[tilespmem:s13], [sflag:$0x3] =	stream.indirect.gather [hbm4b:s3+s8], $0x80, s29, s8, $0xb8;
	[tilespmem:$0x11C00] =	vst v63  }
0x46e: {  	s31 =	rddreg [dreg:$0x7]  }
0x46f: {  	[hbm4b:s31+s2] =	stream.linear.scatter [tilespmem:s12], [sflag:$0x8], $0x4000, $0x38;
	[tilespmem:$0x11C00] =	vst v63  }
0x470: {  	_ =	swait.ge [sflag:s11], $0x4000  }
0x471: {  	[sflag:s11] =	ssyncset.done $0x0  }
0x472: {  	[sflag:s11] =	ssyncadd.s32 $0xFFFFC000  }
0x473: {  	_ =	swait.ge [sflag:s15], $0x4000  }
0x474: {  	s1 =	sld [smem:$0x7DD]  }
0x475: {  	[sflag:s15] =	ssyncset.done $0x0  }
0x476: {  	[sflag:s15] =	ssyncadd.s32 $0xFFFFC000  }
0x477: {  	[tilespmem:s12], [sflag:$0x4] =	stream.indirect.gather [hbm4b:s3+s8], $0x80, s1, s8, $0xb8;
	[tilespmem:$0x11C00] =	vst v63  }
0x478: {  	s28 =	rddreg [dreg:$0x8]  }
0x479: {  	[hbm4b:s28+s2] =	stream.linear.scatter [tilespmem:s5], [sflag:$0x5], $0x4000, $0x38;
	[tilespmem:$0x11C00] =	vst v63  }
0x47a: {  	_ =	swait.ge [sflag:s10], $0x4000  }
0x47b: {  	[sflag:s10] =	ssyncset.done $0x0  }
0x47c: {  	[sflag:s10] =	ssyncadd.s32 $0xFFFFC000  }
0x47d: {  	_ =	swait.ge [sflag:s6], $0x4000  }
0x47e: {  	[sflag:s6] =	ssyncset.done $0x0  }
0x47f: {  	[sflag:s6] =	ssyncadd.s32 $0xFFFFC000  }
0x480: {  	[tilespmem:s5], [sflag:$0x1] =	stream.indirect.gather [hbm4b:s3+s8], $0x80, s30, s8, $0xb8;
	[tilespmem:$0x11C00] =	vst v63  }
0x481: {  	s29 =	rddreg [dreg:$0x9]  }
0x482: {  	[hbm4b:s29+s2] =	stream.linear.scatter [tilespmem:s4], [sflag:$0x6], $0x4000, $0x38;
	[tilespmem:$0x11C00] =	vst v63  }
0x483: {  	_ =	swait.ge [sflag:s17], $0x4000  }
0x484: {  	[sflag:s17] =	ssyncset.done $0x0  }
0x485: {  	[sflag:s17] =	ssyncadd.s32 $0xFFFFC000  }
0x486: {  	_ =	swait.ge [sflag:s7], $0x4000  }
0x487: {  	s30 =	sld [smem:$0x7DE]  }
0x488: {  	[sflag:s7] =	ssyncset.done $0x0  }
0x489: {  	[sflag:s7] =	ssyncadd.s32 $0xFFFFC000  }
0x48a: {  	[tilespmem:s4], [sflag:$0x2] =	stream.indirect.gather [hbm4b:s3+s8], $0x80, s30, s8, $0xb8;
	[tilespmem:$0x11C00] =	vst v63  }
0x48b: {  	s31 =	rddreg [dreg:$0xa]  }
0x48c: {  	[hbm4b:s31+s2] =	stream.linear.scatter [tilespmem:s13], [sflag:$0x7], $0x4000, $0x38;
	[tilespmem:$0x11C00] =	vst v63  }
0x48d: {  	_ =	swait.ge [sflag:s16], $0x4000  }
0x48e: {  	[sflag:s16] =	ssyncset.done $0x0  }
0x48f: {  	[sflag:s16] =	ssyncadd.s32 $0xFFFFC000  }
0x490: {  	_ =	swait.ge [sflag:s14], $0x4000  }
0x491: {  	s28 =	sld [smem:$0x7DF]  }
0x492: {  	[sflag:s14] =	ssyncset.done $0x0  }
0x493: {  	[sflag:s14] =	ssyncadd.s32 $0xFFFFC000  }
0x494: {  	[tilespmem:s13], [sflag:$0x3] =	stream.indirect.gather [hbm4b:s3+s8], $0x80, s28, s8, $0xb8;
	[tilespmem:$0x11C00] =	vst v63  }
0x495: {  	s29 =	rddreg [dreg:$0xb]  }
0x496: {  	[hbm4b:s29+s2] =	stream.linear.scatter [tilespmem:s12], [sflag:$0x8], $0x4000, $0x38;
	[tilespmem:$0x11C00] =	vst v63  }
0x497: {  	_ =	swait.ge [sflag:s11], $0x4000  }
0x498: {  	[sflag:s11] =	ssyncset.done $0x0  }
0x499: {  	[sflag:s11] =	ssyncadd.s32 $0xFFFFC000  }
0x49a: {  	_ =	swait.ge [sflag:s15], $0x4000  }
0x49b: {  	s30 =	sld [smem:$0x7E0]  }
0x49c: {  	[sflag:s15] =	ssyncset.done $0x0  }
0x49d: {  	[sflag:s15] =	ssyncadd.s32 $0xFFFFC000  }
0x49e: {  	[tilespmem:s12], [sflag:$0x4] =	stream.indirect.gather [hbm4b:s3+s8], $0x80, s30, s8, $0xb8;
	[tilespmem:$0x11C00] =	vst v63  }
0x49f: {  	s31 =	rddreg [dreg:$0xc]  }
0x4a0: {  	[hbm4b:s31+s2] =	stream.linear.scatter [tilespmem:s5], [sflag:$0x5], $0x4000, $0x38;
	[tilespmem:$0x11C00] =	vst v63  }
0x4a1: {  	_ =	swait.ge [sflag:s10], $0x4000  }
0x4a2: {  	[sflag:s10] =	ssyncset.done $0x0  }
0x4a3: {  	[sflag:s10] =	ssyncadd.s32 $0xFFFFC000  }
0x4a4: {  	_ =	swait.ge [sflag:s6], $0x4000  }
0x4a5: {  	s28 =	sld [smem:$0x7E1]  }
0x4a6: {  	[sflag:s6] =	ssyncset.done $0x0  }
0x4a7: {  	[sflag:s6] =	ssyncadd.s32 $0xFFFFC000  }
0x4a8: {  	[tilespmem:s5], [sflag:$0x1] =	stream.indirect.gather [hbm4b:s3+s8], $0x80, s28, s8, $0xb8;
	[tilespmem:$0x11C00] =	vst v63  }
0x4a9: {  	s29 =	rddreg [dreg:$0xd]  }
0x4aa: {  	[hbm4b:s29+s2] =	stream.linear.scatter [tilespmem:s4], [sflag:$0x6], $0x4000, $0x38;
	[tilespmem:$0x11C00] =	vst v63  }
0x4ab: {  	_ =	swait.ge [sflag:s17], $0x4000  }
0x4ac: {  	[sflag:s17] =	ssyncset.done $0x0  }
0x4ad: {  	[sflag:s17] =	ssyncadd.s32 $0xFFFFC000  }
0x4ae: {  	_ =	swait.ge [sflag:s7], $0x4000  }
0x4af: {  	s30 =	sld [smem:$0x7E2]  }
0x4b0: {  	[sflag:s7] =	ssyncset.done $0x0  }
0x4b1: {  	[sflag:s7] =	ssyncadd.s32 $0xFFFFC000  }
0x4b2: {  	[tilespmem:s4], [sflag:$0x2] =	stream.indirect.gather [hbm4b:s3+s8], $0x80, s30, s8, $0xb8;
	[tilespmem:$0x11C00] =	vst v63  }
0x4b3: {  	s31 =	rddreg [dreg:$0xe]  }
0x4b4: {  	[hbm4b:s31+s2] =	stream.linear.scatter [tilespmem:s13], [sflag:$0x7], $0x4000, $0x38;
	[tilespmem:$0x11C00] =	vst v63  }
0x4b5: {  	_ =	swait.ge [sflag:s16], $0x4000  }
0x4b6: {  	[sflag:s16] =	ssyncset.done $0x0  }
0x4b7: {  	[sflag:s16] =	ssyncadd.s32 $0xFFFFC000  }
0x4b8: {  	_ =	swait.ge [sflag:s14], $0x4000  }
0x4b9: {  	s28 =	sld [smem:$0x7E3]  }
0x4ba: {  	[sflag:s14] =	ssyncset.done $0x0  }
0x4bb: {  	[sflag:s14] =	ssyncadd.s32 $0xFFFFC000  }
0x4bc: {  	[tilespmem:s13], [sflag:$0x3] =	stream.indirect.gather [hbm4b:s3+s8], $0x80, s28, s8, $0xb8;
	[tilespmem:$0x11C00] =	vst v63  }
0x4bd: {  	s29 =	rddreg [dreg:$0xf]  }
0x4be: {  	[hbm4b:s29+s2] =	stream.linear.scatter [tilespmem:s12], [sflag:$0x8], $0x4000, $0x38;
	[tilespmem:$0x11C00] =	vst v63  }
0x4bf: {  	_ =	swait.ge [sflag:s11], $0x4000  }
0x4c0: {  	[sflag:s11] =	ssyncset.done $0x0  }
0x4c1: {  	[sflag:s11] =	ssyncadd.s32 $0xFFFFC000  }
0x4c2: {  	_ =	swait.ge [sflag:s15], $0x4000  }
0x4c3: {  	s30 =	sld [smem:$0x7E4]  }
0x4c4: {  	[sflag:s15] =	ssyncset.done $0x0  }
0x4c5: {  	[sflag:s15] =	ssyncadd.s32 $0xFFFFC000  }
0x4c6: {  	[tilespmem:s12], [sflag:$0x4] =	stream.indirect.gather [hbm4b:s3+s8], $0x80, s30, s8, $0xb8;
	[tilespmem:$0x11C00] =	vst v63  }
0x4c7: {  	s31 =	rddreg [dreg:$0x10]  }
0x4c8: {  	[hbm4b:s31+s2] =	stream.linear.scatter [tilespmem:s5], [sflag:$0x5], $0x4000, $0x38;
	[tilespmem:$0x11C00] =	vst v63  }
0x4c9: {  	_ =	swait.ge [sflag:s10], $0x4000  }
0x4ca: {  	[sflag:s10] =	ssyncset.done $0x0  }
0x4cb: {  	[sflag:s10] =	ssyncadd.s32 $0xFFFFC000  }
0x4cc: {  	_ =	swait.ge [sflag:s6], $0x4000  }
0x4cd: {  	s28 =	sld [smem:$0x7E5]  }
0x4ce: {  	[sflag:s6] =	ssyncset.done $0x0  }
0x4cf: {  	[sflag:s6] =	ssyncadd.s32 $0xFFFFC000  }
0x4d0: {  	[tilespmem:s5], [sflag:$0x1] =	stream.indirect.gather [hbm4b:s3+s8], $0x80, s28, s8, $0xb8;
	[tilespmem:$0x11C00] =	vst v63  }
0x4d1: {  	s29 =	rddreg [dreg:$0x11]  }
0x4d2: {  	[hbm4b:s29+s2] =	stream.linear.scatter [tilespmem:s4], [sflag:$0x6], $0x4000, $0x38;
	[tilespmem:$0x11C00] =	vst v63  }
0x4d3: {  	_ =	swait.ge [sflag:s17], $0x4000  }
0x4d4: {  	[sflag:s17] =	ssyncset.done $0x0  }
0x4d5: {  	[sflag:s17] =	ssyncadd.s32 $0xFFFFC000  }
0x4d6: {  	_ =	swait.ge [sflag:s7], $0x4000  }
0x4d7: {  	s30 =	sld [smem:$0x7E6]  }
0x4d8: {  	[sflag:s7] =	ssyncset.done $0x0  }
0x4d9: {  	[sflag:s7] =	ssyncadd.s32 $0xFFFFC000  }
0x4da: {  	[tilespmem:s4], [sflag:$0x2] =	stream.indirect.gather [hbm4b:s3+s8], $0x80, s30, s8, $0xb8;
	[tilespmem:$0x11C00] =	vst v63  }
0x4db: {  	s31 =	rddreg [dreg:$0x12]  }
0x4dc: {  	[hbm4b:s31+s2] =	stream.linear.scatter [tilespmem:s13], [sflag:$0x7], $0x4000, $0x38;
	[tilespmem:$0x11C00] =	vst v63  }
0x4dd: {  	_ =	swait.ge [sflag:s16], $0x4000  }
0x4de: {  	[sflag:s16] =	ssyncset.done $0x0  }
0x4df: {  	[sflag:s16] =	ssyncadd.s32 $0xFFFFC000  }
0x4e0: {  	_ =	swait.ge [sflag:s14], $0x4000  }
0x4e1: {  	s28 =	sld [smem:$0x7E7]  }
0x4e2: {  	[sflag:s14] =	ssyncset.done $0x0  }
0x4e3: {  	[sflag:s14] =	ssyncadd.s32 $0xFFFFC000  }
0x4e4: {  	[tilespmem:s13], [sflag:$0x3] =	stream.indirect.gather [hbm4b:s3+s8], $0x80, s28, s8, $0xb8;
	[tilespmem:$0x11C00] =	vst v63  }
0x4e5: {  	s29 =	rddreg [dreg:$0x13]  }
0x4e6: {  	[hbm4b:s29+s2] =	stream.linear.scatter [tilespmem:s12], [sflag:$0x8], $0x4000, $0x38;
	[tilespmem:$0x11C00] =	vst v63  }
0x4e7: {  	_ =	swait.ge [sflag:s11], $0x4000  }
0x4e8: {  	[sflag:s11] =	ssyncset.done $0x0  }
0x4e9: {  	[sflag:s11] =	ssyncadd.s32 $0xFFFFC000  }
0x4ea: {  	_ =	swait.ge [sflag:s15], $0x4000  }
0x4eb: {  	s30 =	sld [smem:$0x7E8]  }
0x4ec: {  	[sflag:s15] =	ssyncset.done $0x0  }
0x4ed: {  	[sflag:s15] =	ssyncadd.s32 $0xFFFFC000  }
0x4ee: {  	[tilespmem:s12], [sflag:$0x4] =	stream.indirect.gather [hbm4b:s3+s8], $0x80, s30, s8, $0xb8;
	[tilespmem:$0x11C00] =	vst v63  }
0x4ef: {  	s31 =	rddreg [dreg:$0x14]  }
0x4f0: {  	[hbm4b:s31+s2] =	stream.linear.scatter [tilespmem:s5], [sflag:$0x5], $0x4000, $0x38;
	[tilespmem:$0x11C00] =	vst v63  }
0x4f1: {  	_ =	swait.ge [sflag:s10], $0x4000  }
0x4f2: {  	[sflag:s10] =	ssyncset.done $0x0  }
0x4f3: {  	[sflag:s10] =	ssyncadd.s32 $0xFFFFC000  }
0x4f4: {  	_ =	swait.ge [sflag:s6], $0x4000  }
0x4f5: {  	s28 =	sld [smem:$0x7E9]  }
0x4f6: {  	[sflag:s6] =	ssyncset.done $0x0  }
0x4f7: {  	[sflag:s6] =	ssyncadd.s32 $0xFFFFC000  }
0x4f8: {  	[tilespmem:s5], [sflag:$0x1] =	stream.indirect.gather [hbm4b:s3+s8], $0x80, s28, s8, $0xb8;
	[tilespmem:$0x11C00] =	vst v63  }
0x4f9: {  	s29 =	rddreg [dreg:$0x15]  }
0x4fa: {  	[hbm4b:s29+s2] =	stream.linear.scatter [tilespmem:s4], [sflag:$0x6], $0x4000, $0x38;
	[tilespmem:$0x11C00] =	vst v63  }
0x4fb: {  	_ =	swait.ge [sflag:s17], $0x4000  }
0x4fc: {  	[sflag:s17] =	ssyncset.done $0x0  }
0x4fd: {  	[sflag:s17] =	ssyncadd.s32 $0xFFFFC000  }
0x4fe: {  	_ =	swait.ge [sflag:s7], $0x4000  }
0x4ff: {  	s30 =	sld [smem:$0x7EA]  }
0x500: {  	[sflag:s7] =	ssyncset.done $0x0  }
0x501: {  	[sflag:s7] =	ssyncadd.s32 $0xFFFFC000  }
0x502: {  	[tilespmem:s4], [sflag:$0x2] =	stream.indirect.gather [hbm4b:s3+s8], $0x80, s30, s8, $0xb8;
	[tilespmem:$0x11C00] =	vst v63  }
0x503: {  	s31 =	rddreg [dreg:$0x16]  }
0x504: {  	[hbm4b:s31+s2] =	stream.linear.scatter [tilespmem:s13], [sflag:$0x7], $0x4000, $0x38;
	[tilespmem:$0x11C00] =	vst v63  }
0x505: {  	_ =	swait.ge [sflag:s16], $0x4000  }
0x506: {  	[sflag:s16] =	ssyncset.done $0x0  }
0x507: {  	[sflag:s16] =	ssyncadd.s32 $0xFFFFC000  }
0x508: {  	_ =	swait.ge [sflag:s14], $0x4000  }
0x509: {  	s28 =	sld [smem:$0x7EB]  }
0x50a: {  	[sflag:s14] =	ssyncset.done $0x0  }
0x50b: {  	[sflag:s14] =	ssyncadd.s32 $0xFFFFC000  }
0x50c: {  	[tilespmem:s13], [sflag:$0x3] =	stream.indirect.gather [hbm4b:s3+s8], $0x80, s28, s8, $0xb8;
	[tilespmem:$0x11C00] =	vst v63  }
0x50d: {  	s29 =	rddreg [dreg:$0x17]  }
0x50e: {  	[hbm4b:s29+s2] =	stream.linear.scatter [tilespmem:s12], [sflag:$0x8], $0x4000, $0x38;
	[tilespmem:$0x11C00] =	vst v63  }
0x50f: {  	_ =	swait.ge [sflag:s11], $0x4000  }
0x510: {  	[sflag:s11] =	ssyncset.done $0x0  }
0x511: {  	[sflag:s11] =	ssyncadd.s32 $0xFFFFC000  }
0x512: {  	_ =	swait.ge [sflag:s15], $0x4000  }
0x513: {  	s30 =	sld [smem:$0x7EC]  }
0x514: {  	[sflag:s15] =	ssyncset.done $0x0  }
0x515: {  	[sflag:s15] =	ssyncadd.s32 $0xFFFFC000  }
0x516: {  	[tilespmem:s12], [sflag:$0x4] =	stream.indirect.gather [hbm4b:s3+s8], $0x80, s30, s8, $0xb8;
	[tilespmem:$0x11C00] =	vst v63  }
0x517: {  	s31 =	rddreg [dreg:$0x18]  }
0x518: {  	[hbm4b:s31+s2] =	stream.linear.scatter [tilespmem:s5], [sflag:$0x5], $0x4000, $0x38;
	[tilespmem:$0x11C00] =	vst v63  }
0x519: {  	_ =	swait.ge [sflag:s10], $0x4000  }
0x51a: {  	[sflag:s10] =	ssyncset.done $0x0  }
0x51b: {  	[sflag:s10] =	ssyncadd.s32 $0xFFFFC000  }
0x51c: {  	_ =	swait.ge [sflag:s6], $0x4000  }
0x51d: {  	s28 =	sld [smem:$0x7ED]  }
0x51e: {  	[sflag:s6] =	ssyncset.done $0x0  }
0x51f: {  	[sflag:s6] =	ssyncadd.s32 $0xFFFFC000  }
0x520: {  	[tilespmem:s5], [sflag:$0x1] =	stream.indirect.gather [hbm4b:s3+s8], $0x80, s28, s8, $0xb8;
	[tilespmem:$0x11C00] =	vst v63  }
0x521: {  	s29 =	rddreg [dreg:$0x19]  }
0x522: {  	[hbm4b:s29+s2] =	stream.linear.scatter [tilespmem:s4], [sflag:$0x6], $0x4000, $0x38;
	[tilespmem:$0x11C00] =	vst v63  }
0x523: {  	_ =	swait.ge [sflag:s17], $0x4000  }
0x524: {  	[sflag:s17] =	ssyncset.done $0x0  }
0x525: {  	[sflag:s17] =	ssyncadd.s32 $0xFFFFC000  }
0x526: {  	_ =	swait.ge [sflag:s7], $0x4000  }
0x527: {  	s30 =	sld [smem:$0x7EE]  }
0x528: {  	[sflag:s7] =	ssyncset.done $0x0  }
0x529: {  	[sflag:s7] =	ssyncadd.s32 $0xFFFFC000  }
0x52a: {  	[tilespmem:s4], [sflag:$0x2] =	stream.indirect.gather [hbm4b:s3+s8], $0x80, s30, s8, $0xb8;
	[tilespmem:$0x11C00] =	vst v63  }
0x52b: {  	s31 =	rddreg [dreg:$0x1a]  }
0x52c: {  	[hbm4b:s31+s2] =	stream.linear.scatter [tilespmem:s13], [sflag:$0x7], $0x4000, $0x38;
	[tilespmem:$0x11C00] =	vst v63  }
0x52d: {  	_ =	swait.ge [sflag:s16], $0x4000  }
0x52e: {  	[sflag:s16] =	ssyncset.done $0x0  }
0x52f: {  	[sflag:s16] =	ssyncadd.s32 $0xFFFFC000  }
0x530: {  	_ =	swait.ge [sflag:s14], $0x4000  }
0x531: {  	s28 =	sld [smem:$0x7EF]  }
0x532: {  	[sflag:s14] =	ssyncset.done $0x0  }
0x533: {  	[sflag:s14] =	ssyncadd.s32 $0xFFFFC000  }
0x534: {  	[tilespmem:s13], [sflag:$0x3] =	stream.indirect.gather [hbm4b:s3+s8], $0x80, s28, s8, $0xb8;
	[tilespmem:$0x11C00] =	vst v63  }
0x535: {  	s29 =	rddreg [dreg:$0x1b]  }
0x536: {  	[hbm4b:s29+s2] =	stream.linear.scatter [tilespmem:s12], [sflag:$0x8], $0x4000, $0x38;
	[tilespmem:$0x11C00] =	vst v63  }
0x537: {  	_ =	swait.ge [sflag:s11], $0x4000  }
0x538: {  	[sflag:s11] =	ssyncset.done $0x0  }
0x539: {  	[sflag:s11] =	ssyncadd.s32 $0xFFFFC000  }
0x53a: {  	_ =	swait.ge [sflag:s15], $0x4000  }
0x53b: {  	s30 =	sld [smem:$0x7F0]  }
0x53c: {  	[sflag:s15] =	ssyncset.done $0x0  }
0x53d: {  	[sflag:s15] =	ssyncadd.s32 $0xFFFFC000  }
0x53e: {  	[tilespmem:s12], [sflag:$0x4] =	stream.indirect.gather [hbm4b:s3+s8], $0x80, s30, s8, $0xb8;
	[tilespmem:$0x11C00] =	vst v63  }
0x53f: {  	s31 =	rddreg [dreg:$0x1c]  }
0x540: {  	[hbm4b:s31+s2] =	stream.linear.scatter [tilespmem:s5], [sflag:$0x5], $0x4000, $0x38;
	[tilespmem:$0x11C00] =	vst v63  }
0x541: {  	_ =	swait.ge [sflag:s10], $0x4000  }
0x542: {  	[sflag:s10] =	ssyncset.done $0x0  }
0x543: {  	[sflag:s10] =	ssyncadd.s32 $0xFFFFC000  }
0x544: {  	_ =	swait.ge [sflag:s6], $0x4000  }
0x545: {  	s28 =	sld [smem:$0x7F1]  }
0x546: {  	[sflag:s6] =	ssyncset.done $0x0  }
0x547: {  	[sflag:s6] =	ssyncadd.s32 $0xFFFFC000  }
0x548: {  	[tilespmem:s5], [sflag:$0x1] =	stream.indirect.gather [hbm4b:s3+s8], $0x80, s28, s8, $0xb8;
	[tilespmem:$0x11C00] =	vst v63  }
0x549: {  	s29 =	rddreg [dreg:$0x1d]  }
0x54a: {  	[hbm4b:s29+s2] =	stream.linear.scatter [tilespmem:s4], [sflag:$0x6], $0x4000, $0x38;
	[tilespmem:$0x11C00] =	vst v63  }
0x54b: {  	_ =	swait.ge [sflag:s17], $0x4000  }
0x54c: {  	[sflag:s17] =	ssyncset.done $0x0  }
0x54d: {  	[sflag:s17] =	ssyncadd.s32 $0xFFFFC000  }
0x54e: {  	_ =	swait.ge [sflag:s7], $0x4000  }
0x54f: {  	s30 =	sld [smem:$0x7F2]  }
0x550: {  	[sflag:s7] =	ssyncset.done $0x0  }
0x551: {  	[sflag:s7] =	ssyncadd.s32 $0xFFFFC000  }
0x552: {  	[tilespmem:s4], [sflag:$0x2] =	stream.indirect.gather [hbm4b:s3+s8], $0x80, s30, s8, $0xb8;
	[tilespmem:$0x11C00] =	vst v63  }
0x553: {  	s31 =	rddreg [dreg:$0x1e]  }
0x554: {  	[hbm4b:s31+s2] =	stream.linear.scatter [tilespmem:s13], [sflag:$0x7], $0x4000, $0x38;
	[tilespmem:$0x11C00] =	vst v63  }
0x555: {  	_ =	swait.ge [sflag:s16], $0x4000  }
0x556: {  	[sflag:s16] =	ssyncset.done $0x0  }
0x557: {  	[sflag:s16] =	ssyncadd.s32 $0xFFFFC000  }
0x558: {  	_ =	swait.ge [sflag:s14], $0x4000  }
0x559: {  	s28 =	sld [smem:$0x7F3]  }
0x55a: {  	[sflag:s14] =	ssyncset.done $0x0  }
0x55b: {  	[sflag:s14] =	ssyncadd.s32 $0xFFFFC000  }
0x55c: {  	[tilespmem:s13], [sflag:$0x3] =	stream.indirect.gather [hbm4b:s3+s8], $0x80, s28, s8, $0xb8;
	[tilespmem:$0x11C00] =	vst v63  }
0x55d: {  	s29 =	rddreg [dreg:$0x1f]  }
0x55e: {  	[hbm4b:s29+s2] =	stream.linear.scatter [tilespmem:s12], [sflag:$0x8], $0x4000, $0x38;
	[tilespmem:$0x11C00] =	vst v63  }
0x55f: {  	_ =	swait.ge [sflag:s11], $0x4000  }
0x560: {  	[sflag:s11] =	ssyncset.done $0x0  }
0x561: {  	[sflag:s11] =	ssyncadd.s32 $0xFFFFC000  }
0x562: {  	_ =	swait.ge [sflag:s15], $0x4000  }
0x563: {  	s30 =	sld [smem:$0x7F4]  }
0x564: {  	[sflag:s15] =	ssyncset.done $0x0  }
0x565: {  	s31 =	sld [smem:$0x7C2];
	[sflag:s15] =	ssyncadd.s32 $0xFFFFC000  }
0x566: {  	[tilespmem:s12], [sflag:$0x4] =	stream.indirect.gather [hbm4b:s3+s8], $0x80, s30, s8, $0xb8;
	[tilespmem:$0x11C00] =	vst v63  }
0x567: {  	_ = 	snop  }
0x568: {  	[hbm4b:s31+s2] =	stream.linear.scatter [tilespmem:s5], [sflag:$0x5], $0x4000, $0x38;
	[tilespmem:$0x11C00] =	vst v63  }
0x569: {  	_ =	swait.ge [sflag:s10], $0x4000  }
0x56a: {  	[sflag:s10] =	ssyncset.done $0x0  }
0x56b: {  	[sflag:s10] =	ssyncadd.s32 $0xFFFFC000  }
0x56c: {  	_ =	swait.ge [sflag:s6], $0x4000  }
0x56d: {  	s28 =	sld [smem:$0x7F5]  }
0x56e: {  	[sflag:s6] =	ssyncset.done $0x0  }
0x56f: {  	s29 =	sld [smem:$0x7C3];
	[sflag:s6] =	ssyncadd.s32 $0xFFFFC000  }
0x570: {  	[tilespmem:s5], [sflag:$0x1] =	stream.indirect.gather [hbm4b:s3+s8], $0x80, s28, s8, $0xb8;
	[tilespmem:$0x11C00] =	vst v63  }
0x571: {  	_ = 	snop  }
0x572: {  	[hbm4b:s29+s2] =	stream.linear.scatter [tilespmem:s4], [sflag:$0x6], $0x4000, $0x38;
	[tilespmem:$0x11C00] =	vst v63  }
0x573: {  	_ =	swait.ge [sflag:s17], $0x4000  }
0x574: {  	[sflag:s17] =	ssyncset.done $0x0  }
0x575: {  	[sflag:s17] =	ssyncadd.s32 $0xFFFFC000  }
0x576: {  	_ =	swait.ge [sflag:s7], $0x4000  }
0x577: {  	s30 =	sld [smem:$0x7F6]  }
0x578: {  	[sflag:s7] =	ssyncset.done $0x0  }
0x579: {  	s31 =	sld [smem:$0x7C4];
	[sflag:s7] =	ssyncadd.s32 $0xFFFFC000  }
0x57a: {  	[tilespmem:s4], [sflag:$0x2] =	stream.indirect.gather [hbm4b:s3+s8], $0x80, s30, s8, $0xb8;
	[tilespmem:$0x11C00] =	vst v63  }
0x57b: {  	_ = 	snop  }
0x57c: {  	[hbm4b:s31+s2] =	stream.linear.scatter [tilespmem:s13], [sflag:$0x7], $0x4000, $0x38;
	[tilespmem:$0x11C00] =	vst v63  }
0x57d: {  	_ =	swait.ge [sflag:s16], $0x4000  }
0x57e: {  	[sflag:s16] =	ssyncset.done $0x0  }
0x57f: {  	[sflag:s16] =	ssyncadd.s32 $0xFFFFC000  }
0x580: {  	_ =	swait.ge [sflag:s14], $0x4000  }
0x581: {  	s28 =	sld [smem:$0x7F7]  }
0x582: {  	[sflag:s14] =	ssyncset.done $0x0  }
0x583: {  	s29 =	sld [smem:$0x7C5];
	[sflag:s14] =	ssyncadd.s32 $0xFFFFC000  }
0x584: {  	[tilespmem:s13], [sflag:$0x3] =	stream.indirect.gather [hbm4b:s3+s8], $0x80, s28, s8, $0xb8;
	[tilespmem:$0x11C00] =	vst v63  }
0x585: {  	_ = 	snop  }
0x586: {  	[hbm4b:s29+s2] =	stream.linear.scatter [tilespmem:s12], [sflag:$0x8], $0x4000, $0x38;
	[tilespmem:$0x11C00] =	vst v63  }
0x587: {  	_ =	swait.ge [sflag:s11], $0x4000  }
0x588: {  	[sflag:s11] =	ssyncset.done $0x0  }
0x589: {  	[sflag:s11] =	ssyncadd.s32 $0xFFFFC000  }
0x58a: {  	_ =	swait.ge [sflag:s15], $0x4000  }
0x58b: {  	s30 =	sld [smem:$0x7F8]  }
0x58c: {  	[sflag:s15] =	ssyncset.done $0x0  }
0x58d: {  	s31 =	sld [smem:$0x7C6];
	[sflag:s15] =	ssyncadd.s32 $0xFFFFC000  }
0x58e: {  	[tilespmem:s12], [sflag:$0x4] =	stream.indirect.gather [hbm4b:s3+s8], $0x80, s30, s8, $0xb8;
	[tilespmem:$0x11C00] =	vst v63  }
0x58f: {  	_ = 	snop  }
0x590: {  	[hbm4b:s31+s2] =	stream.linear.scatter [tilespmem:s5], [sflag:$0x5], $0x4000, $0x38;
	[tilespmem:$0x11C00] =	vst v63  }
0x591: {  	_ =	swait.ge [sflag:s10], $0x4000  }
0x592: {  	[sflag:s10] =	ssyncset.done $0x0  }
0x593: {  	[sflag:s10] =	ssyncadd.s32 $0xFFFFC000  }
0x594: {  	_ =	swait.ge [sflag:s6], $0x4000  }
0x595: {  	s28 =	sld [smem:$0x7F9]  }
0x596: {  	[sflag:s6] =	ssyncset.done $0x0  }
0x597: {  	s29 =	sld [smem:$0x7C7];
	[sflag:s6] =	ssyncadd.s32 $0xFFFFC000  }
0x598: {  	[tilespmem:s5], [sflag:$0x1] =	stream.indirect.gather [hbm4b:s3+s8], $0x80, s28, s8, $0xb8;
	[tilespmem:$0x11C00] =	vst v63  }
0x599: {  	_ = 	snop  }
0x59a: {  	[hbm4b:s29+s2] =	stream.linear.scatter [tilespmem:s4], [sflag:$0x6], $0x4000, $0x38;
	[tilespmem:$0x11C00] =	vst v63  }
0x59b: {  	_ =	swait.ge [sflag:s17], $0x4000  }
0x59c: {  	[sflag:s17] =	ssyncset.done $0x0  }
0x59d: {  	[sflag:s17] =	ssyncadd.s32 $0xFFFFC000  }
0x59e: {  	_ =	swait.ge [sflag:s7], $0x4000  }
0x59f: {  	s30 =	sld [smem:$0x7FA]  }
0x5a0: {  	[sflag:s7] =	ssyncset.done $0x0  }
0x5a1: {  	s31 =	sld [smem:$0x7C8];
	[sflag:s7] =	ssyncadd.s32 $0xFFFFC000  }
0x5a2: {  	[tilespmem:s4], [sflag:$0x2] =	stream.indirect.gather [hbm4b:s3+s8], $0x80, s30, s8, $0xb8;
	[tilespmem:$0x11C00] =	vst v63  }
0x5a3: {  	_ = 	snop  }
0x5a4: {  	[hbm4b:s31+s2] =	stream.linear.scatter [tilespmem:s13], [sflag:$0x7], $0x4000, $0x38;
	[tilespmem:$0x11C00] =	vst v63  }
0x5a5: {  	_ =	swait.ge [sflag:s16], $0x4000  }
0x5a6: {  	[sflag:s16] =	ssyncset.done $0x0  }
0x5a7: {  	[sflag:s16] =	ssyncadd.s32 $0xFFFFC000  }
0x5a8: {  	_ =	swait.ge [sflag:s14], $0x4000  }
0x5a9: {  	s28 =	sld [smem:$0x7FB]  }
0x5aa: {  	[sflag:s14] =	ssyncset.done $0x0  }
0x5ab: {  	s29 =	sld [smem:$0x7C9];
	[sflag:s14] =	ssyncadd.s32 $0xFFFFC000  }
0x5ac: {  	[tilespmem:s13], [sflag:$0x3] =	stream.indirect.gather [hbm4b:s3+s8], $0x80, s28, s8, $0xb8;
	[tilespmem:$0x11C00] =	vst v63  }
0x5ad: {  	_ = 	snop  }
0x5ae: {  	[hbm4b:s29+s2] =	stream.linear.scatter [tilespmem:s12], [sflag:$0x8], $0x4000, $0x38;
	[tilespmem:$0x11C00] =	vst v63  }
0x5af: {  	_ =	swait.ge [sflag:s11], $0x4000  }
0x5b0: {  	[sflag:s11] =	ssyncset.done $0x0  }
0x5b1: {  	[sflag:s11] =	ssyncadd.s32 $0xFFFFC000  }
0x5b2: {  	_ =	swait.ge [sflag:s15], $0x4000  }
0x5b3: {  	s30 =	sld [smem:$0x7FC]  }
0x5b4: {  	[sflag:s15] =	ssyncset.done $0x0  }
0x5b5: {  	s31 =	sld [smem:$0x7CA];
	[sflag:s15] =	ssyncadd.s32 $0xFFFFC000  }
0x5b6: {  	[tilespmem:s12], [sflag:$0x4] =	stream.indirect.gather [hbm4b:s3+s8], $0x80, s30, s8, $0xb8;
	[tilespmem:$0x11C00] =	vst v63  }
0x5b7: {  	_ = 	snop  }
0x5b8: {  	[hbm4b:s31+s2] =	stream.linear.scatter [tilespmem:s5], [sflag:$0x5], $0x4000, $0x38;
	[tilespmem:$0x11C00] =	vst v63  }
0x5b9: {  	_ =	swait.ge [sflag:s10], $0x4000  }
0x5ba: {  	[sflag:s10] =	ssyncset.done $0x0  }
0x5bb: {  	[sflag:s10] =	ssyncadd.s32 $0xFFFFC000  }
0x5bc: {  	_ =	swait.ge [sflag:s6], $0x4000  }
0x5bd: {  	[sflag:s6] =	ssyncset.done $0x0  }
0x5be: {  	s28 =	sld [smem:$0x7CB];
	[sflag:s6] =	ssyncadd.s32 $0xFFFFC000  }
0x5bf: {  	[tilespmem:s5], [sflag:$0x1] =	stream.indirect.gather [hbm4b:s3+s8], $0x80, s19, s8, $0xb8;
	[tilespmem:$0x11C00] =	vst v63  }
0x5c0: {  	_ = 	snop  }
0x5c1: {  	[hbm4b:s28+s2] =	stream.linear.scatter [tilespmem:s4], [sflag:$0x6], $0x4000, $0x38;
	[tilespmem:$0x11C00] =	vst v63  }
0x5c2: {  	_ =	swait.ge [sflag:s17], $0x4000  }
0x5c3: {  	[sflag:s17] =	ssyncset.done $0x0  }
0x5c4: {  	[sflag:s17] =	ssyncadd.s32 $0xFFFFC000  }
0x5c5: {  	_ =	swait.ge [sflag:s7], $0x4000  }
0x5c6: {  	[sflag:s7] =	ssyncset.done $0x0  }
0x5c7: {  	s29 =	sld [smem:$0x7CC];
	[sflag:s7] =	ssyncadd.s32 $0xFFFFC000  }
0x5c8: {  	[tilespmem:s4], [sflag:$0x2] =	stream.indirect.gather [hbm4b:s3+s8], $0x80, s26, s8, $0xb8;
	[tilespmem:$0x11C00] =	vst v63  }
0x5c9: {  	_ = 	snop  }
0x5ca: {  	[hbm4b:s29+s2] =	stream.linear.scatter [tilespmem:s13], [sflag:$0x7], $0x4000, $0x38;
	[tilespmem:$0x11C00] =	vst v63  }
0x5cb: {  	_ =	swait.ge [sflag:s16], $0x4000  }
0x5cc: {  	[sflag:s16] =	ssyncset.done $0x0  }
0x5cd: {  	[sflag:s16] =	ssyncadd.s32 $0xFFFFC000  }
0x5ce: {  	_ =	swait.ge [sflag:s14], $0x4000  }
0x5cf: {  	[sflag:s14] =	ssyncset.done $0x0  }
0x5d0: {  	s30 =	sld [smem:$0x7CD];
	[sflag:s14] =	ssyncadd.s32 $0xFFFFC000  }
0x5d1: {  	[tilespmem:s13], [sflag:$0x3] =	stream.indirect.gather [hbm4b:s3+s8], $0x80, s25, s8, $0xb8;
	[tilespmem:$0x11C00] =	vst v63  }
0x5d2: {  	_ = 	snop  }
0x5d3: {  	[hbm4b:s30+s2] =	stream.linear.scatter [tilespmem:s12], [sflag:$0x8], $0x4000, $0x38;
	[tilespmem:$0x11C00] =	vst v63  }
0x5d4: {  	_ =	swait.ge [sflag:s11], $0x4000  }
0x5d5: {  	[sflag:s11] =	ssyncset.done $0x0  }
0x5d6: {  	[sflag:s11] =	ssyncadd.s32 $0xFFFFC000  }
0x5d7: {  	_ =	swait.ge [sflag:s15], $0x4000  }
0x5d8: {  	[sflag:s15] =	ssyncset.done $0x0  }
0x5d9: {  	s31 =	sld [smem:$0x7CE];
	[sflag:s15] =	ssyncadd.s32 $0xFFFFC000  }
0x5da: {  	[tilespmem:s12], [sflag:$0x4] =	stream.indirect.gather [hbm4b:s3+s8], $0x80, s24, s8, $0xb8;
	[tilespmem:$0x11C00] =	vst v63  }
0x5db: {  	_ = 	snop  }
0x5dc: {  	[hbm4b:s31+s2] =	stream.linear.scatter [tilespmem:s5], [sflag:$0x5], $0x4000, $0x38;
	[tilespmem:$0x11C00] =	vst v63  }
0x5dd: {  	_ =	swait.ge [sflag:s10], $0x4000  }
0x5de: {  	[sflag:s10] =	ssyncset.done $0x0  }
0x5df: {  	[sflag:s10] =	ssyncadd.s32 $0xFFFFC000  }
0x5e0: {  	_ =	swait.ge [sflag:s6], $0x4000  }
0x5e1: {  	[sflag:s6] =	ssyncset.done $0x0  }
0x5e2: {  	s1 =	sld [smem:$0x7CF];
	[sflag:s6] =	ssyncadd.s32 $0xFFFFC000  }
0x5e3: {  	[tilespmem:s5], [sflag:$0x1] =	stream.indirect.gather [hbm4b:s3+s8], $0x80, s23, s8, $0xb8;
	[tilespmem:$0x11C00] =	vst v63  }
0x5e4: {  	_ = 	snop  }
0x5e5: {  	[hbm4b:s1+s2] =	stream.linear.scatter [tilespmem:s4], [sflag:$0x6], $0x4000, $0x38;
	[tilespmem:$0x11C00] =	vst v63  }
0x5e6: {  	_ =	swait.ge [sflag:s17], $0x4000  }
0x5e7: {  	[sflag:s17] =	ssyncset.done $0x0  }
0x5e8: {  	[sflag:s17] =	ssyncadd.s32 $0xFFFFC000  }
0x5e9: {  	_ =	swait.ge [sflag:s7], $0x4000  }
0x5ea: {  	[sflag:s7] =	ssyncset.done $0x0  }
0x5eb: {  	s19 =	sld [smem:$0x7D0];
	[sflag:s7] =	ssyncadd.s32 $0xFFFFC000  }
0x5ec: {  	[tilespmem:s4], [sflag:$0x2] =	stream.indirect.gather [hbm4b:s3+s8], $0x80, s22, s8, $0xb8;
	[tilespmem:$0x11C00] =	vst v63  }
0x5ed: {  	_ = 	snop  }
0x5ee: {  	[hbm4b:s19+s2] =	stream.linear.scatter [tilespmem:s13], [sflag:$0x7], $0x4000, $0x38;
	[tilespmem:$0x11C00] =	vst v63  }
0x5ef: {  	_ =	swait.ge [sflag:s16], $0x4000  }
0x5f0: {  	[sflag:s16] =	ssyncset.done $0x0  }
0x5f1: {  	[sflag:s16] =	ssyncadd.s32 $0xFFFFC000  }
0x5f2: {  	_ =	swait.ge [sflag:s14], $0x4000  }
0x5f3: {  	[sflag:s14] =	ssyncset.done $0x0  }
0x5f4: {  	s23 =	sld [smem:$0x7D1];
	[sflag:s14] =	ssyncadd.s32 $0xFFFFC000  }
0x5f5: {  	[tilespmem:s13], [sflag:$0x3] =	stream.indirect.gather [hbm4b:s3+s8], $0x80, s21, s8, $0xb8;
	[tilespmem:$0x11C00] =	vst v63  }
0x5f6: {  	_ = 	snop  }
0x5f7: {  	[hbm4b:s23+s2] =	stream.linear.scatter [tilespmem:s12], [sflag:$0x8], $0x4000, $0x38;
	[tilespmem:$0x11C00] =	vst v63  }
0x5f8: {  	_ =	swait.ge [sflag:s11], $0x4000  }
0x5f9: {  	[sflag:s11] =	ssyncset.done $0x0  }
0x5fa: {  	[sflag:s11] =	ssyncadd.s32 $0xFFFFC000  }
0x5fb: {  	_ =	swait.ge [sflag:s15], $0x4000  }
0x5fc: {  	[sflag:s15] =	ssyncset.done $0x0  }
0x5fd: {  	s24 =	sld [smem:$0x7D2];
	[sflag:s15] =	ssyncadd.s32 $0xFFFFC000  }
0x5fe: {  	[tilespmem:s12], [sflag:$0x4] =	stream.indirect.gather [hbm4b:s3+s8], $0x80, s20, s8, $0xb8;
	[tilespmem:$0x11C00] =	vst v63  }
0x5ff: {  	_ = 	snop  }
0x600: {  	[hbm4b:s24+s2] =	stream.linear.scatter [tilespmem:s5], [sflag:$0x5], $0x4000, $0x38;
	[tilespmem:$0x11C00] =	vst v63  }
0x601: {  	_ =	swait.ge [sflag:s10], $0x4000  }
0x602: {  	[sflag:s10] =	ssyncset.done $0x0  }
0x603: {  	[sflag:s10] =	ssyncadd.s32 $0xFFFFC000  }
0x604: {  	_ =	swait.ge [sflag:s6], $0x4000  }
0x605: {  	[sflag:s6] =	ssyncset.done $0x0  }
0x606: {  	s25 =	sld [smem:$0x7D3];
	[sflag:s6] =	ssyncadd.s32 $0xFFFFC000  }
0x607: {  	[tilespmem:s5], [sflag:$0x1] =	stream.indirect.gather [hbm4b:s3+s8], $0x80, s9, s8, $0xb8;
	[tilespmem:$0x11C00] =	vst v63  }
0x608: {  	_ = 	snop  }
0x609: {  	[hbm4b:s25+s2] =	stream.linear.scatter [tilespmem:s4], [sflag:$0x6], $0x4000, $0x38;
	[tilespmem:$0x11C00] =	vst v63  }
0x60a: {  	_ =	swait.ge [sflag:s17], $0x4000  }
0x60b: {  	[sflag:s17] =	ssyncset.done $0x0  }
0x60c: {  	[sflag:s17] =	ssyncadd.s32 $0xFFFFC000  }
0x60d: {  	_ =	swait.ge [sflag:s7], $0x4000  }
0x60e: {  	[sflag:s7] =	ssyncset.done $0x0  }
0x60f: {  	s28 =	simm.s32 $0x1880;
	s26 =	sld [smem:$0x7D4];
	[sflag:s7] =	ssyncadd.s32 $0xFFFFC000  }
0x610: {  	[tilespmem:s4], [sflag:$0x2] =	stream.indirect.gather [hbm4b:s3+s8], $0x80, s28, s8, $0xb8;
	[tilespmem:$0x11C00] =	vst v63  }
0x611: {  	_ = 	snop  }
0x612: {  	[hbm4b:s26+s2] =	stream.linear.scatter [tilespmem:s13], [sflag:$0x7], $0x4000, $0x38;
	[tilespmem:$0x11C00] =	vst v63  }
0x613: {  	_ =	swait.ge [sflag:s16], $0x4000  }
0x614: {  	s29 =	sld [smem:$0x7D5]  }
0x615: {  	[sflag:s16] =	ssyncset.done $0x0  }
0x616: {  	[sflag:s16] =	ssyncadd.s32 $0xFFFFC000  }
0x617: {  	[hbm4b:s29+s2] =	stream.linear.scatter [tilespmem:s12], [sflag:$0x8], $0x4000, $0x38;
	[tilespmem:$0x11C00] =	vst v63  }
0x618: {  	_ =	swait.ge [sflag:s11], $0x4000  }
0x619: {  	s30 =	sld [smem:$0x7D6]  }
0x61a: {  	[sflag:s11] =	ssyncset.done $0x0  }
0x61b: {  	[sflag:s11] =	ssyncadd.s32 $0xFFFFC000  }
0x61c: {  	[hbm4b:s30+s2] =	stream.linear.scatter [tilespmem:s5], [sflag:$0x5], $0x4000, $0x38;
	[tilespmem:$0x11C00] =	vst v63  }
0x61d: {  	_ =	swait.ge [sflag:s10], $0x4000  }
0x61e: {  	s31 =	sld [smem:$0x7D7]  }
0x61f: {  	[sflag:s10] =	ssyncset.done $0x0  }
0x620: {  	[sflag:s10] =	ssyncadd.s32 $0xFFFFC000  }
0x621: {  	[hbm4b:s31+s2] =	stream.linear.scatter [tilespmem:s4], [sflag:$0x6], $0x4000, $0x38;
	[tilespmem:$0x11C00] =	vst v63  }
0x622: {  	_ =	swait.ge [sflag:s14], $0x4000  }
0x623: {  	[sflag:s14] =	ssyncset.done $0x0  }
0x624: {  	[sflag:s14] =	ssyncadd.s32 $0xFFFFC000  }
0x625: {  	_ =	swait.ge [sflag:s15], $0x4000  }
0x626: {  	[sflag:s15] =	ssyncset.done $0x0  }
0x627: {  	[sflag:s15] =	ssyncadd.s32 $0xFFFFC000  }
0x628: {  	_ =	swait.ge [sflag:s6], $0x4000  }
0x629: {  	[sflag:s6] =	ssyncset.done $0x0  }
0x62a: {  	[sflag:s6] =	ssyncadd.s32 $0xFFFFC000  }
0x62b: {  	_ =	swait.ge [sflag:s7], $0x4000  }
0x62c: {  	[sflag:s7] =	ssyncset.done $0x0  }
0x62d: {  	[sflag:s7] =	ssyncadd.s32 $0xFFFFC000  }
0x62e: {  	_ =	sfence.sel $0x180000  }
0x62f: {  	[bflag:$0x0] =	sbarrier.arrive $0xFFFF  }
0x630: {  	_ =	strace $0x90000047  }
0x631: {  	[bflag:$0x2] =	sbarrier.arrive $0xFFFF  }
0x632: {  	p0 =	sne.s32 s18, $0x0;
	s0 =	rddreg [dreg:$0x3]  }
0x633: {  	s0 =	sadd.s32 @!p0 $0x100000, s0  }
0x634: {  	[sflag:s0] =	ssyncadd.tile.s32 @!p0 $0x1;
	_ =	shalt  }
.LBB2_1:
.Ltmp3:
0x635: {  	(pc) =	sbr.rel .LBB2_6-.Ltmp3, $4  }
0x636: {  	_ = 	snop  }
0x637: {  	s19 =	simm.s32 $0x1400;
	s26 =	simm.s32 $0x1480  }
0x638: {  	s25 =	simm.s32 $0x1500;
	s24 =	simm.s32 $0x1580;
	s23 =	simm.s32 $0x1600  }
0x639: {  	s22 =	simm.s32 $0x1680;
	s21 =	simm.s32 $0x1700;
	s20 =	simm.s32 $0x1780  }
.LBB2_3:
.Ltmp4:
0x63a: {  	(pc) =	sbr.rel .LBB2_6-.Ltmp4, $4  }
0x63b: {  	_ = 	snop  }
0x63c: {  	s19 =	simm.s32 $0x1400;
	s26 =	simm.s32 $0x1480;
	s25 =	simm.s32 $0x1500  }
0x63d: {  	s24 =	simm.s32 $0x1580;
	s23 =	simm.s32 $0x1600;
	s22 =	simm.s32 $0x1680  }
0x63e: {  	s21 =	simm.s32 $0x1700;
	s20 =	simm.s32 $0x1780;
	s18 =	stileid.u32  }
.Lfunc_end2:
_tile_overlayer_lowered:
.L_overlay_start_2:
0x63f: {  	(tag) =	ssettag $0x2  }
0x640: {  	s0 =	rddreg [dreg:$0x0];
	s2 =	stileid.u32  }
0x641: {  	s1 =	rddreg [dreg:$0x1];
	p0 =	sne.s32 s2, $0x0  }
0x642: {  	s3 =	rddreg [dreg:$0x2];
	[bflag:$0x3] =	sbarrier.arrive $0xFFFF;
	s2 =	simm.s32 @!p0 $0x1C09  }
0x643: {  	[timem:s3], [sflag:s2] =	dma.local @!p0 [hbm:s0], s1  }
0x644: {  	s0 =	simm.s32 @!p0 $0x9  }
0x645: {  	_ =	swait.ge @!p0 [sflag:s0], s1  }
0x646: {  	s1 =	ssub.s32 @!p0 $0x0, s1;
	[sflag:s0] =	ssyncset.done @!p0 $0x0  }
0x647: {  	[sflag:s0] =	ssyncadd.s32 @!p0 s1  }
0x648: {  	[bflag:$0x3] =	sbarrier.arrive $0xFFFF  }
0x649: {  	_ =	shalt  }

</sc_bundles>
